<compile_context>
chip_gen: v7x
topology: tpu7x:2x2x1
jax: 0.10.2.dev20260603
libtpu: 0.0.44.dev20260713+nightly
codegen_flags: <defaults>
</compile_context>

<pallas_src>
import functools

import jax
import jax.numpy as jnp
from jax import lax
from jax.experimental import pallas as pl
from jax.experimental.pallas import tpu as pltpu
from jax.experimental.pallas import tpu_sc as plsc



_BS = 512


def _add_body(in_ref, pos_ref, out_ref):
    out_ref[...] = in_ref[...] + pos_ref[...][None]


def _tc_kernel(inputs, pos_table, nb=None):
    batch, seq_len, dim = inputs.shape
    nb = batch if nb is None else nb
    grid = (seq_len // _BS,)
    return pl.pallas_call(
        _add_body,
        grid=grid,
        in_specs=[
            pl.BlockSpec((nb, _BS, dim), lambda s: (0, s, 0)),
            pl.BlockSpec((_BS, dim), lambda s: (s, 0)),
        ],
        out_specs=pl.BlockSpec((nb, _BS, dim), lambda s: (0, s, 0)),
        out_shape=jax.ShapeDtypeStruct((nb, seq_len, dim), inputs.dtype),
    )(inputs, pos_table)



_SC_R = 32


def _sc_body(batch, seq_len, dim, in_row_base, in_hbm, pos_hbm, out_hbm,
             iv0, iv1, pv0, pv1, si0, si1, sp0, sp1, so0, so1):
    ivs, pvs = (iv0, iv1), (pv0, pv1)
    sis, sps, sos = (si0, si1), (sp0, sp1), (so0, so1)
    nc = 2
    seq_per_w = seq_len // 32
    nchunks = seq_per_w // _SC_R
    wid = lax.axis_index("s") * nc + lax.axis_index("c")
    seq0 = wid * seq_per_w
    nvec = dim // 16
    nsteps = nchunks * batch

    def out_row0(s):
        c, b = divmod(s, batch)
        return b * seq_len + seq0 + c * _SC_R

    def in_row0(s):
        return in_row_base + out_row0(s)

    pos_h = [None] * nchunks
    in_h = [None] * nsteps
    out_h = [None] * nsteps
    pos_h[0] = pltpu.async_copy(pos_hbm.at[pl.ds(seq0, _SC_R)], pvs[0], sps[0])
    in_h[0] = pltpu.async_copy(
        in_hbm.at[pl.ds(in_row0(0), _SC_R)], ivs[0], sis[0])

    for s in range(nsteps):
        c, b = divmod(s, batch)
        if b == 0:
            pos_h[c].wait()
        in_h[s].wait()
        if s + 1 < nsteps:
            if s - 1 >= 0:
                out_h[s - 1].wait()
            in_h[s + 1] = pltpu.async_copy(
                in_hbm.at[pl.ds(in_row0(s + 1), _SC_R)],
                ivs[(s + 1) % 2], sis[(s + 1) % 2])
        if b == batch - 1 and c + 1 < nchunks:
            pos_h[c + 1] = pltpu.async_copy(
                pos_hbm.at[pl.ds(seq0 + (c + 1) * _SC_R, _SC_R)],
                pvs[(c + 1) % 2], sps[(c + 1) % 2])
        iv, pv = ivs[s % 2], pvs[c % 2]

        def row(r, rcarry, iv=iv, pv=pv):
            for j in range(nvec):
                plsc.addupdate(
                    iv.at[r, pl.ds(j * 16, 16)],
                    pv[r, pl.ds(j * 16, 16)],
                )
            return rcarry

        lax.fori_loop(0, _SC_R, row, 0)
        out_h[s] = pltpu.async_copy(
            iv, out_hbm.at[pl.ds(out_row0(s), _SC_R)], sos[s % 2])
    if nsteps >= 2:
        out_h[nsteps - 2].wait()
    out_h[nsteps - 1].wait()


def _sc_kernel(flat_inputs, pos_table, batch, in_row_base=0):
    dim = flat_inputs.shape[1]
    seq_len = pos_table.shape[0]
    mesh = plsc.VectorSubcoreMesh(core_axis_name="c", subcore_axis_name="s")
    k = pl.kernel(
        functools.partial(_sc_body, batch, seq_len, dim, in_row_base),
        mesh=mesh,
        out_type=jax.ShapeDtypeStruct((batch * seq_len, dim),
                                      flat_inputs.dtype),
        scratch_types=[
            pltpu.VMEM((_SC_R, dim), jnp.float32),
            pltpu.VMEM((_SC_R, dim), jnp.float32),
            pltpu.VMEM((_SC_R, dim), jnp.float32),
            pltpu.VMEM((_SC_R, dim), jnp.float32),
            pltpu.SemaphoreType.DMA,
            pltpu.SemaphoreType.DMA,
            pltpu.SemaphoreType.DMA,
            pltpu.SemaphoreType.DMA,
            pltpu.SemaphoreType.DMA,
            pltpu.SemaphoreType.DMA,
        ],
    )
    return k(flat_inputs, pos_table)


_SC_BATCHES = 1


def kernel(inputs, pos_table):
    batch, seq_len, dim = inputs.shape
    nb_tc = batch - _SC_BATCHES
    flat = inputs.reshape(batch * seq_len, dim)
    out_sc = _sc_kernel(flat, pos_table, _SC_BATCHES,
                        in_row_base=nb_tc * seq_len)
    out_tc = _tc_kernel(inputs, pos_table, nb=nb_tc)
    return jnp.concatenate(
        [out_tc, out_sc.reshape(_SC_BATCHES, seq_len, dim)], axis=0)

# --- scband reference (transcript-rebuilt; emitter-appended) ---
"""Pipeline reference for scband-positional-embedding-56392920596853 (READ-ONLY COPY).

The authoritative reference and input builder live on the scoring server;
editing this copy changes nothing except your own understanding.
"""

import jax, jax.numpy as jnp
import numpy as np

SEQ_LEN = 8192
OUT_DIM = 768
BATCH = 4

def setup_inputs(seed: int = 0) -> dict:
    key = jax.random.key(seed)
    k1, k2 = jax.random.split(key)
    inputs = jax.random.normal(k1, (BATCH, SEQ_LEN, OUT_DIM), dtype=jnp.float32)
    # Learned positional embedding table (Keras Embedding default: uniform init)
    pos_table = jax.random.uniform(k2, (SEQ_LEN, OUT_DIM), dtype=jnp.float32, minval=-0.05, maxval=0.05)
    return {"inputs": inputs, "pos_table": pos_table}

def reference(inputs, pos_table):
    # length = shape(inputs)[1]; positions = arange(length)
    length = inputs.shape[1]
    positions = jnp.arange(0, length, 1)
    # embedding lookup (gather rows of table)
    embedded_positions = jnp.take(pos_table, positions, axis=0)
    # broadcast add over batch dim
    return inputs + embedded_positions

if __name__ == "__main__":
    import jax
    _d = setup_inputs()
    print(jax.jit(kernel)(*tuple(_d.values())))

</pallas_src>

<mosaic_0001>
#map = affine_map<(d0, d1) -> (0, 0)>
module attributes {stable_mosaic.version = 14 : i64} {
  func.func @_sc_body(%arg0: i32, %arg1: i32, %arg2: memref<32768x768xf32, #tpu.memory_space<hbm>>, %arg3: memref<8192x768xf32, #tpu.memory_space<hbm>>, %arg4: memref<8192x768xf32, #tpu.memory_space<hbm>>, %arg5: memref<32x768xf32, #tpu.memory_space<vmem>>, %arg6: memref<32x768xf32, #tpu.memory_space<vmem>>, %arg7: memref<32x768xf32, #tpu.memory_space<vmem>>, %arg8: memref<32x768xf32, #tpu.memory_space<vmem>>, %arg9: memref<!tpu.dma_semaphore, #tpu.memory_space<semaphore_mem>>, %arg10: memref<!tpu.dma_semaphore, #tpu.memory_space<semaphore_mem>>, %arg11: memref<!tpu.dma_semaphore, #tpu.memory_space<semaphore_mem>>, %arg12: memref<!tpu.dma_semaphore, #tpu.memory_space<semaphore_mem>>, %arg13: memref<!tpu.dma_semaphore, #tpu.memory_space<semaphore_mem>>, %arg14: memref<!tpu.dma_semaphore, #tpu.memory_space<semaphore_mem>>) attributes {dimension_semantics = [#tpu.dimension_semantics<core_parallel>, #tpu.dimension_semantics<subcore_parallel>], iteration_bounds = array<i64: 2, 16>, scalar_prefetch = 0 : i64, scratch_operands = 10 : i64, tpu.core_type = #tpu.core_type<sc_vector_subcore>, window_params = [{transform_indices = #map}, {transform_indices = #map}, {transform_indices = #map}]} {
    %mul3A = arith.constant 2 : i32
    %mul3A_0 = arith.muli %arg1, %mul3A : i32
    %add3A = arith.addi %mul3A_0, %arg0 : i32
    %mul3A_1 = arith.constant 256 : i32
    %mul3A_2 = arith.muli %add3A, %mul3A_1 : i32
    %dma_start3A = arith.constant 0 : i32
    %dma_start3A_3 = tpu.memref_slice %arg3[%mul3A_2, %dma_start3A] : memref<8192x768xf32, #tpu.memory_space<hbm>> -> memref<32x768xf32, #tpu.memory_space<hbm>>
    %dma_start3A_4 = arith.constant 0 : i32
    %dma_start3A_5 = tpu.memref_slice %arg3[%mul3A_2, %dma_start3A_4] : memref<8192x768xf32, #tpu.memory_space<hbm>> -> memref<32x768xf32, #tpu.memory_space<hbm>>
    tpu.enqueue_dma source(%dma_start3A_5 : memref<32x768xf32, #tpu.memory_space<hbm>>) target(%arg7 : memref<32x768xf32, #tpu.memory_space<vmem>>) target_semaphore(%arg11 : memref<!tpu.dma_semaphore, #tpu.memory_space<semaphore_mem>>)
    %add3A_6 = arith.constant 0 : i32
    %add3A_7 = arith.addi %add3A_6, %mul3A_2 : i32
    %add3A_8 = arith.constant 0 : i32
    %add3A_9 = arith.addi %add3A_7, %add3A_8 : i32
    %add3A_10 = arith.constant 24576 : i32
    %add3A_11 = arith.addi %add3A_10, %add3A_9 : i32
    %dma_start3A_12 = arith.constant 0 : i32
    %dma_start3A_13 = tpu.memref_slice %arg2[%add3A_11, %dma_start3A_12] : memref<32768x768xf32, #tpu.memory_space<hbm>> -> memref<32x768xf32, #tpu.memory_space<hbm>>
    %dma_start3A_14 = arith.constant 0 : i32
    %dma_start3A_15 = tpu.memref_slice %arg2[%add3A_11, %dma_start3A_14] : memref<32768x768xf32, #tpu.memory_space<hbm>> -> memref<32x768xf32, #tpu.memory_space<hbm>>
    tpu.enqueue_dma source(%dma_start3A_15 : memref<32x768xf32, #tpu.memory_space<hbm>>) target(%arg5 : memref<32x768xf32, #tpu.memory_space<vmem>>) target_semaphore(%arg9 : memref<!tpu.dma_semaphore, #tpu.memory_space<semaphore_mem>>)
    %dma_wait3A = arith.constant 0 : i32
    %dma_wait3A_16 = tpu.memref_slice %arg3[%mul3A_2, %dma_wait3A] : memref<8192x768xf32, #tpu.memory_space<hbm>> -> memref<32x768xf32, #tpu.memory_space<hbm>>
    %dma_wait3A_17 = arith.constant 0 : i32
    %dma_wait3A_18 = tpu.memref_slice %arg3[%mul3A_2, %dma_wait3A_17] : memref<8192x768xf32, #tpu.memory_space<hbm>> -> memref<32x768xf32, #tpu.memory_space<hbm>>
    tpu.wait_dma2 semaphore(%arg11 : memref<!tpu.dma_semaphore, #tpu.memory_space<semaphore_mem>>) src(%dma_wait3A_18 : memref<32x768xf32, #tpu.memory_space<hbm>>) dst(%arg7 : memref<32x768xf32, #tpu.memory_space<vmem>>)
    %dma_wait3A_19 = arith.constant 0 : i32
    %dma_wait3A_20 = tpu.memref_slice %arg2[%add3A_11, %dma_wait3A_19] : memref<32768x768xf32, #tpu.memory_space<hbm>> -> memref<32x768xf32, #tpu.memory_space<hbm>>
    %dma_wait3A_21 = arith.constant 0 : i32
    %dma_wait3A_22 = tpu.memref_slice %arg2[%add3A_11, %dma_wait3A_21] : memref<32768x768xf32, #tpu.memory_space<hbm>> -> memref<32x768xf32, #tpu.memory_space<hbm>>
    tpu.wait_dma2 semaphore(%arg9 : memref<!tpu.dma_semaphore, #tpu.memory_space<semaphore_mem>>) src(%dma_wait3A_22 : memref<32x768xf32, #tpu.memory_space<hbm>>) dst(%arg5 : memref<32x768xf32, #tpu.memory_space<vmem>>)
    %add3A_23 = arith.constant 0 : i32
    %add3A_24 = arith.addi %add3A_23, %mul3A_2 : i32
    %add3A_25 = arith.constant 32 : i32
    %add3A_26 = arith.addi %add3A_24, %add3A_25 : i32
    %add3A_27 = arith.constant 24576 : i32
    %add3A_28 = arith.addi %add3A_27, %add3A_26 : i32
    %dma_start3A_29 = arith.constant 0 : i32
    %dma_start3A_30 = tpu.memref_slice %arg2[%add3A_28, %dma_start3A_29] : memref<32768x768xf32, #tpu.memory_space<hbm>> -> memref<32x768xf32, #tpu.memory_space<hbm>>
    %dma_start3A_31 = arith.constant 0 : i32
    %dma_start3A_32 = tpu.memref_slice %arg2[%add3A_28, %dma_start3A_31] : memref<32768x768xf32, #tpu.memory_space<hbm>> -> memref<32x768xf32, #tpu.memory_space<hbm>>
    tpu.enqueue_dma source(%dma_start3A_32 : memref<32x768xf32, #tpu.memory_space<hbm>>) target(%arg6 : memref<32x768xf32, #tpu.memory_space<vmem>>) target_semaphore(%arg10 : memref<!tpu.dma_semaphore, #tpu.memory_space<semaphore_mem>>)
    %add3A_33 = arith.constant 32 : i32
    %add3A_34 = arith.addi %mul3A_2, %add3A_33 : i32
    %dma_start3A_35 = arith.constant 0 : i32
    %dma_start3A_36 = tpu.memref_slice %arg3[%add3A_34, %dma_start3A_35] : memref<8192x768xf32, #tpu.memory_space<hbm>> -> memref<32x768xf32, #tpu.memory_space<hbm>>
    %dma_start3A_37 = arith.constant 0 : i32
    %dma_start3A_38 = tpu.memref_slice %arg3[%add3A_34, %dma_start3A_37] : memref<8192x768xf32, #tpu.memory_space<hbm>> -> memref<32x768xf32, #tpu.memory_space<hbm>>
    tpu.enqueue_dma source(%dma_start3A_38 : memref<32x768xf32, #tpu.memory_space<hbm>>) target(%arg8 : memref<32x768xf32, #tpu.memory_space<vmem>>) target_semaphore(%arg12 : memref<!tpu.dma_semaphore, #tpu.memory_space<semaphore_mem>>)
    %scan3A = arith.constant 0 : i32
    %scan3A_39 = arith.constant 0 : i32
    %scan3A_40 = arith.constant 32 : i32
    %scan3A_41 = arith.addi %scan3A_39, %scan3A_40 : i32
    %scan3A_42 = arith.constant 1 : i32
    scf.for %scan3A_334 = %scan3A_39 to %scan3A_41 step %scan3A_42  : i32 {
      %get3A = arith.index_cast %scan3A_334 : i32 to index
      %get3A_335 = arith.constant 0 : index
      %get3A_336 = tpu.vector_load %arg7[%get3A, %get3A_335] {strides = array<i32>} : memref<32x768xf32, #tpu.memory_space<vmem>>, vector<1x16xf32>,
      %get3A_337 = vector.shape_cast %get3A_336 : vector<1x16xf32> to vector<16xf32>
      %swap3A = arith.index_cast %scan3A_334 : i32 to index
      %swap3A_338 = arith.constant 0 : index
      %swap3A_339 = tpu.vector_load %arg5[%swap3A, %swap3A_338] {strides = array<i32>} : memref<32x768xf32, #tpu.memory_space<vmem>>, vector<1x16xf32>,
      %swap3A_340 = vector.shape_cast %swap3A_339 : vector<1x16xf32> to vector<16xf32>
      %swap3A_341 = vector.shape_cast %get3A_337 : vector<16xf32> to vector<1x16xf32>
      tpu.vector_store %arg5[%swap3A, %swap3A_338], %swap3A_341 {add = true, strides = array<i32>} : memref<32x768xf32, #tpu.memory_space<vmem>>, vector<1x16xf32>,
      %get3A_342 = arith.index_cast %scan3A_334 : i32 to index
      %get3A_343 = arith.constant 16 : index
      %get3A_344 = tpu.vector_load %arg7[%get3A_342, %get3A_343] {strides = array<i32>} : memref<32x768xf32, #tpu.memory_space<vmem>>, vector<1x16xf32>,
      %get3A_345 = vector.shape_cast %get3A_344 : vector<1x16xf32> to vector<16xf32>
      %swap3A_346 = arith.index_cast %scan3A_334 : i32 to index
      %swap3A_347 = arith.constant 16 : index
      %swap3A_348 = tpu.vector_load %arg5[%swap3A_346, %swap3A_347] {strides = array<i32>} : memref<32x768xf32, #tpu.memory_space<vmem>>, vector<1x16xf32>,
      %swap3A_349 = vector.shape_cast %swap3A_348 : vector<1x16xf32> to vector<16xf32>
      %swap3A_350 = vector.shape_cast %get3A_345 : vector<16xf32> to vector<1x16xf32>
      tpu.vector_store %arg5[%swap3A_346, %swap3A_347], %swap3A_350 {add = true, strides = array<i32>} : memref<32x768xf32, #tpu.memory_space<vmem>>, vector<1x16xf32>,
      %get3A_351 = arith.index_cast %scan3A_334 : i32 to index
      %get3A_352 = arith.constant 32 : index
      %get3A_353 = tpu.vector_load %arg7[%get3A_351, %get3A_352] {strides = array<i32>} : memref<32x768xf32, #tpu.memory_space<vmem>>, vector<1x16xf32>,
      %get3A_354 = vector.shape_cast %get3A_353 : vector<1x16xf32> to vector<16xf32>
      %swap3A_355 = arith.index_cast %scan3A_334 : i32 to index
      %swap3A_356 = arith.constant 32 : index
      %swap3A_357 = tpu.vector_load %arg5[%swap3A_355, %swap3A_356] {strides = array<i32>} : memref<32x768xf32, #tpu.memory_space<vmem>>, vector<1x16xf32>,
      %swap3A_358 = vector.shape_cast %swap3A_357 : vector<1x16xf32> to vector<16xf32>
      %swap3A_359 = vector.shape_cast %get3A_354 : vector<16xf32> to vector<1x16xf32>
      tpu.vector_store %arg5[%swap3A_355, %swap3A_356], %swap3A_359 {add = true, strides = array<i32>} : memref<32x768xf32, #tpu.memory_space<vmem>>, vector<1x16xf32>,
      %get3A_360 = arith.index_cast %scan3A_334 : i32 to index
      %get3A_361 = arith.constant 48 : index
      %get3A_362 = tpu.vector_load %arg7[%get3A_360, %get3A_361] {strides = array<i32>} : memref<32x768xf32, #tpu.memory_space<vmem>>, vector<1x16xf32>,
      %get3A_363 = vector.shape_cast %get3A_362 : vector<1x16xf32> to vector<16xf32>
      %swap3A_364 = arith.index_cast %scan3A_334 : i32 to index
      %swap3A_365 = arith.constant 48 : index
      %swap3A_366 = tpu.vector_load %arg5[%swap3A_364, %swap3A_365] {strides = array<i32>} : memref<32x768xf32, #tpu.memory_space<vmem>>, vector<1x16xf32>,
      %swap3A_367 = vector.shape_cast %swap3A_366 : vector<1x16xf32> to vector<16xf32>
      %swap3A_368 = vector.shape_cast %get3A_363 : vector<16xf32> to vector<1x16xf32>
      tpu.vector_store %arg5[%swap3A_364, %swap3A_365], %swap3A_368 {add = true, strides = array<i32>} : memref<32x768xf32, #tpu.memory_space<vmem>>, vector<1x16xf32>,
      %get3A_369 = arith.index_cast %scan3A_334 : i32 to index
      %get3A_370 = arith.constant 64 : index
      %get3A_371 = tpu.vector_load %arg7[%get3A_369, %get3A_370] {strides = array<i32>} : memref<32x768xf32, #tpu.memory_space<vmem>>, vector<1x16xf32>,
      %get3A_372 = vector.shape_cast %get3A_371 : vector<1x16xf32> to vector<16xf32>
      %swap3A_373 = arith.index_cast %scan3A_334 : i32 to index
      %swap3A_374 = arith.constant 64 : index
      %swap3A_375 = tpu.vector_load %arg5[%swap3A_373, %swap3A_374] {strides = array<i32>} : memref<32x768xf32, #tpu.memory_space<vmem>>, vector<1x16xf32>,
      %swap3A_376 = vector.shape_cast %swap3A_375 : vector<1x16xf32> to vector<16xf32>
      %swap3A_377 = vector.shape_cast %get3A_372 : vector<16xf32> to vector<1x16xf32>
      tpu.vector_store %arg5[%swap3A_373, %swap3A_374], %swap3A_377 {add = true, strides = array<i32>} : memref<32x768xf32, #tpu.memory_space<vmem>>, vector<1x16xf32>,
      %get3A_378 = arith.index_cast %scan3A_334 : i32 to index
      %get3A_379 = arith.constant 80 : index
      %get3A_380 = tpu.vector_load %arg7[%get3A_378, %get3A_379] {strides = array<i32>} : memref<32x768xf32, #tpu.memory_space<vmem>>, vector<1x16xf32>,
      %get3A_381 = vector.shape_cast %get3A_380 : vector<1x16xf32> to vector<16xf32>
      %swap3A_382 = arith.index_cast %scan3A_334 : i32 to index
      %swap3A_383 = arith.constant 80 : index
      %swap3A_384 = tpu.vector_load %arg5[%swap3A_382, %swap3A_383] {strides = array<i32>} : memref<32x768xf32, #tpu.memory_space<vmem>>, vector<1x16xf32>,
      %swap3A_385 = vector.shape_cast %swap3A_384 : vector<1x16xf32> to vector<16xf32>
      %swap3A_386 = vector.shape_cast %get3A_381 : vector<16xf32> to vector<1x16xf32>
      tpu.vector_store %arg5[%swap3A_382, %swap3A_383], %swap3A_386 {add = true, strides = array<i32>} : memref<32x768xf32, #tpu.memory_space<vmem>>, vector<1x16xf32>,
      %get3A_387 = arith.index_cast %scan3A_334 : i32 to index
      %get3A_388 = arith.constant 96 : index
      %get3A_389 = tpu.vector_load %arg7[%get3A_387, %get3A_388] {strides = array<i32>} : memref<32x768xf32, #tpu.memory_space<vmem>>, vector<1x16xf32>,
      %get3A_390 = vector.shape_cast %get3A_389 : vector<1x16xf32> to vector<16xf32>
      %swap3A_391 = arith.index_cast %scan3A_334 : i32 to index
      %swap3A_392 = arith.constant 96 : index
      %swap3A_393 = tpu.vector_load %arg5[%swap3A_391, %swap3A_392] {strides = array<i32>} : memref<32x768xf32, #tpu.memory_space<vmem>>, vector<1x16xf32>,
      %swap3A_394 = vector.shape_cast %swap3A_393 : vector<1x16xf32> to vector<16xf32>
      %swap3A_395 = vector.shape_cast %get3A_390 : vector<16xf32> to vector<1x16xf32>
      tpu.vector_store %arg5[%swap3A_391, %swap3A_392], %swap3A_395 {add = true, strides = array<i32>} : memref<32x768xf32, #tpu.memory_space<vmem>>, vector<1x16xf32>,
      %get3A_396 = arith.index_cast %scan3A_334 : i32 to index
      %get3A_397 = arith.constant 112 : index
      %get3A_398 = tpu.vector_load %arg7[%get3A_396, %get3A_397] {strides = array<i32>} : memref<32x768xf32, #tpu.memory_space<vmem>>, vector<1x16xf32>,
      %get3A_399 = vector.shape_cast %get3A_398 : vector<1x16xf32> to vector<16xf32>
      %swap3A_400 = arith.index_cast %scan3A_334 : i32 to index
      %swap3A_401 = arith.constant 112 : index
      %swap3A_402 = tpu.vector_load %arg5[%swap3A_400, %swap3A_401] {strides = array<i32>} : memref<32x768xf32, #tpu.memory_space<vmem>>, vector<1x16xf32>,
      %swap3A_403 = vector.shape_cast %swap3A_402 : vector<1x16xf32> to vector<16xf32>
      %swap3A_404 = vector.shape_cast %get3A_399 : vector<16xf32> to vector<1x16xf32>
      tpu.vector_store %arg5[%swap3A_400, %swap3A_401], %swap3A_404 {add = true, strides = array<i32>} : memref<32x768xf32, #tpu.memory_space<vmem>>, vector<1x16xf32>,
      %get3A_405 = arith.index_cast %scan3A_334 : i32 to index
      %get3A_406 = arith.constant 128 : index
      %get3A_407 = tpu.vector_load %arg7[%get3A_405, %get3A_406] {strides = array<i32>} : memref<32x768xf32, #tpu.memory_space<vmem>>, vector<1x16xf32>,
      %get3A_408 = vector.shape_cast %get3A_407 : vector<1x16xf32> to vector<16xf32>
      %swap3A_409 = arith.index_cast %scan3A_334 : i32 to index
      %swap3A_410 = arith.constant 128 : index
      %swap3A_411 = tpu.vector_load %arg5[%swap3A_409, %swap3A_410] {strides = array<i32>} : memref<32x768xf32, #tpu.memory_space<vmem>>, vector<1x16xf32>,
      %swap3A_412 = vector.shape_cast %swap3A_411 : vector<1x16xf32> to vector<16xf32>
      %swap3A_413 = vector.shape_cast %get3A_408 : vector<16xf32> to vector<1x16xf32>
      tpu.vector_store %arg5[%swap3A_409, %swap3A_410], %swap3A_413 {add = true, strides = array<i32>} : memref<32x768xf32, #tpu.memory_space<vmem>>, vector<1x16xf32>,
      %get3A_414 = arith.index_cast %scan3A_334 : i32 to index
      %get3A_415 = arith.constant 144 : index
      %get3A_416 = tpu.vector_load %arg7[%get3A_414, %get3A_415] {strides = array<i32>} : memref<32x768xf32, #tpu.memory_space<vmem>>, vector<1x16xf32>,
      %get3A_417 = vector.shape_cast %get3A_416 : vector<1x16xf32> to vector<16xf32>
      %swap3A_418 = arith.index_cast %scan3A_334 : i32 to index
      %swap3A_419 = arith.constant 144 : index
      %swap3A_420 = tpu.vector_load %arg5[%swap3A_418, %swap3A_419] {strides = array<i32>} : memref<32x768xf32, #tpu.memory_space<vmem>>, vector<1x16xf32>,
      %swap3A_421 = vector.shape_cast %swap3A_420 : vector<1x16xf32> to vector<16xf32>
      %swap3A_422 = vector.shape_cast %get3A_417 : vector<16xf32> to vector<1x16xf32>
      tpu.vector_store %arg5[%swap3A_418, %swap3A_419], %swap3A_422 {add = true, strides = array<i32>} : memref<32x768xf32, #tpu.memory_space<vmem>>, vector<1x16xf32>,
      %get3A_423 = arith.index_cast %scan3A_334 : i32 to index
      %get3A_424 = arith.constant 160 : index
      %get3A_425 = tpu.vector_load %arg7[%get3A_423, %get3A_424] {strides = array<i32>} : memref<32x768xf32, #tpu.memory_space<vmem>>, vector<1x16xf32>,
      %get3A_426 = vector.shape_cast %get3A_425 : vector<1x16xf32> to vector<16xf32>
      %swap3A_427 = arith.index_cast %scan3A_334 : i32 to index
      %swap3A_428 = arith.constant 160 : index
      %swap3A_429 = tpu.vector_load %arg5[%swap3A_427, %swap3A_428] {strides = array<i32>} : memref<32x768xf32, #tpu.memory_space<vmem>>, vector<1x16xf32>,
      %swap3A_430 = vector.shape_cast %swap3A_429 : vector<1x16xf32> to vector<16xf32>
      %swap3A_431 = vector.shape_cast %get3A_426 : vector<16xf32> to vector<1x16xf32>
      tpu.vector_store %arg5[%swap3A_427, %swap3A_428], %swap3A_431 {add = true, strides = array<i32>} : memref<32x768xf32, #tpu.memory_space<vmem>>, vector<1x16xf32>,
      %get3A_432 = arith.index_cast %scan3A_334 : i32 to index
      %get3A_433 = arith.constant 176 : index
      %get3A_434 = tpu.vector_load %arg7[%get3A_432, %get3A_433] {strides = array<i32>} : memref<32x768xf32, #tpu.memory_space<vmem>>, vector<1x16xf32>,
      %get3A_435 = vector.shape_cast %get3A_434 : vector<1x16xf32> to vector<16xf32>
      %swap3A_436 = arith.index_cast %scan3A_334 : i32 to index
      %swap3A_437 = arith.constant 176 : index
      %swap3A_438 = tpu.vector_load %arg5[%swap3A_436, %swap3A_437] {strides = array<i32>} : memref<32x768xf32, #tpu.memory_space<vmem>>, vector<1x16xf32>,
      %swap3A_439 = vector.shape_cast %swap3A_438 : vector<1x16xf32> to vector<16xf32>
      %swap3A_440 = vector.shape_cast %get3A_435 : vector<16xf32> to vector<1x16xf32>
      tpu.vector_store %arg5[%swap3A_436, %swap3A_437], %swap3A_440 {add = true, strides = array<i32>} : memref<32x768xf32, #tpu.memory_space<vmem>>, vector<1x16xf32>,
      %get3A_441 = arith.index_cast %scan3A_334 : i32 to index
      %get3A_442 = arith.constant 192 : index
      %get3A_443 = tpu.vector_load %arg7[%get3A_441, %get3A_442] {strides = array<i32>} : memref<32x768xf32, #tpu.memory_space<vmem>>, vector<1x16xf32>,
      %get3A_444 = vector.shape_cast %get3A_443 : vector<1x16xf32> to vector<16xf32>
      %swap3A_445 = arith.index_cast %scan3A_334 : i32 to index
      %swap3A_446 = arith.constant 192 : index
      %swap3A_447 = tpu.vector_load %arg5[%swap3A_445, %swap3A_446] {strides = array<i32>} : memref<32x768xf32, #tpu.memory_space<vmem>>, vector<1x16xf32>,
      %swap3A_448 = vector.shape_cast %swap3A_447 : vector<1x16xf32> to vector<16xf32>
      %swap3A_449 = vector.shape_cast %get3A_444 : vector<16xf32> to vector<1x16xf32>
      tpu.vector_store %arg5[%swap3A_445, %swap3A_446], %swap3A_449 {add = true, strides = array<i32>} : memref<32x768xf32, #tpu.memory_space<vmem>>, vector<1x16xf32>,
      %get3A_450 = arith.index_cast %scan3A_334 : i32 to index
      %get3A_451 = arith.constant 208 : index
      %get3A_452 = tpu.vector_load %arg7[%get3A_450, %get3A_451] {strides = array<i32>} : memref<32x768xf32, #tpu.memory_space<vmem>>, vector<1x16xf32>,
      %get3A_453 = vector.shape_cast %get3A_452 : vector<1x16xf32> to vector<16xf32>
      %swap3A_454 = arith.index_cast %scan3A_334 : i32 to index
      %swap3A_455 = arith.constant 208 : index
      %swap3A_456 = tpu.vector_load %arg5[%swap3A_454, %swap3A_455] {strides = array<i32>} : memref<32x768xf32, #tpu.memory_space<vmem>>, vector<1x16xf32>,
      %swap3A_457 = vector.shape_cast %swap3A_456 : vector<1x16xf32> to vector<16xf32>
      %swap3A_458 = vector.shape_cast %get3A_453 : vector<16xf32> to vector<1x16xf32>
      tpu.vector_store %arg5[%swap3A_454, %swap3A_455], %swap3A_458 {add = true, strides = array<i32>} : memref<32x768xf32, #tpu.memory_space<vmem>>, vector<1x16xf32>,
      %get3A_459 = arith.index_cast %scan3A_334 : i32 to index
      %get3A_460 = arith.constant 224 : index
      %get3A_461 = tpu.vector_load %arg7[%get3A_459, %get3A_460] {strides = array<i32>} : memref<32x768xf32, #tpu.memory_space<vmem>>, vector<1x16xf32>,
      %get3A_462 = vector.shape_cast %get3A_461 : vector<1x16xf32> to vector<16xf32>
      %swap3A_463 = arith.index_cast %scan3A_334 : i32 to index
      %swap3A_464 = arith.constant 224 : index
      %swap3A_465 = tpu.vector_load %arg5[%swap3A_463, %swap3A_464] {strides = array<i32>} : memref<32x768xf32, #tpu.memory_space<vmem>>, vector<1x16xf32>,
      %swap3A_466 = vector.shape_cast %swap3A_465 : vector<1x16xf32> to vector<16xf32>
      %swap3A_467 = vector.shape_cast %get3A_462 : vector<16xf32> to vector<1x16xf32>
      tpu.vector_store %arg5[%swap3A_463, %swap3A_464], %swap3A_467 {add = true, strides = array<i32>} : memref<32x768xf32, #tpu.memory_space<vmem>>, vector<1x16xf32>,
      %get3A_468 = arith.index_cast %scan3A_334 : i32 to index
      %get3A_469 = arith.constant 240 : index
      %get3A_470 = tpu.vector_load %arg7[%get3A_468, %get3A_469] {strides = array<i32>} : memref<32x768xf32, #tpu.memory_space<vmem>>, vector<1x16xf32>,
      %get3A_471 = vector.shape_cast %get3A_470 : vector<1x16xf32> to vector<16xf32>
      %swap3A_472 = arith.index_cast %scan3A_334 : i32 to index
      %swap3A_473 = arith.constant 240 : index
      %swap3A_474 = tpu.vector_load %arg5[%swap3A_472, %swap3A_473] {strides = array<i32>} : memref<32x768xf32, #tpu.memory_space<vmem>>, vector<1x16xf32>,
      %swap3A_475 = vector.shape_cast %swap3A_474 : vector<1x16xf32> to vector<16xf32>
      %swap3A_476 = vector.shape_cast %get3A_471 : vector<16xf32> to vector<1x16xf32>
      tpu.vector_store %arg5[%swap3A_472, %swap3A_473], %swap3A_476 {add = true, strides = array<i32>} : memref<32x768xf32, #tpu.memory_space<vmem>>, vector<1x16xf32>,
      %get3A_477 = arith.index_cast %scan3A_334 : i32 to index
      %get3A_478 = arith.constant 256 : index
      %get3A_479 = tpu.vector_load %arg7[%get3A_477, %get3A_478] {strides = array<i32>} : memref<32x768xf32, #tpu.memory_space<vmem>>, vector<1x16xf32>,
      %get3A_480 = vector.shape_cast %get3A_479 : vector<1x16xf32> to vector<16xf32>
      %swap3A_481 = arith.index_cast %scan3A_334 : i32 to index
      %swap3A_482 = arith.constant 256 : index
      %swap3A_483 = tpu.vector_load %arg5[%swap3A_481, %swap3A_482] {strides = array<i32>} : memref<32x768xf32, #tpu.memory_space<vmem>>, vector<1x16xf32>,
      %swap3A_484 = vector.shape_cast %swap3A_483 : vector<1x16xf32> to vector<16xf32>
      %swap3A_485 = vector.shape_cast %get3A_480 : vector<16xf32> to vector<1x16xf32>
      tpu.vector_store %arg5[%swap3A_481, %swap3A_482], %swap3A_485 {add = true, strides = array<i32>} : memref<32x768xf32, #tpu.memory_space<vmem>>, vector<1x16xf32>,
      %get3A_486 = arith.index_cast %scan3A_334 : i32 to index
      %get3A_487 = arith.constant 272 : index
      %get3A_488 = tpu.vector_load %arg7[%get3A_486, %get3A_487] {strides = array<i32>} : memref<32x768xf32, #tpu.memory_space<vmem>>, vector<1x16xf32>,
      %get3A_489 = vector.shape_cast %get3A_488 : vector<1x16xf32> to vector<16xf32>
      %swap3A_490 = arith.index_cast %scan3A_334 : i32 to index
      %swap3A_491 = arith.constant 272 : index
      %swap3A_492 = tpu.vector_load %arg5[%swap3A_490, %swap3A_491] {strides = array<i32>} : memref<32x768xf32, #tpu.memory_space<vmem>>, vector<1x16xf32>,
      %swap3A_493 = vector.shape_cast %swap3A_492 : vector<1x16xf32> to vector<16xf32>
      %swap3A_494 = vector.shape_cast %get3A_489 : vector<16xf32> to vector<1x16xf32>
      tpu.vector_store %arg5[%swap3A_490, %swap3A_491], %swap3A_494 {add = true, strides = array<i32>} : memref<32x768xf32, #tpu.memory_space<vmem>>, vector<1x16xf32>,
      %get3A_495 = arith.index_cast %scan3A_334 : i32 to index
      %get3A_496 = arith.constant 288 : index
      %get3A_497 = tpu.vector_load %arg7[%get3A_495, %get3A_496] {strides = array<i32>} : memref<32x768xf32, #tpu.memory_space<vmem>>, vector<1x16xf32>,
      %get3A_498 = vector.shape_cast %get3A_497 : vector<1x16xf32> to vector<16xf32>
      %swap3A_499 = arith.index_cast %scan3A_334 : i32 to index
      %swap3A_500 = arith.constant 288 : index
      %swap3A_501 = tpu.vector_load %arg5[%swap3A_499, %swap3A_500] {strides = array<i32>} : memref<32x768xf32, #tpu.memory_space<vmem>>, vector<1x16xf32>,
      %swap3A_502 = vector.shape_cast %swap3A_501 : vector<1x16xf32> to vector<16xf32>
      %swap3A_503 = vector.shape_cast %get3A_498 : vector<16xf32> to vector<1x16xf32>
      tpu.vector_store %arg5[%swap3A_499, %swap3A_500], %swap3A_503 {add = true, strides = array<i32>} : memref<32x768xf32, #tpu.memory_space<vmem>>, vector<1x16xf32>,
      %get3A_504 = arith.index_cast %scan3A_334 : i32 to index
      %get3A_505 = arith.constant 304 : index
      %get3A_506 = tpu.vector_load %arg7[%get3A_504, %get3A_505] {strides = array<i32>} : memref<32x768xf32, #tpu.memory_space<vmem>>, vector<1x16xf32>,
      %get3A_507 = vector.shape_cast %get3A_506 : vector<1x16xf32> to vector<16xf32>
      %swap3A_508 = arith.index_cast %scan3A_334 : i32 to index
      %swap3A_509 = arith.constant 304 : index
      %swap3A_510 = tpu.vector_load %arg5[%swap3A_508, %swap3A_509] {strides = array<i32>} : memref<32x768xf32, #tpu.memory_space<vmem>>, vector<1x16xf32>,
      %swap3A_511 = vector.shape_cast %swap3A_510 : vector<1x16xf32> to vector<16xf32>
      %swap3A_512 = vector.shape_cast %get3A_507 : vector<16xf32> to vector<1x16xf32>
      tpu.vector_store %arg5[%swap3A_508, %swap3A_509], %swap3A_512 {add = true, strides = array<i32>} : memref<32x768xf32, #tpu.memory_space<vmem>>, vector<1x16xf32>,
      %get3A_513 = arith.index_cast %scan3A_334 : i32 to index
      %get3A_514 = arith.constant 320 : index
      %get3A_515 = tpu.vector_load %arg7[%get3A_513, %get3A_514] {strides = array<i32>} : memref<32x768xf32, #tpu.memory_space<vmem>>, vector<1x16xf32>,
      %get3A_516 = vector.shape_cast %get3A_515 : vector<1x16xf32> to vector<16xf32>
      %swap3A_517 = arith.index_cast %scan3A_334 : i32 to index
      %swap3A_518 = arith.constant 320 : index
      %swap3A_519 = tpu.vector_load %arg5[%swap3A_517, %swap3A_518] {strides = array<i32>} : memref<32x768xf32, #tpu.memory_space<vmem>>, vector<1x16xf32>,
      %swap3A_520 = vector.shape_cast %swap3A_519 : vector<1x16xf32> to vector<16xf32>
      %swap3A_521 = vector.shape_cast %get3A_516 : vector<16xf32> to vector<1x16xf32>
      tpu.vector_store %arg5[%swap3A_517, %swap3A_518], %swap3A_521 {add = true, strides = array<i32>} : memref<32x768xf32, #tpu.memory_space<vmem>>, vector<1x16xf32>,
      %get3A_522 = arith.index_cast %scan3A_334 : i32 to index
      %get3A_523 = arith.constant 336 : index
      %get3A_524 = tpu.vector_load %arg7[%get3A_522, %get3A_523] {strides = array<i32>} : memref<32x768xf32, #tpu.memory_space<vmem>>, vector<1x16xf32>,
      %get3A_525 = vector.shape_cast %get3A_524 : vector<1x16xf32> to vector<16xf32>
      %swap3A_526 = arith.index_cast %scan3A_334 : i32 to index
      %swap3A_527 = arith.constant 336 : index
      %swap3A_528 = tpu.vector_load %arg5[%swap3A_526, %swap3A_527] {strides = array<i32>} : memref<32x768xf32, #tpu.memory_space<vmem>>, vector<1x16xf32>,
      %swap3A_529 = vector.shape_cast %swap3A_528 : vector<1x16xf32> to vector<16xf32>
      %swap3A_530 = vector.shape_cast %get3A_525 : vector<16xf32> to vector<1x16xf32>
      tpu.vector_store %arg5[%swap3A_526, %swap3A_527], %swap3A_530 {add = true, strides = array<i32>} : memref<32x768xf32, #tpu.memory_space<vmem>>, vector<1x16xf32>,
      %get3A_531 = arith.index_cast %scan3A_334 : i32 to index
      %get3A_532 = arith.constant 352 : index
      %get3A_533 = tpu.vector_load %arg7[%get3A_531, %get3A_532] {strides = array<i32>} : memref<32x768xf32, #tpu.memory_space<vmem>>, vector<1x16xf32>,
      %get3A_534 = vector.shape_cast %get3A_533 : vector<1x16xf32> to vector<16xf32>
      %swap3A_535 = arith.index_cast %scan3A_334 : i32 to index
      %swap3A_536 = arith.constant 352 : index
      %swap3A_537 = tpu.vector_load %arg5[%swap3A_535, %swap3A_536] {strides = array<i32>} : memref<32x768xf32, #tpu.memory_space<vmem>>, vector<1x16xf32>,
      %swap3A_538 = vector.shape_cast %swap3A_537 : vector<1x16xf32> to vector<16xf32>
      %swap3A_539 = vector.shape_cast %get3A_534 : vector<16xf32> to vector<1x16xf32>
      tpu.vector_store %arg5[%swap3A_535, %swap3A_536], %swap3A_539 {add = true, strides = array<i32>} : memref<32x768xf32, #tpu.memory_space<vmem>>, vector<1x16xf32>,
      %get3A_540 = arith.index_cast %scan3A_334 : i32 to index
      %get3A_541 = arith.constant 368 : index
      %get3A_542 = tpu.vector_load %arg7[%get3A_540, %get3A_541] {strides = array<i32>} : memref<32x768xf32, #tpu.memory_space<vmem>>, vector<1x16xf32>,
      %get3A_543 = vector.shape_cast %get3A_542 : vector<1x16xf32> to vector<16xf32>
      %swap3A_544 = arith.index_cast %scan3A_334 : i32 to index
      %swap3A_545 = arith.constant 368 : index
      %swap3A_546 = tpu.vector_load %arg5[%swap3A_544, %swap3A_545] {strides = array<i32>} : memref<32x768xf32, #tpu.memory_space<vmem>>, vector<1x16xf32>,
      %swap3A_547 = vector.shape_cast %swap3A_546 : vector<1x16xf32> to vector<16xf32>
      %swap3A_548 = vector.shape_cast %get3A_543 : vector<16xf32> to vector<1x16xf32>
      tpu.vector_store %arg5[%swap3A_544, %swap3A_545], %swap3A_548 {add = true, strides = array<i32>} : memref<32x768xf32, #tpu.memory_space<vmem>>, vector<1x16xf32>,
      %get3A_549 = arith.index_cast %scan3A_334 : i32 to index
      %get3A_550 = arith.constant 384 : index
      %get3A_551 = tpu.vector_load %arg7[%get3A_549, %get3A_550] {strides = array<i32>} : memref<32x768xf32, #tpu.memory_space<vmem>>, vector<1x16xf32>,
      %get3A_552 = vector.shape_cast %get3A_551 : vector<1x16xf32> to vector<16xf32>
      %swap3A_553 = arith.index_cast %scan3A_334 : i32 to index
      %swap3A_554 = arith.constant 384 : index
      %swap3A_555 = tpu.vector_load %arg5[%swap3A_553, %swap3A_554] {strides = array<i32>} : memref<32x768xf32, #tpu.memory_space<vmem>>, vector<1x16xf32>,
      %swap3A_556 = vector.shape_cast %swap3A_555 : vector<1x16xf32> to vector<16xf32>
      %swap3A_557 = vector.shape_cast %get3A_552 : vector<16xf32> to vector<1x16xf32>
      tpu.vector_store %arg5[%swap3A_553, %swap3A_554], %swap3A_557 {add = true, strides = array<i32>} : memref<32x768xf32, #tpu.memory_space<vmem>>, vector<1x16xf32>,
      %get3A_558 = arith.index_cast %scan3A_334 : i32 to index
      %get3A_559 = arith.constant 400 : index
      %get3A_560 = tpu.vector_load %arg7[%get3A_558, %get3A_559] {strides = array<i32>} : memref<32x768xf32, #tpu.memory_space<vmem>>, vector<1x16xf32>,
      %get3A_561 = vector.shape_cast %get3A_560 : vector<1x16xf32> to vector<16xf32>
      %swap3A_562 = arith.index_cast %scan3A_334 : i32 to index
      %swap3A_563 = arith.constant 400 : index
      %swap3A_564 = tpu.vector_load %arg5[%swap3A_562, %swap3A_563] {strides = array<i32>} : memref<32x768xf32, #tpu.memory_space<vmem>>, vector<1x16xf32>,
      %swap3A_565 = vector.shape_cast %swap3A_564 : vector<1x16xf32> to vector<16xf32>
      %swap3A_566 = vector.shape_cast %get3A_561 : vector<16xf32> to vector<1x16xf32>
      tpu.vector_store %arg5[%swap3A_562, %swap3A_563], %swap3A_566 {add = true, strides = array<i32>} : memref<32x768xf32, #tpu.memory_space<vmem>>, vector<1x16xf32>,
      %get3A_567 = arith.index_cast %scan3A_334 : i32 to index
      %get3A_568 = arith.constant 416 : index
      %get3A_569 = tpu.vector_load %arg7[%get3A_567, %get3A_568] {strides = array<i32>} : memref<32x768xf32, #tpu.memory_space<vmem>>, vector<1x16xf32>,
      %get3A_570 = vector.shape_cast %get3A_569 : vector<1x16xf32> to vector<16xf32>
      %swap3A_571 = arith.index_cast %scan3A_334 : i32 to index
      %swap3A_572 = arith.constant 416 : index
      %swap3A_573 = tpu.vector_load %arg5[%swap3A_571, %swap3A_572] {strides = array<i32>} : memref<32x768xf32, #tpu.memory_space<vmem>>, vector<1x16xf32>,
      %swap3A_574 = vector.shape_cast %swap3A_573 : vector<1x16xf32> to vector<16xf32>
      %swap3A_575 = vector.shape_cast %get3A_570 : vector<16xf32> to vector<1x16xf32>
      tpu.vector_store %arg5[%swap3A_571, %swap3A_572], %swap3A_575 {add = true, strides = array<i32>} : memref<32x768xf32, #tpu.memory_space<vmem>>, vector<1x16xf32>,
      %get3A_576 = arith.index_cast %scan3A_334 : i32 to index
      %get3A_577 = arith.constant 432 : index
      %get3A_578 = tpu.vector_load %arg7[%get3A_576, %get3A_577] {strides = array<i32>} : memref<32x768xf32, #tpu.memory_space<vmem>>, vector<1x16xf32>,
      %get3A_579 = vector.shape_cast %get3A_578 : vector<1x16xf32> to vector<16xf32>
      %swap3A_580 = arith.index_cast %scan3A_334 : i32 to index
      %swap3A_581 = arith.constant 432 : index
      %swap3A_582 = tpu.vector_load %arg5[%swap3A_580, %swap3A_581] {strides = array<i32>} : memref<32x768xf32, #tpu.memory_space<vmem>>, vector<1x16xf32>,
      %swap3A_583 = vector.shape_cast %swap3A_582 : vector<1x16xf32> to vector<16xf32>
      %swap3A_584 = vector.shape_cast %get3A_579 : vector<16xf32> to vector<1x16xf32>
      tpu.vector_store %arg5[%swap3A_580, %swap3A_581], %swap3A_584 {add = true, strides = array<i32>} : memref<32x768xf32, #tpu.memory_space<vmem>>, vector<1x16xf32>,
      %get3A_585 = arith.index_cast %scan3A_334 : i32 to index
      %get3A_586 = arith.constant 448 : index
      %get3A_587 = tpu.vector_load %arg7[%get3A_585, %get3A_586] {strides = array<i32>} : memref<32x768xf32, #tpu.memory_space<vmem>>, vector<1x16xf32>,
      %get3A_588 = vector.shape_cast %get3A_587 : vector<1x16xf32> to vector<16xf32>
      %swap3A_589 = arith.index_cast %scan3A_334 : i32 to index
      %swap3A_590 = arith.constant 448 : index
      %swap3A_591 = tpu.vector_load %arg5[%swap3A_589, %swap3A_590] {strides = array<i32>} : memref<32x768xf32, #tpu.memory_space<vmem>>, vector<1x16xf32>,
      %swap3A_592 = vector.shape_cast %swap3A_591 : vector<1x16xf32> to vector<16xf32>
      %swap3A_593 = vector.shape_cast %get3A_588 : vector<16xf32> to vector<1x16xf32>
      tpu.vector_store %arg5[%swap3A_589, %swap3A_590], %swap3A_593 {add = true, strides = array<i32>} : memref<32x768xf32, #tpu.memory_space<vmem>>, vector<1x16xf32>,
      %get3A_594 = arith.index_cast %scan3A_334 : i32 to index
      %get3A_595 = arith.constant 464 : index
      %get3A_596 = tpu.vector_load %arg7[%get3A_594, %get3A_595] {strides = array<i32>} : memref<32x768xf32, #tpu.memory_space<vmem>>, vector<1x16xf32>,
      %get3A_597 = vector.shape_cast %get3A_596 : vector<1x16xf32> to vector<16xf32>
      %swap3A_598 = arith.index_cast %scan3A_334 : i32 to index
      %swap3A_599 = arith.constant 464 : index
      %swap3A_600 = tpu.vector_load %arg5[%swap3A_598, %swap3A_599] {strides = array<i32>} : memref<32x768xf32, #tpu.memory_space<vmem>>, vector<1x16xf32>,
      %swap3A_601 = vector.shape_cast %swap3A_600 : vector<1x16xf32> to vector<16xf32>
      %swap3A_602 = vector.shape_cast %get3A_597 : vector<16xf32> to vector<1x16xf32>
      tpu.vector_store %arg5[%swap3A_598, %swap3A_599], %swap3A_602 {add = true, strides = array<i32>} : memref<32x768xf32, #tpu.memory_space<vmem>>, vector<1x16xf32>,
      %get3A_603 = arith.index_cast %scan3A_334 : i32 to index
      %get3A_604 = arith.constant 480 : index
      %get3A_605 = tpu.vector_load %arg7[%get3A_603, %get3A_604] {strides = array<i32>} : memref<32x768xf32, #tpu.memory_space<vmem>>, vector<1x16xf32>,
      %get3A_606 = vector.shape_cast %get3A_605 : vector<1x16xf32> to vector<16xf32>
      %swap3A_607 = arith.index_cast %scan3A_334 : i32 to index
      %swap3A_608 = arith.constant 480 : index
      %swap3A_609 = tpu.vector_load %arg5[%swap3A_607, %swap3A_608] {strides = array<i32>} : memref<32x768xf32, #tpu.memory_space<vmem>>, vector<1x16xf32>,
      %swap3A_610 = vector.shape_cast %swap3A_609 : vector<1x16xf32> to vector<16xf32>
      %swap3A_611 = vector.shape_cast %get3A_606 : vector<16xf32> to vector<1x16xf32>
      tpu.vector_store %arg5[%swap3A_607, %swap3A_608], %swap3A_611 {add = true, strides = array<i32>} : memref<32x768xf32, #tpu.memory_space<vmem>>, vector<1x16xf32>,
      %get3A_612 = arith.index_cast %scan3A_334 : i32 to index
      %get3A_613 = arith.constant 496 : index
      %get3A_614 = tpu.vector_load %arg7[%get3A_612, %get3A_613] {strides = array<i32>} : memref<32x768xf32, #tpu.memory_space<vmem>>, vector<1x16xf32>,
      %get3A_615 = vector.shape_cast %get3A_614 : vector<1x16xf32> to vector<16xf32>
      %swap3A_616 = arith.index_cast %scan3A_334 : i32 to index
      %swap3A_617 = arith.constant 496 : index
      %swap3A_618 = tpu.vector_load %arg5[%swap3A_616, %swap3A_617] {strides = array<i32>} : memref<32x768xf32, #tpu.memory_space<vmem>>, vector<1x16xf32>,
      %swap3A_619 = vector.shape_cast %swap3A_618 : vector<1x16xf32> to vector<16xf32>
      %swap3A_620 = vector.shape_cast %get3A_615 : vector<16xf32> to vector<1x16xf32>
      tpu.vector_store %arg5[%swap3A_616, %swap3A_617], %swap3A_620 {add = true, strides = array<i32>} : memref<32x768xf32, #tpu.memory_space<vmem>>, vector<1x16xf32>,
      %get3A_621 = arith.index_cast %scan3A_334 : i32 to index
      %get3A_622 = arith.constant 512 : index
      %get3A_623 = tpu.vector_load %arg7[%get3A_621, %get3A_622] {strides = array<i32>} : memref<32x768xf32, #tpu.memory_space<vmem>>, vector<1x16xf32>,
      %get3A_624 = vector.shape_cast %get3A_623 : vector<1x16xf32> to vector<16xf32>
      %swap3A_625 = arith.index_cast %scan3A_334 : i32 to index
      %swap3A_626 = arith.constant 512 : index
      %swap3A_627 = tpu.vector_load %arg5[%swap3A_625, %swap3A_626] {strides = array<i32>} : memref<32x768xf32, #tpu.memory_space<vmem>>, vector<1x16xf32>,
      %swap3A_628 = vector.shape_cast %swap3A_627 : vector<1x16xf32> to vector<16xf32>
      %swap3A_629 = vector.shape_cast %get3A_624 : vector<16xf32> to vector<1x16xf32>
      tpu.vector_store %arg5[%swap3A_625, %swap3A_626], %swap3A_629 {add = true, strides = array<i32>} : memref<32x768xf32, #tpu.memory_space<vmem>>, vector<1x16xf32>,
      %get3A_630 = arith.index_cast %scan3A_334 : i32 to index
      %get3A_631 = arith.constant 528 : index
      %get3A_632 = tpu.vector_load %arg7[%get3A_630, %get3A_631] {strides = array<i32>} : memref<32x768xf32, #tpu.memory_space<vmem>>, vector<1x16xf32>,
      %get3A_633 = vector.shape_cast %get3A_632 : vector<1x16xf32> to vector<16xf32>
      %swap3A_634 = arith.index_cast %scan3A_334 : i32 to index
      %swap3A_635 = arith.constant 528 : index
      %swap3A_636 = tpu.vector_load %arg5[%swap3A_634, %swap3A_635] {strides = array<i32>} : memref<32x768xf32, #tpu.memory_space<vmem>>, vector<1x16xf32>,
      %swap3A_637 = vector.shape_cast %swap3A_636 : vector<1x16xf32> to vector<16xf32>
      %swap3A_638 = vector.shape_cast %get3A_633 : vector<16xf32> to vector<1x16xf32>
      tpu.vector_store %arg5[%swap3A_634, %swap3A_635], %swap3A_638 {add = true, strides = array<i32>} : memref<32x768xf32, #tpu.memory_space<vmem>>, vector<1x16xf32>,
      %get3A_639 = arith.index_cast %scan3A_334 : i32 to index
      %get3A_640 = arith.constant 544 : index
      %get3A_641 = tpu.vector_load %arg7[%get3A_639, %get3A_640] {strides = array<i32>} : memref<32x768xf32, #tpu.memory_space<vmem>>, vector<1x16xf32>,
      %get3A_642 = vector.shape_cast %get3A_641 : vector<1x16xf32> to vector<16xf32>
      %swap3A_643 = arith.index_cast %scan3A_334 : i32 to index
      %swap3A_644 = arith.constant 544 : index
      %swap3A_645 = tpu.vector_load %arg5[%swap3A_643, %swap3A_644] {strides = array<i32>} : memref<32x768xf32, #tpu.memory_space<vmem>>, vector<1x16xf32>,
      %swap3A_646 = vector.shape_cast %swap3A_645 : vector<1x16xf32> to vector<16xf32>
      %swap3A_647 = vector.shape_cast %get3A_642 : vector<16xf32> to vector<1x16xf32>
      tpu.vector_store %arg5[%swap3A_643, %swap3A_644], %swap3A_647 {add = true, strides = array<i32>} : memref<32x768xf32, #tpu.memory_space<vmem>>, vector<1x16xf32>,
      %get3A_648 = arith.index_cast %scan3A_334 : i32 to index
      %get3A_649 = arith.constant 560 : index
      %get3A_650 = tpu.vector_load %arg7[%get3A_648, %get3A_649] {strides = array<i32>} : memref<32x768xf32, #tpu.memory_space<vmem>>, vector<1x16xf32>,
      %get3A_651 = vector.shape_cast %get3A_650 : vector<1x16xf32> to vector<16xf32>
      %swap3A_652 = arith.index_cast %scan3A_334 : i32 to index
      %swap3A_653 = arith.constant 560 : index
      %swap3A_654 = tpu.vector_load %arg5[%swap3A_652, %swap3A_653] {strides = array<i32>} : memref<32x768xf32, #tpu.memory_space<vmem>>, vector<1x16xf32>,
      %swap3A_655 = vector.shape_cast %swap3A_654 : vector<1x16xf32> to vector<16xf32>
      %swap3A_656 = vector.shape_cast %get3A_651 : vector<16xf32> to vector<1x16xf32>
      tpu.vector_store %arg5[%swap3A_652, %swap3A_653], %swap3A_656 {add = true, strides = array<i32>} : memref<32x768xf32, #tpu.memory_space<vmem>>, vector<1x16xf32>,
      %get3A_657 = arith.index_cast %scan3A_334 : i32 to index
      %get3A_658 = arith.constant 576 : index
      %get3A_659 = tpu.vector_load %arg7[%get3A_657, %get3A_658] {strides = array<i32>} : memref<32x768xf32, #tpu.memory_space<vmem>>, vector<1x16xf32>,
      %get3A_660 = vector.shape_cast %get3A_659 : vector<1x16xf32> to vector<16xf32>
      %swap3A_661 = arith.index_cast %scan3A_334 : i32 to index
      %swap3A_662 = arith.constant 576 : index
      %swap3A_663 = tpu.vector_load %arg5[%swap3A_661, %swap3A_662] {strides = array<i32>} : memref<32x768xf32, #tpu.memory_space<vmem>>, vector<1x16xf32>,
      %swap3A_664 = vector.shape_cast %swap3A_663 : vector<1x16xf32> to vector<16xf32>
      %swap3A_665 = vector.shape_cast %get3A_660 : vector<16xf32> to vector<1x16xf32>
      tpu.vector_store %arg5[%swap3A_661, %swap3A_662], %swap3A_665 {add = true, strides = array<i32>} : memref<32x768xf32, #tpu.memory_space<vmem>>, vector<1x16xf32>,
      %get3A_666 = arith.index_cast %scan3A_334 : i32 to index
      %get3A_667 = arith.constant 592 : index
      %get3A_668 = tpu.vector_load %arg7[%get3A_666, %get3A_667] {strides = array<i32>} : memref<32x768xf32, #tpu.memory_space<vmem>>, vector<1x16xf32>,
      %get3A_669 = vector.shape_cast %get3A_668 : vector<1x16xf32> to vector<16xf32>
      %swap3A_670 = arith.index_cast %scan3A_334 : i32 to index
      %swap3A_671 = arith.constant 592 : index
      %swap3A_672 = tpu.vector_load %arg5[%swap3A_670, %swap3A_671] {strides = array<i32>} : memref<32x768xf32, #tpu.memory_space<vmem>>, vector<1x16xf32>,
      %swap3A_673 = vector.shape_cast %swap3A_672 : vector<1x16xf32> to vector<16xf32>
      %swap3A_674 = vector.shape_cast %get3A_669 : vector<16xf32> to vector<1x16xf32>
      tpu.vector_store %arg5[%swap3A_670, %swap3A_671], %swap3A_674 {add = true, strides = array<i32>} : memref<32x768xf32, #tpu.memory_space<vmem>>, vector<1x16xf32>,
      %get3A_675 = arith.index_cast %scan3A_334 : i32 to index
      %get3A_676 = arith.constant 608 : index
      %get3A_677 = tpu.vector_load %arg7[%get3A_675, %get3A_676] {strides = array<i32>} : memref<32x768xf32, #tpu.memory_space<vmem>>, vector<1x16xf32>,
      %get3A_678 = vector.shape_cast %get3A_677 : vector<1x16xf32> to vector<16xf32>
      %swap3A_679 = arith.index_cast %scan3A_334 : i32 to index
      %swap3A_680 = arith.constant 608 : index
      %swap3A_681 = tpu.vector_load %arg5[%swap3A_679, %swap3A_680] {strides = array<i32>} : memref<32x768xf32, #tpu.memory_space<vmem>>, vector<1x16xf32>,
      %swap3A_682 = vector.shape_cast %swap3A_681 : vector<1x16xf32> to vector<16xf32>
      %swap3A_683 = vector.shape_cast %get3A_678 : vector<16xf32> to vector<1x16xf32>
      tpu.vector_store %arg5[%swap3A_679, %swap3A_680], %swap3A_683 {add = true, strides = array<i32>} : memref<32x768xf32, #tpu.memory_space<vmem>>, vector<1x16xf32>,
      %get3A_684 = arith.index_cast %scan3A_334 : i32 to index
      %get3A_685 = arith.constant 624 : index
      %get3A_686 = tpu.vector_load %arg7[%get3A_684, %get3A_685] {strides = array<i32>} : memref<32x768xf32, #tpu.memory_space<vmem>>, vector<1x16xf32>,
      %get3A_687 = vector.shape_cast %get3A_686 : vector<1x16xf32> to vector<16xf32>
      %swap3A_688 = arith.index_cast %scan3A_334 : i32 to index
      %swap3A_689 = arith.constant 624 : index
      %swap3A_690 = tpu.vector_load %arg5[%swap3A_688, %swap3A_689] {strides = array<i32>} : memref<32x768xf32, #tpu.memory_space<vmem>>, vector<1x16xf32>,
      %swap3A_691 = vector.shape_cast %swap3A_690 : vector<1x16xf32> to vector<16xf32>
      %swap3A_692 = vector.shape_cast %get3A_687 : vector<16xf32> to vector<1x16xf32>
      tpu.vector_store %arg5[%swap3A_688, %swap3A_689], %swap3A_692 {add = true, strides = array<i32>} : memref<32x768xf32, #tpu.memory_space<vmem>>, vector<1x16xf32>,
      %get3A_693 = arith.index_cast %scan3A_334 : i32 to index
      %get3A_694 = arith.constant 640 : index
      %get3A_695 = tpu.vector_load %arg7[%get3A_693, %get3A_694] {strides = array<i32>} : memref<32x768xf32, #tpu.memory_space<vmem>>, vector<1x16xf32>,
      %get3A_696 = vector.shape_cast %get3A_695 : vector<1x16xf32> to vector<16xf32>
      %swap3A_697 = arith.index_cast %scan3A_334 : i32 to index
      %swap3A_698 = arith.constant 640 : index
      %swap3A_699 = tpu.vector_load %arg5[%swap3A_697, %swap3A_698] {strides = array<i32>} : memref<32x768xf32, #tpu.memory_space<vmem>>, vector<1x16xf32>,
      %swap3A_700 = vector.shape_cast %swap3A_699 : vector<1x16xf32> to vector<16xf32>
      %swap3A_701 = vector.shape_cast %get3A_696 : vector<16xf32> to vector<1x16xf32>
      tpu.vector_store %arg5[%swap3A_697, %swap3A_698], %swap3A_701 {add = true, strides = array<i32>} : memref<32x768xf32, #tpu.memory_space<vmem>>, vector<1x16xf32>,
      %get3A_702 = arith.index_cast %scan3A_334 : i32 to index
      %get3A_703 = arith.constant 656 : index
      %get3A_704 = tpu.vector_load %arg7[%get3A_702, %get3A_703] {strides = array<i32>} : memref<32x768xf32, #tpu.memory_space<vmem>>, vector<1x16xf32>,
      %get3A_705 = vector.shape_cast %get3A_704 : vector<1x16xf32> to vector<16xf32>
      %swap3A_706 = arith.index_cast %scan3A_334 : i32 to index
      %swap3A_707 = arith.constant 656 : index
      %swap3A_708 = tpu.vector_load %arg5[%swap3A_706, %swap3A_707] {strides = array<i32>} : memref<32x768xf32, #tpu.memory_space<vmem>>, vector<1x16xf32>,
      %swap3A_709 = vector.shape_cast %swap3A_708 : vector<1x16xf32> to vector<16xf32>
      %swap3A_710 = vector.shape_cast %get3A_705 : vector<16xf32> to vector<1x16xf32>
      tpu.vector_store %arg5[%swap3A_706, %swap3A_707], %swap3A_710 {add = true, strides = array<i32>} : memref<32x768xf32, #tpu.memory_space<vmem>>, vector<1x16xf32>,
      %get3A_711 = arith.index_cast %scan3A_334 : i32 to index
      %get3A_712 = arith.constant 672 : index
      %get3A_713 = tpu.vector_load %arg7[%get3A_711, %get3A_712] {strides = array<i32>} : memref<32x768xf32, #tpu.memory_space<vmem>>, vector<1x16xf32>,
      %get3A_714 = vector.shape_cast %get3A_713 : vector<1x16xf32> to vector<16xf32>
      %swap3A_715 = arith.index_cast %scan3A_334 : i32 to index
      %swap3A_716 = arith.constant 672 : index
      %swap3A_717 = tpu.vector_load %arg5[%swap3A_715, %swap3A_716] {strides = array<i32>} : memref<32x768xf32, #tpu.memory_space<vmem>>, vector<1x16xf32>,
      %swap3A_718 = vector.shape_cast %swap3A_717 : vector<1x16xf32> to vector<16xf32>
      %swap3A_719 = vector.shape_cast %get3A_714 : vector<16xf32> to vector<1x16xf32>
      tpu.vector_store %arg5[%swap3A_715, %swap3A_716], %swap3A_719 {add = true, strides = array<i32>} : memref<32x768xf32, #tpu.memory_space<vmem>>, vector<1x16xf32>,
      %get3A_720 = arith.index_cast %scan3A_334 : i32 to index
      %get3A_721 = arith.constant 688 : index
      %get3A_722 = tpu.vector_load %arg7[%get3A_720, %get3A_721] {strides = array<i32>} : memref<32x768xf32, #tpu.memory_space<vmem>>, vector<1x16xf32>,
      %get3A_723 = vector.shape_cast %get3A_722 : vector<1x16xf32> to vector<16xf32>
      %swap3A_724 = arith.index_cast %scan3A_334 : i32 to index
      %swap3A_725 = arith.constant 688 : index
      %swap3A_726 = tpu.vector_load %arg5[%swap3A_724, %swap3A_725] {strides = array<i32>} : memref<32x768xf32, #tpu.memory_space<vmem>>, vector<1x16xf32>,
      %swap3A_727 = vector.shape_cast %swap3A_726 : vector<1x16xf32> to vector<16xf32>
      %swap3A_728 = vector.shape_cast %get3A_723 : vector<16xf32> to vector<1x16xf32>
      tpu.vector_store %arg5[%swap3A_724, %swap3A_725], %swap3A_728 {add = true, strides = array<i32>} : memref<32x768xf32, #tpu.memory_space<vmem>>, vector<1x16xf32>,
      %get3A_729 = arith.index_cast %scan3A_334 : i32 to index
      %get3A_730 = arith.constant 704 : index
      %get3A_731 = tpu.vector_load %arg7[%get3A_729, %get3A_730] {strides = array<i32>} : memref<32x768xf32, #tpu.memory_space<vmem>>, vector<1x16xf32>,
      %get3A_732 = vector.shape_cast %get3A_731 : vector<1x16xf32> to vector<16xf32>
      %swap3A_733 = arith.index_cast %scan3A_334 : i32 to index
      %swap3A_734 = arith.constant 704 : index
      %swap3A_735 = tpu.vector_load %arg5[%swap3A_733, %swap3A_734] {strides = array<i32>} : memref<32x768xf32, #tpu.memory_space<vmem>>, vector<1x16xf32>,
      %swap3A_736 = vector.shape_cast %swap3A_735 : vector<1x16xf32> to vector<16xf32>
      %swap3A_737 = vector.shape_cast %get3A_732 : vector<16xf32> to vector<1x16xf32>
      tpu.vector_store %arg5[%swap3A_733, %swap3A_734], %swap3A_737 {add = true, strides = array<i32>} : memref<32x768xf32, #tpu.memory_space<vmem>>, vector<1x16xf32>,
      %get3A_738 = arith.index_cast %scan3A_334 : i32 to index
      %get3A_739 = arith.constant 720 : index
      %get3A_740 = tpu.vector_load %arg7[%get3A_738, %get3A_739] {strides = array<i32>} : memref<32x768xf32, #tpu.memory_space<vmem>>, vector<1x16xf32>,
      %get3A_741 = vector.shape_cast %get3A_740 : vector<1x16xf32> to vector<16xf32>
      %swap3A_742 = arith.index_cast %scan3A_334 : i32 to index
      %swap3A_743 = arith.constant 720 : index
      %swap3A_744 = tpu.vector_load %arg5[%swap3A_742, %swap3A_743] {strides = array<i32>} : memref<32x768xf32, #tpu.memory_space<vmem>>, vector<1x16xf32>,
      %swap3A_745 = vector.shape_cast %swap3A_744 : vector<1x16xf32> to vector<16xf32>
      %swap3A_746 = vector.shape_cast %get3A_741 : vector<16xf32> to vector<1x16xf32>
      tpu.vector_store %arg5[%swap3A_742, %swap3A_743], %swap3A_746 {add = true, strides = array<i32>} : memref<32x768xf32, #tpu.memory_space<vmem>>, vector<1x16xf32>,
      %get3A_747 = arith.index_cast %scan3A_334 : i32 to index
      %get3A_748 = arith.constant 736 : index
      %get3A_749 = tpu.vector_load %arg7[%get3A_747, %get3A_748] {strides = array<i32>} : memref<32x768xf32, #tpu.memory_space<vmem>>, vector<1x16xf32>,
      %get3A_750 = vector.shape_cast %get3A_749 : vector<1x16xf32> to vector<16xf32>
      %swap3A_751 = arith.index_cast %scan3A_334 : i32 to index
      %swap3A_752 = arith.constant 736 : index
      %swap3A_753 = tpu.vector_load %arg5[%swap3A_751, %swap3A_752] {strides = array<i32>} : memref<32x768xf32, #tpu.memory_space<vmem>>, vector<1x16xf32>,
      %swap3A_754 = vector.shape_cast %swap3A_753 : vector<1x16xf32> to vector<16xf32>
      %swap3A_755 = vector.shape_cast %get3A_750 : vector<16xf32> to vector<1x16xf32>
      tpu.vector_store %arg5[%swap3A_751, %swap3A_752], %swap3A_755 {add = true, strides = array<i32>} : memref<32x768xf32, #tpu.memory_space<vmem>>, vector<1x16xf32>,
      %get3A_756 = arith.index_cast %scan3A_334 : i32 to index
      %get3A_757 = arith.constant 752 : index
      %get3A_758 = tpu.vector_load %arg7[%get3A_756, %get3A_757] {strides = array<i32>} : memref<32x768xf32, #tpu.memory_space<vmem>>, vector<1x16xf32>,
      %get3A_759 = vector.shape_cast %get3A_758 : vector<1x16xf32> to vector<16xf32>
      %swap3A_760 = arith.index_cast %scan3A_334 : i32 to index
      %swap3A_761 = arith.constant 752 : index
      %swap3A_762 = tpu.vector_load %arg5[%swap3A_760, %swap3A_761] {strides = array<i32>} : memref<32x768xf32, #tpu.memory_space<vmem>>, vector<1x16xf32>,
      %swap3A_763 = vector.shape_cast %swap3A_762 : vector<1x16xf32> to vector<16xf32>
      %swap3A_764 = vector.shape_cast %get3A_759 : vector<16xf32> to vector<1x16xf32>
      tpu.vector_store %arg5[%swap3A_760, %swap3A_761], %swap3A_764 {add = true, strides = array<i32>} : memref<32x768xf32, #tpu.memory_space<vmem>>, vector<1x16xf32>,
    }
    %scan3A_43 = arith.constant 32 : i32
    %add3A_44 = arith.constant 0 : i32
    %add3A_45 = arith.addi %add3A_44, %mul3A_2 : i32
    %add3A_46 = arith.constant 0 : i32
    %add3A_47 = arith.addi %add3A_45, %add3A_46 : i32
    %dma_start3A_48 = arith.constant 0 : i32
    %dma_start3A_49 = tpu.memref_slice %arg4[%add3A_47, %dma_start3A_48] : memref<8192x768xf32, #tpu.memory_space<hbm>> -> memref<32x768xf32, #tpu.memory_space<hbm>>
    %dma_start3A_50 = arith.constant 0 : i32
    %dma_start3A_51 = tpu.memref_slice %arg4[%add3A_47, %dma_start3A_50] : memref<8192x768xf32, #tpu.memory_space<hbm>> -> memref<32x768xf32, #tpu.memory_space<hbm>>
    tpu.enqueue_dma source(%arg5 : memref<32x768xf32, #tpu.memory_space<vmem>>) target(%dma_start3A_51 : memref<32x768xf32, #tpu.memory_space<hbm>>) target_semaphore(%arg13 : memref<!tpu.dma_semaphore, #tpu.memory_space<semaphore_mem>>)
    %dma_wait3A_52 = arith.constant 0 : i32
    %dma_wait3A_53 = tpu.memref_slice %arg3[%add3A_34, %dma_wait3A_52] : memref<8192x768xf32, #tpu.memory_space<hbm>> -> memref<32x768xf32, #tpu.memory_space<hbm>>
    %dma_wait3A_54 = arith.constant 0 : i32
    %dma_wait3A_55 = tpu.memref_slice %arg3[%add3A_34, %dma_wait3A_54] : memref<8192x768xf32, #tpu.memory_space<hbm>> -> memref<32x768xf32, #tpu.memory_space<hbm>>
    tpu.wait_dma2 semaphore(%arg12 : memref<!tpu.dma_semaphore, #tpu.memory_space<semaphore_mem>>) src(%dma_wait3A_55 : memref<32x768xf32, #tpu.memory_space<hbm>>) dst(%arg8 : memref<32x768xf32, #tpu.memory_space<vmem>>)
    %dma_wait3A_56 = arith.constant 0 : i32
    %dma_wait3A_57 = tpu.memref_slice %arg2[%add3A_28, %dma_wait3A_56] : memref<32768x768xf32, #tpu.memory_space<hbm>> -> memref<32x768xf32, #tpu.memory_space<hbm>>
    %dma_wait3A_58 = arith.constant 0 : i32
    %dma_wait3A_59 = tpu.memref_slice %arg2[%add3A_28, %dma_wait3A_58] : memref<32768x768xf32, #tpu.memory_space<hbm>> -> memref<32x768xf32, #tpu.memory_space<hbm>>
    tpu.wait_dma2 semaphore(%arg10 : memref<!tpu.dma_semaphore, #tpu.memory_space<semaphore_mem>>) src(%dma_wait3A_59 : memref<32x768xf32, #tpu.memory_space<hbm>>) dst(%arg6 : memref<32x768xf32, #tpu.memory_space<vmem>>)
    %dma_wait3A_60 = arith.constant 0 : i32
    %dma_wait3A_61 = tpu.memref_slice %arg4[%add3A_47, %dma_wait3A_60] : memref<8192x768xf32, #tpu.memory_space<hbm>> -> memref<32x768xf32, #tpu.memory_space<hbm>>
    %dma_wait3A_62 = arith.constant 0 : i32
    %dma_wait3A_63 = tpu.memref_slice %arg4[%add3A_47, %dma_wait3A_62] : memref<8192x768xf32, #tpu.memory_space<hbm>> -> memref<32x768xf32, #tpu.memory_space<hbm>>
    tpu.wait_dma2 semaphore(%arg13 : memref<!tpu.dma_semaphore, #tpu.memory_space<semaphore_mem>>) src(%arg5 : memref<32x768xf32, #tpu.memory_space<vmem>>) dst(%dma_wait3A_63 : memref<32x768xf32, #tpu.memory_space<hbm>>)
    %add3A_64 = arith.constant 0 : i32
    %add3A_65 = arith.addi %add3A_64, %mul3A_2 : i32
    %add3A_66 = arith.constant 64 : i32
    %add3A_67 = arith.addi %add3A_65, %add3A_66 : i32
    %add3A_68 = arith.constant 24576 : i32
    %add3A_69 = arith.addi %add3A_68, %add3A_67 : i32
    %dma_start3A_70 = arith.constant 0 : i32
    %dma_start3A_71 = tpu.memref_slice %arg2[%add3A_69, %dma_start3A_70] : memref<32768x768xf32, #tpu.memory_space<hbm>> -> memref<32x768xf32, #tpu.memory_space<hbm>>
    %dma_start3A_72 = arith.constant 0 : i32
    %dma_start3A_73 = tpu.memref_slice %arg2[%add3A_69, %dma_start3A_72] : memref<32768x768xf32, #tpu.memory_space<hbm>> -> memref<32x768xf32, #tpu.memory_space<hbm>>
    tpu.enqueue_dma source(%dma_start3A_73 : memref<32x768xf32, #tpu.memory_space<hbm>>) target(%arg5 : memref<32x768xf32, #tpu.memory_space<vmem>>) target_semaphore(%arg9 : memref<!tpu.dma_semaphore, #tpu.memory_space<semaphore_mem>>)
    %add3A_74 = arith.constant 64 : i32
    %add3A_75 = arith.addi %mul3A_2, %add3A_74 : i32
    %dma_start3A_76 = arith.constant 0 : i32
    %dma_start3A_77 = tpu.memref_slice %arg3[%add3A_75, %dma_start3A_76] : memref<8192x768xf32, #tpu.memory_space<hbm>> -> memref<32x768xf32, #tpu.memory_space<hbm>>
    %dma_start3A_78 = arith.constant 0 : i32
    %dma_start3A_79 = tpu.memref_slice %arg3[%add3A_75, %dma_start3A_78] : memref<8192x768xf32, #tpu.memory_space<hbm>> -> memref<32x768xf32, #tpu.memory_space<hbm>>
    tpu.enqueue_dma source(%dma_start3A_79 : memref<32x768xf32, #tpu.memory_space<hbm>>) target(%arg7 : memref<32x768xf32, #tpu.memory_space<vmem>>) target_semaphore(%arg11 : memref<!tpu.dma_semaphore, #tpu.memory_space<semaphore_mem>>)
    %scan3A_80 = arith.constant 0 : i32
    %scan3A_81 = arith.constant 0 : i32
    %scan3A_82 = arith.constant 32 : i32
    %scan3A_83 = arith.addi %scan3A_81, %scan3A_82 : i32
    %scan3A_84 = arith.constant 1 : i32
    scf.for %scan3A_334 = %scan3A_81 to %scan3A_83 step %scan3A_84  : i32 {
      %get3A = arith.index_cast %scan3A_334 : i32 to index
      %get3A_335 = arith.constant 0 : index
      %get3A_336 = tpu.vector_load %arg8[%get3A, %get3A_335] {strides = array<i32>} : memref<32x768xf32, #tpu.memory_space<vmem>>, vector<1x16xf32>,
      %get3A_337 = vector.shape_cast %get3A_336 : vector<1x16xf32> to vector<16xf32>
      %swap3A = arith.index_cast %scan3A_334 : i32 to index
      %swap3A_338 = arith.constant 0 : index
      %swap3A_339 = tpu.vector_load %arg6[%swap3A, %swap3A_338] {strides = array<i32>} : memref<32x768xf32, #tpu.memory_space<vmem>>, vector<1x16xf32>,
      %swap3A_340 = vector.shape_cast %swap3A_339 : vector<1x16xf32> to vector<16xf32>
      %swap3A_341 = vector.shape_cast %get3A_337 : vector<16xf32> to vector<1x16xf32>
      tpu.vector_store %arg6[%swap3A, %swap3A_338], %swap3A_341 {add = true, strides = array<i32>} : memref<32x768xf32, #tpu.memory_space<vmem>>, vector<1x16xf32>,
      %get3A_342 = arith.index_cast %scan3A_334 : i32 to index
      %get3A_343 = arith.constant 16 : index
      %get3A_344 = tpu.vector_load %arg8[%get3A_342, %get3A_343] {strides = array<i32>} : memref<32x768xf32, #tpu.memory_space<vmem>>, vector<1x16xf32>,
      %get3A_345 = vector.shape_cast %get3A_344 : vector<1x16xf32> to vector<16xf32>
      %swap3A_346 = arith.index_cast %scan3A_334 : i32 to index
      %swap3A_347 = arith.constant 16 : index
      %swap3A_348 = tpu.vector_load %arg6[%swap3A_346, %swap3A_347] {strides = array<i32>} : memref<32x768xf32, #tpu.memory_space<vmem>>, vector<1x16xf32>,
      %swap3A_349 = vector.shape_cast %swap3A_348 : vector<1x16xf32> to vector<16xf32>
      %swap3A_350 = vector.shape_cast %get3A_345 : vector<16xf32> to vector<1x16xf32>
      tpu.vector_store %arg6[%swap3A_346, %swap3A_347], %swap3A_350 {add = true, strides = array<i32>} : memref<32x768xf32, #tpu.memory_space<vmem>>, vector<1x16xf32>,
      %get3A_351 = arith.index_cast %scan3A_334 : i32 to index
      %get3A_352 = arith.constant 32 : index
      %get3A_353 = tpu.vector_load %arg8[%get3A_351, %get3A_352] {strides = array<i32>} : memref<32x768xf32, #tpu.memory_space<vmem>>, vector<1x16xf32>,
      %get3A_354 = vector.shape_cast %get3A_353 : vector<1x16xf32> to vector<16xf32>
      %swap3A_355 = arith.index_cast %scan3A_334 : i32 to index
      %swap3A_356 = arith.constant 32 : index
      %swap3A_357 = tpu.vector_load %arg6[%swap3A_355, %swap3A_356] {strides = array<i32>} : memref<32x768xf32, #tpu.memory_space<vmem>>, vector<1x16xf32>,
      %swap3A_358 = vector.shape_cast %swap3A_357 : vector<1x16xf32> to vector<16xf32>
      %swap3A_359 = vector.shape_cast %get3A_354 : vector<16xf32> to vector<1x16xf32>
      tpu.vector_store %arg6[%swap3A_355, %swap3A_356], %swap3A_359 {add = true, strides = array<i32>} : memref<32x768xf32, #tpu.memory_space<vmem>>, vector<1x16xf32>,
      %get3A_360 = arith.index_cast %scan3A_334 : i32 to index
      %get3A_361 = arith.constant 48 : index
      %get3A_362 = tpu.vector_load %arg8[%get3A_360, %get3A_361] {strides = array<i32>} : memref<32x768xf32, #tpu.memory_space<vmem>>, vector<1x16xf32>,
      %get3A_363 = vector.shape_cast %get3A_362 : vector<1x16xf32> to vector<16xf32>
      %swap3A_364 = arith.index_cast %scan3A_334 : i32 to index
      %swap3A_365 = arith.constant 48 : index
      %swap3A_366 = tpu.vector_load %arg6[%swap3A_364, %swap3A_365] {strides = array<i32>} : memref<32x768xf32, #tpu.memory_space<vmem>>, vector<1x16xf32>,
      %swap3A_367 = vector.shape_cast %swap3A_366 : vector<1x16xf32> to vector<16xf32>
      %swap3A_368 = vector.shape_cast %get3A_363 : vector<16xf32> to vector<1x16xf32>
      tpu.vector_store %arg6[%swap3A_364, %swap3A_365], %swap3A_368 {add = true, strides = array<i32>} : memref<32x768xf32, #tpu.memory_space<vmem>>, vector<1x16xf32>,
      %get3A_369 = arith.index_cast %scan3A_334 : i32 to index
      %get3A_370 = arith.constant 64 : index
      %get3A_371 = tpu.vector_load %arg8[%get3A_369, %get3A_370] {strides = array<i32>} : memref<32x768xf32, #tpu.memory_space<vmem>>, vector<1x16xf32>,
      %get3A_372 = vector.shape_cast %get3A_371 : vector<1x16xf32> to vector<16xf32>
      %swap3A_373 = arith.index_cast %scan3A_334 : i32 to index
      %swap3A_374 = arith.constant 64 : index
      %swap3A_375 = tpu.vector_load %arg6[%swap3A_373, %swap3A_374] {strides = array<i32>} : memref<32x768xf32, #tpu.memory_space<vmem>>, vector<1x16xf32>,
      %swap3A_376 = vector.shape_cast %swap3A_375 : vector<1x16xf32> to vector<16xf32>
      %swap3A_377 = vector.shape_cast %get3A_372 : vector<16xf32> to vector<1x16xf32>
      tpu.vector_store %arg6[%swap3A_373, %swap3A_374], %swap3A_377 {add = true, strides = array<i32>} : memref<32x768xf32, #tpu.memory_space<vmem>>, vector<1x16xf32>,
      %get3A_378 = arith.index_cast %scan3A_334 : i32 to index
      %get3A_379 = arith.constant 80 : index
      %get3A_380 = tpu.vector_load %arg8[%get3A_378, %get3A_379] {strides = array<i32>} : memref<32x768xf32, #tpu.memory_space<vmem>>, vector<1x16xf32>,
      %get3A_381 = vector.shape_cast %get3A_380 : vector<1x16xf32> to vector<16xf32>
      %swap3A_382 = arith.index_cast %scan3A_334 : i32 to index
      %swap3A_383 = arith.constant 80 : index
      %swap3A_384 = tpu.vector_load %arg6[%swap3A_382, %swap3A_383] {strides = array<i32>} : memref<32x768xf32, #tpu.memory_space<vmem>>, vector<1x16xf32>,
      %swap3A_385 = vector.shape_cast %swap3A_384 : vector<1x16xf32> to vector<16xf32>
      %swap3A_386 = vector.shape_cast %get3A_381 : vector<16xf32> to vector<1x16xf32>
      tpu.vector_store %arg6[%swap3A_382, %swap3A_383], %swap3A_386 {add = true, strides = array<i32>} : memref<32x768xf32, #tpu.memory_space<vmem>>, vector<1x16xf32>,
      %get3A_387 = arith.index_cast %scan3A_334 : i32 to index
      %get3A_388 = arith.constant 96 : index
      %get3A_389 = tpu.vector_load %arg8[%get3A_387, %get3A_388] {strides = array<i32>} : memref<32x768xf32, #tpu.memory_space<vmem>>, vector<1x16xf32>,
      %get3A_390 = vector.shape_cast %get3A_389 : vector<1x16xf32> to vector<16xf32>
      %swap3A_391 = arith.index_cast %scan3A_334 : i32 to index
      %swap3A_392 = arith.constant 96 : index
      %swap3A_393 = tpu.vector_load %arg6[%swap3A_391, %swap3A_392] {strides = array<i32>} : memref<32x768xf32, #tpu.memory_space<vmem>>, vector<1x16xf32>,
      %swap3A_394 = vector.shape_cast %swap3A_393 : vector<1x16xf32> to vector<16xf32>
      %swap3A_395 = vector.shape_cast %get3A_390 : vector<16xf32> to vector<1x16xf32>
      tpu.vector_store %arg6[%swap3A_391, %swap3A_392], %swap3A_395 {add = true, strides = array<i32>} : memref<32x768xf32, #tpu.memory_space<vmem>>, vector<1x16xf32>,
      %get3A_396 = arith.index_cast %scan3A_334 : i32 to index
      %get3A_397 = arith.constant 112 : index
      %get3A_398 = tpu.vector_load %arg8[%get3A_396, %get3A_397] {strides = array<i32>} : memref<32x768xf32, #tpu.memory_space<vmem>>, vector<1x16xf32>,
      %get3A_399 = vector.shape_cast %get3A_398 : vector<1x16xf32> to vector<16xf32>
      %swap3A_400 = arith.index_cast %scan3A_334 : i32 to index
      %swap3A_401 = arith.constant 112 : index
      %swap3A_402 = tpu.vector_load %arg6[%swap3A_400, %swap3A_401] {strides = array<i32>} : memref<32x768xf32, #tpu.memory_space<vmem>>, vector<1x16xf32>,
      %swap3A_403 = vector.shape_cast %swap3A_402 : vector<1x16xf32> to vector<16xf32>
      %swap3A_404 = vector.shape_cast %get3A_399 : vector<16xf32> to vector<1x16xf32>
      tpu.vector_store %arg6[%swap3A_400, %swap3A_401], %swap3A_404 {add = true, strides = array<i32>} : memref<32x768xf32, #tpu.memory_space<vmem>>, vector<1x16xf32>,
      %get3A_405 = arith.index_cast %scan3A_334 : i32 to index
      %get3A_406 = arith.constant 128 : index
      %get3A_407 = tpu.vector_load %arg8[%get3A_405, %get3A_406] {strides = array<i32>} : memref<32x768xf32, #tpu.memory_space<vmem>>, vector<1x16xf32>,
      %get3A_408 = vector.shape_cast %get3A_407 : vector<1x16xf32> to vector<16xf32>
      %swap3A_409 = arith.index_cast %scan3A_334 : i32 to index
      %swap3A_410 = arith.constant 128 : index
      %swap3A_411 = tpu.vector_load %arg6[%swap3A_409, %swap3A_410] {strides = array<i32>} : memref<32x768xf32, #tpu.memory_space<vmem>>, vector<1x16xf32>,
      %swap3A_412 = vector.shape_cast %swap3A_411 : vector<1x16xf32> to vector<16xf32>
      %swap3A_413 = vector.shape_cast %get3A_408 : vector<16xf32> to vector<1x16xf32>
      tpu.vector_store %arg6[%swap3A_409, %swap3A_410], %swap3A_413 {add = true, strides = array<i32>} : memref<32x768xf32, #tpu.memory_space<vmem>>, vector<1x16xf32>,
      %get3A_414 = arith.index_cast %scan3A_334 : i32 to index
      %get3A_415 = arith.constant 144 : index
      %get3A_416 = tpu.vector_load %arg8[%get3A_414, %get3A_415] {strides = array<i32>} : memref<32x768xf32, #tpu.memory_space<vmem>>, vector<1x16xf32>,
      %get3A_417 = vector.shape_cast %get3A_416 : vector<1x16xf32> to vector<16xf32>
      %swap3A_418 = arith.index_cast %scan3A_334 : i32 to index
      %swap3A_419 = arith.constant 144 : index
      %swap3A_420 = tpu.vector_load %arg6[%swap3A_418, %swap3A_419] {strides = array<i32>} : memref<32x768xf32, #tpu.memory_space<vmem>>, vector<1x16xf32>,
      %swap3A_421 = vector.shape_cast %swap3A_420 : vector<1x16xf32> to vector<16xf32>
      %swap3A_422 = vector.shape_cast %get3A_417 : vector<16xf32> to vector<1x16xf32>
      tpu.vector_store %arg6[%swap3A_418, %swap3A_419], %swap3A_422 {add = true, strides = array<i32>} : memref<32x768xf32, #tpu.memory_space<vmem>>, vector<1x16xf32>,
      %get3A_423 = arith.index_cast %scan3A_334 : i32 to index
      %get3A_424 = arith.constant 160 : index
      %get3A_425 = tpu.vector_load %arg8[%get3A_423, %get3A_424] {strides = array<i32>} : memref<32x768xf32, #tpu.memory_space<vmem>>, vector<1x16xf32>,
      %get3A_426 = vector.shape_cast %get3A_425 : vector<1x16xf32> to vector<16xf32>
      %swap3A_427 = arith.index_cast %scan3A_334 : i32 to index
      %swap3A_428 = arith.constant 160 : index
      %swap3A_429 = tpu.vector_load %arg6[%swap3A_427, %swap3A_428] {strides = array<i32>} : memref<32x768xf32, #tpu.memory_space<vmem>>, vector<1x16xf32>,
      %swap3A_430 = vector.shape_cast %swap3A_429 : vector<1x16xf32> to vector<16xf32>
      %swap3A_431 = vector.shape_cast %get3A_426 : vector<16xf32> to vector<1x16xf32>
      tpu.vector_store %arg6[%swap3A_427, %swap3A_428], %swap3A_431 {add = true, strides = array<i32>} : memref<32x768xf32, #tpu.memory_space<vmem>>, vector<1x16xf32>,
      %get3A_432 = arith.index_cast %scan3A_334 : i32 to index
      %get3A_433 = arith.constant 176 : index
      %get3A_434 = tpu.vector_load %arg8[%get3A_432, %get3A_433] {strides = array<i32>} : memref<32x768xf32, #tpu.memory_space<vmem>>, vector<1x16xf32>,
      %get3A_435 = vector.shape_cast %get3A_434 : vector<1x16xf32> to vector<16xf32>
      %swap3A_436 = arith.index_cast %scan3A_334 : i32 to index
      %swap3A_437 = arith.constant 176 : index
      %swap3A_438 = tpu.vector_load %arg6[%swap3A_436, %swap3A_437] {strides = array<i32>} : memref<32x768xf32, #tpu.memory_space<vmem>>, vector<1x16xf32>,
      %swap3A_439 = vector.shape_cast %swap3A_438 : vector<1x16xf32> to vector<16xf32>
      %swap3A_440 = vector.shape_cast %get3A_435 : vector<16xf32> to vector<1x16xf32>
      tpu.vector_store %arg6[%swap3A_436, %swap3A_437], %swap3A_440 {add = true, strides = array<i32>} : memref<32x768xf32, #tpu.memory_space<vmem>>, vector<1x16xf32>,
      %get3A_441 = arith.index_cast %scan3A_334 : i32 to index
      %get3A_442 = arith.constant 192 : index
      %get3A_443 = tpu.vector_load %arg8[%get3A_441, %get3A_442] {strides = array<i32>} : memref<32x768xf32, #tpu.memory_space<vmem>>, vector<1x16xf32>,
      %get3A_444 = vector.shape_cast %get3A_443 : vector<1x16xf32> to vector<16xf32>
      %swap3A_445 = arith.index_cast %scan3A_334 : i32 to index
      %swap3A_446 = arith.constant 192 : index
      %swap3A_447 = tpu.vector_load %arg6[%swap3A_445, %swap3A_446] {strides = array<i32>} : memref<32x768xf32, #tpu.memory_space<vmem>>, vector<1x16xf32>,
      %swap3A_448 = vector.shape_cast %swap3A_447 : vector<1x16xf32> to vector<16xf32>
      %swap3A_449 = vector.shape_cast %get3A_444 : vector<16xf32> to vector<1x16xf32>
      tpu.vector_store %arg6[%swap3A_445, %swap3A_446], %swap3A_449 {add = true, strides = array<i32>} : memref<32x768xf32, #tpu.memory_space<vmem>>, vector<1x16xf32>,
      %get3A_450 = arith.index_cast %scan3A_334 : i32 to index
      %get3A_451 = arith.constant 208 : index
      %get3A_452 = tpu.vector_load %arg8[%get3A_450, %get3A_451] {strides = array<i32>} : memref<32x768xf32, #tpu.memory_space<vmem>>, vector<1x16xf32>,
      %get3A_453 = vector.shape_cast %get3A_452 : vector<1x16xf32> to vector<16xf32>
      %swap3A_454 = arith.index_cast %scan3A_334 : i32 to index
      %swap3A_455 = arith.constant 208 : index
      %swap3A_456 = tpu.vector_load %arg6[%swap3A_454, %swap3A_455] {strides = array<i32>} : memref<32x768xf32, #tpu.memory_space<vmem>>, vector<1x16xf32>,
      %swap3A_457 = vector.shape_cast %swap3A_456 : vector<1x16xf32> to vector<16xf32>
      %swap3A_458 = vector.shape_cast %get3A_453 : vector<16xf32> to vector<1x16xf32>
      tpu.vector_store %arg6[%swap3A_454, %swap3A_455], %swap3A_458 {add = true, strides = array<i32>} : memref<32x768xf32, #tpu.memory_space<vmem>>, vector<1x16xf32>,
      %get3A_459 = arith.index_cast %scan3A_334 : i32 to index
      %get3A_460 = arith.constant 224 : index
      %get3A_461 = tpu.vector_load %arg8[%get3A_459, %get3A_460] {strides = array<i32>} : memref<32x768xf32, #tpu.memory_space<vmem>>, vector<1x16xf32>,
      %get3A_462 = vector.shape_cast %get3A_461 : vector<1x16xf32> to vector<16xf32>
      %swap3A_463 = arith.index_cast %scan3A_334 : i32 to index
      %swap3A_464 = arith.constant 224 : index
      %swap3A_465 = tpu.vector_load %arg6[%swap3A_463, %swap3A_464] {strides = array<i32>} : memref<32x768xf32, #tpu.memory_space<vmem>>, vector<1x16xf32>,
      %swap3A_466 = vector.shape_cast %swap3A_465 : vector<1x16xf32> to vector<16xf32>
      %swap3A_467 = vector.shape_cast %get3A_462 : vector<16xf32> to vector<1x16xf32>
      tpu.vector_store %arg6[%swap3A_463, %swap3A_464], %swap3A_467 {add = true, strides = array<i32>} : memref<32x768xf32, #tpu.memory_space<vmem>>, vector<1x16xf32>,
      %get3A_468 = arith.index_cast %scan3A_334 : i32 to index
      %get3A_469 = arith.constant 240 : index
      %get3A_470 = tpu.vector_load %arg8[%get3A_468, %get3A_469] {strides = array<i32>} : memref<32x768xf32, #tpu.memory_space<vmem>>, vector<1x16xf32>,
      %get3A_471 = vector.shape_cast %get3A_470 : vector<1x16xf32> to vector<16xf32>
      %swap3A_472 = arith.index_cast %scan3A_334 : i32 to index
      %swap3A_473 = arith.constant 240 : index
      %swap3A_474 = tpu.vector_load %arg6[%swap3A_472, %swap3A_473] {strides = array<i32>} : memref<32x768xf32, #tpu.memory_space<vmem>>, vector<1x16xf32>,
      %swap3A_475 = vector.shape_cast %swap3A_474 : vector<1x16xf32> to vector<16xf32>
      %swap3A_476 = vector.shape_cast %get3A_471 : vector<16xf32> to vector<1x16xf32>
      tpu.vector_store %arg6[%swap3A_472, %swap3A_473], %swap3A_476 {add = true, strides = array<i32>} : memref<32x768xf32, #tpu.memory_space<vmem>>, vector<1x16xf32>,
      %get3A_477 = arith.index_cast %scan3A_334 : i32 to index
      %get3A_478 = arith.constant 256 : index
      %get3A_479 = tpu.vector_load %arg8[%get3A_477, %get3A_478] {strides = array<i32>} : memref<32x768xf32, #tpu.memory_space<vmem>>, vector<1x16xf32>,
      %get3A_480 = vector.shape_cast %get3A_479 : vector<1x16xf32> to vector<16xf32>
      %swap3A_481 = arith.index_cast %scan3A_334 : i32 to index
      %swap3A_482 = arith.constant 256 : index
      %swap3A_483 = tpu.vector_load %arg6[%swap3A_481, %swap3A_482] {strides = array<i32>} : memref<32x768xf32, #tpu.memory_space<vmem>>, vector<1x16xf32>,
      %swap3A_484 = vector.shape_cast %swap3A_483 : vector<1x16xf32> to vector<16xf32>
      %swap3A_485 = vector.shape_cast %get3A_480 : vector<16xf32> to vector<1x16xf32>
      tpu.vector_store %arg6[%swap3A_481, %swap3A_482], %swap3A_485 {add = true, strides = array<i32>} : memref<32x768xf32, #tpu.memory_space<vmem>>, vector<1x16xf32>,
      %get3A_486 = arith.index_cast %scan3A_334 : i32 to index
      %get3A_487 = arith.constant 272 : index
      %get3A_488 = tpu.vector_load %arg8[%get3A_486, %get3A_487] {strides = array<i32>} : memref<32x768xf32, #tpu.memory_space<vmem>>, vector<1x16xf32>,
      %get3A_489 = vector.shape_cast %get3A_488 : vector<1x16xf32> to vector<16xf32>
      %swap3A_490 = arith.index_cast %scan3A_334 : i32 to index
      %swap3A_491 = arith.constant 272 : index
      %swap3A_492 = tpu.vector_load %arg6[%swap3A_490, %swap3A_491] {strides = array<i32>} : memref<32x768xf32, #tpu.memory_space<vmem>>, vector<1x16xf32>,
      %swap3A_493 = vector.shape_cast %swap3A_492 : vector<1x16xf32> to vector<16xf32>
      %swap3A_494 = vector.shape_cast %get3A_489 : vector<16xf32> to vector<1x16xf32>
      tpu.vector_store %arg6[%swap3A_490, %swap3A_491], %swap3A_494 {add = true, strides = array<i32>} : memref<32x768xf32, #tpu.memory_space<vmem>>, vector<1x16xf32>,
      %get3A_495 = arith.index_cast %scan3A_334 : i32 to index
      %get3A_496 = arith.constant 288 : index
      %get3A_497 = tpu.vector_load %arg8[%get3A_495, %get3A_496] {strides = array<i32>} : memref<32x768xf32, #tpu.memory_space<vmem>>, vector<1x16xf32>,
      %get3A_498 = vector.shape_cast %get3A_497 : vector<1x16xf32> to vector<16xf32>
      %swap3A_499 = arith.index_cast %scan3A_334 : i32 to index
      %swap3A_500 = arith.constant 288 : index
      %swap3A_501 = tpu.vector_load %arg6[%swap3A_499, %swap3A_500] {strides = array<i32>} : memref<32x768xf32, #tpu.memory_space<vmem>>, vector<1x16xf32>,
      %swap3A_502 = vector.shape_cast %swap3A_501 : vector<1x16xf32> to vector<16xf32>
      %swap3A_503 = vector.shape_cast %get3A_498 : vector<16xf32> to vector<1x16xf32>
      tpu.vector_store %arg6[%swap3A_499, %swap3A_500], %swap3A_503 {add = true, strides = array<i32>} : memref<32x768xf32, #tpu.memory_space<vmem>>, vector<1x16xf32>,
      %get3A_504 = arith.index_cast %scan3A_334 : i32 to index
      %get3A_505 = arith.constant 304 : index
      %get3A_506 = tpu.vector_load %arg8[%get3A_504, %get3A_505] {strides = array<i32>} : memref<32x768xf32, #tpu.memory_space<vmem>>, vector<1x16xf32>,
      %get3A_507 = vector.shape_cast %get3A_506 : vector<1x16xf32> to vector<16xf32>
      %swap3A_508 = arith.index_cast %scan3A_334 : i32 to index
      %swap3A_509 = arith.constant 304 : index
      %swap3A_510 = tpu.vector_load %arg6[%swap3A_508, %swap3A_509] {strides = array<i32>} : memref<32x768xf32, #tpu.memory_space<vmem>>, vector<1x16xf32>,
      %swap3A_511 = vector.shape_cast %swap3A_510 : vector<1x16xf32> to vector<16xf32>
      %swap3A_512 = vector.shape_cast %get3A_507 : vector<16xf32> to vector<1x16xf32>
      tpu.vector_store %arg6[%swap3A_508, %swap3A_509], %swap3A_512 {add = true, strides = array<i32>} : memref<32x768xf32, #tpu.memory_space<vmem>>, vector<1x16xf32>,
      %get3A_513 = arith.index_cast %scan3A_334 : i32 to index
      %get3A_514 = arith.constant 320 : index
      %get3A_515 = tpu.vector_load %arg8[%get3A_513, %get3A_514] {strides = array<i32>} : memref<32x768xf32, #tpu.memory_space<vmem>>, vector<1x16xf32>,
      %get3A_516 = vector.shape_cast %get3A_515 : vector<1x16xf32> to vector<16xf32>
      %swap3A_517 = arith.index_cast %scan3A_334 : i32 to index
      %swap3A_518 = arith.constant 320 : index
      %swap3A_519 = tpu.vector_load %arg6[%swap3A_517, %swap3A_518] {strides = array<i32>} : memref<32x768xf32, #tpu.memory_space<vmem>>, vector<1x16xf32>,
      %swap3A_520 = vector.shape_cast %swap3A_519 : vector<1x16xf32> to vector<16xf32>
      %swap3A_521 = vector.shape_cast %get3A_516 : vector<16xf32> to vector<1x16xf32>
      tpu.vector_store %arg6[%swap3A_517, %swap3A_518], %swap3A_521 {add = true, strides = array<i32>} : memref<32x768xf32, #tpu.memory_space<vmem>>, vector<1x16xf32>,
      %get3A_522 = arith.index_cast %scan3A_334 : i32 to index
      %get3A_523 = arith.constant 336 : index
      %get3A_524 = tpu.vector_load %arg8[%get3A_522, %get3A_523] {strides = array<i32>} : memref<32x768xf32, #tpu.memory_space<vmem>>, vector<1x16xf32>,
      %get3A_525 = vector.shape_cast %get3A_524 : vector<1x16xf32> to vector<16xf32>
      %swap3A_526 = arith.index_cast %scan3A_334 : i32 to index
      %swap3A_527 = arith.constant 336 : index
      %swap3A_528 = tpu.vector_load %arg6[%swap3A_526, %swap3A_527] {strides = array<i32>} : memref<32x768xf32, #tpu.memory_space<vmem>>, vector<1x16xf32>,
      %swap3A_529 = vector.shape_cast %swap3A_528 : vector<1x16xf32> to vector<16xf32>
      %swap3A_530 = vector.shape_cast %get3A_525 : vector<16xf32> to vector<1x16xf32>
      tpu.vector_store %arg6[%swap3A_526, %swap3A_527], %swap3A_530 {add = true, strides = array<i32>} : memref<32x768xf32, #tpu.memory_space<vmem>>, vector<1x16xf32>,
      %get3A_531 = arith.index_cast %scan3A_334 : i32 to index
      %get3A_532 = arith.constant 352 : index
      %get3A_533 = tpu.vector_load %arg8[%get3A_531, %get3A_532] {strides = array<i32>} : memref<32x768xf32, #tpu.memory_space<vmem>>, vector<1x16xf32>,
      %get3A_534 = vector.shape_cast %get3A_533 : vector<1x16xf32> to vector<16xf32>
      %swap3A_535 = arith.index_cast %scan3A_334 : i32 to index
      %swap3A_536 = arith.constant 352 : index
      %swap3A_537 = tpu.vector_load %arg6[%swap3A_535, %swap3A_536] {strides = array<i32>} : memref<32x768xf32, #tpu.memory_space<vmem>>, vector<1x16xf32>,
      %swap3A_538 = vector.shape_cast %swap3A_537 : vector<1x16xf32> to vector<16xf32>
      %swap3A_539 = vector.shape_cast %get3A_534 : vector<16xf32> to vector<1x16xf32>
      tpu.vector_store %arg6[%swap3A_535, %swap3A_536], %swap3A_539 {add = true, strides = array<i32>} : memref<32x768xf32, #tpu.memory_space<vmem>>, vector<1x16xf32>,
      %get3A_540 = arith.index_cast %scan3A_334 : i32 to index
      %get3A_541 = arith.constant 368 : index
      %get3A_542 = tpu.vector_load %arg8[%get3A_540, %get3A_541] {strides = array<i32>} : memref<32x768xf32, #tpu.memory_space<vmem>>, vector<1x16xf32>,
      %get3A_543 = vector.shape_cast %get3A_542 : vector<1x16xf32> to vector<16xf32>
      %swap3A_544 = arith.index_cast %scan3A_334 : i32 to index
      %swap3A_545 = arith.constant 368 : index
      %swap3A_546 = tpu.vector_load %arg6[%swap3A_544, %swap3A_545] {strides = array<i32>} : memref<32x768xf32, #tpu.memory_space<vmem>>, vector<1x16xf32>,
      %swap3A_547 = vector.shape_cast %swap3A_546 : vector<1x16xf32> to vector<16xf32>
      %swap3A_548 = vector.shape_cast %get3A_543 : vector<16xf32> to vector<1x16xf32>
      tpu.vector_store %arg6[%swap3A_544, %swap3A_545], %swap3A_548 {add = true, strides = array<i32>} : memref<32x768xf32, #tpu.memory_space<vmem>>, vector<1x16xf32>,
      %get3A_549 = arith.index_cast %scan3A_334 : i32 to index
      %get3A_550 = arith.constant 384 : index
      %get3A_551 = tpu.vector_load %arg8[%get3A_549, %get3A_550] {strides = array<i32>} : memref<32x768xf32, #tpu.memory_space<vmem>>, vector<1x16xf32>,
      %get3A_552 = vector.shape_cast %get3A_551 : vector<1x16xf32> to vector<16xf32>
      %swap3A_553 = arith.index_cast %scan3A_334 : i32 to index
      %swap3A_554 = arith.constant 384 : index
      %swap3A_555 = tpu.vector_load %arg6[%swap3A_553, %swap3A_554] {strides = array<i32>} : memref<32x768xf32, #tpu.memory_space<vmem>>, vector<1x16xf32>,
      %swap3A_556 = vector.shape_cast %swap3A_555 : vector<1x16xf32> to vector<16xf32>
      %swap3A_557 = vector.shape_cast %get3A_552 : vector<16xf32> to vector<1x16xf32>
      tpu.vector_store %arg6[%swap3A_553, %swap3A_554], %swap3A_557 {add = true, strides = array<i32>} : memref<32x768xf32, #tpu.memory_space<vmem>>, vector<1x16xf32>,
      %get3A_558 = arith.index_cast %scan3A_334 : i32 to index
      %get3A_559 = arith.constant 400 : index
      %get3A_560 = tpu.vector_load %arg8[%get3A_558, %get3A_559] {strides = array<i32>} : memref<32x768xf32, #tpu.memory_space<vmem>>, vector<1x16xf32>,
      %get3A_561 = vector.shape_cast %get3A_560 : vector<1x16xf32> to vector<16xf32>
      %swap3A_562 = arith.index_cast %scan3A_334 : i32 to index
      %swap3A_563 = arith.constant 400 : index
      %swap3A_564 = tpu.vector_load %arg6[%swap3A_562, %swap3A_563] {strides = array<i32>} : memref<32x768xf32, #tpu.memory_space<vmem>>, vector<1x16xf32>,
      %swap3A_565 = vector.shape_cast %swap3A_564 : vector<1x16xf32> to vector<16xf32>
      %swap3A_566 = vector.shape_cast %get3A_561 : vector<16xf32> to vector<1x16xf32>
      tpu.vector_store %arg6[%swap3A_562, %swap3A_563], %swap3A_566 {add = true, strides = array<i32>} : memref<32x768xf32, #tpu.memory_space<vmem>>, vector<1x16xf32>,
      %get3A_567 = arith.index_cast %scan3A_334 : i32 to index
      %get3A_568 = arith.constant 416 : index
      %get3A_569 = tpu.vector_load %arg8[%get3A_567, %get3A_568] {strides = array<i32>} : memref<32x768xf32, #tpu.memory_space<vmem>>, vector<1x16xf32>,
      %get3A_570 = vector.shape_cast %get3A_569 : vector<1x16xf32> to vector<16xf32>
      %swap3A_571 = arith.index_cast %scan3A_334 : i32 to index
      %swap3A_572 = arith.constant 416 : index
      %swap3A_573 = tpu.vector_load %arg6[%swap3A_571, %swap3A_572] {strides = array<i32>} : memref<32x768xf32, #tpu.memory_space<vmem>>, vector<1x16xf32>,
      %swap3A_574 = vector.shape_cast %swap3A_573 : vector<1x16xf32> to vector<16xf32>
      %swap3A_575 = vector.shape_cast %get3A_570 : vector<16xf32> to vector<1x16xf32>
      tpu.vector_store %arg6[%swap3A_571, %swap3A_572], %swap3A_575 {add = true, strides = array<i32>} : memref<32x768xf32, #tpu.memory_space<vmem>>, vector<1x16xf32>,
      %get3A_576 = arith.index_cast %scan3A_334 : i32 to index
      %get3A_577 = arith.constant 432 : index
      %get3A_578 = tpu.vector_load %arg8[%get3A_576, %get3A_577] {strides = array<i32>} : memref<32x768xf32, #tpu.memory_space<vmem>>, vector<1x16xf32>,
      %get3A_579 = vector.shape_cast %get3A_578 : vector<1x16xf32> to vector<16xf32>
      %swap3A_580 = arith.index_cast %scan3A_334 : i32 to index
      %swap3A_581 = arith.constant 432 : index
      %swap3A_582 = tpu.vector_load %arg6[%swap3A_580, %swap3A_581] {strides = array<i32>} : memref<32x768xf32, #tpu.memory_space<vmem>>, vector<1x16xf32>,
      %swap3A_583 = vector.shape_cast %swap3A_582 : vector<1x16xf32> to vector<16xf32>
      %swap3A_584 = vector.shape_cast %get3A_579 : vector<16xf32> to vector<1x16xf32>
      tpu.vector_store %arg6[%swap3A_580, %swap3A_581], %swap3A_584 {add = true, strides = array<i32>} : memref<32x768xf32, #tpu.memory_space<vmem>>, vector<1x16xf32>,
      %get3A_585 = arith.index_cast %scan3A_334 : i32 to index
      %get3A_586 = arith.constant 448 : index
      %get3A_587 = tpu.vector_load %arg8[%get3A_585, %get3A_586] {strides = array<i32>} : memref<32x768xf32, #tpu.memory_space<vmem>>, vector<1x16xf32>,
      %get3A_588 = vector.shape_cast %get3A_587 : vector<1x16xf32> to vector<16xf32>
      %swap3A_589 = arith.index_cast %scan3A_334 : i32 to index
      %swap3A_590 = arith.constant 448 : index
      %swap3A_591 = tpu.vector_load %arg6[%swap3A_589, %swap3A_590] {strides = array<i32>} : memref<32x768xf32, #tpu.memory_space<vmem>>, vector<1x16xf32>,
      %swap3A_592 = vector.shape_cast %swap3A_591 : vector<1x16xf32> to vector<16xf32>
      %swap3A_593 = vector.shape_cast %get3A_588 : vector<16xf32> to vector<1x16xf32>
      tpu.vector_store %arg6[%swap3A_589, %swap3A_590], %swap3A_593 {add = true, strides = array<i32>} : memref<32x768xf32, #tpu.memory_space<vmem>>, vector<1x16xf32>,
      %get3A_594 = arith.index_cast %scan3A_334 : i32 to index
      %get3A_595 = arith.constant 464 : index
      %get3A_596 = tpu.vector_load %arg8[%get3A_594, %get3A_595] {strides = array<i32>} : memref<32x768xf32, #tpu.memory_space<vmem>>, vector<1x16xf32>,
      %get3A_597 = vector.shape_cast %get3A_596 : vector<1x16xf32> to vector<16xf32>
      %swap3A_598 = arith.index_cast %scan3A_334 : i32 to index
      %swap3A_599 = arith.constant 464 : index
      %swap3A_600 = tpu.vector_load %arg6[%swap3A_598, %swap3A_599] {strides = array<i32>} : memref<32x768xf32, #tpu.memory_space<vmem>>, vector<1x16xf32>,
      %swap3A_601 = vector.shape_cast %swap3A_600 : vector<1x16xf32> to vector<16xf32>
      %swap3A_602 = vector.shape_cast %get3A_597 : vector<16xf32> to vector<1x16xf32>
      tpu.vector_store %arg6[%swap3A_598, %swap3A_599], %swap3A_602 {add = true, strides = array<i32>} : memref<32x768xf32, #tpu.memory_space<vmem>>, vector<1x16xf32>,
      %get3A_603 = arith.index_cast %scan3A_334 : i32 to index
      %get3A_604 = arith.constant 480 : index
      %get3A_605 = tpu.vector_load %arg8[%get3A_603, %get3A_604] {strides = array<i32>} : memref<32x768xf32, #tpu.memory_space<vmem>>, vector<1x16xf32>,
      %get3A_606 = vector.shape_cast %get3A_605 : vector<1x16xf32> to vector<16xf32>
      %swap3A_607 = arith.index_cast %scan3A_334 : i32 to index
      %swap3A_608 = arith.constant 480 : index
      %swap3A_609 = tpu.vector_load %arg6[%swap3A_607, %swap3A_608] {strides = array<i32>} : memref<32x768xf32, #tpu.memory_space<vmem>>, vector<1x16xf32>,
      %swap3A_610 = vector.shape_cast %swap3A_609 : vector<1x16xf32> to vector<16xf32>
      %swap3A_611 = vector.shape_cast %get3A_606 : vector<16xf32> to vector<1x16xf32>
      tpu.vector_store %arg6[%swap3A_607, %swap3A_608], %swap3A_611 {add = true, strides = array<i32>} : memref<32x768xf32, #tpu.memory_space<vmem>>, vector<1x16xf32>,
      %get3A_612 = arith.index_cast %scan3A_334 : i32 to index
      %get3A_613 = arith.constant 496 : index
      %get3A_614 = tpu.vector_load %arg8[%get3A_612, %get3A_613] {strides = array<i32>} : memref<32x768xf32, #tpu.memory_space<vmem>>, vector<1x16xf32>,
      %get3A_615 = vector.shape_cast %get3A_614 : vector<1x16xf32> to vector<16xf32>
      %swap3A_616 = arith.index_cast %scan3A_334 : i32 to index
      %swap3A_617 = arith.constant 496 : index
      %swap3A_618 = tpu.vector_load %arg6[%swap3A_616, %swap3A_617] {strides = array<i32>} : memref<32x768xf32, #tpu.memory_space<vmem>>, vector<1x16xf32>,
      %swap3A_619 = vector.shape_cast %swap3A_618 : vector<1x16xf32> to vector<16xf32>
      %swap3A_620 = vector.shape_cast %get3A_615 : vector<16xf32> to vector<1x16xf32>
      tpu.vector_store %arg6[%swap3A_616, %swap3A_617], %swap3A_620 {add = true, strides = array<i32>} : memref<32x768xf32, #tpu.memory_space<vmem>>, vector<1x16xf32>,
      %get3A_621 = arith.index_cast %scan3A_334 : i32 to index
      %get3A_622 = arith.constant 512 : index
      %get3A_623 = tpu.vector_load %arg8[%get3A_621, %get3A_622] {strides = array<i32>} : memref<32x768xf32, #tpu.memory_space<vmem>>, vector<1x16xf32>,
      %get3A_624 = vector.shape_cast %get3A_623 : vector<1x16xf32> to vector<16xf32>
      %swap3A_625 = arith.index_cast %scan3A_334 : i32 to index
      %swap3A_626 = arith.constant 512 : index
      %swap3A_627 = tpu.vector_load %arg6[%swap3A_625, %swap3A_626] {strides = array<i32>} : memref<32x768xf32, #tpu.memory_space<vmem>>, vector<1x16xf32>,
      %swap3A_628 = vector.shape_cast %swap3A_627 : vector<1x16xf32> to vector<16xf32>
      %swap3A_629 = vector.shape_cast %get3A_624 : vector<16xf32> to vector<1x16xf32>
      tpu.vector_store %arg6[%swap3A_625, %swap3A_626], %swap3A_629 {add = true, strides = array<i32>} : memref<32x768xf32, #tpu.memory_space<vmem>>, vector<1x16xf32>,
      %get3A_630 = arith.index_cast %scan3A_334 : i32 to index
      %get3A_631 = arith.constant 528 : index
      %get3A_632 = tpu.vector_load %arg8[%get3A_630, %get3A_631] {strides = array<i32>} : memref<32x768xf32, #tpu.memory_space<vmem>>, vector<1x16xf32>,
      %get3A_633 = vector.shape_cast %get3A_632 : vector<1x16xf32> to vector<16xf32>
      %swap3A_634 = arith.index_cast %scan3A_334 : i32 to index
      %swap3A_635 = arith.constant 528 : index
      %swap3A_636 = tpu.vector_load %arg6[%swap3A_634, %swap3A_635] {strides = array<i32>} : memref<32x768xf32, #tpu.memory_space<vmem>>, vector<1x16xf32>,
      %swap3A_637 = vector.shape_cast %swap3A_636 : vector<1x16xf32> to vector<16xf32>
      %swap3A_638 = vector.shape_cast %get3A_633 : vector<16xf32> to vector<1x16xf32>
      tpu.vector_store %arg6[%swap3A_634, %swap3A_635], %swap3A_638 {add = true, strides = array<i32>} : memref<32x768xf32, #tpu.memory_space<vmem>>, vector<1x16xf32>,
      %get3A_639 = arith.index_cast %scan3A_334 : i32 to index
      %get3A_640 = arith.constant 544 : index
      %get3A_641 = tpu.vector_load %arg8[%get3A_639, %get3A_640] {strides = array<i32>} : memref<32x768xf32, #tpu.memory_space<vmem>>, vector<1x16xf32>,
      %get3A_642 = vector.shape_cast %get3A_641 : vector<1x16xf32> to vector<16xf32>
      %swap3A_643 = arith.index_cast %scan3A_334 : i32 to index
      %swap3A_644 = arith.constant 544 : index
      %swap3A_645 = tpu.vector_load %arg6[%swap3A_643, %swap3A_644] {strides = array<i32>} : memref<32x768xf32, #tpu.memory_space<vmem>>, vector<1x16xf32>,
      %swap3A_646 = vector.shape_cast %swap3A_645 : vector<1x16xf32> to vector<16xf32>
      %swap3A_647 = vector.shape_cast %get3A_642 : vector<16xf32> to vector<1x16xf32>
      tpu.vector_store %arg6[%swap3A_643, %swap3A_644], %swap3A_647 {add = true, strides = array<i32>} : memref<32x768xf32, #tpu.memory_space<vmem>>, vector<1x16xf32>,
      %get3A_648 = arith.index_cast %scan3A_334 : i32 to index
      %get3A_649 = arith.constant 560 : index
      %get3A_650 = tpu.vector_load %arg8[%get3A_648, %get3A_649] {strides = array<i32>} : memref<32x768xf32, #tpu.memory_space<vmem>>, vector<1x16xf32>,
      %get3A_651 = vector.shape_cast %get3A_650 : vector<1x16xf32> to vector<16xf32>
      %swap3A_652 = arith.index_cast %scan3A_334 : i32 to index
      %swap3A_653 = arith.constant 560 : index
      %swap3A_654 = tpu.vector_load %arg6[%swap3A_652, %swap3A_653] {strides = array<i32>} : memref<32x768xf32, #tpu.memory_space<vmem>>, vector<1x16xf32>,
      %swap3A_655 = vector.shape_cast %swap3A_654 : vector<1x16xf32> to vector<16xf32>
      %swap3A_656 = vector.shape_cast %get3A_651 : vector<16xf32> to vector<1x16xf32>
      tpu.vector_store %arg6[%swap3A_652, %swap3A_653], %swap3A_656 {add = true, strides = array<i32>} : memref<32x768xf32, #tpu.memory_space<vmem>>, vector<1x16xf32>,
      %get3A_657 = arith.index_cast %scan3A_334 : i32 to index
      %get3A_658 = arith.constant 576 : index
      %get3A_659 = tpu.vector_load %arg8[%get3A_657, %get3A_658] {strides = array<i32>} : memref<32x768xf32, #tpu.memory_space<vmem>>, vector<1x16xf32>,
      %get3A_660 = vector.shape_cast %get3A_659 : vector<1x16xf32> to vector<16xf32>
      %swap3A_661 = arith.index_cast %scan3A_334 : i32 to index
      %swap3A_662 = arith.constant 576 : index
      %swap3A_663 = tpu.vector_load %arg6[%swap3A_661, %swap3A_662] {strides = array<i32>} : memref<32x768xf32, #tpu.memory_space<vmem>>, vector<1x16xf32>,
      %swap3A_664 = vector.shape_cast %swap3A_663 : vector<1x16xf32> to vector<16xf32>
      %swap3A_665 = vector.shape_cast %get3A_660 : vector<16xf32> to vector<1x16xf32>
      tpu.vector_store %arg6[%swap3A_661, %swap3A_662], %swap3A_665 {add = true, strides = array<i32>} : memref<32x768xf32, #tpu.memory_space<vmem>>, vector<1x16xf32>,
      %get3A_666 = arith.index_cast %scan3A_334 : i32 to index
      %get3A_667 = arith.constant 592 : index
      %get3A_668 = tpu.vector_load %arg8[%get3A_666, %get3A_667] {strides = array<i32>} : memref<32x768xf32, #tpu.memory_space<vmem>>, vector<1x16xf32>,
      %get3A_669 = vector.shape_cast %get3A_668 : vector<1x16xf32> to vector<16xf32>
      %swap3A_670 = arith.index_cast %scan3A_334 : i32 to index
      %swap3A_671 = arith.constant 592 : index
      %swap3A_672 = tpu.vector_load %arg6[%swap3A_670, %swap3A_671] {strides = array<i32>} : memref<32x768xf32, #tpu.memory_space<vmem>>, vector<1x16xf32>,
      %swap3A_673 = vector.shape_cast %swap3A_672 : vector<1x16xf32> to vector<16xf32>
      %swap3A_674 = vector.shape_cast %get3A_669 : vector<16xf32> to vector<1x16xf32>
      tpu.vector_store %arg6[%swap3A_670, %swap3A_671], %swap3A_674 {add = true, strides = array<i32>} : memref<32x768xf32, #tpu.memory_space<vmem>>, vector<1x16xf32>,
      %get3A_675 = arith.index_cast %scan3A_334 : i32 to index
      %get3A_676 = arith.constant 608 : index
      %get3A_677 = tpu.vector_load %arg8[%get3A_675, %get3A_676] {strides = array<i32>} : memref<32x768xf32, #tpu.memory_space<vmem>>, vector<1x16xf32>,
      %get3A_678 = vector.shape_cast %get3A_677 : vector<1x16xf32> to vector<16xf32>
      %swap3A_679 = arith.index_cast %scan3A_334 : i32 to index
      %swap3A_680 = arith.constant 608 : index
      %swap3A_681 = tpu.vector_load %arg6[%swap3A_679, %swap3A_680] {strides = array<i32>} : memref<32x768xf32, #tpu.memory_space<vmem>>, vector<1x16xf32>,
      %swap3A_682 = vector.shape_cast %swap3A_681 : vector<1x16xf32> to vector<16xf32>
      %swap3A_683 = vector.shape_cast %get3A_678 : vector<16xf32> to vector<1x16xf32>
      tpu.vector_store %arg6[%swap3A_679, %swap3A_680], %swap3A_683 {add = true, strides = array<i32>} : memref<32x768xf32, #tpu.memory_space<vmem>>, vector<1x16xf32>,
      %get3A_684 = arith.index_cast %scan3A_334 : i32 to index
      %get3A_685 = arith.constant 624 : index
      %get3A_686 = tpu.vector_load %arg8[%get3A_684, %get3A_685] {strides = array<i32>} : memref<32x768xf32, #tpu.memory_space<vmem>>, vector<1x16xf32>,
      %get3A_687 = vector.shape_cast %get3A_686 : vector<1x16xf32> to vector<16xf32>
      %swap3A_688 = arith.index_cast %scan3A_334 : i32 to index
      %swap3A_689 = arith.constant 624 : index
      %swap3A_690 = tpu.vector_load %arg6[%swap3A_688, %swap3A_689] {strides = array<i32>} : memref<32x768xf32, #tpu.memory_space<vmem>>, vector<1x16xf32>,
      %swap3A_691 = vector.shape_cast %swap3A_690 : vector<1x16xf32> to vector<16xf32>
      %swap3A_692 = vector.shape_cast %get3A_687 : vector<16xf32> to vector<1x16xf32>
      tpu.vector_store %arg6[%swap3A_688, %swap3A_689], %swap3A_692 {add = true, strides = array<i32>} : memref<32x768xf32, #tpu.memory_space<vmem>>, vector<1x16xf32>,
      %get3A_693 = arith.index_cast %scan3A_334 : i32 to index
      %get3A_694 = arith.constant 640 : index
      %get3A_695 = tpu.vector_load %arg8[%get3A_693, %get3A_694] {strides = array<i32>} : memref<32x768xf32, #tpu.memory_space<vmem>>, vector<1x16xf32>,
      %get3A_696 = vector.shape_cast %get3A_695 : vector<1x16xf32> to vector<16xf32>
      %swap3A_697 = arith.index_cast %scan3A_334 : i32 to index
      %swap3A_698 = arith.constant 640 : index
      %swap3A_699 = tpu.vector_load %arg6[%swap3A_697, %swap3A_698] {strides = array<i32>} : memref<32x768xf32, #tpu.memory_space<vmem>>, vector<1x16xf32>,
      %swap3A_700 = vector.shape_cast %swap3A_699 : vector<1x16xf32> to vector<16xf32>
      %swap3A_701 = vector.shape_cast %get3A_696 : vector<16xf32> to vector<1x16xf32>
      tpu.vector_store %arg6[%swap3A_697, %swap3A_698], %swap3A_701 {add = true, strides = array<i32>} : memref<32x768xf32, #tpu.memory_space<vmem>>, vector<1x16xf32>,
      %get3A_702 = arith.index_cast %scan3A_334 : i32 to index
      %get3A_703 = arith.constant 656 : index
      %get3A_704 = tpu.vector_load %arg8[%get3A_702, %get3A_703] {strides = array<i32>} : memref<32x768xf32, #tpu.memory_space<vmem>>, vector<1x16xf32>,
      %get3A_705 = vector.shape_cast %get3A_704 : vector<1x16xf32> to vector<16xf32>
      %swap3A_706 = arith.index_cast %scan3A_334 : i32 to index
      %swap3A_707 = arith.constant 656 : index
      %swap3A_708 = tpu.vector_load %arg6[%swap3A_706, %swap3A_707] {strides = array<i32>} : memref<32x768xf32, #tpu.memory_space<vmem>>, vector<1x16xf32>,
      %swap3A_709 = vector.shape_cast %swap3A_708 : vector<1x16xf32> to vector<16xf32>
      %swap3A_710 = vector.shape_cast %get3A_705 : vector<16xf32> to vector<1x16xf32>
      tpu.vector_store %arg6[%swap3A_706, %swap3A_707], %swap3A_710 {add = true, strides = array<i32>} : memref<32x768xf32, #tpu.memory_space<vmem>>, vector<1x16xf32>,
      %get3A_711 = arith.index_cast %scan3A_334 : i32 to index
      %get3A_712 = arith.constant 672 : index
      %get3A_713 = tpu.vector_load %arg8[%get3A_711, %get3A_712] {strides = array<i32>} : memref<32x768xf32, #tpu.memory_space<vmem>>, vector<1x16xf32>,
      %get3A_714 = vector.shape_cast %get3A_713 : vector<1x16xf32> to vector<16xf32>
      %swap3A_715 = arith.index_cast %scan3A_334 : i32 to index
      %swap3A_716 = arith.constant 672 : index
      %swap3A_717 = tpu.vector_load %arg6[%swap3A_715, %swap3A_716] {strides = array<i32>} : memref<32x768xf32, #tpu.memory_space<vmem>>, vector<1x16xf32>,
      %swap3A_718 = vector.shape_cast %swap3A_717 : vector<1x16xf32> to vector<16xf32>
      %swap3A_719 = vector.shape_cast %get3A_714 : vector<16xf32> to vector<1x16xf32>
      tpu.vector_store %arg6[%swap3A_715, %swap3A_716], %swap3A_719 {add = true, strides = array<i32>} : memref<32x768xf32, #tpu.memory_space<vmem>>, vector<1x16xf32>,
      %get3A_720 = arith.index_cast %scan3A_334 : i32 to index
      %get3A_721 = arith.constant 688 : index
      %get3A_722 = tpu.vector_load %arg8[%get3A_720, %get3A_721] {strides = array<i32>} : memref<32x768xf32, #tpu.memory_space<vmem>>, vector<1x16xf32>,
      %get3A_723 = vector.shape_cast %get3A_722 : vector<1x16xf32> to vector<16xf32>
      %swap3A_724 = arith.index_cast %scan3A_334 : i32 to index
      %swap3A_725 = arith.constant 688 : index
      %swap3A_726 = tpu.vector_load %arg6[%swap3A_724, %swap3A_725] {strides = array<i32>} : memref<32x768xf32, #tpu.memory_space<vmem>>, vector<1x16xf32>,
      %swap3A_727 = vector.shape_cast %swap3A_726 : vector<1x16xf32> to vector<16xf32>
      %swap3A_728 = vector.shape_cast %get3A_723 : vector<16xf32> to vector<1x16xf32>
      tpu.vector_store %arg6[%swap3A_724, %swap3A_725], %swap3A_728 {add = true, strides = array<i32>} : memref<32x768xf32, #tpu.memory_space<vmem>>, vector<1x16xf32>,
      %get3A_729 = arith.index_cast %scan3A_334 : i32 to index
      %get3A_730 = arith.constant 704 : index
      %get3A_731 = tpu.vector_load %arg8[%get3A_729, %get3A_730] {strides = array<i32>} : memref<32x768xf32, #tpu.memory_space<vmem>>, vector<1x16xf32>,
      %get3A_732 = vector.shape_cast %get3A_731 : vector<1x16xf32> to vector<16xf32>
      %swap3A_733 = arith.index_cast %scan3A_334 : i32 to index
      %swap3A_734 = arith.constant 704 : index
      %swap3A_735 = tpu.vector_load %arg6[%swap3A_733, %swap3A_734] {strides = array<i32>} : memref<32x768xf32, #tpu.memory_space<vmem>>, vector<1x16xf32>,
      %swap3A_736 = vector.shape_cast %swap3A_735 : vector<1x16xf32> to vector<16xf32>
      %swap3A_737 = vector.shape_cast %get3A_732 : vector<16xf32> to vector<1x16xf32>
      tpu.vector_store %arg6[%swap3A_733, %swap3A_734], %swap3A_737 {add = true, strides = array<i32>} : memref<32x768xf32, #tpu.memory_space<vmem>>, vector<1x16xf32>,
      %get3A_738 = arith.index_cast %scan3A_334 : i32 to index
      %get3A_739 = arith.constant 720 : index
      %get3A_740 = tpu.vector_load %arg8[%get3A_738, %get3A_739] {strides = array<i32>} : memref<32x768xf32, #tpu.memory_space<vmem>>, vector<1x16xf32>,
      %get3A_741 = vector.shape_cast %get3A_740 : vector<1x16xf32> to vector<16xf32>
      %swap3A_742 = arith.index_cast %scan3A_334 : i32 to index
      %swap3A_743 = arith.constant 720 : index
      %swap3A_744 = tpu.vector_load %arg6[%swap3A_742, %swap3A_743] {strides = array<i32>} : memref<32x768xf32, #tpu.memory_space<vmem>>, vector<1x16xf32>,
      %swap3A_745 = vector.shape_cast %swap3A_744 : vector<1x16xf32> to vector<16xf32>
      %swap3A_746 = vector.shape_cast %get3A_741 : vector<16xf32> to vector<1x16xf32>
      tpu.vector_store %arg6[%swap3A_742, %swap3A_743], %swap3A_746 {add = true, strides = array<i32>} : memref<32x768xf32, #tpu.memory_space<vmem>>, vector<1x16xf32>,
      %get3A_747 = arith.index_cast %scan3A_334 : i32 to index
      %get3A_748 = arith.constant 736 : index
      %get3A_749 = tpu.vector_load %arg8[%get3A_747, %get3A_748] {strides = array<i32>} : memref<32x768xf32, #tpu.memory_space<vmem>>, vector<1x16xf32>,
      %get3A_750 = vector.shape_cast %get3A_749 : vector<1x16xf32> to vector<16xf32>
      %swap3A_751 = arith.index_cast %scan3A_334 : i32 to index
      %swap3A_752 = arith.constant 736 : index
      %swap3A_753 = tpu.vector_load %arg6[%swap3A_751, %swap3A_752] {strides = array<i32>} : memref<32x768xf32, #tpu.memory_space<vmem>>, vector<1x16xf32>,
      %swap3A_754 = vector.shape_cast %swap3A_753 : vector<1x16xf32> to vector<16xf32>
      %swap3A_755 = vector.shape_cast %get3A_750 : vector<16xf32> to vector<1x16xf32>
      tpu.vector_store %arg6[%swap3A_751, %swap3A_752], %swap3A_755 {add = true, strides = array<i32>} : memref<32x768xf32, #tpu.memory_space<vmem>>, vector<1x16xf32>,
      %get3A_756 = arith.index_cast %scan3A_334 : i32 to index
      %get3A_757 = arith.constant 752 : index
      %get3A_758 = tpu.vector_load %arg8[%get3A_756, %get3A_757] {strides = array<i32>} : memref<32x768xf32, #tpu.memory_space<vmem>>, vector<1x16xf32>,
      %get3A_759 = vector.shape_cast %get3A_758 : vector<1x16xf32> to vector<16xf32>
      %swap3A_760 = arith.index_cast %scan3A_334 : i32 to index
      %swap3A_761 = arith.constant 752 : index
      %swap3A_762 = tpu.vector_load %arg6[%swap3A_760, %swap3A_761] {strides = array<i32>} : memref<32x768xf32, #tpu.memory_space<vmem>>, vector<1x16xf32>,
      %swap3A_763 = vector.shape_cast %swap3A_762 : vector<1x16xf32> to vector<16xf32>
      %swap3A_764 = vector.shape_cast %get3A_759 : vector<16xf32> to vector<1x16xf32>
      tpu.vector_store %arg6[%swap3A_760, %swap3A_761], %swap3A_764 {add = true, strides = array<i32>} : memref<32x768xf32, #tpu.memory_space<vmem>>, vector<1x16xf32>,
    }
    %scan3A_85 = arith.constant 32 : i32
    %add3A_86 = arith.constant 0 : i32
    %add3A_87 = arith.addi %add3A_86, %mul3A_2 : i32
    %add3A_88 = arith.constant 32 : i32
    %add3A_89 = arith.addi %add3A_87, %add3A_88 : i32
    %dma_start3A_90 = arith.constant 0 : i32
    %dma_start3A_91 = tpu.memref_slice %arg4[%add3A_89, %dma_start3A_90] : memref<8192x768xf32, #tpu.memory_space<hbm>> -> memref<32x768xf32, #tpu.memory_space<hbm>>
    %dma_start3A_92 = arith.constant 0 : i32
    %dma_start3A_93 = tpu.memref_slice %arg4[%add3A_89, %dma_start3A_92] : memref<8192x768xf32, #tpu.memory_space<hbm>> -> memref<32x768xf32, #tpu.memory_space<hbm>>
    tpu.enqueue_dma source(%arg6 : memref<32x768xf32, #tpu.memory_space<vmem>>) target(%dma_start3A_93 : memref<32x768xf32, #tpu.memory_space<hbm>>) target_semaphore(%arg14 : memref<!tpu.dma_semaphore, #tpu.memory_space<semaphore_mem>>)
    %dma_wait3A_94 = arith.constant 0 : i32
    %dma_wait3A_95 = tpu.memref_slice %arg3[%add3A_75, %dma_wait3A_94] : memref<8192x768xf32, #tpu.memory_space<hbm>> -> memref<32x768xf32, #tpu.memory_space<hbm>>
    %dma_wait3A_96 = arith.constant 0 : i32
    %dma_wait3A_97 = tpu.memref_slice %arg3[%add3A_75, %dma_wait3A_96] : memref<8192x768xf32, #tpu.memory_space<hbm>> -> memref<32x768xf32, #tpu.memory_space<hbm>>
    tpu.wait_dma2 semaphore(%arg11 : memref<!tpu.dma_semaphore, #tpu.memory_space<semaphore_mem>>) src(%dma_wait3A_97 : memref<32x768xf32, #tpu.memory_space<hbm>>) dst(%arg7 : memref<32x768xf32, #tpu.memory_space<vmem>>)
    %dma_wait3A_98 = arith.constant 0 : i32
    %dma_wait3A_99 = tpu.memref_slice %arg2[%add3A_69, %dma_wait3A_98] : memref<32768x768xf32, #tpu.memory_space<hbm>> -> memref<32x768xf32, #tpu.memory_space<hbm>>
    %dma_wait3A_100 = arith.constant 0 : i32
    %dma_wait3A_101 = tpu.memref_slice %arg2[%add3A_69, %dma_wait3A_100] : memref<32768x768xf32, #tpu.memory_space<hbm>> -> memref<32x768xf32, #tpu.memory_space<hbm>>
    tpu.wait_dma2 semaphore(%arg9 : memref<!tpu.dma_semaphore, #tpu.memory_space<semaphore_mem>>) src(%dma_wait3A_101 : memref<32x768xf32, #tpu.memory_space<hbm>>) dst(%arg5 : memref<32x768xf32, #tpu.memory_space<vmem>>)
    %dma_wait3A_102 = arith.constant 0 : i32
    %dma_wait3A_103 = tpu.memref_slice %arg4[%add3A_89, %dma_wait3A_102] : memref<8192x768xf32, #tpu.memory_space<hbm>> -> memref<32x768xf32, #tpu.memory_space<hbm>>
    %dma_wait3A_104 = arith.constant 0 : i32
    %dma_wait3A_105 = tpu.memref_slice %arg4[%add3A_89, %dma_wait3A_104] : memref<8192x768xf32, #tpu.memory_space<hbm>> -> memref<32x768xf32, #tpu.memory_space<hbm>>
    tpu.wait_dma2 semaphore(%arg14 : memref<!tpu.dma_semaphore, #tpu.memory_space<semaphore_mem>>) src(%arg6 : memref<32x768xf32, #tpu.memory_space<vmem>>) dst(%dma_wait3A_105 : memref<32x768xf32, #tpu.memory_space<hbm>>)
    %add3A_106 = arith.constant 0 : i32
    %add3A_107 = arith.addi %add3A_106, %mul3A_2 : i32
    %add3A_108 = arith.constant 96 : i32
    %add3A_109 = arith.addi %add3A_107, %add3A_108 : i32
    %add3A_110 = arith.constant 24576 : i32
    %add3A_111 = arith.addi %add3A_110, %add3A_109 : i32
    %dma_start3A_112 = arith.constant 0 : i32
    %dma_start3A_113 = tpu.memref_slice %arg2[%add3A_111, %dma_start3A_112] : memref<32768x768xf32, #tpu.memory_space<hbm>> -> memref<32x768xf32, #tpu.memory_space<hbm>>
    %dma_start3A_114 = arith.constant 0 : i32
    %dma_start3A_115 = tpu.memref_slice %arg2[%add3A_111, %dma_start3A_114] : memref<32768x768xf32, #tpu.memory_space<hbm>> -> memref<32x768xf32, #tpu.memory_space<hbm>>
    tpu.enqueue_dma source(%dma_start3A_115 : memref<32x768xf32, #tpu.memory_space<hbm>>) target(%arg6 : memref<32x768xf32, #tpu.memory_space<vmem>>) target_semaphore(%arg10 : memref<!tpu.dma_semaphore, #tpu.memory_space<semaphore_mem>>)
    %add3A_116 = arith.constant 96 : i32
    %add3A_117 = arith.addi %mul3A_2, %add3A_116 : i32
    %dma_start3A_118 = arith.constant 0 : i32
    %dma_start3A_119 = tpu.memref_slice %arg3[%add3A_117, %dma_start3A_118] : memref<8192x768xf32, #tpu.memory_space<hbm>> -> memref<32x768xf32, #tpu.memory_space<hbm>>
    %dma_start3A_120 = arith.constant 0 : i32
    %dma_start3A_121 = tpu.memref_slice %arg3[%add3A_117, %dma_start3A_120] : memref<8192x768xf32, #tpu.memory_space<hbm>> -> memref<32x768xf32, #tpu.memory_space<hbm>>
    tpu.enqueue_dma source(%dma_start3A_121 : memref<32x768xf32, #tpu.memory_space<hbm>>) target(%arg8 : memref<32x768xf32, #tpu.memory_space<vmem>>) target_semaphore(%arg12 : memref<!tpu.dma_semaphore, #tpu.memory_space<semaphore_mem>>)
    %scan3A_122 = arith.constant 0 : i32
    %scan3A_123 = arith.constant 0 : i32
    %scan3A_124 = arith.constant 32 : i32
    %scan3A_125 = arith.addi %scan3A_123, %scan3A_124 : i32
    %scan3A_126 = arith.constant 1 : i32
    scf.for %scan3A_334 = %scan3A_123 to %scan3A_125 step %scan3A_126  : i32 {
      %get3A = arith.index_cast %scan3A_334 : i32 to index
      %get3A_335 = arith.constant 0 : index
      %get3A_336 = tpu.vector_load %arg7[%get3A, %get3A_335] {strides = array<i32>} : memref<32x768xf32, #tpu.memory_space<vmem>>, vector<1x16xf32>,
      %get3A_337 = vector.shape_cast %get3A_336 : vector<1x16xf32> to vector<16xf32>
      %swap3A = arith.index_cast %scan3A_334 : i32 to index
      %swap3A_338 = arith.constant 0 : index
      %swap3A_339 = tpu.vector_load %arg5[%swap3A, %swap3A_338] {strides = array<i32>} : memref<32x768xf32, #tpu.memory_space<vmem>>, vector<1x16xf32>,
      %swap3A_340 = vector.shape_cast %swap3A_339 : vector<1x16xf32> to vector<16xf32>
      %swap3A_341 = vector.shape_cast %get3A_337 : vector<16xf32> to vector<1x16xf32>
      tpu.vector_store %arg5[%swap3A, %swap3A_338], %swap3A_341 {add = true, strides = array<i32>} : memref<32x768xf32, #tpu.memory_space<vmem>>, vector<1x16xf32>,
      %get3A_342 = arith.index_cast %scan3A_334 : i32 to index
      %get3A_343 = arith.constant 16 : index
      %get3A_344 = tpu.vector_load %arg7[%get3A_342, %get3A_343] {strides = array<i32>} : memref<32x768xf32, #tpu.memory_space<vmem>>, vector<1x16xf32>,
      %get3A_345 = vector.shape_cast %get3A_344 : vector<1x16xf32> to vector<16xf32>
      %swap3A_346 = arith.index_cast %scan3A_334 : i32 to index
      %swap3A_347 = arith.constant 16 : index
      %swap3A_348 = tpu.vector_load %arg5[%swap3A_346, %swap3A_347] {strides = array<i32>} : memref<32x768xf32, #tpu.memory_space<vmem>>, vector<1x16xf32>,
      %swap3A_349 = vector.shape_cast %swap3A_348 : vector<1x16xf32> to vector<16xf32>
      %swap3A_350 = vector.shape_cast %get3A_345 : vector<16xf32> to vector<1x16xf32>
      tpu.vector_store %arg5[%swap3A_346, %swap3A_347], %swap3A_350 {add = true, strides = array<i32>} : memref<32x768xf32, #tpu.memory_space<vmem>>, vector<1x16xf32>,
      %get3A_351 = arith.index_cast %scan3A_334 : i32 to index
      %get3A_352 = arith.constant 32 : index
      %get3A_353 = tpu.vector_load %arg7[%get3A_351, %get3A_352] {strides = array<i32>} : memref<32x768xf32, #tpu.memory_space<vmem>>, vector<1x16xf32>,
      %get3A_354 = vector.shape_cast %get3A_353 : vector<1x16xf32> to vector<16xf32>
      %swap3A_355 = arith.index_cast %scan3A_334 : i32 to index
      %swap3A_356 = arith.constant 32 : index
      %swap3A_357 = tpu.vector_load %arg5[%swap3A_355, %swap3A_356] {strides = array<i32>} : memref<32x768xf32, #tpu.memory_space<vmem>>, vector<1x16xf32>,
      %swap3A_358 = vector.shape_cast %swap3A_357 : vector<1x16xf32> to vector<16xf32>
      %swap3A_359 = vector.shape_cast %get3A_354 : vector<16xf32> to vector<1x16xf32>
      tpu.vector_store %arg5[%swap3A_355, %swap3A_356], %swap3A_359 {add = true, strides = array<i32>} : memref<32x768xf32, #tpu.memory_space<vmem>>, vector<1x16xf32>,
      %get3A_360 = arith.index_cast %scan3A_334 : i32 to index
      %get3A_361 = arith.constant 48 : index
      %get3A_362 = tpu.vector_load %arg7[%get3A_360, %get3A_361] {strides = array<i32>} : memref<32x768xf32, #tpu.memory_space<vmem>>, vector<1x16xf32>,
      %get3A_363 = vector.shape_cast %get3A_362 : vector<1x16xf32> to vector<16xf32>
      %swap3A_364 = arith.index_cast %scan3A_334 : i32 to index
      %swap3A_365 = arith.constant 48 : index
      %swap3A_366 = tpu.vector_load %arg5[%swap3A_364, %swap3A_365] {strides = array<i32>} : memref<32x768xf32, #tpu.memory_space<vmem>>, vector<1x16xf32>,
      %swap3A_367 = vector.shape_cast %swap3A_366 : vector<1x16xf32> to vector<16xf32>
      %swap3A_368 = vector.shape_cast %get3A_363 : vector<16xf32> to vector<1x16xf32>
      tpu.vector_store %arg5[%swap3A_364, %swap3A_365], %swap3A_368 {add = true, strides = array<i32>} : memref<32x768xf32, #tpu.memory_space<vmem>>, vector<1x16xf32>,
      %get3A_369 = arith.index_cast %scan3A_334 : i32 to index
      %get3A_370 = arith.constant 64 : index
      %get3A_371 = tpu.vector_load %arg7[%get3A_369, %get3A_370] {strides = array<i32>} : memref<32x768xf32, #tpu.memory_space<vmem>>, vector<1x16xf32>,
      %get3A_372 = vector.shape_cast %get3A_371 : vector<1x16xf32> to vector<16xf32>
      %swap3A_373 = arith.index_cast %scan3A_334 : i32 to index
      %swap3A_374 = arith.constant 64 : index
      %swap3A_375 = tpu.vector_load %arg5[%swap3A_373, %swap3A_374] {strides = array<i32>} : memref<32x768xf32, #tpu.memory_space<vmem>>, vector<1x16xf32>,
      %swap3A_376 = vector.shape_cast %swap3A_375 : vector<1x16xf32> to vector<16xf32>
      %swap3A_377 = vector.shape_cast %get3A_372 : vector<16xf32> to vector<1x16xf32>
      tpu.vector_store %arg5[%swap3A_373, %swap3A_374], %swap3A_377 {add = true, strides = array<i32>} : memref<32x768xf32, #tpu.memory_space<vmem>>, vector<1x16xf32>,
      %get3A_378 = arith.index_cast %scan3A_334 : i32 to index
      %get3A_379 = arith.constant 80 : index
      %get3A_380 = tpu.vector_load %arg7[%get3A_378, %get3A_379] {strides = array<i32>} : memref<32x768xf32, #tpu.memory_space<vmem>>, vector<1x16xf32>,
      %get3A_381 = vector.shape_cast %get3A_380 : vector<1x16xf32> to vector<16xf32>
      %swap3A_382 = arith.index_cast %scan3A_334 : i32 to index
      %swap3A_383 = arith.constant 80 : index
      %swap3A_384 = tpu.vector_load %arg5[%swap3A_382, %swap3A_383] {strides = array<i32>} : memref<32x768xf32, #tpu.memory_space<vmem>>, vector<1x16xf32>,
      %swap3A_385 = vector.shape_cast %swap3A_384 : vector<1x16xf32> to vector<16xf32>
      %swap3A_386 = vector.shape_cast %get3A_381 : vector<16xf32> to vector<1x16xf32>
      tpu.vector_store %arg5[%swap3A_382, %swap3A_383], %swap3A_386 {add = true, strides = array<i32>} : memref<32x768xf32, #tpu.memory_space<vmem>>, vector<1x16xf32>,
      %get3A_387 = arith.index_cast %scan3A_334 : i32 to index
      %get3A_388 = arith.constant 96 : index
      %get3A_389 = tpu.vector_load %arg7[%get3A_387, %get3A_388] {strides = array<i32>} : memref<32x768xf32, #tpu.memory_space<vmem>>, vector<1x16xf32>,
      %get3A_390 = vector.shape_cast %get3A_389 : vector<1x16xf32> to vector<16xf32>
      %swap3A_391 = arith.index_cast %scan3A_334 : i32 to index
      %swap3A_392 = arith.constant 96 : index
      %swap3A_393 = tpu.vector_load %arg5[%swap3A_391, %swap3A_392] {strides = array<i32>} : memref<32x768xf32, #tpu.memory_space<vmem>>, vector<1x16xf32>,
      %swap3A_394 = vector.shape_cast %swap3A_393 : vector<1x16xf32> to vector<16xf32>
      %swap3A_395 = vector.shape_cast %get3A_390 : vector<16xf32> to vector<1x16xf32>
      tpu.vector_store %arg5[%swap3A_391, %swap3A_392], %swap3A_395 {add = true, strides = array<i32>} : memref<32x768xf32, #tpu.memory_space<vmem>>, vector<1x16xf32>,
      %get3A_396 = arith.index_cast %scan3A_334 : i32 to index
      %get3A_397 = arith.constant 112 : index
      %get3A_398 = tpu.vector_load %arg7[%get3A_396, %get3A_397] {strides = array<i32>} : memref<32x768xf32, #tpu.memory_space<vmem>>, vector<1x16xf32>,
      %get3A_399 = vector.shape_cast %get3A_398 : vector<1x16xf32> to vector<16xf32>
      %swap3A_400 = arith.index_cast %scan3A_334 : i32 to index
      %swap3A_401 = arith.constant 112 : index
      %swap3A_402 = tpu.vector_load %arg5[%swap3A_400, %swap3A_401] {strides = array<i32>} : memref<32x768xf32, #tpu.memory_space<vmem>>, vector<1x16xf32>,
      %swap3A_403 = vector.shape_cast %swap3A_402 : vector<1x16xf32> to vector<16xf32>
      %swap3A_404 = vector.shape_cast %get3A_399 : vector<16xf32> to vector<1x16xf32>
      tpu.vector_store %arg5[%swap3A_400, %swap3A_401], %swap3A_404 {add = true, strides = array<i32>} : memref<32x768xf32, #tpu.memory_space<vmem>>, vector<1x16xf32>,
      %get3A_405 = arith.index_cast %scan3A_334 : i32 to index
      %get3A_406 = arith.constant 128 : index
      %get3A_407 = tpu.vector_load %arg7[%get3A_405, %get3A_406] {strides = array<i32>} : memref<32x768xf32, #tpu.memory_space<vmem>>, vector<1x16xf32>,
      %get3A_408 = vector.shape_cast %get3A_407 : vector<1x16xf32> to vector<16xf32>
      %swap3A_409 = arith.index_cast %scan3A_334 : i32 to index
      %swap3A_410 = arith.constant 128 : index
      %swap3A_411 = tpu.vector_load %arg5[%swap3A_409, %swap3A_410] {strides = array<i32>} : memref<32x768xf32, #tpu.memory_space<vmem>>, vector<1x16xf32>,
      %swap3A_412 = vector.shape_cast %swap3A_411 : vector<1x16xf32> to vector<16xf32>
      %swap3A_413 = vector.shape_cast %get3A_408 : vector<16xf32> to vector<1x16xf32>
      tpu.vector_store %arg5[%swap3A_409, %swap3A_410], %swap3A_413 {add = true, strides = array<i32>} : memref<32x768xf32, #tpu.memory_space<vmem>>, vector<1x16xf32>,
      %get3A_414 = arith.index_cast %scan3A_334 : i32 to index
      %get3A_415 = arith.constant 144 : index
      %get3A_416 = tpu.vector_load %arg7[%get3A_414, %get3A_415] {strides = array<i32>} : memref<32x768xf32, #tpu.memory_space<vmem>>, vector<1x16xf32>,
      %get3A_417 = vector.shape_cast %get3A_416 : vector<1x16xf32> to vector<16xf32>
      %swap3A_418 = arith.index_cast %scan3A_334 : i32 to index
      %swap3A_419 = arith.constant 144 : index
      %swap3A_420 = tpu.vector_load %arg5[%swap3A_418, %swap3A_419] {strides = array<i32>} : memref<32x768xf32, #tpu.memory_space<vmem>>, vector<1x16xf32>,
      %swap3A_421 = vector.shape_cast %swap3A_420 : vector<1x16xf32> to vector<16xf32>
      %swap3A_422 = vector.shape_cast %get3A_417 : vector<16xf32> to vector<1x16xf32>
      tpu.vector_store %arg5[%swap3A_418, %swap3A_419], %swap3A_422 {add = true, strides = array<i32>} : memref<32x768xf32, #tpu.memory_space<vmem>>, vector<1x16xf32>,
      %get3A_423 = arith.index_cast %scan3A_334 : i32 to index
      %get3A_424 = arith.constant 160 : index
      %get3A_425 = tpu.vector_load %arg7[%get3A_423, %get3A_424] {strides = array<i32>} : memref<32x768xf32, #tpu.memory_space<vmem>>, vector<1x16xf32>,
      %get3A_426 = vector.shape_cast %get3A_425 : vector<1x16xf32> to vector<16xf32>
      %swap3A_427 = arith.index_cast %scan3A_334 : i32 to index
      %swap3A_428 = arith.constant 160 : index
      %swap3A_429 = tpu.vector_load %arg5[%swap3A_427, %swap3A_428] {strides = array<i32>} : memref<32x768xf32, #tpu.memory_space<vmem>>, vector<1x16xf32>,
      %swap3A_430 = vector.shape_cast %swap3A_429 : vector<1x16xf32> to vector<16xf32>
      %swap3A_431 = vector.shape_cast %get3A_426 : vector<16xf32> to vector<1x16xf32>
      tpu.vector_store %arg5[%swap3A_427, %swap3A_428], %swap3A_431 {add = true, strides = array<i32>} : memref<32x768xf32, #tpu.memory_space<vmem>>, vector<1x16xf32>,
      %get3A_432 = arith.index_cast %scan3A_334 : i32 to index
      %get3A_433 = arith.constant 176 : index
      %get3A_434 = tpu.vector_load %arg7[%get3A_432, %get3A_433] {strides = array<i32>} : memref<32x768xf32, #tpu.memory_space<vmem>>, vector<1x16xf32>,
      %get3A_435 = vector.shape_cast %get3A_434 : vector<1x16xf32> to vector<16xf32>
      %swap3A_436 = arith.index_cast %scan3A_334 : i32 to index
      %swap3A_437 = arith.constant 176 : index
      %swap3A_438 = tpu.vector_load %arg5[%swap3A_436, %swap3A_437] {strides = array<i32>} : memref<32x768xf32, #tpu.memory_space<vmem>>, vector<1x16xf32>,
      %swap3A_439 = vector.shape_cast %swap3A_438 : vector<1x16xf32> to vector<16xf32>
      %swap3A_440 = vector.shape_cast %get3A_435 : vector<16xf32> to vector<1x16xf32>
      tpu.vector_store %arg5[%swap3A_436, %swap3A_437], %swap3A_440 {add = true, strides = array<i32>} : memref<32x768xf32, #tpu.memory_space<vmem>>, vector<1x16xf32>,
      %get3A_441 = arith.index_cast %scan3A_334 : i32 to index
      %get3A_442 = arith.constant 192 : index
      %get3A_443 = tpu.vector_load %arg7[%get3A_441, %get3A_442] {strides = array<i32>} : memref<32x768xf32, #tpu.memory_space<vmem>>, vector<1x16xf32>,
      %get3A_444 = vector.shape_cast %get3A_443 : vector<1x16xf32> to vector<16xf32>
      %swap3A_445 = arith.index_cast %scan3A_334 : i32 to index
      %swap3A_446 = arith.constant 192 : index
      %swap3A_447 = tpu.vector_load %arg5[%swap3A_445, %swap3A_446] {strides = array<i32>} : memref<32x768xf32, #tpu.memory_space<vmem>>, vector<1x16xf32>,
      %swap3A_448 = vector.shape_cast %swap3A_447 : vector<1x16xf32> to vector<16xf32>
      %swap3A_449 = vector.shape_cast %get3A_444 : vector<16xf32> to vector<1x16xf32>
      tpu.vector_store %arg5[%swap3A_445, %swap3A_446], %swap3A_449 {add = true, strides = array<i32>} : memref<32x768xf32, #tpu.memory_space<vmem>>, vector<1x16xf32>,
      %get3A_450 = arith.index_cast %scan3A_334 : i32 to index
      %get3A_451 = arith.constant 208 : index
      %get3A_452 = tpu.vector_load %arg7[%get3A_450, %get3A_451] {strides = array<i32>} : memref<32x768xf32, #tpu.memory_space<vmem>>, vector<1x16xf32>,
      %get3A_453 = vector.shape_cast %get3A_452 : vector<1x16xf32> to vector<16xf32>
      %swap3A_454 = arith.index_cast %scan3A_334 : i32 to index
      %swap3A_455 = arith.constant 208 : index
      %swap3A_456 = tpu.vector_load %arg5[%swap3A_454, %swap3A_455] {strides = array<i32>} : memref<32x768xf32, #tpu.memory_space<vmem>>, vector<1x16xf32>,
      %swap3A_457 = vector.shape_cast %swap3A_456 : vector<1x16xf32> to vector<16xf32>
      %swap3A_458 = vector.shape_cast %get3A_453 : vector<16xf32> to vector<1x16xf32>
      tpu.vector_store %arg5[%swap3A_454, %swap3A_455], %swap3A_458 {add = true, strides = array<i32>} : memref<32x768xf32, #tpu.memory_space<vmem>>, vector<1x16xf32>,
      %get3A_459 = arith.index_cast %scan3A_334 : i32 to index
      %get3A_460 = arith.constant 224 : index
      %get3A_461 = tpu.vector_load %arg7[%get3A_459, %get3A_460] {strides = array<i32>} : memref<32x768xf32, #tpu.memory_space<vmem>>, vector<1x16xf32>,
      %get3A_462 = vector.shape_cast %get3A_461 : vector<1x16xf32> to vector<16xf32>
      %swap3A_463 = arith.index_cast %scan3A_334 : i32 to index
      %swap3A_464 = arith.constant 224 : index
      %swap3A_465 = tpu.vector_load %arg5[%swap3A_463, %swap3A_464] {strides = array<i32>} : memref<32x768xf32, #tpu.memory_space<vmem>>, vector<1x16xf32>,
      %swap3A_466 = vector.shape_cast %swap3A_465 : vector<1x16xf32> to vector<16xf32>
      %swap3A_467 = vector.shape_cast %get3A_462 : vector<16xf32> to vector<1x16xf32>
      tpu.vector_store %arg5[%swap3A_463, %swap3A_464], %swap3A_467 {add = true, strides = array<i32>} : memref<32x768xf32, #tpu.memory_space<vmem>>, vector<1x16xf32>,
      %get3A_468 = arith.index_cast %scan3A_334 : i32 to index
      %get3A_469 = arith.constant 240 : index
      %get3A_470 = tpu.vector_load %arg7[%get3A_468, %get3A_469] {strides = array<i32>} : memref<32x768xf32, #tpu.memory_space<vmem>>, vector<1x16xf32>,
      %get3A_471 = vector.shape_cast %get3A_470 : vector<1x16xf32> to vector<16xf32>
      %swap3A_472 = arith.index_cast %scan3A_334 : i32 to index
      %swap3A_473 = arith.constant 240 : index
      %swap3A_474 = tpu.vector_load %arg5[%swap3A_472, %swap3A_473] {strides = array<i32>} : memref<32x768xf32, #tpu.memory_space<vmem>>, vector<1x16xf32>,
      %swap3A_475 = vector.shape_cast %swap3A_474 : vector<1x16xf32> to vector<16xf32>
      %swap3A_476 = vector.shape_cast %get3A_471 : vector<16xf32> to vector<1x16xf32>
      tpu.vector_store %arg5[%swap3A_472, %swap3A_473], %swap3A_476 {add = true, strides = array<i32>} : memref<32x768xf32, #tpu.memory_space<vmem>>, vector<1x16xf32>,
      %get3A_477 = arith.index_cast %scan3A_334 : i32 to index
      %get3A_478 = arith.constant 256 : index
      %get3A_479 = tpu.vector_load %arg7[%get3A_477, %get3A_478] {strides = array<i32>} : memref<32x768xf32, #tpu.memory_space<vmem>>, vector<1x16xf32>,
      %get3A_480 = vector.shape_cast %get3A_479 : vector<1x16xf32> to vector<16xf32>
      %swap3A_481 = arith.index_cast %scan3A_334 : i32 to index
      %swap3A_482 = arith.constant 256 : index
      %swap3A_483 = tpu.vector_load %arg5[%swap3A_481, %swap3A_482] {strides = array<i32>} : memref<32x768xf32, #tpu.memory_space<vmem>>, vector<1x16xf32>,
      %swap3A_484 = vector.shape_cast %swap3A_483 : vector<1x16xf32> to vector<16xf32>
      %swap3A_485 = vector.shape_cast %get3A_480 : vector<16xf32> to vector<1x16xf32>
      tpu.vector_store %arg5[%swap3A_481, %swap3A_482], %swap3A_485 {add = true, strides = array<i32>} : memref<32x768xf32, #tpu.memory_space<vmem>>, vector<1x16xf32>,
      %get3A_486 = arith.index_cast %scan3A_334 : i32 to index
      %get3A_487 = arith.constant 272 : index
      %get3A_488 = tpu.vector_load %arg7[%get3A_486, %get3A_487] {strides = array<i32>} : memref<32x768xf32, #tpu.memory_space<vmem>>, vector<1x16xf32>,
      %get3A_489 = vector.shape_cast %get3A_488 : vector<1x16xf32> to vector<16xf32>
      %swap3A_490 = arith.index_cast %scan3A_334 : i32 to index
      %swap3A_491 = arith.constant 272 : index
      %swap3A_492 = tpu.vector_load %arg5[%swap3A_490, %swap3A_491] {strides = array<i32>} : memref<32x768xf32, #tpu.memory_space<vmem>>, vector<1x16xf32>,
      %swap3A_493 = vector.shape_cast %swap3A_492 : vector<1x16xf32> to vector<16xf32>
      %swap3A_494 = vector.shape_cast %get3A_489 : vector<16xf32> to vector<1x16xf32>
      tpu.vector_store %arg5[%swap3A_490, %swap3A_491], %swap3A_494 {add = true, strides = array<i32>} : memref<32x768xf32, #tpu.memory_space<vmem>>, vector<1x16xf32>,
      %get3A_495 = arith.index_cast %scan3A_334 : i32 to index
      %get3A_496 = arith.constant 288 : index
      %get3A_497 = tpu.vector_load %arg7[%get3A_495, %get3A_496] {strides = array<i32>} : memref<32x768xf32, #tpu.memory_space<vmem>>, vector<1x16xf32>,
      %get3A_498 = vector.shape_cast %get3A_497 : vector<1x16xf32> to vector<16xf32>
      %swap3A_499 = arith.index_cast %scan3A_334 : i32 to index
      %swap3A_500 = arith.constant 288 : index
      %swap3A_501 = tpu.vector_load %arg5[%swap3A_499, %swap3A_500] {strides = array<i32>} : memref<32x768xf32, #tpu.memory_space<vmem>>, vector<1x16xf32>,
      %swap3A_502 = vector.shape_cast %swap3A_501 : vector<1x16xf32> to vector<16xf32>
      %swap3A_503 = vector.shape_cast %get3A_498 : vector<16xf32> to vector<1x16xf32>
      tpu.vector_store %arg5[%swap3A_499, %swap3A_500], %swap3A_503 {add = true, strides = array<i32>} : memref<32x768xf32, #tpu.memory_space<vmem>>, vector<1x16xf32>,
      %get3A_504 = arith.index_cast %scan3A_334 : i32 to index
      %get3A_505 = arith.constant 304 : index
      %get3A_506 = tpu.vector_load %arg7[%get3A_504, %get3A_505] {strides = array<i32>} : memref<32x768xf32, #tpu.memory_space<vmem>>, vector<1x16xf32>,
      %get3A_507 = vector.shape_cast %get3A_506 : vector<1x16xf32> to vector<16xf32>
      %swap3A_508 = arith.index_cast %scan3A_334 : i32 to index
      %swap3A_509 = arith.constant 304 : index
      %swap3A_510 = tpu.vector_load %arg5[%swap3A_508, %swap3A_509] {strides = array<i32>} : memref<32x768xf32, #tpu.memory_space<vmem>>, vector<1x16xf32>,
      %swap3A_511 = vector.shape_cast %swap3A_510 : vector<1x16xf32> to vector<16xf32>
      %swap3A_512 = vector.shape_cast %get3A_507 : vector<16xf32> to vector<1x16xf32>
      tpu.vector_store %arg5[%swap3A_508, %swap3A_509], %swap3A_512 {add = true, strides = array<i32>} : memref<32x768xf32, #tpu.memory_space<vmem>>, vector<1x16xf32>,
      %get3A_513 = arith.index_cast %scan3A_334 : i32 to index
      %get3A_514 = arith.constant 320 : index
      %get3A_515 = tpu.vector_load %arg7[%get3A_513, %get3A_514] {strides = array<i32>} : memref<32x768xf32, #tpu.memory_space<vmem>>, vector<1x16xf32>,
      %get3A_516 = vector.shape_cast %get3A_515 : vector<1x16xf32> to vector<16xf32>
      %swap3A_517 = arith.index_cast %scan3A_334 : i32 to index
      %swap3A_518 = arith.constant 320 : index
      %swap3A_519 = tpu.vector_load %arg5[%swap3A_517, %swap3A_518] {strides = array<i32>} : memref<32x768xf32, #tpu.memory_space<vmem>>, vector<1x16xf32>,
      %swap3A_520 = vector.shape_cast %swap3A_519 : vector<1x16xf32> to vector<16xf32>
      %swap3A_521 = vector.shape_cast %get3A_516 : vector<16xf32> to vector<1x16xf32>
      tpu.vector_store %arg5[%swap3A_517, %swap3A_518], %swap3A_521 {add = true, strides = array<i32>} : memref<32x768xf32, #tpu.memory_space<vmem>>, vector<1x16xf32>,
      %get3A_522 = arith.index_cast %scan3A_334 : i32 to index
      %get3A_523 = arith.constant 336 : index
      %get3A_524 = tpu.vector_load %arg7[%get3A_522, %get3A_523] {strides = array<i32>} : memref<32x768xf32, #tpu.memory_space<vmem>>, vector<1x16xf32>,
      %get3A_525 = vector.shape_cast %get3A_524 : vector<1x16xf32> to vector<16xf32>
      %swap3A_526 = arith.index_cast %scan3A_334 : i32 to index
      %swap3A_527 = arith.constant 336 : index
      %swap3A_528 = tpu.vector_load %arg5[%swap3A_526, %swap3A_527] {strides = array<i32>} : memref<32x768xf32, #tpu.memory_space<vmem>>, vector<1x16xf32>,
      %swap3A_529 = vector.shape_cast %swap3A_528 : vector<1x16xf32> to vector<16xf32>
      %swap3A_530 = vector.shape_cast %get3A_525 : vector<16xf32> to vector<1x16xf32>
      tpu.vector_store %arg5[%swap3A_526, %swap3A_527], %swap3A_530 {add = true, strides = array<i32>} : memref<32x768xf32, #tpu.memory_space<vmem>>, vector<1x16xf32>,
      %get3A_531 = arith.index_cast %scan3A_334 : i32 to index
      %get3A_532 = arith.constant 352 : index
      %get3A_533 = tpu.vector_load %arg7[%get3A_531, %get3A_532] {strides = array<i32>} : memref<32x768xf32, #tpu.memory_space<vmem>>, vector<1x16xf32>,
      %get3A_534 = vector.shape_cast %get3A_533 : vector<1x16xf32> to vector<16xf32>
      %swap3A_535 = arith.index_cast %scan3A_334 : i32 to index
      %swap3A_536 = arith.constant 352 : index
      %swap3A_537 = tpu.vector_load %arg5[%swap3A_535, %swap3A_536] {strides = array<i32>} : memref<32x768xf32, #tpu.memory_space<vmem>>, vector<1x16xf32>,
      %swap3A_538 = vector.shape_cast %swap3A_537 : vector<1x16xf32> to vector<16xf32>
      %swap3A_539 = vector.shape_cast %get3A_534 : vector<16xf32> to vector<1x16xf32>
      tpu.vector_store %arg5[%swap3A_535, %swap3A_536], %swap3A_539 {add = true, strides = array<i32>} : memref<32x768xf32, #tpu.memory_space<vmem>>, vector<1x16xf32>,
      %get3A_540 = arith.index_cast %scan3A_334 : i32 to index
      %get3A_541 = arith.constant 368 : index
      %get3A_542 = tpu.vector_load %arg7[%get3A_540, %get3A_541] {strides = array<i32>} : memref<32x768xf32, #tpu.memory_space<vmem>>, vector<1x16xf32>,
      %get3A_543 = vector.shape_cast %get3A_542 : vector<1x16xf32> to vector<16xf32>
      %swap3A_544 = arith.index_cast %scan3A_334 : i32 to index
      %swap3A_545 = arith.constant 368 : index
      %swap3A_546 = tpu.vector_load %arg5[%swap3A_544, %swap3A_545] {strides = array<i32>} : memref<32x768xf32, #tpu.memory_space<vmem>>, vector<1x16xf32>,
      %swap3A_547 = vector.shape_cast %swap3A_546 : vector<1x16xf32> to vector<16xf32>
      %swap3A_548 = vector.shape_cast %get3A_543 : vector<16xf32> to vector<1x16xf32>
      tpu.vector_store %arg5[%swap3A_544, %swap3A_545], %swap3A_548 {add = true, strides = array<i32>} : memref<32x768xf32, #tpu.memory_space<vmem>>, vector<1x16xf32>,
      %get3A_549 = arith.index_cast %scan3A_334 : i32 to index
      %get3A_550 = arith.constant 384 : index
      %get3A_551 = tpu.vector_load %arg7[%get3A_549, %get3A_550] {strides = array<i32>} : memref<32x768xf32, #tpu.memory_space<vmem>>, vector<1x16xf32>,
      %get3A_552 = vector.shape_cast %get3A_551 : vector<1x16xf32> to vector<16xf32>
      %swap3A_553 = arith.index_cast %scan3A_334 : i32 to index
      %swap3A_554 = arith.constant 384 : index
      %swap3A_555 = tpu.vector_load %arg5[%swap3A_553, %swap3A_554] {strides = array<i32>} : memref<32x768xf32, #tpu.memory_space<vmem>>, vector<1x16xf32>,
      %swap3A_556 = vector.shape_cast %swap3A_555 : vector<1x16xf32> to vector<16xf32>
      %swap3A_557 = vector.shape_cast %get3A_552 : vector<16xf32> to vector<1x16xf32>
      tpu.vector_store %arg5[%swap3A_553, %swap3A_554], %swap3A_557 {add = true, strides = array<i32>} : memref<32x768xf32, #tpu.memory_space<vmem>>, vector<1x16xf32>,
      %get3A_558 = arith.index_cast %scan3A_334 : i32 to index
      %get3A_559 = arith.constant 400 : index
      %get3A_560 = tpu.vector_load %arg7[%get3A_558, %get3A_559] {strides = array<i32>} : memref<32x768xf32, #tpu.memory_space<vmem>>, vector<1x16xf32>,
      %get3A_561 = vector.shape_cast %get3A_560 : vector<1x16xf32> to vector<16xf32>
      %swap3A_562 = arith.index_cast %scan3A_334 : i32 to index
      %swap3A_563 = arith.constant 400 : index
      %swap3A_564 = tpu.vector_load %arg5[%swap3A_562, %swap3A_563] {strides = array<i32>} : memref<32x768xf32, #tpu.memory_space<vmem>>, vector<1x16xf32>,
      %swap3A_565 = vector.shape_cast %swap3A_564 : vector<1x16xf32> to vector<16xf32>
      %swap3A_566 = vector.shape_cast %get3A_561 : vector<16xf32> to vector<1x16xf32>
      tpu.vector_store %arg5[%swap3A_562, %swap3A_563], %swap3A_566 {add = true, strides = array<i32>} : memref<32x768xf32, #tpu.memory_space<vmem>>, vector<1x16xf32>,
      %get3A_567 = arith.index_cast %scan3A_334 : i32 to index
      %get3A_568 = arith.constant 416 : index
      %get3A_569 = tpu.vector_load %arg7[%get3A_567, %get3A_568] {strides = array<i32>} : memref<32x768xf32, #tpu.memory_space<vmem>>, vector<1x16xf32>,
      %get3A_570 = vector.shape_cast %get3A_569 : vector<1x16xf32> to vector<16xf32>
      %swap3A_571 = arith.index_cast %scan3A_334 : i32 to index
      %swap3A_572 = arith.constant 416 : index
      %swap3A_573 = tpu.vector_load %arg5[%swap3A_571, %swap3A_572] {strides = array<i32>} : memref<32x768xf32, #tpu.memory_space<vmem>>, vector<1x16xf32>,
      %swap3A_574 = vector.shape_cast %swap3A_573 : vector<1x16xf32> to vector<16xf32>
      %swap3A_575 = vector.shape_cast %get3A_570 : vector<16xf32> to vector<1x16xf32>
      tpu.vector_store %arg5[%swap3A_571, %swap3A_572], %swap3A_575 {add = true, strides = array<i32>} : memref<32x768xf32, #tpu.memory_space<vmem>>, vector<1x16xf32>,
      %get3A_576 = arith.index_cast %scan3A_334 : i32 to index
      %get3A_577 = arith.constant 432 : index
      %get3A_578 = tpu.vector_load %arg7[%get3A_576, %get3A_577] {strides = array<i32>} : memref<32x768xf32, #tpu.memory_space<vmem>>, vector<1x16xf32>,
      %get3A_579 = vector.shape_cast %get3A_578 : vector<1x16xf32> to vector<16xf32>
      %swap3A_580 = arith.index_cast %scan3A_334 : i32 to index
      %swap3A_581 = arith.constant 432 : index
      %swap3A_582 = tpu.vector_load %arg5[%swap3A_580, %swap3A_581] {strides = array<i32>} : memref<32x768xf32, #tpu.memory_space<vmem>>, vector<1x16xf32>,
      %swap3A_583 = vector.shape_cast %swap3A_582 : vector<1x16xf32> to vector<16xf32>
      %swap3A_584 = vector.shape_cast %get3A_579 : vector<16xf32> to vector<1x16xf32>
      tpu.vector_store %arg5[%swap3A_580, %swap3A_581], %swap3A_584 {add = true, strides = array<i32>} : memref<32x768xf32, #tpu.memory_space<vmem>>, vector<1x16xf32>,
      %get3A_585 = arith.index_cast %scan3A_334 : i32 to index
      %get3A_586 = arith.constant 448 : index
      %get3A_587 = tpu.vector_load %arg7[%get3A_585, %get3A_586] {strides = array<i32>} : memref<32x768xf32, #tpu.memory_space<vmem>>, vector<1x16xf32>,
      %get3A_588 = vector.shape_cast %get3A_587 : vector<1x16xf32> to vector<16xf32>
      %swap3A_589 = arith.index_cast %scan3A_334 : i32 to index
      %swap3A_590 = arith.constant 448 : index
      %swap3A_591 = tpu.vector_load %arg5[%swap3A_589, %swap3A_590] {strides = array<i32>} : memref<32x768xf32, #tpu.memory_space<vmem>>, vector<1x16xf32>,
      %swap3A_592 = vector.shape_cast %swap3A_591 : vector<1x16xf32> to vector<16xf32>
      %swap3A_593 = vector.shape_cast %get3A_588 : vector<16xf32> to vector<1x16xf32>
      tpu.vector_store %arg5[%swap3A_589, %swap3A_590], %swap3A_593 {add = true, strides = array<i32>} : memref<32x768xf32, #tpu.memory_space<vmem>>, vector<1x16xf32>,
      %get3A_594 = arith.index_cast %scan3A_334 : i32 to index
      %get3A_595 = arith.constant 464 : index
      %get3A_596 = tpu.vector_load %arg7[%get3A_594, %get3A_595] {strides = array<i32>} : memref<32x768xf32, #tpu.memory_space<vmem>>, vector<1x16xf32>,
      %get3A_597 = vector.shape_cast %get3A_596 : vector<1x16xf32> to vector<16xf32>
      %swap3A_598 = arith.index_cast %scan3A_334 : i32 to index
      %swap3A_599 = arith.constant 464 : index
      %swap3A_600 = tpu.vector_load %arg5[%swap3A_598, %swap3A_599] {strides = array<i32>} : memref<32x768xf32, #tpu.memory_space<vmem>>, vector<1x16xf32>,
      %swap3A_601 = vector.shape_cast %swap3A_600 : vector<1x16xf32> to vector<16xf32>
      %swap3A_602 = vector.shape_cast %get3A_597 : vector<16xf32> to vector<1x16xf32>
      tpu.vector_store %arg5[%swap3A_598, %swap3A_599], %swap3A_602 {add = true, strides = array<i32>} : memref<32x768xf32, #tpu.memory_space<vmem>>, vector<1x16xf32>,
      %get3A_603 = arith.index_cast %scan3A_334 : i32 to index
      %get3A_604 = arith.constant 480 : index
      %get3A_605 = tpu.vector_load %arg7[%get3A_603, %get3A_604] {strides = array<i32>} : memref<32x768xf32, #tpu.memory_space<vmem>>, vector<1x16xf32>,
      %get3A_606 = vector.shape_cast %get3A_605 : vector<1x16xf32> to vector<16xf32>
      %swap3A_607 = arith.index_cast %scan3A_334 : i32 to index
      %swap3A_608 = arith.constant 480 : index
      %swap3A_609 = tpu.vector_load %arg5[%swap3A_607, %swap3A_608] {strides = array<i32>} : memref<32x768xf32, #tpu.memory_space<vmem>>, vector<1x16xf32>,
      %swap3A_610 = vector.shape_cast %swap3A_609 : vector<1x16xf32> to vector<16xf32>
      %swap3A_611 = vector.shape_cast %get3A_606 : vector<16xf32> to vector<1x16xf32>
      tpu.vector_store %arg5[%swap3A_607, %swap3A_608], %swap3A_611 {add = true, strides = array<i32>} : memref<32x768xf32, #tpu.memory_space<vmem>>, vector<1x16xf32>,
      %get3A_612 = arith.index_cast %scan3A_334 : i32 to index
      %get3A_613 = arith.constant 496 : index
      %get3A_614 = tpu.vector_load %arg7[%get3A_612, %get3A_613] {strides = array<i32>} : memref<32x768xf32, #tpu.memory_space<vmem>>, vector<1x16xf32>,
      %get3A_615 = vector.shape_cast %get3A_614 : vector<1x16xf32> to vector<16xf32>
      %swap3A_616 = arith.index_cast %scan3A_334 : i32 to index
      %swap3A_617 = arith.constant 496 : index
      %swap3A_618 = tpu.vector_load %arg5[%swap3A_616, %swap3A_617] {strides = array<i32>} : memref<32x768xf32, #tpu.memory_space<vmem>>, vector<1x16xf32>,
      %swap3A_619 = vector.shape_cast %swap3A_618 : vector<1x16xf32> to vector<16xf32>
      %swap3A_620 = vector.shape_cast %get3A_615 : vector<16xf32> to vector<1x16xf32>
      tpu.vector_store %arg5[%swap3A_616, %swap3A_617], %swap3A_620 {add = true, strides = array<i32>} : memref<32x768xf32, #tpu.memory_space<vmem>>, vector<1x16xf32>,
      %get3A_621 = arith.index_cast %scan3A_334 : i32 to index
      %get3A_622 = arith.constant 512 : index
      %get3A_623 = tpu.vector_load %arg7[%get3A_621, %get3A_622] {strides = array<i32>} : memref<32x768xf32, #tpu.memory_space<vmem>>, vector<1x16xf32>,
      %get3A_624 = vector.shape_cast %get3A_623 : vector<1x16xf32> to vector<16xf32>
      %swap3A_625 = arith.index_cast %scan3A_334 : i32 to index
      %swap3A_626 = arith.constant 512 : index
      %swap3A_627 = tpu.vector_load %arg5[%swap3A_625, %swap3A_626] {strides = array<i32>} : memref<32x768xf32, #tpu.memory_space<vmem>>, vector<1x16xf32>,
      %swap3A_628 = vector.shape_cast %swap3A_627 : vector<1x16xf32> to vector<16xf32>
      %swap3A_629 = vector.shape_cast %get3A_624 : vector<16xf32> to vector<1x16xf32>
      tpu.vector_store %arg5[%swap3A_625, %swap3A_626], %swap3A_629 {add = true, strides = array<i32>} : memref<32x768xf32, #tpu.memory_space<vmem>>, vector<1x16xf32>,
      %get3A_630 = arith.index_cast %scan3A_334 : i32 to index
      %get3A_631 = arith.constant 528 : index
      %get3A_632 = tpu.vector_load %arg7[%get3A_630, %get3A_631] {strides = array<i32>} : memref<32x768xf32, #tpu.memory_space<vmem>>, vector<1x16xf32>,
      %get3A_633 = vector.shape_cast %get3A_632 : vector<1x16xf32> to vector<16xf32>
      %swap3A_634 = arith.index_cast %scan3A_334 : i32 to index
      %swap3A_635 = arith.constant 528 : index
      %swap3A_636 = tpu.vector_load %arg5[%swap3A_634, %swap3A_635] {strides = array<i32>} : memref<32x768xf32, #tpu.memory_space<vmem>>, vector<1x16xf32>,
      %swap3A_637 = vector.shape_cast %swap3A_636 : vector<1x16xf32> to vector<16xf32>
      %swap3A_638 = vector.shape_cast %get3A_633 : vector<16xf32> to vector<1x16xf32>
      tpu.vector_store %arg5[%swap3A_634, %swap3A_635], %swap3A_638 {add = true, strides = array<i32>} : memref<32x768xf32, #tpu.memory_space<vmem>>, vector<1x16xf32>,
      %get3A_639 = arith.index_cast %scan3A_334 : i32 to index
      %get3A_640 = arith.constant 544 : index
      %get3A_641 = tpu.vector_load %arg7[%get3A_639, %get3A_640] {strides = array<i32>} : memref<32x768xf32, #tpu.memory_space<vmem>>, vector<1x16xf32>,
      %get3A_642 = vector.shape_cast %get3A_641 : vector<1x16xf32> to vector<16xf32>
      %swap3A_643 = arith.index_cast %scan3A_334 : i32 to index
      %swap3A_644 = arith.constant 544 : index
      %swap3A_645 = tpu.vector_load %arg5[%swap3A_643, %swap3A_644] {strides = array<i32>} : memref<32x768xf32, #tpu.memory_space<vmem>>, vector<1x16xf32>,
      %swap3A_646 = vector.shape_cast %swap3A_645 : vector<1x16xf32> to vector<16xf32>
      %swap3A_647 = vector.shape_cast %get3A_642 : vector<16xf32> to vector<1x16xf32>
      tpu.vector_store %arg5[%swap3A_643, %swap3A_644], %swap3A_647 {add = true, strides = array<i32>} : memref<32x768xf32, #tpu.memory_space<vmem>>, vector<1x16xf32>,
      %get3A_648 = arith.index_cast %scan3A_334 : i32 to index
      %get3A_649 = arith.constant 560 : index
      %get3A_650 = tpu.vector_load %arg7[%get3A_648, %get3A_649] {strides = array<i32>} : memref<32x768xf32, #tpu.memory_space<vmem>>, vector<1x16xf32>,
      %get3A_651 = vector.shape_cast %get3A_650 : vector<1x16xf32> to vector<16xf32>
      %swap3A_652 = arith.index_cast %scan3A_334 : i32 to index
      %swap3A_653 = arith.constant 560 : index
      %swap3A_654 = tpu.vector_load %arg5[%swap3A_652, %swap3A_653] {strides = array<i32>} : memref<32x768xf32, #tpu.memory_space<vmem>>, vector<1x16xf32>,
      %swap3A_655 = vector.shape_cast %swap3A_654 : vector<1x16xf32> to vector<16xf32>
      %swap3A_656 = vector.shape_cast %get3A_651 : vector<16xf32> to vector<1x16xf32>
      tpu.vector_store %arg5[%swap3A_652, %swap3A_653], %swap3A_656 {add = true, strides = array<i32>} : memref<32x768xf32, #tpu.memory_space<vmem>>, vector<1x16xf32>,
      %get3A_657 = arith.index_cast %scan3A_334 : i32 to index
      %get3A_658 = arith.constant 576 : index
      %get3A_659 = tpu.vector_load %arg7[%get3A_657, %get3A_658] {strides = array<i32>} : memref<32x768xf32, #tpu.memory_space<vmem>>, vector<1x16xf32>,
      %get3A_660 = vector.shape_cast %get3A_659 : vector<1x16xf32> to vector<16xf32>
      %swap3A_661 = arith.index_cast %scan3A_334 : i32 to index
      %swap3A_662 = arith.constant 576 : index
      %swap3A_663 = tpu.vector_load %arg5[%swap3A_661, %swap3A_662] {strides = array<i32>} : memref<32x768xf32, #tpu.memory_space<vmem>>, vector<1x16xf32>,
      %swap3A_664 = vector.shape_cast %swap3A_663 : vector<1x16xf32> to vector<16xf32>
      %swap3A_665 = vector.shape_cast %get3A_660 : vector<16xf32> to vector<1x16xf32>
      tpu.vector_store %arg5[%swap3A_661, %swap3A_662], %swap3A_665 {add = true, strides = array<i32>} : memref<32x768xf32, #tpu.memory_space<vmem>>, vector<1x16xf32>,
      %get3A_666 = arith.index_cast %scan3A_334 : i32 to index
      %get3A_667 = arith.constant 592 : index
      %get3A_668 = tpu.vector_load %arg7[%get3A_666, %get3A_667] {strides = array<i32>} : memref<32x768xf32, #tpu.memory_space<vmem>>, vector<1x16xf32>,
      %get3A_669 = vector.shape_cast %get3A_668 : vector<1x16xf32> to vector<16xf32>
      %swap3A_670 = arith.index_cast %scan3A_334 : i32 to index
      %swap3A_671 = arith.constant 592 : index
      %swap3A_672 = tpu.vector_load %arg5[%swap3A_670, %swap3A_671] {strides = array<i32>} : memref<32x768xf32, #tpu.memory_space<vmem>>, vector<1x16xf32>,
      %swap3A_673 = vector.shape_cast %swap3A_672 : vector<1x16xf32> to vector<16xf32>
      %swap3A_674 = vector.shape_cast %get3A_669 : vector<16xf32> to vector<1x16xf32>
      tpu.vector_store %arg5[%swap3A_670, %swap3A_671], %swap3A_674 {add = true, strides = array<i32>} : memref<32x768xf32, #tpu.memory_space<vmem>>, vector<1x16xf32>,
      %get3A_675 = arith.index_cast %scan3A_334 : i32 to index
      %get3A_676 = arith.constant 608 : index
      %get3A_677 = tpu.vector_load %arg7[%get3A_675, %get3A_676] {strides = array<i32>} : memref<32x768xf32, #tpu.memory_space<vmem>>, vector<1x16xf32>,
      %get3A_678 = vector.shape_cast %get3A_677 : vector<1x16xf32> to vector<16xf32>
      %swap3A_679 = arith.index_cast %scan3A_334 : i32 to index
      %swap3A_680 = arith.constant 608 : index
      %swap3A_681 = tpu.vector_load %arg5[%swap3A_679, %swap3A_680] {strides = array<i32>} : memref<32x768xf32, #tpu.memory_space<vmem>>, vector<1x16xf32>,
      %swap3A_682 = vector.shape_cast %swap3A_681 : vector<1x16xf32> to vector<16xf32>
      %swap3A_683 = vector.shape_cast %get3A_678 : vector<16xf32> to vector<1x16xf32>
      tpu.vector_store %arg5[%swap3A_679, %swap3A_680], %swap3A_683 {add = true, strides = array<i32>} : memref<32x768xf32, #tpu.memory_space<vmem>>, vector<1x16xf32>,
      %get3A_684 = arith.index_cast %scan3A_334 : i32 to index
      %get3A_685 = arith.constant 624 : index
      %get3A_686 = tpu.vector_load %arg7[%get3A_684, %get3A_685] {strides = array<i32>} : memref<32x768xf32, #tpu.memory_space<vmem>>, vector<1x16xf32>,
      %get3A_687 = vector.shape_cast %get3A_686 : vector<1x16xf32> to vector<16xf32>
      %swap3A_688 = arith.index_cast %scan3A_334 : i32 to index
      %swap3A_689 = arith.constant 624 : index
      %swap3A_690 = tpu.vector_load %arg5[%swap3A_688, %swap3A_689] {strides = array<i32>} : memref<32x768xf32, #tpu.memory_space<vmem>>, vector<1x16xf32>,
      %swap3A_691 = vector.shape_cast %swap3A_690 : vector<1x16xf32> to vector<16xf32>
      %swap3A_692 = vector.shape_cast %get3A_687 : vector<16xf32> to vector<1x16xf32>
      tpu.vector_store %arg5[%swap3A_688, %swap3A_689], %swap3A_692 {add = true, strides = array<i32>} : memref<32x768xf32, #tpu.memory_space<vmem>>, vector<1x16xf32>,
      %get3A_693 = arith.index_cast %scan3A_334 : i32 to index
      %get3A_694 = arith.constant 640 : index
      %get3A_695 = tpu.vector_load %arg7[%get3A_693, %get3A_694] {strides = array<i32>} : memref<32x768xf32, #tpu.memory_space<vmem>>, vector<1x16xf32>,
      %get3A_696 = vector.shape_cast %get3A_695 : vector<1x16xf32> to vector<16xf32>
      %swap3A_697 = arith.index_cast %scan3A_334 : i32 to index
      %swap3A_698 = arith.constant 640 : index
      %swap3A_699 = tpu.vector_load %arg5[%swap3A_697, %swap3A_698] {strides = array<i32>} : memref<32x768xf32, #tpu.memory_space<vmem>>, vector<1x16xf32>,
      %swap3A_700 = vector.shape_cast %swap3A_699 : vector<1x16xf32> to vector<16xf32>
      %swap3A_701 = vector.shape_cast %get3A_696 : vector<16xf32> to vector<1x16xf32>
      tpu.vector_store %arg5[%swap3A_697, %swap3A_698], %swap3A_701 {add = true, strides = array<i32>} : memref<32x768xf32, #tpu.memory_space<vmem>>, vector<1x16xf32>,
      %get3A_702 = arith.index_cast %scan3A_334 : i32 to index
      %get3A_703 = arith.constant 656 : index
      %get3A_704 = tpu.vector_load %arg7[%get3A_702, %get3A_703] {strides = array<i32>} : memref<32x768xf32, #tpu.memory_space<vmem>>, vector<1x16xf32>,
      %get3A_705 = vector.shape_cast %get3A_704 : vector<1x16xf32> to vector<16xf32>
      %swap3A_706 = arith.index_cast %scan3A_334 : i32 to index
      %swap3A_707 = arith.constant 656 : index
      %swap3A_708 = tpu.vector_load %arg5[%swap3A_706, %swap3A_707] {strides = array<i32>} : memref<32x768xf32, #tpu.memory_space<vmem>>, vector<1x16xf32>,
      %swap3A_709 = vector.shape_cast %swap3A_708 : vector<1x16xf32> to vector<16xf32>
      %swap3A_710 = vector.shape_cast %get3A_705 : vector<16xf32> to vector<1x16xf32>
      tpu.vector_store %arg5[%swap3A_706, %swap3A_707], %swap3A_710 {add = true, strides = array<i32>} : memref<32x768xf32, #tpu.memory_space<vmem>>, vector<1x16xf32>,
      %get3A_711 = arith.index_cast %scan3A_334 : i32 to index
      %get3A_712 = arith.constant 672 : index
      %get3A_713 = tpu.vector_load %arg7[%get3A_711, %get3A_712] {strides = array<i32>} : memref<32x768xf32, #tpu.memory_space<vmem>>, vector<1x16xf32>,
      %get3A_714 = vector.shape_cast %get3A_713 : vector<1x16xf32> to vector<16xf32>
      %swap3A_715 = arith.index_cast %scan3A_334 : i32 to index
      %swap3A_716 = arith.constant 672 : index
      %swap3A_717 = tpu.vector_load %arg5[%swap3A_715, %swap3A_716] {strides = array<i32>} : memref<32x768xf32, #tpu.memory_space<vmem>>, vector<1x16xf32>,
      %swap3A_718 = vector.shape_cast %swap3A_717 : vector<1x16xf32> to vector<16xf32>
      %swap3A_719 = vector.shape_cast %get3A_714 : vector<16xf32> to vector<1x16xf32>
      tpu.vector_store %arg5[%swap3A_715, %swap3A_716], %swap3A_719 {add = true, strides = array<i32>} : memref<32x768xf32, #tpu.memory_space<vmem>>, vector<1x16xf32>,
      %get3A_720 = arith.index_cast %scan3A_334 : i32 to index
      %get3A_721 = arith.constant 688 : index
      %get3A_722 = tpu.vector_load %arg7[%get3A_720, %get3A_721] {strides = array<i32>} : memref<32x768xf32, #tpu.memory_space<vmem>>, vector<1x16xf32>,
      %get3A_723 = vector.shape_cast %get3A_722 : vector<1x16xf32> to vector<16xf32>
      %swap3A_724 = arith.index_cast %scan3A_334 : i32 to index
      %swap3A_725 = arith.constant 688 : index
      %swap3A_726 = tpu.vector_load %arg5[%swap3A_724, %swap3A_725] {strides = array<i32>} : memref<32x768xf32, #tpu.memory_space<vmem>>, vector<1x16xf32>,
      %swap3A_727 = vector.shape_cast %swap3A_726 : vector<1x16xf32> to vector<16xf32>
      %swap3A_728 = vector.shape_cast %get3A_723 : vector<16xf32> to vector<1x16xf32>
      tpu.vector_store %arg5[%swap3A_724, %swap3A_725], %swap3A_728 {add = true, strides = array<i32>} : memref<32x768xf32, #tpu.memory_space<vmem>>, vector<1x16xf32>,
      %get3A_729 = arith.index_cast %scan3A_334 : i32 to index
      %get3A_730 = arith.constant 704 : index
      %get3A_731 = tpu.vector_load %arg7[%get3A_729, %get3A_730] {strides = array<i32>} : memref<32x768xf32, #tpu.memory_space<vmem>>, vector<1x16xf32>,
      %get3A_732 = vector.shape_cast %get3A_731 : vector<1x16xf32> to vector<16xf32>
      %swap3A_733 = arith.index_cast %scan3A_334 : i32 to index
      %swap3A_734 = arith.constant 704 : index
      %swap3A_735 = tpu.vector_load %arg5[%swap3A_733, %swap3A_734] {strides = array<i32>} : memref<32x768xf32, #tpu.memory_space<vmem>>, vector<1x16xf32>,
      %swap3A_736 = vector.shape_cast %swap3A_735 : vector<1x16xf32> to vector<16xf32>
      %swap3A_737 = vector.shape_cast %get3A_732 : vector<16xf32> to vector<1x16xf32>
      tpu.vector_store %arg5[%swap3A_733, %swap3A_734], %swap3A_737 {add = true, strides = array<i32>} : memref<32x768xf32, #tpu.memory_space<vmem>>, vector<1x16xf32>,
      %get3A_738 = arith.index_cast %scan3A_334 : i32 to index
      %get3A_739 = arith.constant 720 : index
      %get3A_740 = tpu.vector_load %arg7[%get3A_738, %get3A_739] {strides = array<i32>} : memref<32x768xf32, #tpu.memory_space<vmem>>, vector<1x16xf32>,
      %get3A_741 = vector.shape_cast %get3A_740 : vector<1x16xf32> to vector<16xf32>
      %swap3A_742 = arith.index_cast %scan3A_334 : i32 to index
      %swap3A_743 = arith.constant 720 : index
      %swap3A_744 = tpu.vector_load %arg5[%swap3A_742, %swap3A_743] {strides = array<i32>} : memref<32x768xf32, #tpu.memory_space<vmem>>, vector<1x16xf32>,
      %swap3A_745 = vector.shape_cast %swap3A_744 : vector<1x16xf32> to vector<16xf32>
      %swap3A_746 = vector.shape_cast %get3A_741 : vector<16xf32> to vector<1x16xf32>
      tpu.vector_store %arg5[%swap3A_742, %swap3A_743], %swap3A_746 {add = true, strides = array<i32>} : memref<32x768xf32, #tpu.memory_space<vmem>>, vector<1x16xf32>,
      %get3A_747 = arith.index_cast %scan3A_334 : i32 to index
      %get3A_748 = arith.constant 736 : index
      %get3A_749 = tpu.vector_load %arg7[%get3A_747, %get3A_748] {strides = array<i32>} : memref<32x768xf32, #tpu.memory_space<vmem>>, vector<1x16xf32>,
      %get3A_750 = vector.shape_cast %get3A_749 : vector<1x16xf32> to vector<16xf32>
      %swap3A_751 = arith.index_cast %scan3A_334 : i32 to index
      %swap3A_752 = arith.constant 736 : index
      %swap3A_753 = tpu.vector_load %arg5[%swap3A_751, %swap3A_752] {strides = array<i32>} : memref<32x768xf32, #tpu.memory_space<vmem>>, vector<1x16xf32>,
      %swap3A_754 = vector.shape_cast %swap3A_753 : vector<1x16xf32> to vector<16xf32>
      %swap3A_755 = vector.shape_cast %get3A_750 : vector<16xf32> to vector<1x16xf32>
      tpu.vector_store %arg5[%swap3A_751, %swap3A_752], %swap3A_755 {add = true, strides = array<i32>} : memref<32x768xf32, #tpu.memory_space<vmem>>, vector<1x16xf32>,
      %get3A_756 = arith.index_cast %scan3A_334 : i32 to index
      %get3A_757 = arith.constant 752 : index
      %get3A_758 = tpu.vector_load %arg7[%get3A_756, %get3A_757] {strides = array<i32>} : memref<32x768xf32, #tpu.memory_space<vmem>>, vector<1x16xf32>,
      %get3A_759 = vector.shape_cast %get3A_758 : vector<1x16xf32> to vector<16xf32>
      %swap3A_760 = arith.index_cast %scan3A_334 : i32 to index
      %swap3A_761 = arith.constant 752 : index
      %swap3A_762 = tpu.vector_load %arg5[%swap3A_760, %swap3A_761] {strides = array<i32>} : memref<32x768xf32, #tpu.memory_space<vmem>>, vector<1x16xf32>,
      %swap3A_763 = vector.shape_cast %swap3A_762 : vector<1x16xf32> to vector<16xf32>
      %swap3A_764 = vector.shape_cast %get3A_759 : vector<16xf32> to vector<1x16xf32>
      tpu.vector_store %arg5[%swap3A_760, %swap3A_761], %swap3A_764 {add = true, strides = array<i32>} : memref<32x768xf32, #tpu.memory_space<vmem>>, vector<1x16xf32>,
    }
    %scan3A_127 = arith.constant 32 : i32
    %add3A_128 = arith.constant 0 : i32
    %add3A_129 = arith.addi %add3A_128, %mul3A_2 : i32
    %add3A_130 = arith.constant 64 : i32
    %add3A_131 = arith.addi %add3A_129, %add3A_130 : i32
    %dma_start3A_132 = arith.constant 0 : i32
    %dma_start3A_133 = tpu.memref_slice %arg4[%add3A_131, %dma_start3A_132] : memref<8192x768xf32, #tpu.memory_space<hbm>> -> memref<32x768xf32, #tpu.memory_space<hbm>>
    %dma_start3A_134 = arith.constant 0 : i32
    %dma_start3A_135 = tpu.memref_slice %arg4[%add3A_131, %dma_start3A_134] : memref<8192x768xf32, #tpu.memory_space<hbm>> -> memref<32x768xf32, #tpu.memory_space<hbm>>
    tpu.enqueue_dma source(%arg5 : memref<32x768xf32, #tpu.memory_space<vmem>>) target(%dma_start3A_135 : memref<32x768xf32, #tpu.memory_space<hbm>>) target_semaphore(%arg13 : memref<!tpu.dma_semaphore, #tpu.memory_space<semaphore_mem>>)
    %dma_wait3A_136 = arith.constant 0 : i32
    %dma_wait3A_137 = tpu.memref_slice %arg3[%add3A_117, %dma_wait3A_136] : memref<8192x768xf32, #tpu.memory_space<hbm>> -> memref<32x768xf32, #tpu.memory_space<hbm>>
    %dma_wait3A_138 = arith.constant 0 : i32
    %dma_wait3A_139 = tpu.memref_slice %arg3[%add3A_117, %dma_wait3A_138] : memref<8192x768xf32, #tpu.memory_space<hbm>> -> memref<32x768xf32, #tpu.memory_space<hbm>>
    tpu.wait_dma2 semaphore(%arg12 : memref<!tpu.dma_semaphore, #tpu.memory_space<semaphore_mem>>) src(%dma_wait3A_139 : memref<32x768xf32, #tpu.memory_space<hbm>>) dst(%arg8 : memref<32x768xf32, #tpu.memory_space<vmem>>)
    %dma_wait3A_140 = arith.constant 0 : i32
    %dma_wait3A_141 = tpu.memref_slice %arg2[%add3A_111, %dma_wait3A_140] : memref<32768x768xf32, #tpu.memory_space<hbm>> -> memref<32x768xf32, #tpu.memory_space<hbm>>
    %dma_wait3A_142 = arith.constant 0 : i32
    %dma_wait3A_143 = tpu.memref_slice %arg2[%add3A_111, %dma_wait3A_142] : memref<32768x768xf32, #tpu.memory_space<hbm>> -> memref<32x768xf32, #tpu.memory_space<hbm>>
    tpu.wait_dma2 semaphore(%arg10 : memref<!tpu.dma_semaphore, #tpu.memory_space<semaphore_mem>>) src(%dma_wait3A_143 : memref<32x768xf32, #tpu.memory_space<hbm>>) dst(%arg6 : memref<32x768xf32, #tpu.memory_space<vmem>>)
    %dma_wait3A_144 = arith.constant 0 : i32
    %dma_wait3A_145 = tpu.memref_slice %arg4[%add3A_131, %dma_wait3A_144] : memref<8192x768xf32, #tpu.memory_space<hbm>> -> memref<32x768xf32, #tpu.memory_space<hbm>>
    %dma_wait3A_146 = arith.constant 0 : i32
    %dma_wait3A_147 = tpu.memref_slice %arg4[%add3A_131, %dma_wait3A_146] : memref<8192x768xf32, #tpu.memory_space<hbm>> -> memref<32x768xf32, #tpu.memory_space<hbm>>
    tpu.wait_dma2 semaphore(%arg13 : memref<!tpu.dma_semaphore, #tpu.memory_space<semaphore_mem>>) src(%arg5 : memref<32x768xf32, #tpu.memory_space<vmem>>) dst(%dma_wait3A_147 : memref<32x768xf32, #tpu.memory_space<hbm>>)
    %add3A_148 = arith.constant 0 : i32
    %add3A_149 = arith.addi %add3A_148, %mul3A_2 : i32
    %add3A_150 = arith.constant 128 : i32
    %add3A_151 = arith.addi %add3A_149, %add3A_150 : i32
    %add3A_152 = arith.constant 24576 : i32
    %add3A_153 = arith.addi %add3A_152, %add3A_151 : i32
    %dma_start3A_154 = arith.constant 0 : i32
    %dma_start3A_155 = tpu.memref_slice %arg2[%add3A_153, %dma_start3A_154] : memref<32768x768xf32, #tpu.memory_space<hbm>> -> memref<32x768xf32, #tpu.memory_space<hbm>>
    %dma_start3A_156 = arith.constant 0 : i32
    %dma_start3A_157 = tpu.memref_slice %arg2[%add3A_153, %dma_start3A_156] : memref<32768x768xf32, #tpu.memory_space<hbm>> -> memref<32x768xf32, #tpu.memory_space<hbm>>
    tpu.enqueue_dma source(%dma_start3A_157 : memref<32x768xf32, #tpu.memory_space<hbm>>) target(%arg5 : memref<32x768xf32, #tpu.memory_space<vmem>>) target_semaphore(%arg9 : memref<!tpu.dma_semaphore, #tpu.memory_space<semaphore_mem>>)
    %add3A_158 = arith.constant 128 : i32
    %add3A_159 = arith.addi %mul3A_2, %add3A_158 : i32
    %dma_start3A_160 = arith.constant 0 : i32
    %dma_start3A_161 = tpu.memref_slice %arg3[%add3A_159, %dma_start3A_160] : memref<8192x768xf32, #tpu.memory_space<hbm>> -> memref<32x768xf32, #tpu.memory_space<hbm>>
    %dma_start3A_162 = arith.constant 0 : i32
    %dma_start3A_163 = tpu.memref_slice %arg3[%add3A_159, %dma_start3A_162] : memref<8192x768xf32, #tpu.memory_space<hbm>> -> memref<32x768xf32, #tpu.memory_space<hbm>>
    tpu.enqueue_dma source(%dma_start3A_163 : memref<32x768xf32, #tpu.memory_space<hbm>>) target(%arg7 : memref<32x768xf32, #tpu.memory_space<vmem>>) target_semaphore(%arg11 : memref<!tpu.dma_semaphore, #tpu.memory_space<semaphore_mem>>)
    %scan3A_164 = arith.constant 0 : i32
    %scan3A_165 = arith.constant 0 : i32
    %scan3A_166 = arith.constant 32 : i32
    %scan3A_167 = arith.addi %scan3A_165, %scan3A_166 : i32
    %scan3A_168 = arith.constant 1 : i32
    scf.for %scan3A_334 = %scan3A_165 to %scan3A_167 step %scan3A_168  : i32 {
      %get3A = arith.index_cast %scan3A_334 : i32 to index
      %get3A_335 = arith.constant 0 : index
      %get3A_336 = tpu.vector_load %arg8[%get3A, %get3A_335] {strides = array<i32>} : memref<32x768xf32, #tpu.memory_space<vmem>>, vector<1x16xf32>,
      %get3A_337 = vector.shape_cast %get3A_336 : vector<1x16xf32> to vector<16xf32>
      %swap3A = arith.index_cast %scan3A_334 : i32 to index
      %swap3A_338 = arith.constant 0 : index
      %swap3A_339 = tpu.vector_load %arg6[%swap3A, %swap3A_338] {strides = array<i32>} : memref<32x768xf32, #tpu.memory_space<vmem>>, vector<1x16xf32>,
      %swap3A_340 = vector.shape_cast %swap3A_339 : vector<1x16xf32> to vector<16xf32>
      %swap3A_341 = vector.shape_cast %get3A_337 : vector<16xf32> to vector<1x16xf32>
      tpu.vector_store %arg6[%swap3A, %swap3A_338], %swap3A_341 {add = true, strides = array<i32>} : memref<32x768xf32, #tpu.memory_space<vmem>>, vector<1x16xf32>,
      %get3A_342 = arith.index_cast %scan3A_334 : i32 to index
      %get3A_343 = arith.constant 16 : index
      %get3A_344 = tpu.vector_load %arg8[%get3A_342, %get3A_343] {strides = array<i32>} : memref<32x768xf32, #tpu.memory_space<vmem>>, vector<1x16xf32>,
      %get3A_345 = vector.shape_cast %get3A_344 : vector<1x16xf32> to vector<16xf32>
      %swap3A_346 = arith.index_cast %scan3A_334 : i32 to index
      %swap3A_347 = arith.constant 16 : index
      %swap3A_348 = tpu.vector_load %arg6[%swap3A_346, %swap3A_347] {strides = array<i32>} : memref<32x768xf32, #tpu.memory_space<vmem>>, vector<1x16xf32>,
      %swap3A_349 = vector.shape_cast %swap3A_348 : vector<1x16xf32> to vector<16xf32>
      %swap3A_350 = vector.shape_cast %get3A_345 : vector<16xf32> to vector<1x16xf32>
      tpu.vector_store %arg6[%swap3A_346, %swap3A_347], %swap3A_350 {add = true, strides = array<i32>} : memref<32x768xf32, #tpu.memory_space<vmem>>, vector<1x16xf32>,
      %get3A_351 = arith.index_cast %scan3A_334 : i32 to index
      %get3A_352 = arith.constant 32 : index
      %get3A_353 = tpu.vector_load %arg8[%get3A_351, %get3A_352] {strides = array<i32>} : memref<32x768xf32, #tpu.memory_space<vmem>>, vector<1x16xf32>,
      %get3A_354 = vector.shape_cast %get3A_353 : vector<1x16xf32> to vector<16xf32>
      %swap3A_355 = arith.index_cast %scan3A_334 : i32 to index
      %swap3A_356 = arith.constant 32 : index
      %swap3A_357 = tpu.vector_load %arg6[%swap3A_355, %swap3A_356] {strides = array<i32>} : memref<32x768xf32, #tpu.memory_space<vmem>>, vector<1x16xf32>,
      %swap3A_358 = vector.shape_cast %swap3A_357 : vector<1x16xf32> to vector<16xf32>
      %swap3A_359 = vector.shape_cast %get3A_354 : vector<16xf32> to vector<1x16xf32>
      tpu.vector_store %arg6[%swap3A_355, %swap3A_356], %swap3A_359 {add = true, strides = array<i32>} : memref<32x768xf32, #tpu.memory_space<vmem>>, vector<1x16xf32>,
      %get3A_360 = arith.index_cast %scan3A_334 : i32 to index
      %get3A_361 = arith.constant 48 : index
      %get3A_362 = tpu.vector_load %arg8[%get3A_360, %get3A_361] {strides = array<i32>} : memref<32x768xf32, #tpu.memory_space<vmem>>, vector<1x16xf32>,
      %get3A_363 = vector.shape_cast %get3A_362 : vector<1x16xf32> to vector<16xf32>
      %swap3A_364 = arith.index_cast %scan3A_334 : i32 to index
      %swap3A_365 = arith.constant 48 : index
      %swap3A_366 = tpu.vector_load %arg6[%swap3A_364, %swap3A_365] {strides = array<i32>} : memref<32x768xf32, #tpu.memory_space<vmem>>, vector<1x16xf32>,
      %swap3A_367 = vector.shape_cast %swap3A_366 : vector<1x16xf32> to vector<16xf32>
      %swap3A_368 = vector.shape_cast %get3A_363 : vector<16xf32> to vector<1x16xf32>
      tpu.vector_store %arg6[%swap3A_364, %swap3A_365], %swap3A_368 {add = true, strides = array<i32>} : memref<32x768xf32, #tpu.memory_space<vmem>>, vector<1x16xf32>,
      %get3A_369 = arith.index_cast %scan3A_334 : i32 to index
      %get3A_370 = arith.constant 64 : index
      %get3A_371 = tpu.vector_load %arg8[%get3A_369, %get3A_370] {strides = array<i32>} : memref<32x768xf32, #tpu.memory_space<vmem>>, vector<1x16xf32>,
      %get3A_372 = vector.shape_cast %get3A_371 : vector<1x16xf32> to vector<16xf32>
      %swap3A_373 = arith.index_cast %scan3A_334 : i32 to index
      %swap3A_374 = arith.constant 64 : index
      %swap3A_375 = tpu.vector_load %arg6[%swap3A_373, %swap3A_374] {strides = array<i32>} : memref<32x768xf32, #tpu.memory_space<vmem>>, vector<1x16xf32>,
      %swap3A_376 = vector.shape_cast %swap3A_375 : vector<1x16xf32> to vector<16xf32>
      %swap3A_377 = vector.shape_cast %get3A_372 : vector<16xf32> to vector<1x16xf32>
      tpu.vector_store %arg6[%swap3A_373, %swap3A_374], %swap3A_377 {add = true, strides = array<i32>} : memref<32x768xf32, #tpu.memory_space<vmem>>, vector<1x16xf32>,
      %get3A_378 = arith.index_cast %scan3A_334 : i32 to index
      %get3A_379 = arith.constant 80 : index
      %get3A_380 = tpu.vector_load %arg8[%get3A_378, %get3A_379] {strides = array<i32>} : memref<32x768xf32, #tpu.memory_space<vmem>>, vector<1x16xf32>,
      %get3A_381 = vector.shape_cast %get3A_380 : vector<1x16xf32> to vector<16xf32>
      %swap3A_382 = arith.index_cast %scan3A_334 : i32 to index
      %swap3A_383 = arith.constant 80 : index
      %swap3A_384 = tpu.vector_load %arg6[%swap3A_382, %swap3A_383] {strides = array<i32>} : memref<32x768xf32, #tpu.memory_space<vmem>>, vector<1x16xf32>,
      %swap3A_385 = vector.shape_cast %swap3A_384 : vector<1x16xf32> to vector<16xf32>
      %swap3A_386 = vector.shape_cast %get3A_381 : vector<16xf32> to vector<1x16xf32>
      tpu.vector_store %arg6[%swap3A_382, %swap3A_383], %swap3A_386 {add = true, strides = array<i32>} : memref<32x768xf32, #tpu.memory_space<vmem>>, vector<1x16xf32>,
      %get3A_387 = arith.index_cast %scan3A_334 : i32 to index
      %get3A_388 = arith.constant 96 : index
      %get3A_389 = tpu.vector_load %arg8[%get3A_387, %get3A_388] {strides = array<i32>} : memref<32x768xf32, #tpu.memory_space<vmem>>, vector<1x16xf32>,
      %get3A_390 = vector.shape_cast %get3A_389 : vector<1x16xf32> to vector<16xf32>
      %swap3A_391 = arith.index_cast %scan3A_334 : i32 to index
      %swap3A_392 = arith.constant 96 : index
      %swap3A_393 = tpu.vector_load %arg6[%swap3A_391, %swap3A_392] {strides = array<i32>} : memref<32x768xf32, #tpu.memory_space<vmem>>, vector<1x16xf32>,
      %swap3A_394 = vector.shape_cast %swap3A_393 : vector<1x16xf32> to vector<16xf32>
      %swap3A_395 = vector.shape_cast %get3A_390 : vector<16xf32> to vector<1x16xf32>
      tpu.vector_store %arg6[%swap3A_391, %swap3A_392], %swap3A_395 {add = true, strides = array<i32>} : memref<32x768xf32, #tpu.memory_space<vmem>>, vector<1x16xf32>,
      %get3A_396 = arith.index_cast %scan3A_334 : i32 to index
      %get3A_397 = arith.constant 112 : index
      %get3A_398 = tpu.vector_load %arg8[%get3A_396, %get3A_397] {strides = array<i32>} : memref<32x768xf32, #tpu.memory_space<vmem>>, vector<1x16xf32>,
      %get3A_399 = vector.shape_cast %get3A_398 : vector<1x16xf32> to vector<16xf32>
      %swap3A_400 = arith.index_cast %scan3A_334 : i32 to index
      %swap3A_401 = arith.constant 112 : index
      %swap3A_402 = tpu.vector_load %arg6[%swap3A_400, %swap3A_401] {strides = array<i32>} : memref<32x768xf32, #tpu.memory_space<vmem>>, vector<1x16xf32>,
      %swap3A_403 = vector.shape_cast %swap3A_402 : vector<1x16xf32> to vector<16xf32>
      %swap3A_404 = vector.shape_cast %get3A_399 : vector<16xf32> to vector<1x16xf32>
      tpu.vector_store %arg6[%swap3A_400, %swap3A_401], %swap3A_404 {add = true, strides = array<i32>} : memref<32x768xf32, #tpu.memory_space<vmem>>, vector<1x16xf32>,
      %get3A_405 = arith.index_cast %scan3A_334 : i32 to index
      %get3A_406 = arith.constant 128 : index
      %get3A_407 = tpu.vector_load %arg8[%get3A_405, %get3A_406] {strides = array<i32>} : memref<32x768xf32, #tpu.memory_space<vmem>>, vector<1x16xf32>,
      %get3A_408 = vector.shape_cast %get3A_407 : vector<1x16xf32> to vector<16xf32>
      %swap3A_409 = arith.index_cast %scan3A_334 : i32 to index
      %swap3A_410 = arith.constant 128 : index
      %swap3A_411 = tpu.vector_load %arg6[%swap3A_409, %swap3A_410] {strides = array<i32>} : memref<32x768xf32, #tpu.memory_space<vmem>>, vector<1x16xf32>,
      %swap3A_412 = vector.shape_cast %swap3A_411 : vector<1x16xf32> to vector<16xf32>
      %swap3A_413 = vector.shape_cast %get3A_408 : vector<16xf32> to vector<1x16xf32>
      tpu.vector_store %arg6[%swap3A_409, %swap3A_410], %swap3A_413 {add = true, strides = array<i32>} : memref<32x768xf32, #tpu.memory_space<vmem>>, vector<1x16xf32>,
      %get3A_414 = arith.index_cast %scan3A_334 : i32 to index
      %get3A_415 = arith.constant 144 : index
      %get3A_416 = tpu.vector_load %arg8[%get3A_414, %get3A_415] {strides = array<i32>} : memref<32x768xf32, #tpu.memory_space<vmem>>, vector<1x16xf32>,
      %get3A_417 = vector.shape_cast %get3A_416 : vector<1x16xf32> to vector<16xf32>
      %swap3A_418 = arith.index_cast %scan3A_334 : i32 to index
      %swap3A_419 = arith.constant 144 : index
      %swap3A_420 = tpu.vector_load %arg6[%swap3A_418, %swap3A_419] {strides = array<i32>} : memref<32x768xf32, #tpu.memory_space<vmem>>, vector<1x16xf32>,
      %swap3A_421 = vector.shape_cast %swap3A_420 : vector<1x16xf32> to vector<16xf32>
      %swap3A_422 = vector.shape_cast %get3A_417 : vector<16xf32> to vector<1x16xf32>
      tpu.vector_store %arg6[%swap3A_418, %swap3A_419], %swap3A_422 {add = true, strides = array<i32>} : memref<32x768xf32, #tpu.memory_space<vmem>>, vector<1x16xf32>,
      %get3A_423 = arith.index_cast %scan3A_334 : i32 to index
      %get3A_424 = arith.constant 160 : index
      %get3A_425 = tpu.vector_load %arg8[%get3A_423, %get3A_424] {strides = array<i32>} : memref<32x768xf32, #tpu.memory_space<vmem>>, vector<1x16xf32>,
      %get3A_426 = vector.shape_cast %get3A_425 : vector<1x16xf32> to vector<16xf32>
      %swap3A_427 = arith.index_cast %scan3A_334 : i32 to index
      %swap3A_428 = arith.constant 160 : index
      %swap3A_429 = tpu.vector_load %arg6[%swap3A_427, %swap3A_428] {strides = array<i32>} : memref<32x768xf32, #tpu.memory_space<vmem>>, vector<1x16xf32>,
      %swap3A_430 = vector.shape_cast %swap3A_429 : vector<1x16xf32> to vector<16xf32>
      %swap3A_431 = vector.shape_cast %get3A_426 : vector<16xf32> to vector<1x16xf32>
      tpu.vector_store %arg6[%swap3A_427, %swap3A_428], %swap3A_431 {add = true, strides = array<i32>} : memref<32x768xf32, #tpu.memory_space<vmem>>, vector<1x16xf32>,
      %get3A_432 = arith.index_cast %scan3A_334 : i32 to index
      %get3A_433 = arith.constant 176 : index
      %get3A_434 = tpu.vector_load %arg8[%get3A_432, %get3A_433] {strides = array<i32>} : memref<32x768xf32, #tpu.memory_space<vmem>>, vector<1x16xf32>,
      %get3A_435 = vector.shape_cast %get3A_434 : vector<1x16xf32> to vector<16xf32>
      %swap3A_436 = arith.index_cast %scan3A_334 : i32 to index
      %swap3A_437 = arith.constant 176 : index
      %swap3A_438 = tpu.vector_load %arg6[%swap3A_436, %swap3A_437] {strides = array<i32>} : memref<32x768xf32, #tpu.memory_space<vmem>>, vector<1x16xf32>,
      %swap3A_439 = vector.shape_cast %swap3A_438 : vector<1x16xf32> to vector<16xf32>
      %swap3A_440 = vector.shape_cast %get3A_435 : vector<16xf32> to vector<1x16xf32>
      tpu.vector_store %arg6[%swap3A_436, %swap3A_437], %swap3A_440 {add = true, strides = array<i32>} : memref<32x768xf32, #tpu.memory_space<vmem>>, vector<1x16xf32>,
      %get3A_441 = arith.index_cast %scan3A_334 : i32 to index
      %get3A_442 = arith.constant 192 : index
      %get3A_443 = tpu.vector_load %arg8[%get3A_441, %get3A_442] {strides = array<i32>} : memref<32x768xf32, #tpu.memory_space<vmem>>, vector<1x16xf32>,
      %get3A_444 = vector.shape_cast %get3A_443 : vector<1x16xf32> to vector<16xf32>
      %swap3A_445 = arith.index_cast %scan3A_334 : i32 to index
      %swap3A_446 = arith.constant 192 : index
      %swap3A_447 = tpu.vector_load %arg6[%swap3A_445, %swap3A_446] {strides = array<i32>} : memref<32x768xf32, #tpu.memory_space<vmem>>, vector<1x16xf32>,
      %swap3A_448 = vector.shape_cast %swap3A_447 : vector<1x16xf32> to vector<16xf32>
      %swap3A_449 = vector.shape_cast %get3A_444 : vector<16xf32> to vector<1x16xf32>
      tpu.vector_store %arg6[%swap3A_445, %swap3A_446], %swap3A_449 {add = true, strides = array<i32>} : memref<32x768xf32, #tpu.memory_space<vmem>>, vector<1x16xf32>,
      %get3A_450 = arith.index_cast %scan3A_334 : i32 to index
      %get3A_451 = arith.constant 208 : index
      %get3A_452 = tpu.vector_load %arg8[%get3A_450, %get3A_451] {strides = array<i32>} : memref<32x768xf32, #tpu.memory_space<vmem>>, vector<1x16xf32>,
      %get3A_453 = vector.shape_cast %get3A_452 : vector<1x16xf32> to vector<16xf32>
      %swap3A_454 = arith.index_cast %scan3A_334 : i32 to index
      %swap3A_455 = arith.constant 208 : index
      %swap3A_456 = tpu.vector_load %arg6[%swap3A_454, %swap3A_455] {strides = array<i32>} : memref<32x768xf32, #tpu.memory_space<vmem>>, vector<1x16xf32>,
      %swap3A_457 = vector.shape_cast %swap3A_456 : vector<1x16xf32> to vector<16xf32>
      %swap3A_458 = vector.shape_cast %get3A_453 : vector<16xf32> to vector<1x16xf32>
      tpu.vector_store %arg6[%swap3A_454, %swap3A_455], %swap3A_458 {add = true, strides = array<i32>} : memref<32x768xf32, #tpu.memory_space<vmem>>, vector<1x16xf32>,
      %get3A_459 = arith.index_cast %scan3A_334 : i32 to index
      %get3A_460 = arith.constant 224 : index
      %get3A_461 = tpu.vector_load %arg8[%get3A_459, %get3A_460] {strides = array<i32>} : memref<32x768xf32, #tpu.memory_space<vmem>>, vector<1x16xf32>,
      %get3A_462 = vector.shape_cast %get3A_461 : vector<1x16xf32> to vector<16xf32>
      %swap3A_463 = arith.index_cast %scan3A_334 : i32 to index
      %swap3A_464 = arith.constant 224 : index
      %swap3A_465 = tpu.vector_load %arg6[%swap3A_463, %swap3A_464] {strides = array<i32>} : memref<32x768xf32, #tpu.memory_space<vmem>>, vector<1x16xf32>,
      %swap3A_466 = vector.shape_cast %swap3A_465 : vector<1x16xf32> to vector<16xf32>
      %swap3A_467 = vector.shape_cast %get3A_462 : vector<16xf32> to vector<1x16xf32>
      tpu.vector_store %arg6[%swap3A_463, %swap3A_464], %swap3A_467 {add = true, strides = array<i32>} : memref<32x768xf32, #tpu.memory_space<vmem>>, vector<1x16xf32>,
      %get3A_468 = arith.index_cast %scan3A_334 : i32 to index
      %get3A_469 = arith.constant 240 : index
      %get3A_470 = tpu.vector_load %arg8[%get3A_468, %get3A_469] {strides = array<i32>} : memref<32x768xf32, #tpu.memory_space<vmem>>, vector<1x16xf32>,
      %get3A_471 = vector.shape_cast %get3A_470 : vector<1x16xf32> to vector<16xf32>
      %swap3A_472 = arith.index_cast %scan3A_334 : i32 to index
      %swap3A_473 = arith.constant 240 : index
      %swap3A_474 = tpu.vector_load %arg6[%swap3A_472, %swap3A_473] {strides = array<i32>} : memref<32x768xf32, #tpu.memory_space<vmem>>, vector<1x16xf32>,
      %swap3A_475 = vector.shape_cast %swap3A_474 : vector<1x16xf32> to vector<16xf32>
      %swap3A_476 = vector.shape_cast %get3A_471 : vector<16xf32> to vector<1x16xf32>
      tpu.vector_store %arg6[%swap3A_472, %swap3A_473], %swap3A_476 {add = true, strides = array<i32>} : memref<32x768xf32, #tpu.memory_space<vmem>>, vector<1x16xf32>,
      %get3A_477 = arith.index_cast %scan3A_334 : i32 to index
      %get3A_478 = arith.constant 256 : index
      %get3A_479 = tpu.vector_load %arg8[%get3A_477, %get3A_478] {strides = array<i32>} : memref<32x768xf32, #tpu.memory_space<vmem>>, vector<1x16xf32>,
      %get3A_480 = vector.shape_cast %get3A_479 : vector<1x16xf32> to vector<16xf32>
      %swap3A_481 = arith.index_cast %scan3A_334 : i32 to index
      %swap3A_482 = arith.constant 256 : index
      %swap3A_483 = tpu.vector_load %arg6[%swap3A_481, %swap3A_482] {strides = array<i32>} : memref<32x768xf32, #tpu.memory_space<vmem>>, vector<1x16xf32>,
      %swap3A_484 = vector.shape_cast %swap3A_483 : vector<1x16xf32> to vector<16xf32>
      %swap3A_485 = vector.shape_cast %get3A_480 : vector<16xf32> to vector<1x16xf32>
      tpu.vector_store %arg6[%swap3A_481, %swap3A_482], %swap3A_485 {add = true, strides = array<i32>} : memref<32x768xf32, #tpu.memory_space<vmem>>, vector<1x16xf32>,
      %get3A_486 = arith.index_cast %scan3A_334 : i32 to index
      %get3A_487 = arith.constant 272 : index
      %get3A_488 = tpu.vector_load %arg8[%get3A_486, %get3A_487] {strides = array<i32>} : memref<32x768xf32, #tpu.memory_space<vmem>>, vector<1x16xf32>,
      %get3A_489 = vector.shape_cast %get3A_488 : vector<1x16xf32> to vector<16xf32>
      %swap3A_490 = arith.index_cast %scan3A_334 : i32 to index
      %swap3A_491 = arith.constant 272 : index
      %swap3A_492 = tpu.vector_load %arg6[%swap3A_490, %swap3A_491] {strides = array<i32>} : memref<32x768xf32, #tpu.memory_space<vmem>>, vector<1x16xf32>,
      %swap3A_493 = vector.shape_cast %swap3A_492 : vector<1x16xf32> to vector<16xf32>
      %swap3A_494 = vector.shape_cast %get3A_489 : vector<16xf32> to vector<1x16xf32>
      tpu.vector_store %arg6[%swap3A_490, %swap3A_491], %swap3A_494 {add = true, strides = array<i32>} : memref<32x768xf32, #tpu.memory_space<vmem>>, vector<1x16xf32>,
      %get3A_495 = arith.index_cast %scan3A_334 : i32 to index
      %get3A_496 = arith.constant 288 : index
      %get3A_497 = tpu.vector_load %arg8[%get3A_495, %get3A_496] {strides = array<i32>} : memref<32x768xf32, #tpu.memory_space<vmem>>, vector<1x16xf32>,
      %get3A_498 = vector.shape_cast %get3A_497 : vector<1x16xf32> to vector<16xf32>
      %swap3A_499 = arith.index_cast %scan3A_334 : i32 to index
      %swap3A_500 = arith.constant 288 : index
      %swap3A_501 = tpu.vector_load %arg6[%swap3A_499, %swap3A_500] {strides = array<i32>} : memref<32x768xf32, #tpu.memory_space<vmem>>, vector<1x16xf32>,
      %swap3A_502 = vector.shape_cast %swap3A_501 : vector<1x16xf32> to vector<16xf32>
      %swap3A_503 = vector.shape_cast %get3A_498 : vector<16xf32> to vector<1x16xf32>
      tpu.vector_store %arg6[%swap3A_499, %swap3A_500], %swap3A_503 {add = true, strides = array<i32>} : memref<32x768xf32, #tpu.memory_space<vmem>>, vector<1x16xf32>,
      %get3A_504 = arith.index_cast %scan3A_334 : i32 to index
      %get3A_505 = arith.constant 304 : index
      %get3A_506 = tpu.vector_load %arg8[%get3A_504, %get3A_505] {strides = array<i32>} : memref<32x768xf32, #tpu.memory_space<vmem>>, vector<1x16xf32>,
      %get3A_507 = vector.shape_cast %get3A_506 : vector<1x16xf32> to vector<16xf32>
      %swap3A_508 = arith.index_cast %scan3A_334 : i32 to index
      %swap3A_509 = arith.constant 304 : index
      %swap3A_510 = tpu.vector_load %arg6[%swap3A_508, %swap3A_509] {strides = array<i32>} : memref<32x768xf32, #tpu.memory_space<vmem>>, vector<1x16xf32>,
      %swap3A_511 = vector.shape_cast %swap3A_510 : vector<1x16xf32> to vector<16xf32>
      %swap3A_512 = vector.shape_cast %get3A_507 : vector<16xf32> to vector<1x16xf32>
      tpu.vector_store %arg6[%swap3A_508, %swap3A_509], %swap3A_512 {add = true, strides = array<i32>} : memref<32x768xf32, #tpu.memory_space<vmem>>, vector<1x16xf32>,
      %get3A_513 = arith.index_cast %scan3A_334 : i32 to index
      %get3A_514 = arith.constant 320 : index
      %get3A_515 = tpu.vector_load %arg8[%get3A_513, %get3A_514] {strides = array<i32>} : memref<32x768xf32, #tpu.memory_space<vmem>>, vector<1x16xf32>,
      %get3A_516 = vector.shape_cast %get3A_515 : vector<1x16xf32> to vector<16xf32>
      %swap3A_517 = arith.index_cast %scan3A_334 : i32 to index
      %swap3A_518 = arith.constant 320 : index
      %swap3A_519 = tpu.vector_load %arg6[%swap3A_517, %swap3A_518] {strides = array<i32>} : memref<32x768xf32, #tpu.memory_space<vmem>>, vector<1x16xf32>,
      %swap3A_520 = vector.shape_cast %swap3A_519 : vector<1x16xf32> to vector<16xf32>
      %swap3A_521 = vector.shape_cast %get3A_516 : vector<16xf32> to vector<1x16xf32>
      tpu.vector_store %arg6[%swap3A_517, %swap3A_518], %swap3A_521 {add = true, strides = array<i32>} : memref<32x768xf32, #tpu.memory_space<vmem>>, vector<1x16xf32>,
      %get3A_522 = arith.index_cast %scan3A_334 : i32 to index
      %get3A_523 = arith.constant 336 : index
      %get3A_524 = tpu.vector_load %arg8[%get3A_522, %get3A_523] {strides = array<i32>} : memref<32x768xf32, #tpu.memory_space<vmem>>, vector<1x16xf32>,
      %get3A_525 = vector.shape_cast %get3A_524 : vector<1x16xf32> to vector<16xf32>
      %swap3A_526 = arith.index_cast %scan3A_334 : i32 to index
      %swap3A_527 = arith.constant 336 : index
      %swap3A_528 = tpu.vector_load %arg6[%swap3A_526, %swap3A_527] {strides = array<i32>} : memref<32x768xf32, #tpu.memory_space<vmem>>, vector<1x16xf32>,
      %swap3A_529 = vector.shape_cast %swap3A_528 : vector<1x16xf32> to vector<16xf32>
      %swap3A_530 = vector.shape_cast %get3A_525 : vector<16xf32> to vector<1x16xf32>
      tpu.vector_store %arg6[%swap3A_526, %swap3A_527], %swap3A_530 {add = true, strides = array<i32>} : memref<32x768xf32, #tpu.memory_space<vmem>>, vector<1x16xf32>,
      %get3A_531 = arith.index_cast %scan3A_334 : i32 to index
      %get3A_532 = arith.constant 352 : index
      %get3A_533 = tpu.vector_load %arg8[%get3A_531, %get3A_532] {strides = array<i32>} : memref<32x768xf32, #tpu.memory_space<vmem>>, vector<1x16xf32>,
      %get3A_534 = vector.shape_cast %get3A_533 : vector<1x16xf32> to vector<16xf32>
      %swap3A_535 = arith.index_cast %scan3A_334 : i32 to index
      %swap3A_536 = arith.constant 352 : index
      %swap3A_537 = tpu.vector_load %arg6[%swap3A_535, %swap3A_536] {strides = array<i32>} : memref<32x768xf32, #tpu.memory_space<vmem>>, vector<1x16xf32>,
      %swap3A_538 = vector.shape_cast %swap3A_537 : vector<1x16xf32> to vector<16xf32>
      %swap3A_539 = vector.shape_cast %get3A_534 : vector<16xf32> to vector<1x16xf32>
      tpu.vector_store %arg6[%swap3A_535, %swap3A_536], %swap3A_539 {add = true, strides = array<i32>} : memref<32x768xf32, #tpu.memory_space<vmem>>, vector<1x16xf32>,
      %get3A_540 = arith.index_cast %scan3A_334 : i32 to index
      %get3A_541 = arith.constant 368 : index
      %get3A_542 = tpu.vector_load %arg8[%get3A_540, %get3A_541] {strides = array<i32>} : memref<32x768xf32, #tpu.memory_space<vmem>>, vector<1x16xf32>,
      %get3A_543 = vector.shape_cast %get3A_542 : vector<1x16xf32> to vector<16xf32>
      %swap3A_544 = arith.index_cast %scan3A_334 : i32 to index
      %swap3A_545 = arith.constant 368 : index
      %swap3A_546 = tpu.vector_load %arg6[%swap3A_544, %swap3A_545] {strides = array<i32>} : memref<32x768xf32, #tpu.memory_space<vmem>>, vector<1x16xf32>,
      %swap3A_547 = vector.shape_cast %swap3A_546 : vector<1x16xf32> to vector<16xf32>
      %swap3A_548 = vector.shape_cast %get3A_543 : vector<16xf32> to vector<1x16xf32>
      tpu.vector_store %arg6[%swap3A_544, %swap3A_545], %swap3A_548 {add = true, strides = array<i32>} : memref<32x768xf32, #tpu.memory_space<vmem>>, vector<1x16xf32>,
      %get3A_549 = arith.index_cast %scan3A_334 : i32 to index
      %get3A_550 = arith.constant 384 : index
      %get3A_551 = tpu.vector_load %arg8[%get3A_549, %get3A_550] {strides = array<i32>} : memref<32x768xf32, #tpu.memory_space<vmem>>, vector<1x16xf32>,
      %get3A_552 = vector.shape_cast %get3A_551 : vector<1x16xf32> to vector<16xf32>
      %swap3A_553 = arith.index_cast %scan3A_334 : i32 to index
      %swap3A_554 = arith.constant 384 : index
      %swap3A_555 = tpu.vector_load %arg6[%swap3A_553, %swap3A_554] {strides = array<i32>} : memref<32x768xf32, #tpu.memory_space<vmem>>, vector<1x16xf32>,
      %swap3A_556 = vector.shape_cast %swap3A_555 : vector<1x16xf32> to vector<16xf32>
      %swap3A_557 = vector.shape_cast %get3A_552 : vector<16xf32> to vector<1x16xf32>
      tpu.vector_store %arg6[%swap3A_553, %swap3A_554], %swap3A_557 {add = true, strides = array<i32>} : memref<32x768xf32, #tpu.memory_space<vmem>>, vector<1x16xf32>,
      %get3A_558 = arith.index_cast %scan3A_334 : i32 to index
      %get3A_559 = arith.constant 400 : index
      %get3A_560 = tpu.vector_load %arg8[%get3A_558, %get3A_559] {strides = array<i32>} : memref<32x768xf32, #tpu.memory_space<vmem>>, vector<1x16xf32>,
      %get3A_561 = vector.shape_cast %get3A_560 : vector<1x16xf32> to vector<16xf32>
      %swap3A_562 = arith.index_cast %scan3A_334 : i32 to index
      %swap3A_563 = arith.constant 400 : index
      %swap3A_564 = tpu.vector_load %arg6[%swap3A_562, %swap3A_563] {strides = array<i32>} : memref<32x768xf32, #tpu.memory_space<vmem>>, vector<1x16xf32>,
      %swap3A_565 = vector.shape_cast %swap3A_564 : vector<1x16xf32> to vector<16xf32>
      %swap3A_566 = vector.shape_cast %get3A_561 : vector<16xf32> to vector<1x16xf32>
      tpu.vector_store %arg6[%swap3A_562, %swap3A_563], %swap3A_566 {add = true, strides = array<i32>} : memref<32x768xf32, #tpu.memory_space<vmem>>, vector<1x16xf32>,
      %get3A_567 = arith.index_cast %scan3A_334 : i32 to index
      %get3A_568 = arith.constant 416 : index
      %get3A_569 = tpu.vector_load %arg8[%get3A_567, %get3A_568] {strides = array<i32>} : memref<32x768xf32, #tpu.memory_space<vmem>>, vector<1x16xf32>,
      %get3A_570 = vector.shape_cast %get3A_569 : vector<1x16xf32> to vector<16xf32>
      %swap3A_571 = arith.index_cast %scan3A_334 : i32 to index
      %swap3A_572 = arith.constant 416 : index
      %swap3A_573 = tpu.vector_load %arg6[%swap3A_571, %swap3A_572] {strides = array<i32>} : memref<32x768xf32, #tpu.memory_space<vmem>>, vector<1x16xf32>,
      %swap3A_574 = vector.shape_cast %swap3A_573 : vector<1x16xf32> to vector<16xf32>
      %swap3A_575 = vector.shape_cast %get3A_570 : vector<16xf32> to vector<1x16xf32>
      tpu.vector_store %arg6[%swap3A_571, %swap3A_572], %swap3A_575 {add = true, strides = array<i32>} : memref<32x768xf32, #tpu.memory_space<vmem>>, vector<1x16xf32>,
      %get3A_576 = arith.index_cast %scan3A_334 : i32 to index
      %get3A_577 = arith.constant 432 : index
      %get3A_578 = tpu.vector_load %arg8[%get3A_576, %get3A_577] {strides = array<i32>} : memref<32x768xf32, #tpu.memory_space<vmem>>, vector<1x16xf32>,
      %get3A_579 = vector.shape_cast %get3A_578 : vector<1x16xf32> to vector<16xf32>
      %swap3A_580 = arith.index_cast %scan3A_334 : i32 to index
      %swap3A_581 = arith.constant 432 : index
      %swap3A_582 = tpu.vector_load %arg6[%swap3A_580, %swap3A_581] {strides = array<i32>} : memref<32x768xf32, #tpu.memory_space<vmem>>, vector<1x16xf32>,
      %swap3A_583 = vector.shape_cast %swap3A_582 : vector<1x16xf32> to vector<16xf32>
      %swap3A_584 = vector.shape_cast %get3A_579 : vector<16xf32> to vector<1x16xf32>
      tpu.vector_store %arg6[%swap3A_580, %swap3A_581], %swap3A_584 {add = true, strides = array<i32>} : memref<32x768xf32, #tpu.memory_space<vmem>>, vector<1x16xf32>,
      %get3A_585 = arith.index_cast %scan3A_334 : i32 to index
      %get3A_586 = arith.constant 448 : index
      %get3A_587 = tpu.vector_load %arg8[%get3A_585, %get3A_586] {strides = array<i32>} : memref<32x768xf32, #tpu.memory_space<vmem>>, vector<1x16xf32>,
      %get3A_588 = vector.shape_cast %get3A_587 : vector<1x16xf32> to vector<16xf32>
      %swap3A_589 = arith.index_cast %scan3A_334 : i32 to index
      %swap3A_590 = arith.constant 448 : index
      %swap3A_591 = tpu.vector_load %arg6[%swap3A_589, %swap3A_590] {strides = array<i32>} : memref<32x768xf32, #tpu.memory_space<vmem>>, vector<1x16xf32>,
      %swap3A_592 = vector.shape_cast %swap3A_591 : vector<1x16xf32> to vector<16xf32>
      %swap3A_593 = vector.shape_cast %get3A_588 : vector<16xf32> to vector<1x16xf32>
      tpu.vector_store %arg6[%swap3A_589, %swap3A_590], %swap3A_593 {add = true, strides = array<i32>} : memref<32x768xf32, #tpu.memory_space<vmem>>, vector<1x16xf32>,
      %get3A_594 = arith.index_cast %scan3A_334 : i32 to index
      %get3A_595 = arith.constant 464 : index
      %get3A_596 = tpu.vector_load %arg8[%get3A_594, %get3A_595] {strides = array<i32>} : memref<32x768xf32, #tpu.memory_space<vmem>>, vector<1x16xf32>,
      %get3A_597 = vector.shape_cast %get3A_596 : vector<1x16xf32> to vector<16xf32>
      %swap3A_598 = arith.index_cast %scan3A_334 : i32 to index
      %swap3A_599 = arith.constant 464 : index
      %swap3A_600 = tpu.vector_load %arg6[%swap3A_598, %swap3A_599] {strides = array<i32>} : memref<32x768xf32, #tpu.memory_space<vmem>>, vector<1x16xf32>,
      %swap3A_601 = vector.shape_cast %swap3A_600 : vector<1x16xf32> to vector<16xf32>
      %swap3A_602 = vector.shape_cast %get3A_597 : vector<16xf32> to vector<1x16xf32>
      tpu.vector_store %arg6[%swap3A_598, %swap3A_599], %swap3A_602 {add = true, strides = array<i32>} : memref<32x768xf32, #tpu.memory_space<vmem>>, vector<1x16xf32>,
      %get3A_603 = arith.index_cast %scan3A_334 : i32 to index
      %get3A_604 = arith.constant 480 : index
      %get3A_605 = tpu.vector_load %arg8[%get3A_603, %get3A_604] {strides = array<i32>} : memref<32x768xf32, #tpu.memory_space<vmem>>, vector<1x16xf32>,
      %get3A_606 = vector.shape_cast %get3A_605 : vector<1x16xf32> to vector<16xf32>
      %swap3A_607 = arith.index_cast %scan3A_334 : i32 to index
      %swap3A_608 = arith.constant 480 : index
      %swap3A_609 = tpu.vector_load %arg6[%swap3A_607, %swap3A_608] {strides = array<i32>} : memref<32x768xf32, #tpu.memory_space<vmem>>, vector<1x16xf32>,
      %swap3A_610 = vector.shape_cast %swap3A_609 : vector<1x16xf32> to vector<16xf32>
      %swap3A_611 = vector.shape_cast %get3A_606 : vector<16xf32> to vector<1x16xf32>
      tpu.vector_store %arg6[%swap3A_607, %swap3A_608], %swap3A_611 {add = true, strides = array<i32>} : memref<32x768xf32, #tpu.memory_space<vmem>>, vector<1x16xf32>,
      %get3A_612 = arith.index_cast %scan3A_334 : i32 to index
      %get3A_613 = arith.constant 496 : index
      %get3A_614 = tpu.vector_load %arg8[%get3A_612, %get3A_613] {strides = array<i32>} : memref<32x768xf32, #tpu.memory_space<vmem>>, vector<1x16xf32>,
      %get3A_615 = vector.shape_cast %get3A_614 : vector<1x16xf32> to vector<16xf32>
      %swap3A_616 = arith.index_cast %scan3A_334 : i32 to index
      %swap3A_617 = arith.constant 496 : index
      %swap3A_618 = tpu.vector_load %arg6[%swap3A_616, %swap3A_617] {strides = array<i32>} : memref<32x768xf32, #tpu.memory_space<vmem>>, vector<1x16xf32>,
      %swap3A_619 = vector.shape_cast %swap3A_618 : vector<1x16xf32> to vector<16xf32>
      %swap3A_620 = vector.shape_cast %get3A_615 : vector<16xf32> to vector<1x16xf32>
      tpu.vector_store %arg6[%swap3A_616, %swap3A_617], %swap3A_620 {add = true, strides = array<i32>} : memref<32x768xf32, #tpu.memory_space<vmem>>, vector<1x16xf32>,
      %get3A_621 = arith.index_cast %scan3A_334 : i32 to index
      %get3A_622 = arith.constant 512 : index
      %get3A_623 = tpu.vector_load %arg8[%get3A_621, %get3A_622] {strides = array<i32>} : memref<32x768xf32, #tpu.memory_space<vmem>>, vector<1x16xf32>,
      %get3A_624 = vector.shape_cast %get3A_623 : vector<1x16xf32> to vector<16xf32>
      %swap3A_625 = arith.index_cast %scan3A_334 : i32 to index
      %swap3A_626 = arith.constant 512 : index
      %swap3A_627 = tpu.vector_load %arg6[%swap3A_625, %swap3A_626] {strides = array<i32>} : memref<32x768xf32, #tpu.memory_space<vmem>>, vector<1x16xf32>,
      %swap3A_628 = vector.shape_cast %swap3A_627 : vector<1x16xf32> to vector<16xf32>
      %swap3A_629 = vector.shape_cast %get3A_624 : vector<16xf32> to vector<1x16xf32>
      tpu.vector_store %arg6[%swap3A_625, %swap3A_626], %swap3A_629 {add = true, strides = array<i32>} : memref<32x768xf32, #tpu.memory_space<vmem>>, vector<1x16xf32>,
      %get3A_630 = arith.index_cast %scan3A_334 : i32 to index
      %get3A_631 = arith.constant 528 : index
      %get3A_632 = tpu.vector_load %arg8[%get3A_630, %get3A_631] {strides = array<i32>} : memref<32x768xf32, #tpu.memory_space<vmem>>, vector<1x16xf32>,
      %get3A_633 = vector.shape_cast %get3A_632 : vector<1x16xf32> to vector<16xf32>
      %swap3A_634 = arith.index_cast %scan3A_334 : i32 to index
      %swap3A_635 = arith.constant 528 : index
      %swap3A_636 = tpu.vector_load %arg6[%swap3A_634, %swap3A_635] {strides = array<i32>} : memref<32x768xf32, #tpu.memory_space<vmem>>, vector<1x16xf32>,
      %swap3A_637 = vector.shape_cast %swap3A_636 : vector<1x16xf32> to vector<16xf32>
      %swap3A_638 = vector.shape_cast %get3A_633 : vector<16xf32> to vector<1x16xf32>
      tpu.vector_store %arg6[%swap3A_634, %swap3A_635], %swap3A_638 {add = true, strides = array<i32>} : memref<32x768xf32, #tpu.memory_space<vmem>>, vector<1x16xf32>,
      %get3A_639 = arith.index_cast %scan3A_334 : i32 to index
      %get3A_640 = arith.constant 544 : index
      %get3A_641 = tpu.vector_load %arg8[%get3A_639, %get3A_640] {strides = array<i32>} : memref<32x768xf32, #tpu.memory_space<vmem>>, vector<1x16xf32>,
      %get3A_642 = vector.shape_cast %get3A_641 : vector<1x16xf32> to vector<16xf32>
      %swap3A_643 = arith.index_cast %scan3A_334 : i32 to index
      %swap3A_644 = arith.constant 544 : index
      %swap3A_645 = tpu.vector_load %arg6[%swap3A_643, %swap3A_644] {strides = array<i32>} : memref<32x768xf32, #tpu.memory_space<vmem>>, vector<1x16xf32>,
      %swap3A_646 = vector.shape_cast %swap3A_645 : vector<1x16xf32> to vector<16xf32>
      %swap3A_647 = vector.shape_cast %get3A_642 : vector<16xf32> to vector<1x16xf32>
      tpu.vector_store %arg6[%swap3A_643, %swap3A_644], %swap3A_647 {add = true, strides = array<i32>} : memref<32x768xf32, #tpu.memory_space<vmem>>, vector<1x16xf32>,
      %get3A_648 = arith.index_cast %scan3A_334 : i32 to index
      %get3A_649 = arith.constant 560 : index
      %get3A_650 = tpu.vector_load %arg8[%get3A_648, %get3A_649] {strides = array<i32>} : memref<32x768xf32, #tpu.memory_space<vmem>>, vector<1x16xf32>,
      %get3A_651 = vector.shape_cast %get3A_650 : vector<1x16xf32> to vector<16xf32>
      %swap3A_652 = arith.index_cast %scan3A_334 : i32 to index
      %swap3A_653 = arith.constant 560 : index
      %swap3A_654 = tpu.vector_load %arg6[%swap3A_652, %swap3A_653] {strides = array<i32>} : memref<32x768xf32, #tpu.memory_space<vmem>>, vector<1x16xf32>,
      %swap3A_655 = vector.shape_cast %swap3A_654 : vector<1x16xf32> to vector<16xf32>
      %swap3A_656 = vector.shape_cast %get3A_651 : vector<16xf32> to vector<1x16xf32>
      tpu.vector_store %arg6[%swap3A_652, %swap3A_653], %swap3A_656 {add = true, strides = array<i32>} : memref<32x768xf32, #tpu.memory_space<vmem>>, vector<1x16xf32>,
      %get3A_657 = arith.index_cast %scan3A_334 : i32 to index
      %get3A_658 = arith.constant 576 : index
      %get3A_659 = tpu.vector_load %arg8[%get3A_657, %get3A_658] {strides = array<i32>} : memref<32x768xf32, #tpu.memory_space<vmem>>, vector<1x16xf32>,
      %get3A_660 = vector.shape_cast %get3A_659 : vector<1x16xf32> to vector<16xf32>
      %swap3A_661 = arith.index_cast %scan3A_334 : i32 to index
      %swap3A_662 = arith.constant 576 : index
      %swap3A_663 = tpu.vector_load %arg6[%swap3A_661, %swap3A_662] {strides = array<i32>} : memref<32x768xf32, #tpu.memory_space<vmem>>, vector<1x16xf32>,
      %swap3A_664 = vector.shape_cast %swap3A_663 : vector<1x16xf32> to vector<16xf32>
      %swap3A_665 = vector.shape_cast %get3A_660 : vector<16xf32> to vector<1x16xf32>
      tpu.vector_store %arg6[%swap3A_661, %swap3A_662], %swap3A_665 {add = true, strides = array<i32>} : memref<32x768xf32, #tpu.memory_space<vmem>>, vector<1x16xf32>,
      %get3A_666 = arith.index_cast %scan3A_334 : i32 to index
      %get3A_667 = arith.constant 592 : index
      %get3A_668 = tpu.vector_load %arg8[%get3A_666, %get3A_667] {strides = array<i32>} : memref<32x768xf32, #tpu.memory_space<vmem>>, vector<1x16xf32>,
      %get3A_669 = vector.shape_cast %get3A_668 : vector<1x16xf32> to vector<16xf32>
      %swap3A_670 = arith.index_cast %scan3A_334 : i32 to index
      %swap3A_671 = arith.constant 592 : index
      %swap3A_672 = tpu.vector_load %arg6[%swap3A_670, %swap3A_671] {strides = array<i32>} : memref<32x768xf32, #tpu.memory_space<vmem>>, vector<1x16xf32>,
      %swap3A_673 = vector.shape_cast %swap3A_672 : vector<1x16xf32> to vector<16xf32>
      %swap3A_674 = vector.shape_cast %get3A_669 : vector<16xf32> to vector<1x16xf32>
      tpu.vector_store %arg6[%swap3A_670, %swap3A_671], %swap3A_674 {add = true, strides = array<i32>} : memref<32x768xf32, #tpu.memory_space<vmem>>, vector<1x16xf32>,
      %get3A_675 = arith.index_cast %scan3A_334 : i32 to index
      %get3A_676 = arith.constant 608 : index
      %get3A_677 = tpu.vector_load %arg8[%get3A_675, %get3A_676] {strides = array<i32>} : memref<32x768xf32, #tpu.memory_space<vmem>>, vector<1x16xf32>,
      %get3A_678 = vector.shape_cast %get3A_677 : vector<1x16xf32> to vector<16xf32>
      %swap3A_679 = arith.index_cast %scan3A_334 : i32 to index
      %swap3A_680 = arith.constant 608 : index
      %swap3A_681 = tpu.vector_load %arg6[%swap3A_679, %swap3A_680] {strides = array<i32>} : memref<32x768xf32, #tpu.memory_space<vmem>>, vector<1x16xf32>,
      %swap3A_682 = vector.shape_cast %swap3A_681 : vector<1x16xf32> to vector<16xf32>
      %swap3A_683 = vector.shape_cast %get3A_678 : vector<16xf32> to vector<1x16xf32>
      tpu.vector_store %arg6[%swap3A_679, %swap3A_680], %swap3A_683 {add = true, strides = array<i32>} : memref<32x768xf32, #tpu.memory_space<vmem>>, vector<1x16xf32>,
      %get3A_684 = arith.index_cast %scan3A_334 : i32 to index
      %get3A_685 = arith.constant 624 : index
      %get3A_686 = tpu.vector_load %arg8[%get3A_684, %get3A_685] {strides = array<i32>} : memref<32x768xf32, #tpu.memory_space<vmem>>, vector<1x16xf32>,
      %get3A_687 = vector.shape_cast %get3A_686 : vector<1x16xf32> to vector<16xf32>
      %swap3A_688 = arith.index_cast %scan3A_334 : i32 to index
      %swap3A_689 = arith.constant 624 : index
      %swap3A_690 = tpu.vector_load %arg6[%swap3A_688, %swap3A_689] {strides = array<i32>} : memref<32x768xf32, #tpu.memory_space<vmem>>, vector<1x16xf32>,
      %swap3A_691 = vector.shape_cast %swap3A_690 : vector<1x16xf32> to vector<16xf32>
      %swap3A_692 = vector.shape_cast %get3A_687 : vector<16xf32> to vector<1x16xf32>
      tpu.vector_store %arg6[%swap3A_688, %swap3A_689], %swap3A_692 {add = true, strides = array<i32>} : memref<32x768xf32, #tpu.memory_space<vmem>>, vector<1x16xf32>,
      %get3A_693 = arith.index_cast %scan3A_334 : i32 to index
      %get3A_694 = arith.constant 640 : index
      %get3A_695 = tpu.vector_load %arg8[%get3A_693, %get3A_694] {strides = array<i32>} : memref<32x768xf32, #tpu.memory_space<vmem>>, vector<1x16xf32>,
      %get3A_696 = vector.shape_cast %get3A_695 : vector<1x16xf32> to vector<16xf32>
      %swap3A_697 = arith.index_cast %scan3A_334 : i32 to index
      %swap3A_698 = arith.constant 640 : index
      %swap3A_699 = tpu.vector_load %arg6[%swap3A_697, %swap3A_698] {strides = array<i32>} : memref<32x768xf32, #tpu.memory_space<vmem>>, vector<1x16xf32>,
      %swap3A_700 = vector.shape_cast %swap3A_699 : vector<1x16xf32> to vector<16xf32>
      %swap3A_701 = vector.shape_cast %get3A_696 : vector<16xf32> to vector<1x16xf32>
      tpu.vector_store %arg6[%swap3A_697, %swap3A_698], %swap3A_701 {add = true, strides = array<i32>} : memref<32x768xf32, #tpu.memory_space<vmem>>, vector<1x16xf32>,
      %get3A_702 = arith.index_cast %scan3A_334 : i32 to index
      %get3A_703 = arith.constant 656 : index
      %get3A_704 = tpu.vector_load %arg8[%get3A_702, %get3A_703] {strides = array<i32>} : memref<32x768xf32, #tpu.memory_space<vmem>>, vector<1x16xf32>,
      %get3A_705 = vector.shape_cast %get3A_704 : vector<1x16xf32> to vector<16xf32>
      %swap3A_706 = arith.index_cast %scan3A_334 : i32 to index
      %swap3A_707 = arith.constant 656 : index
      %swap3A_708 = tpu.vector_load %arg6[%swap3A_706, %swap3A_707] {strides = array<i32>} : memref<32x768xf32, #tpu.memory_space<vmem>>, vector<1x16xf32>,
      %swap3A_709 = vector.shape_cast %swap3A_708 : vector<1x16xf32> to vector<16xf32>
      %swap3A_710 = vector.shape_cast %get3A_705 : vector<16xf32> to vector<1x16xf32>
      tpu.vector_store %arg6[%swap3A_706, %swap3A_707], %swap3A_710 {add = true, strides = array<i32>} : memref<32x768xf32, #tpu.memory_space<vmem>>, vector<1x16xf32>,
      %get3A_711 = arith.index_cast %scan3A_334 : i32 to index
      %get3A_712 = arith.constant 672 : index
      %get3A_713 = tpu.vector_load %arg8[%get3A_711, %get3A_712] {strides = array<i32>} : memref<32x768xf32, #tpu.memory_space<vmem>>, vector<1x16xf32>,
      %get3A_714 = vector.shape_cast %get3A_713 : vector<1x16xf32> to vector<16xf32>
      %swap3A_715 = arith.index_cast %scan3A_334 : i32 to index
      %swap3A_716 = arith.constant 672 : index
      %swap3A_717 = tpu.vector_load %arg6[%swap3A_715, %swap3A_716] {strides = array<i32>} : memref<32x768xf32, #tpu.memory_space<vmem>>, vector<1x16xf32>,
      %swap3A_718 = vector.shape_cast %swap3A_717 : vector<1x16xf32> to vector<16xf32>
      %swap3A_719 = vector.shape_cast %get3A_714 : vector<16xf32> to vector<1x16xf32>
      tpu.vector_store %arg6[%swap3A_715, %swap3A_716], %swap3A_719 {add = true, strides = array<i32>} : memref<32x768xf32, #tpu.memory_space<vmem>>, vector<1x16xf32>,
      %get3A_720 = arith.index_cast %scan3A_334 : i32 to index
      %get3A_721 = arith.constant 688 : index
      %get3A_722 = tpu.vector_load %arg8[%get3A_720, %get3A_721] {strides = array<i32>} : memref<32x768xf32, #tpu.memory_space<vmem>>, vector<1x16xf32>,
      %get3A_723 = vector.shape_cast %get3A_722 : vector<1x16xf32> to vector<16xf32>
      %swap3A_724 = arith.index_cast %scan3A_334 : i32 to index
      %swap3A_725 = arith.constant 688 : index
      %swap3A_726 = tpu.vector_load %arg6[%swap3A_724, %swap3A_725] {strides = array<i32>} : memref<32x768xf32, #tpu.memory_space<vmem>>, vector<1x16xf32>,
      %swap3A_727 = vector.shape_cast %swap3A_726 : vector<1x16xf32> to vector<16xf32>
      %swap3A_728 = vector.shape_cast %get3A_723 : vector<16xf32> to vector<1x16xf32>
      tpu.vector_store %arg6[%swap3A_724, %swap3A_725], %swap3A_728 {add = true, strides = array<i32>} : memref<32x768xf32, #tpu.memory_space<vmem>>, vector<1x16xf32>,
      %get3A_729 = arith.index_cast %scan3A_334 : i32 to index
      %get3A_730 = arith.constant 704 : index
      %get3A_731 = tpu.vector_load %arg8[%get3A_729, %get3A_730] {strides = array<i32>} : memref<32x768xf32, #tpu.memory_space<vmem>>, vector<1x16xf32>,
      %get3A_732 = vector.shape_cast %get3A_731 : vector<1x16xf32> to vector<16xf32>
      %swap3A_733 = arith.index_cast %scan3A_334 : i32 to index
      %swap3A_734 = arith.constant 704 : index
      %swap3A_735 = tpu.vector_load %arg6[%swap3A_733, %swap3A_734] {strides = array<i32>} : memref<32x768xf32, #tpu.memory_space<vmem>>, vector<1x16xf32>,
      %swap3A_736 = vector.shape_cast %swap3A_735 : vector<1x16xf32> to vector<16xf32>
      %swap3A_737 = vector.shape_cast %get3A_732 : vector<16xf32> to vector<1x16xf32>
      tpu.vector_store %arg6[%swap3A_733, %swap3A_734], %swap3A_737 {add = true, strides = array<i32>} : memref<32x768xf32, #tpu.memory_space<vmem>>, vector<1x16xf32>,
      %get3A_738 = arith.index_cast %scan3A_334 : i32 to index
      %get3A_739 = arith.constant 720 : index
      %get3A_740 = tpu.vector_load %arg8[%get3A_738, %get3A_739] {strides = array<i32>} : memref<32x768xf32, #tpu.memory_space<vmem>>, vector<1x16xf32>,
      %get3A_741 = vector.shape_cast %get3A_740 : vector<1x16xf32> to vector<16xf32>
      %swap3A_742 = arith.index_cast %scan3A_334 : i32 to index
      %swap3A_743 = arith.constant 720 : index
      %swap3A_744 = tpu.vector_load %arg6[%swap3A_742, %swap3A_743] {strides = array<i32>} : memref<32x768xf32, #tpu.memory_space<vmem>>, vector<1x16xf32>,
      %swap3A_745 = vector.shape_cast %swap3A_744 : vector<1x16xf32> to vector<16xf32>
      %swap3A_746 = vector.shape_cast %get3A_741 : vector<16xf32> to vector<1x16xf32>
      tpu.vector_store %arg6[%swap3A_742, %swap3A_743], %swap3A_746 {add = true, strides = array<i32>} : memref<32x768xf32, #tpu.memory_space<vmem>>, vector<1x16xf32>,
      %get3A_747 = arith.index_cast %scan3A_334 : i32 to index
      %get3A_748 = arith.constant 736 : index
      %get3A_749 = tpu.vector_load %arg8[%get3A_747, %get3A_748] {strides = array<i32>} : memref<32x768xf32, #tpu.memory_space<vmem>>, vector<1x16xf32>,
      %get3A_750 = vector.shape_cast %get3A_749 : vector<1x16xf32> to vector<16xf32>
      %swap3A_751 = arith.index_cast %scan3A_334 : i32 to index
      %swap3A_752 = arith.constant 736 : index
      %swap3A_753 = tpu.vector_load %arg6[%swap3A_751, %swap3A_752] {strides = array<i32>} : memref<32x768xf32, #tpu.memory_space<vmem>>, vector<1x16xf32>,
      %swap3A_754 = vector.shape_cast %swap3A_753 : vector<1x16xf32> to vector<16xf32>
      %swap3A_755 = vector.shape_cast %get3A_750 : vector<16xf32> to vector<1x16xf32>
      tpu.vector_store %arg6[%swap3A_751, %swap3A_752], %swap3A_755 {add = true, strides = array<i32>} : memref<32x768xf32, #tpu.memory_space<vmem>>, vector<1x16xf32>,
      %get3A_756 = arith.index_cast %scan3A_334 : i32 to index
      %get3A_757 = arith.constant 752 : index
      %get3A_758 = tpu.vector_load %arg8[%get3A_756, %get3A_757] {strides = array<i32>} : memref<32x768xf32, #tpu.memory_space<vmem>>, vector<1x16xf32>,
      %get3A_759 = vector.shape_cast %get3A_758 : vector<1x16xf32> to vector<16xf32>
      %swap3A_760 = arith.index_cast %scan3A_334 : i32 to index
      %swap3A_761 = arith.constant 752 : index
      %swap3A_762 = tpu.vector_load %arg6[%swap3A_760, %swap3A_761] {strides = array<i32>} : memref<32x768xf32, #tpu.memory_space<vmem>>, vector<1x16xf32>,
      %swap3A_763 = vector.shape_cast %swap3A_762 : vector<1x16xf32> to vector<16xf32>
      %swap3A_764 = vector.shape_cast %get3A_759 : vector<16xf32> to vector<1x16xf32>
      tpu.vector_store %arg6[%swap3A_760, %swap3A_761], %swap3A_764 {add = true, strides = array<i32>} : memref<32x768xf32, #tpu.memory_space<vmem>>, vector<1x16xf32>,
    }
    %scan3A_169 = arith.constant 32 : i32
    %add3A_170 = arith.constant 0 : i32
    %add3A_171 = arith.addi %add3A_170, %mul3A_2 : i32
    %add3A_172 = arith.constant 96 : i32
    %add3A_173 = arith.addi %add3A_171, %add3A_172 : i32
    %dma_start3A_174 = arith.constant 0 : i32
    %dma_start3A_175 = tpu.memref_slice %arg4[%add3A_173, %dma_start3A_174] : memref<8192x768xf32, #tpu.memory_space<hbm>> -> memref<32x768xf32, #tpu.memory_space<hbm>>
    %dma_start3A_176 = arith.constant 0 : i32
    %dma_start3A_177 = tpu.memref_slice %arg4[%add3A_173, %dma_start3A_176] : memref<8192x768xf32, #tpu.memory_space<hbm>> -> memref<32x768xf32, #tpu.memory_space<hbm>>
    tpu.enqueue_dma source(%arg6 : memref<32x768xf32, #tpu.memory_space<vmem>>) target(%dma_start3A_177 : memref<32x768xf32, #tpu.memory_space<hbm>>) target_semaphore(%arg14 : memref<!tpu.dma_semaphore, #tpu.memory_space<semaphore_mem>>)
    %dma_wait3A_178 = arith.constant 0 : i32
    %dma_wait3A_179 = tpu.memref_slice %arg3[%add3A_159, %dma_wait3A_178] : memref<8192x768xf32, #tpu.memory_space<hbm>> -> memref<32x768xf32, #tpu.memory_space<hbm>>
    %dma_wait3A_180 = arith.constant 0 : i32
    %dma_wait3A_181 = tpu.memref_slice %arg3[%add3A_159, %dma_wait3A_180] : memref<8192x768xf32, #tpu.memory_space<hbm>> -> memref<32x768xf32, #tpu.memory_space<hbm>>
    tpu.wait_dma2 semaphore(%arg11 : memref<!tpu.dma_semaphore, #tpu.memory_space<semaphore_mem>>) src(%dma_wait3A_181 : memref<32x768xf32, #tpu.memory_space<hbm>>) dst(%arg7 : memref<32x768xf32, #tpu.memory_space<vmem>>)
    %dma_wait3A_182 = arith.constant 0 : i32
    %dma_wait3A_183 = tpu.memref_slice %arg2[%add3A_153, %dma_wait3A_182] : memref<32768x768xf32, #tpu.memory_space<hbm>> -> memref<32x768xf32, #tpu.memory_space<hbm>>
    %dma_wait3A_184 = arith.constant 0 : i32
    %dma_wait3A_185 = tpu.memref_slice %arg2[%add3A_153, %dma_wait3A_184] : memref<32768x768xf32, #tpu.memory_space<hbm>> -> memref<32x768xf32, #tpu.memory_space<hbm>>
    tpu.wait_dma2 semaphore(%arg9 : memref<!tpu.dma_semaphore, #tpu.memory_space<semaphore_mem>>) src(%dma_wait3A_185 : memref<32x768xf32, #tpu.memory_space<hbm>>) dst(%arg5 : memref<32x768xf32, #tpu.memory_space<vmem>>)
    %dma_wait3A_186 = arith.constant 0 : i32
    %dma_wait3A_187 = tpu.memref_slice %arg4[%add3A_173, %dma_wait3A_186] : memref<8192x768xf32, #tpu.memory_space<hbm>> -> memref<32x768xf32, #tpu.memory_space<hbm>>
    %dma_wait3A_188 = arith.constant 0 : i32
    %dma_wait3A_189 = tpu.memref_slice %arg4[%add3A_173, %dma_wait3A_188] : memref<8192x768xf32, #tpu.memory_space<hbm>> -> memref<32x768xf32, #tpu.memory_space<hbm>>
    tpu.wait_dma2 semaphore(%arg14 : memref<!tpu.dma_semaphore, #tpu.memory_space<semaphore_mem>>) src(%arg6 : memref<32x768xf32, #tpu.memory_space<vmem>>) dst(%dma_wait3A_189 : memref<32x768xf32, #tpu.memory_space<hbm>>)
    %add3A_190 = arith.constant 0 : i32
    %add3A_191 = arith.addi %add3A_190, %mul3A_2 : i32
    %add3A_192 = arith.constant 160 : i32
    %add3A_193 = arith.addi %add3A_191, %add3A_192 : i32
    %add3A_194 = arith.constant 24576 : i32
    %add3A_195 = arith.addi %add3A_194, %add3A_193 : i32
    %dma_start3A_196 = arith.constant 0 : i32
    %dma_start3A_197 = tpu.memref_slice %arg2[%add3A_195, %dma_start3A_196] : memref<32768x768xf32, #tpu.memory_space<hbm>> -> memref<32x768xf32, #tpu.memory_space<hbm>>
    %dma_start3A_198 = arith.constant 0 : i32
    %dma_start3A_199 = tpu.memref_slice %arg2[%add3A_195, %dma_start3A_198] : memref<32768x768xf32, #tpu.memory_space<hbm>> -> memref<32x768xf32, #tpu.memory_space<hbm>>
    tpu.enqueue_dma source(%dma_start3A_199 : memref<32x768xf32, #tpu.memory_space<hbm>>) target(%arg6 : memref<32x768xf32, #tpu.memory_space<vmem>>) target_semaphore(%arg10 : memref<!tpu.dma_semaphore, #tpu.memory_space<semaphore_mem>>)
    %add3A_200 = arith.constant 160 : i32
    %add3A_201 = arith.addi %mul3A_2, %add3A_200 : i32
    %dma_start3A_202 = arith.constant 0 : i32
    %dma_start3A_203 = tpu.memref_slice %arg3[%add3A_201, %dma_start3A_202] : memref<8192x768xf32, #tpu.memory_space<hbm>> -> memref<32x768xf32, #tpu.memory_space<hbm>>
    %dma_start3A_204 = arith.constant 0 : i32
    %dma_start3A_205 = tpu.memref_slice %arg3[%add3A_201, %dma_start3A_204] : memref<8192x768xf32, #tpu.memory_space<hbm>> -> memref<32x768xf32, #tpu.memory_space<hbm>>
    tpu.enqueue_dma source(%dma_start3A_205 : memref<32x768xf32, #tpu.memory_space<hbm>>) target(%arg8 : memref<32x768xf32, #tpu.memory_space<vmem>>) target_semaphore(%arg12 : memref<!tpu.dma_semaphore, #tpu.memory_space<semaphore_mem>>)
    %scan3A_206 = arith.constant 0 : i32
    %scan3A_207 = arith.constant 0 : i32
    %scan3A_208 = arith.constant 32 : i32
    %scan3A_209 = arith.addi %scan3A_207, %scan3A_208 : i32
    %scan3A_210 = arith.constant 1 : i32
    scf.for %scan3A_334 = %scan3A_207 to %scan3A_209 step %scan3A_210  : i32 {
      %get3A = arith.index_cast %scan3A_334 : i32 to index
      %get3A_335 = arith.constant 0 : index
      %get3A_336 = tpu.vector_load %arg7[%get3A, %get3A_335] {strides = array<i32>} : memref<32x768xf32, #tpu.memory_space<vmem>>, vector<1x16xf32>,
      %get3A_337 = vector.shape_cast %get3A_336 : vector<1x16xf32> to vector<16xf32>
      %swap3A = arith.index_cast %scan3A_334 : i32 to index
      %swap3A_338 = arith.constant 0 : index
      %swap3A_339 = tpu.vector_load %arg5[%swap3A, %swap3A_338] {strides = array<i32>} : memref<32x768xf32, #tpu.memory_space<vmem>>, vector<1x16xf32>,
      %swap3A_340 = vector.shape_cast %swap3A_339 : vector<1x16xf32> to vector<16xf32>
      %swap3A_341 = vector.shape_cast %get3A_337 : vector<16xf32> to vector<1x16xf32>
      tpu.vector_store %arg5[%swap3A, %swap3A_338], %swap3A_341 {add = true, strides = array<i32>} : memref<32x768xf32, #tpu.memory_space<vmem>>, vector<1x16xf32>,
      %get3A_342 = arith.index_cast %scan3A_334 : i32 to index
      %get3A_343 = arith.constant 16 : index
      %get3A_344 = tpu.vector_load %arg7[%get3A_342, %get3A_343] {strides = array<i32>} : memref<32x768xf32, #tpu.memory_space<vmem>>, vector<1x16xf32>,
      %get3A_345 = vector.shape_cast %get3A_344 : vector<1x16xf32> to vector<16xf32>
      %swap3A_346 = arith.index_cast %scan3A_334 : i32 to index
      %swap3A_347 = arith.constant 16 : index
      %swap3A_348 = tpu.vector_load %arg5[%swap3A_346, %swap3A_347] {strides = array<i32>} : memref<32x768xf32, #tpu.memory_space<vmem>>, vector<1x16xf32>,
      %swap3A_349 = vector.shape_cast %swap3A_348 : vector<1x16xf32> to vector<16xf32>
      %swap3A_350 = vector.shape_cast %get3A_345 : vector<16xf32> to vector<1x16xf32>
      tpu.vector_store %arg5[%swap3A_346, %swap3A_347], %swap3A_350 {add = true, strides = array<i32>} : memref<32x768xf32, #tpu.memory_space<vmem>>, vector<1x16xf32>,
      %get3A_351 = arith.index_cast %scan3A_334 : i32 to index
      %get3A_352 = arith.constant 32 : index
      %get3A_353 = tpu.vector_load %arg7[%get3A_351, %get3A_352] {strides = array<i32>} : memref<32x768xf32, #tpu.memory_space<vmem>>, vector<1x16xf32>,
      %get3A_354 = vector.shape_cast %get3A_353 : vector<1x16xf32> to vector<16xf32>
      %swap3A_355 = arith.index_cast %scan3A_334 : i32 to index
      %swap3A_356 = arith.constant 32 : index
      %swap3A_357 = tpu.vector_load %arg5[%swap3A_355, %swap3A_356] {strides = array<i32>} : memref<32x768xf32, #tpu.memory_space<vmem>>, vector<1x16xf32>,
      %swap3A_358 = vector.shape_cast %swap3A_357 : vector<1x16xf32> to vector<16xf32>
      %swap3A_359 = vector.shape_cast %get3A_354 : vector<16xf32> to vector<1x16xf32>
      tpu.vector_store %arg5[%swap3A_355, %swap3A_356], %swap3A_359 {add = true, strides = array<i32>} : memref<32x768xf32, #tpu.memory_space<vmem>>, vector<1x16xf32>,
      %get3A_360 = arith.index_cast %scan3A_334 : i32 to index
      %get3A_361 = arith.constant 48 : index
      %get3A_362 = tpu.vector_load %arg7[%get3A_360, %get3A_361] {strides = array<i32>} : memref<32x768xf32, #tpu.memory_space<vmem>>, vector<1x16xf32>,
      %get3A_363 = vector.shape_cast %get3A_362 : vector<1x16xf32> to vector<16xf32>
      %swap3A_364 = arith.index_cast %scan3A_334 : i32 to index
      %swap3A_365 = arith.constant 48 : index
      %swap3A_366 = tpu.vector_load %arg5[%swap3A_364, %swap3A_365] {strides = array<i32>} : memref<32x768xf32, #tpu.memory_space<vmem>>, vector<1x16xf32>,
      %swap3A_367 = vector.shape_cast %swap3A_366 : vector<1x16xf32> to vector<16xf32>
      %swap3A_368 = vector.shape_cast %get3A_363 : vector<16xf32> to vector<1x16xf32>
      tpu.vector_store %arg5[%swap3A_364, %swap3A_365], %swap3A_368 {add = true, strides = array<i32>} : memref<32x768xf32, #tpu.memory_space<vmem>>, vector<1x16xf32>,
      %get3A_369 = arith.index_cast %scan3A_334 : i32 to index
      %get3A_370 = arith.constant 64 : index
      %get3A_371 = tpu.vector_load %arg7[%get3A_369, %get3A_370] {strides = array<i32>} : memref<32x768xf32, #tpu.memory_space<vmem>>, vector<1x16xf32>,
      %get3A_372 = vector.shape_cast %get3A_371 : vector<1x16xf32> to vector<16xf32>
      %swap3A_373 = arith.index_cast %scan3A_334 : i32 to index
      %swap3A_374 = arith.constant 64 : index
      %swap3A_375 = tpu.vector_load %arg5[%swap3A_373, %swap3A_374] {strides = array<i32>} : memref<32x768xf32, #tpu.memory_space<vmem>>, vector<1x16xf32>,
      %swap3A_376 = vector.shape_cast %swap3A_375 : vector<1x16xf32> to vector<16xf32>
      %swap3A_377 = vector.shape_cast %get3A_372 : vector<16xf32> to vector<1x16xf32>
      tpu.vector_store %arg5[%swap3A_373, %swap3A_374], %swap3A_377 {add = true, strides = array<i32>} : memref<32x768xf32, #tpu.memory_space<vmem>>, vector<1x16xf32>,
      %get3A_378 = arith.index_cast %scan3A_334 : i32 to index
      %get3A_379 = arith.constant 80 : index
      %get3A_380 = tpu.vector_load %arg7[%get3A_378, %get3A_379] {strides = array<i32>} : memref<32x768xf32, #tpu.memory_space<vmem>>, vector<1x16xf32>,
      %get3A_381 = vector.shape_cast %get3A_380 : vector<1x16xf32> to vector<16xf32>
      %swap3A_382 = arith.index_cast %scan3A_334 : i32 to index
      %swap3A_383 = arith.constant 80 : index
      %swap3A_384 = tpu.vector_load %arg5[%swap3A_382, %swap3A_383] {strides = array<i32>} : memref<32x768xf32, #tpu.memory_space<vmem>>, vector<1x16xf32>,
      %swap3A_385 = vector.shape_cast %swap3A_384 : vector<1x16xf32> to vector<16xf32>
      %swap3A_386 = vector.shape_cast %get3A_381 : vector<16xf32> to vector<1x16xf32>
      tpu.vector_store %arg5[%swap3A_382, %swap3A_383], %swap3A_386 {add = true, strides = array<i32>} : memref<32x768xf32, #tpu.memory_space<vmem>>, vector<1x16xf32>,
      %get3A_387 = arith.index_cast %scan3A_334 : i32 to index
      %get3A_388 = arith.constant 96 : index
      %get3A_389 = tpu.vector_load %arg7[%get3A_387, %get3A_388] {strides = array<i32>} : memref<32x768xf32, #tpu.memory_space<vmem>>, vector<1x16xf32>,
      %get3A_390 = vector.shape_cast %get3A_389 : vector<1x16xf32> to vector<16xf32>
      %swap3A_391 = arith.index_cast %scan3A_334 : i32 to index
      %swap3A_392 = arith.constant 96 : index
      %swap3A_393 = tpu.vector_load %arg5[%swap3A_391, %swap3A_392] {strides = array<i32>} : memref<32x768xf32, #tpu.memory_space<vmem>>, vector<1x16xf32>,
      %swap3A_394 = vector.shape_cast %swap3A_393 : vector<1x16xf32> to vector<16xf32>
      %swap3A_395 = vector.shape_cast %get3A_390 : vector<16xf32> to vector<1x16xf32>
      tpu.vector_store %arg5[%swap3A_391, %swap3A_392], %swap3A_395 {add = true, strides = array<i32>} : memref<32x768xf32, #tpu.memory_space<vmem>>, vector<1x16xf32>,
      %get3A_396 = arith.index_cast %scan3A_334 : i32 to index
      %get3A_397 = arith.constant 112 : index
      %get3A_398 = tpu.vector_load %arg7[%get3A_396, %get3A_397] {strides = array<i32>} : memref<32x768xf32, #tpu.memory_space<vmem>>, vector<1x16xf32>,
      %get3A_399 = vector.shape_cast %get3A_398 : vector<1x16xf32> to vector<16xf32>
      %swap3A_400 = arith.index_cast %scan3A_334 : i32 to index
      %swap3A_401 = arith.constant 112 : index
      %swap3A_402 = tpu.vector_load %arg5[%swap3A_400, %swap3A_401] {strides = array<i32>} : memref<32x768xf32, #tpu.memory_space<vmem>>, vector<1x16xf32>,
      %swap3A_403 = vector.shape_cast %swap3A_402 : vector<1x16xf32> to vector<16xf32>
      %swap3A_404 = vector.shape_cast %get3A_399 : vector<16xf32> to vector<1x16xf32>
      tpu.vector_store %arg5[%swap3A_400, %swap3A_401], %swap3A_404 {add = true, strides = array<i32>} : memref<32x768xf32, #tpu.memory_space<vmem>>, vector<1x16xf32>,
      %get3A_405 = arith.index_cast %scan3A_334 : i32 to index
      %get3A_406 = arith.constant 128 : index
      %get3A_407 = tpu.vector_load %arg7[%get3A_405, %get3A_406] {strides = array<i32>} : memref<32x768xf32, #tpu.memory_space<vmem>>, vector<1x16xf32>,
      %get3A_408 = vector.shape_cast %get3A_407 : vector<1x16xf32> to vector<16xf32>
      %swap3A_409 = arith.index_cast %scan3A_334 : i32 to index
      %swap3A_410 = arith.constant 128 : index
      %swap3A_411 = tpu.vector_load %arg5[%swap3A_409, %swap3A_410] {strides = array<i32>} : memref<32x768xf32, #tpu.memory_space<vmem>>, vector<1x16xf32>,
      %swap3A_412 = vector.shape_cast %swap3A_411 : vector<1x16xf32> to vector<16xf32>
      %swap3A_413 = vector.shape_cast %get3A_408 : vector<16xf32> to vector<1x16xf32>
      tpu.vector_store %arg5[%swap3A_409, %swap3A_410], %swap3A_413 {add = true, strides = array<i32>} : memref<32x768xf32, #tpu.memory_space<vmem>>, vector<1x16xf32>,
      %get3A_414 = arith.index_cast %scan3A_334 : i32 to index
      %get3A_415 = arith.constant 144 : index
      %get3A_416 = tpu.vector_load %arg7[%get3A_414, %get3A_415] {strides = array<i32>} : memref<32x768xf32, #tpu.memory_space<vmem>>, vector<1x16xf32>,
      %get3A_417 = vector.shape_cast %get3A_416 : vector<1x16xf32> to vector<16xf32>
      %swap3A_418 = arith.index_cast %scan3A_334 : i32 to index
      %swap3A_419 = arith.constant 144 : index
      %swap3A_420 = tpu.vector_load %arg5[%swap3A_418, %swap3A_419] {strides = array<i32>} : memref<32x768xf32, #tpu.memory_space<vmem>>, vector<1x16xf32>,
      %swap3A_421 = vector.shape_cast %swap3A_420 : vector<1x16xf32> to vector<16xf32>
      %swap3A_422 = vector.shape_cast %get3A_417 : vector<16xf32> to vector<1x16xf32>
      tpu.vector_store %arg5[%swap3A_418, %swap3A_419], %swap3A_422 {add = true, strides = array<i32>} : memref<32x768xf32, #tpu.memory_space<vmem>>, vector<1x16xf32>,
      %get3A_423 = arith.index_cast %scan3A_334 : i32 to index
      %get3A_424 = arith.constant 160 : index
      %get3A_425 = tpu.vector_load %arg7[%get3A_423, %get3A_424] {strides = array<i32>} : memref<32x768xf32, #tpu.memory_space<vmem>>, vector<1x16xf32>,
      %get3A_426 = vector.shape_cast %get3A_425 : vector<1x16xf32> to vector<16xf32>
      %swap3A_427 = arith.index_cast %scan3A_334 : i32 to index
      %swap3A_428 = arith.constant 160 : index
      %swap3A_429 = tpu.vector_load %arg5[%swap3A_427, %swap3A_428] {strides = array<i32>} : memref<32x768xf32, #tpu.memory_space<vmem>>, vector<1x16xf32>,
      %swap3A_430 = vector.shape_cast %swap3A_429 : vector<1x16xf32> to vector<16xf32>
      %swap3A_431 = vector.shape_cast %get3A_426 : vector<16xf32> to vector<1x16xf32>
      tpu.vector_store %arg5[%swap3A_427, %swap3A_428], %swap3A_431 {add = true, strides = array<i32>} : memref<32x768xf32, #tpu.memory_space<vmem>>, vector<1x16xf32>,
      %get3A_432 = arith.index_cast %scan3A_334 : i32 to index
      %get3A_433 = arith.constant 176 : index
      %get3A_434 = tpu.vector_load %arg7[%get3A_432, %get3A_433] {strides = array<i32>} : memref<32x768xf32, #tpu.memory_space<vmem>>, vector<1x16xf32>,
      %get3A_435 = vector.shape_cast %get3A_434 : vector<1x16xf32> to vector<16xf32>
      %swap3A_436 = arith.index_cast %scan3A_334 : i32 to index
      %swap3A_437 = arith.constant 176 : index
      %swap3A_438 = tpu.vector_load %arg5[%swap3A_436, %swap3A_437] {strides = array<i32>} : memref<32x768xf32, #tpu.memory_space<vmem>>, vector<1x16xf32>,
      %swap3A_439 = vector.shape_cast %swap3A_438 : vector<1x16xf32> to vector<16xf32>
      %swap3A_440 = vector.shape_cast %get3A_435 : vector<16xf32> to vector<1x16xf32>
      tpu.vector_store %arg5[%swap3A_436, %swap3A_437], %swap3A_440 {add = true, strides = array<i32>} : memref<32x768xf32, #tpu.memory_space<vmem>>, vector<1x16xf32>,
      %get3A_441 = arith.index_cast %scan3A_334 : i32 to index
      %get3A_442 = arith.constant 192 : index
      %get3A_443 = tpu.vector_load %arg7[%get3A_441, %get3A_442] {strides = array<i32>} : memref<32x768xf32, #tpu.memory_space<vmem>>, vector<1x16xf32>,
      %get3A_444 = vector.shape_cast %get3A_443 : vector<1x16xf32> to vector<16xf32>
      %swap3A_445 = arith.index_cast %scan3A_334 : i32 to index
      %swap3A_446 = arith.constant 192 : index
      %swap3A_447 = tpu.vector_load %arg5[%swap3A_445, %swap3A_446] {strides = array<i32>} : memref<32x768xf32, #tpu.memory_space<vmem>>, vector<1x16xf32>,
      %swap3A_448 = vector.shape_cast %swap3A_447 : vector<1x16xf32> to vector<16xf32>
      %swap3A_449 = vector.shape_cast %get3A_444 : vector<16xf32> to vector<1x16xf32>
      tpu.vector_store %arg5[%swap3A_445, %swap3A_446], %swap3A_449 {add = true, strides = array<i32>} : memref<32x768xf32, #tpu.memory_space<vmem>>, vector<1x16xf32>,
      %get3A_450 = arith.index_cast %scan3A_334 : i32 to index
      %get3A_451 = arith.constant 208 : index
      %get3A_452 = tpu.vector_load %arg7[%get3A_450, %get3A_451] {strides = array<i32>} : memref<32x768xf32, #tpu.memory_space<vmem>>, vector<1x16xf32>,
      %get3A_453 = vector.shape_cast %get3A_452 : vector<1x16xf32> to vector<16xf32>
      %swap3A_454 = arith.index_cast %scan3A_334 : i32 to index
      %swap3A_455 = arith.constant 208 : index
      %swap3A_456 = tpu.vector_load %arg5[%swap3A_454, %swap3A_455] {strides = array<i32>} : memref<32x768xf32, #tpu.memory_space<vmem>>, vector<1x16xf32>,
      %swap3A_457 = vector.shape_cast %swap3A_456 : vector<1x16xf32> to vector<16xf32>
      %swap3A_458 = vector.shape_cast %get3A_453 : vector<16xf32> to vector<1x16xf32>
      tpu.vector_store %arg5[%swap3A_454, %swap3A_455], %swap3A_458 {add = true, strides = array<i32>} : memref<32x768xf32, #tpu.memory_space<vmem>>, vector<1x16xf32>,
      %get3A_459 = arith.index_cast %scan3A_334 : i32 to index
      %get3A_460 = arith.constant 224 : index
      %get3A_461 = tpu.vector_load %arg7[%get3A_459, %get3A_460] {strides = array<i32>} : memref<32x768xf32, #tpu.memory_space<vmem>>, vector<1x16xf32>,
      %get3A_462 = vector.shape_cast %get3A_461 : vector<1x16xf32> to vector<16xf32>
      %swap3A_463 = arith.index_cast %scan3A_334 : i32 to index
      %swap3A_464 = arith.constant 224 : index
      %swap3A_465 = tpu.vector_load %arg5[%swap3A_463, %swap3A_464] {strides = array<i32>} : memref<32x768xf32, #tpu.memory_space<vmem>>, vector<1x16xf32>,
      %swap3A_466 = vector.shape_cast %swap3A_465 : vector<1x16xf32> to vector<16xf32>
      %swap3A_467 = vector.shape_cast %get3A_462 : vector<16xf32> to vector<1x16xf32>
      tpu.vector_store %arg5[%swap3A_463, %swap3A_464], %swap3A_467 {add = true, strides = array<i32>} : memref<32x768xf32, #tpu.memory_space<vmem>>, vector<1x16xf32>,
      %get3A_468 = arith.index_cast %scan3A_334 : i32 to index
      %get3A_469 = arith.constant 240 : index
      %get3A_470 = tpu.vector_load %arg7[%get3A_468, %get3A_469] {strides = array<i32>} : memref<32x768xf32, #tpu.memory_space<vmem>>, vector<1x16xf32>,
      %get3A_471 = vector.shape_cast %get3A_470 : vector<1x16xf32> to vector<16xf32>
      %swap3A_472 = arith.index_cast %scan3A_334 : i32 to index
      %swap3A_473 = arith.constant 240 : index
      %swap3A_474 = tpu.vector_load %arg5[%swap3A_472, %swap3A_473] {strides = array<i32>} : memref<32x768xf32, #tpu.memory_space<vmem>>, vector<1x16xf32>,
      %swap3A_475 = vector.shape_cast %swap3A_474 : vector<1x16xf32> to vector<16xf32>
      %swap3A_476 = vector.shape_cast %get3A_471 : vector<16xf32> to vector<1x16xf32>
      tpu.vector_store %arg5[%swap3A_472, %swap3A_473], %swap3A_476 {add = true, strides = array<i32>} : memref<32x768xf32, #tpu.memory_space<vmem>>, vector<1x16xf32>,
      %get3A_477 = arith.index_cast %scan3A_334 : i32 to index
      %get3A_478 = arith.constant 256 : index
      %get3A_479 = tpu.vector_load %arg7[%get3A_477, %get3A_478] {strides = array<i32>} : memref<32x768xf32, #tpu.memory_space<vmem>>, vector<1x16xf32>,
      %get3A_480 = vector.shape_cast %get3A_479 : vector<1x16xf32> to vector<16xf32>
      %swap3A_481 = arith.index_cast %scan3A_334 : i32 to index
      %swap3A_482 = arith.constant 256 : index
      %swap3A_483 = tpu.vector_load %arg5[%swap3A_481, %swap3A_482] {strides = array<i32>} : memref<32x768xf32, #tpu.memory_space<vmem>>, vector<1x16xf32>,
      %swap3A_484 = vector.shape_cast %swap3A_483 : vector<1x16xf32> to vector<16xf32>
      %swap3A_485 = vector.shape_cast %get3A_480 : vector<16xf32> to vector<1x16xf32>
      tpu.vector_store %arg5[%swap3A_481, %swap3A_482], %swap3A_485 {add = true, strides = array<i32>} : memref<32x768xf32, #tpu.memory_space<vmem>>, vector<1x16xf32>,
      %get3A_486 = arith.index_cast %scan3A_334 : i32 to index
      %get3A_487 = arith.constant 272 : index
      %get3A_488 = tpu.vector_load %arg7[%get3A_486, %get3A_487] {strides = array<i32>} : memref<32x768xf32, #tpu.memory_space<vmem>>, vector<1x16xf32>,
      %get3A_489 = vector.shape_cast %get3A_488 : vector<1x16xf32> to vector<16xf32>
      %swap3A_490 = arith.index_cast %scan3A_334 : i32 to index
      %swap3A_491 = arith.constant 272 : index
      %swap3A_492 = tpu.vector_load %arg5[%swap3A_490, %swap3A_491] {strides = array<i32>} : memref<32x768xf32, #tpu.memory_space<vmem>>, vector<1x16xf32>,
      %swap3A_493 = vector.shape_cast %swap3A_492 : vector<1x16xf32> to vector<16xf32>
      %swap3A_494 = vector.shape_cast %get3A_489 : vector<16xf32> to vector<1x16xf32>
      tpu.vector_store %arg5[%swap3A_490, %swap3A_491], %swap3A_494 {add = true, strides = array<i32>} : memref<32x768xf32, #tpu.memory_space<vmem>>, vector<1x16xf32>,
      %get3A_495 = arith.index_cast %scan3A_334 : i32 to index
      %get3A_496 = arith.constant 288 : index
      %get3A_497 = tpu.vector_load %arg7[%get3A_495, %get3A_496] {strides = array<i32>} : memref<32x768xf32, #tpu.memory_space<vmem>>, vector<1x16xf32>,
      %get3A_498 = vector.shape_cast %get3A_497 : vector<1x16xf32> to vector<16xf32>
      %swap3A_499 = arith.index_cast %scan3A_334 : i32 to index
      %swap3A_500 = arith.constant 288 : index
      %swap3A_501 = tpu.vector_load %arg5[%swap3A_499, %swap3A_500] {strides = array<i32>} : memref<32x768xf32, #tpu.memory_space<vmem>>, vector<1x16xf32>,
      %swap3A_502 = vector.shape_cast %swap3A_501 : vector<1x16xf32> to vector<16xf32>
      %swap3A_503 = vector.shape_cast %get3A_498 : vector<16xf32> to vector<1x16xf32>
      tpu.vector_store %arg5[%swap3A_499, %swap3A_500], %swap3A_503 {add = true, strides = array<i32>} : memref<32x768xf32, #tpu.memory_space<vmem>>, vector<1x16xf32>,
      %get3A_504 = arith.index_cast %scan3A_334 : i32 to index
      %get3A_505 = arith.constant 304 : index
      %get3A_506 = tpu.vector_load %arg7[%get3A_504, %get3A_505] {strides = array<i32>} : memref<32x768xf32, #tpu.memory_space<vmem>>, vector<1x16xf32>,
      %get3A_507 = vector.shape_cast %get3A_506 : vector<1x16xf32> to vector<16xf32>
      %swap3A_508 = arith.index_cast %scan3A_334 : i32 to index
      %swap3A_509 = arith.constant 304 : index
      %swap3A_510 = tpu.vector_load %arg5[%swap3A_508, %swap3A_509] {strides = array<i32>} : memref<32x768xf32, #tpu.memory_space<vmem>>, vector<1x16xf32>,
      %swap3A_511 = vector.shape_cast %swap3A_510 : vector<1x16xf32> to vector<16xf32>
      %swap3A_512 = vector.shape_cast %get3A_507 : vector<16xf32> to vector<1x16xf32>
      tpu.vector_store %arg5[%swap3A_508, %swap3A_509], %swap3A_512 {add = true, strides = array<i32>} : memref<32x768xf32, #tpu.memory_space<vmem>>, vector<1x16xf32>,
      %get3A_513 = arith.index_cast %scan3A_334 : i32 to index
      %get3A_514 = arith.constant 320 : index
      %get3A_515 = tpu.vector_load %arg7[%get3A_513, %get3A_514] {strides = array<i32>} : memref<32x768xf32, #tpu.memory_space<vmem>>, vector<1x16xf32>,
      %get3A_516 = vector.shape_cast %get3A_515 : vector<1x16xf32> to vector<16xf32>
      %swap3A_517 = arith.index_cast %scan3A_334 : i32 to index
      %swap3A_518 = arith.constant 320 : index
      %swap3A_519 = tpu.vector_load %arg5[%swap3A_517, %swap3A_518] {strides = array<i32>} : memref<32x768xf32, #tpu.memory_space<vmem>>, vector<1x16xf32>,
      %swap3A_520 = vector.shape_cast %swap3A_519 : vector<1x16xf32> to vector<16xf32>
      %swap3A_521 = vector.shape_cast %get3A_516 : vector<16xf32> to vector<1x16xf32>
      tpu.vector_store %arg5[%swap3A_517, %swap3A_518], %swap3A_521 {add = true, strides = array<i32>} : memref<32x768xf32, #tpu.memory_space<vmem>>, vector<1x16xf32>,
      %get3A_522 = arith.index_cast %scan3A_334 : i32 to index
      %get3A_523 = arith.constant 336 : index
      %get3A_524 = tpu.vector_load %arg7[%get3A_522, %get3A_523] {strides = array<i32>} : memref<32x768xf32, #tpu.memory_space<vmem>>, vector<1x16xf32>,
      %get3A_525 = vector.shape_cast %get3A_524 : vector<1x16xf32> to vector<16xf32>
      %swap3A_526 = arith.index_cast %scan3A_334 : i32 to index
      %swap3A_527 = arith.constant 336 : index
      %swap3A_528 = tpu.vector_load %arg5[%swap3A_526, %swap3A_527] {strides = array<i32>} : memref<32x768xf32, #tpu.memory_space<vmem>>, vector<1x16xf32>,
      %swap3A_529 = vector.shape_cast %swap3A_528 : vector<1x16xf32> to vector<16xf32>
      %swap3A_530 = vector.shape_cast %get3A_525 : vector<16xf32> to vector<1x16xf32>
      tpu.vector_store %arg5[%swap3A_526, %swap3A_527], %swap3A_530 {add = true, strides = array<i32>} : memref<32x768xf32, #tpu.memory_space<vmem>>, vector<1x16xf32>,
      %get3A_531 = arith.index_cast %scan3A_334 : i32 to index
      %get3A_532 = arith.constant 352 : index
      %get3A_533 = tpu.vector_load %arg7[%get3A_531, %get3A_532] {strides = array<i32>} : memref<32x768xf32, #tpu.memory_space<vmem>>, vector<1x16xf32>,
      %get3A_534 = vector.shape_cast %get3A_533 : vector<1x16xf32> to vector<16xf32>
      %swap3A_535 = arith.index_cast %scan3A_334 : i32 to index
      %swap3A_536 = arith.constant 352 : index
      %swap3A_537 = tpu.vector_load %arg5[%swap3A_535, %swap3A_536] {strides = array<i32>} : memref<32x768xf32, #tpu.memory_space<vmem>>, vector<1x16xf32>,
      %swap3A_538 = vector.shape_cast %swap3A_537 : vector<1x16xf32> to vector<16xf32>
      %swap3A_539 = vector.shape_cast %get3A_534 : vector<16xf32> to vector<1x16xf32>
      tpu.vector_store %arg5[%swap3A_535, %swap3A_536], %swap3A_539 {add = true, strides = array<i32>} : memref<32x768xf32, #tpu.memory_space<vmem>>, vector<1x16xf32>,
      %get3A_540 = arith.index_cast %scan3A_334 : i32 to index
      %get3A_541 = arith.constant 368 : index
      %get3A_542 = tpu.vector_load %arg7[%get3A_540, %get3A_541] {strides = array<i32>} : memref<32x768xf32, #tpu.memory_space<vmem>>, vector<1x16xf32>,
      %get3A_543 = vector.shape_cast %get3A_542 : vector<1x16xf32> to vector<16xf32>
      %swap3A_544 = arith.index_cast %scan3A_334 : i32 to index
      %swap3A_545 = arith.constant 368 : index
      %swap3A_546 = tpu.vector_load %arg5[%swap3A_544, %swap3A_545] {strides = array<i32>} : memref<32x768xf32, #tpu.memory_space<vmem>>, vector<1x16xf32>,
      %swap3A_547 = vector.shape_cast %swap3A_546 : vector<1x16xf32> to vector<16xf32>
      %swap3A_548 = vector.shape_cast %get3A_543 : vector<16xf32> to vector<1x16xf32>
      tpu.vector_store %arg5[%swap3A_544, %swap3A_545], %swap3A_548 {add = true, strides = array<i32>} : memref<32x768xf32, #tpu.memory_space<vmem>>, vector<1x16xf32>,
      %get3A_549 = arith.index_cast %scan3A_334 : i32 to index
      %get3A_550 = arith.constant 384 : index
      %get3A_551 = tpu.vector_load %arg7[%get3A_549, %get3A_550] {strides = array<i32>} : memref<32x768xf32, #tpu.memory_space<vmem>>, vector<1x16xf32>,
      %get3A_552 = vector.shape_cast %get3A_551 : vector<1x16xf32> to vector<16xf32>
      %swap3A_553 = arith.index_cast %scan3A_334 : i32 to index
      %swap3A_554 = arith.constant 384 : index
      %swap3A_555 = tpu.vector_load %arg5[%swap3A_553, %swap3A_554] {strides = array<i32>} : memref<32x768xf32, #tpu.memory_space<vmem>>, vector<1x16xf32>,
      %swap3A_556 = vector.shape_cast %swap3A_555 : vector<1x16xf32> to vector<16xf32>
      %swap3A_557 = vector.shape_cast %get3A_552 : vector<16xf32> to vector<1x16xf32>
      tpu.vector_store %arg5[%swap3A_553, %swap3A_554], %swap3A_557 {add = true, strides = array<i32>} : memref<32x768xf32, #tpu.memory_space<vmem>>, vector<1x16xf32>,
      %get3A_558 = arith.index_cast %scan3A_334 : i32 to index
      %get3A_559 = arith.constant 400 : index
      %get3A_560 = tpu.vector_load %arg7[%get3A_558, %get3A_559] {strides = array<i32>} : memref<32x768xf32, #tpu.memory_space<vmem>>, vector<1x16xf32>,
      %get3A_561 = vector.shape_cast %get3A_560 : vector<1x16xf32> to vector<16xf32>
      %swap3A_562 = arith.index_cast %scan3A_334 : i32 to index
      %swap3A_563 = arith.constant 400 : index
      %swap3A_564 = tpu.vector_load %arg5[%swap3A_562, %swap3A_563] {strides = array<i32>} : memref<32x768xf32, #tpu.memory_space<vmem>>, vector<1x16xf32>,
      %swap3A_565 = vector.shape_cast %swap3A_564 : vector<1x16xf32> to vector<16xf32>
      %swap3A_566 = vector.shape_cast %get3A_561 : vector<16xf32> to vector<1x16xf32>
      tpu.vector_store %arg5[%swap3A_562, %swap3A_563], %swap3A_566 {add = true, strides = array<i32>} : memref<32x768xf32, #tpu.memory_space<vmem>>, vector<1x16xf32>,
      %get3A_567 = arith.index_cast %scan3A_334 : i32 to index
      %get3A_568 = arith.constant 416 : index
      %get3A_569 = tpu.vector_load %arg7[%get3A_567, %get3A_568] {strides = array<i32>} : memref<32x768xf32, #tpu.memory_space<vmem>>, vector<1x16xf32>,
      %get3A_570 = vector.shape_cast %get3A_569 : vector<1x16xf32> to vector<16xf32>
      %swap3A_571 = arith.index_cast %scan3A_334 : i32 to index
      %swap3A_572 = arith.constant 416 : index
      %swap3A_573 = tpu.vector_load %arg5[%swap3A_571, %swap3A_572] {strides = array<i32>} : memref<32x768xf32, #tpu.memory_space<vmem>>, vector<1x16xf32>,
      %swap3A_574 = vector.shape_cast %swap3A_573 : vector<1x16xf32> to vector<16xf32>
      %swap3A_575 = vector.shape_cast %get3A_570 : vector<16xf32> to vector<1x16xf32>
      tpu.vector_store %arg5[%swap3A_571, %swap3A_572], %swap3A_575 {add = true, strides = array<i32>} : memref<32x768xf32, #tpu.memory_space<vmem>>, vector<1x16xf32>,
      %get3A_576 = arith.index_cast %scan3A_334 : i32 to index
      %get3A_577 = arith.constant 432 : index
      %get3A_578 = tpu.vector_load %arg7[%get3A_576, %get3A_577] {strides = array<i32>} : memref<32x768xf32, #tpu.memory_space<vmem>>, vector<1x16xf32>,
      %get3A_579 = vector.shape_cast %get3A_578 : vector<1x16xf32> to vector<16xf32>
      %swap3A_580 = arith.index_cast %scan3A_334 : i32 to index
      %swap3A_581 = arith.constant 432 : index
      %swap3A_582 = tpu.vector_load %arg5[%swap3A_580, %swap3A_581] {strides = array<i32>} : memref<32x768xf32, #tpu.memory_space<vmem>>, vector<1x16xf32>,
      %swap3A_583 = vector.shape_cast %swap3A_582 : vector<1x16xf32> to vector<16xf32>
      %swap3A_584 = vector.shape_cast %get3A_579 : vector<16xf32> to vector<1x16xf32>
      tpu.vector_store %arg5[%swap3A_580, %swap3A_581], %swap3A_584 {add = true, strides = array<i32>} : memref<32x768xf32, #tpu.memory_space<vmem>>, vector<1x16xf32>,
      %get3A_585 = arith.index_cast %scan3A_334 : i32 to index
      %get3A_586 = arith.constant 448 : index
      %get3A_587 = tpu.vector_load %arg7[%get3A_585, %get3A_586] {strides = array<i32>} : memref<32x768xf32, #tpu.memory_space<vmem>>, vector<1x16xf32>,
      %get3A_588 = vector.shape_cast %get3A_587 : vector<1x16xf32> to vector<16xf32>
      %swap3A_589 = arith.index_cast %scan3A_334 : i32 to index
      %swap3A_590 = arith.constant 448 : index
      %swap3A_591 = tpu.vector_load %arg5[%swap3A_589, %swap3A_590] {strides = array<i32>} : memref<32x768xf32, #tpu.memory_space<vmem>>, vector<1x16xf32>,
      %swap3A_592 = vector.shape_cast %swap3A_591 : vector<1x16xf32> to vector<16xf32>
      %swap3A_593 = vector.shape_cast %get3A_588 : vector<16xf32> to vector<1x16xf32>
      tpu.vector_store %arg5[%swap3A_589, %swap3A_590], %swap3A_593 {add = true, strides = array<i32>} : memref<32x768xf32, #tpu.memory_space<vmem>>, vector<1x16xf32>,
      %get3A_594 = arith.index_cast %scan3A_334 : i32 to index
      %get3A_595 = arith.constant 464 : index
      %get3A_596 = tpu.vector_load %arg7[%get3A_594, %get3A_595] {strides = array<i32>} : memref<32x768xf32, #tpu.memory_space<vmem>>, vector<1x16xf32>,
      %get3A_597 = vector.shape_cast %get3A_596 : vector<1x16xf32> to vector<16xf32>
      %swap3A_598 = arith.index_cast %scan3A_334 : i32 to index
      %swap3A_599 = arith.constant 464 : index
      %swap3A_600 = tpu.vector_load %arg5[%swap3A_598, %swap3A_599] {strides = array<i32>} : memref<32x768xf32, #tpu.memory_space<vmem>>, vector<1x16xf32>,
      %swap3A_601 = vector.shape_cast %swap3A_600 : vector<1x16xf32> to vector<16xf32>
      %swap3A_602 = vector.shape_cast %get3A_597 : vector<16xf32> to vector<1x16xf32>
      tpu.vector_store %arg5[%swap3A_598, %swap3A_599], %swap3A_602 {add = true, strides = array<i32>} : memref<32x768xf32, #tpu.memory_space<vmem>>, vector<1x16xf32>,
      %get3A_603 = arith.index_cast %scan3A_334 : i32 to index
      %get3A_604 = arith.constant 480 : index
      %get3A_605 = tpu.vector_load %arg7[%get3A_603, %get3A_604] {strides = array<i32>} : memref<32x768xf32, #tpu.memory_space<vmem>>, vector<1x16xf32>,
      %get3A_606 = vector.shape_cast %get3A_605 : vector<1x16xf32> to vector<16xf32>
      %swap3A_607 = arith.index_cast %scan3A_334 : i32 to index
      %swap3A_608 = arith.constant 480 : index
      %swap3A_609 = tpu.vector_load %arg5[%swap3A_607, %swap3A_608] {strides = array<i32>} : memref<32x768xf32, #tpu.memory_space<vmem>>, vector<1x16xf32>,
      %swap3A_610 = vector.shape_cast %swap3A_609 : vector<1x16xf32> to vector<16xf32>
      %swap3A_611 = vector.shape_cast %get3A_606 : vector<16xf32> to vector<1x16xf32>
      tpu.vector_store %arg5[%swap3A_607, %swap3A_608], %swap3A_611 {add = true, strides = array<i32>} : memref<32x768xf32, #tpu.memory_space<vmem>>, vector<1x16xf32>,
      %get3A_612 = arith.index_cast %scan3A_334 : i32 to index
      %get3A_613 = arith.constant 496 : index
      %get3A_614 = tpu.vector_load %arg7[%get3A_612, %get3A_613] {strides = array<i32>} : memref<32x768xf32, #tpu.memory_space<vmem>>, vector<1x16xf32>,
      %get3A_615 = vector.shape_cast %get3A_614 : vector<1x16xf32> to vector<16xf32>
      %swap3A_616 = arith.index_cast %scan3A_334 : i32 to index
      %swap3A_617 = arith.constant 496 : index
      %swap3A_618 = tpu.vector_load %arg5[%swap3A_616, %swap3A_617] {strides = array<i32>} : memref<32x768xf32, #tpu.memory_space<vmem>>, vector<1x16xf32>,
      %swap3A_619 = vector.shape_cast %swap3A_618 : vector<1x16xf32> to vector<16xf32>
      %swap3A_620 = vector.shape_cast %get3A_615 : vector<16xf32> to vector<1x16xf32>
      tpu.vector_store %arg5[%swap3A_616, %swap3A_617], %swap3A_620 {add = true, strides = array<i32>} : memref<32x768xf32, #tpu.memory_space<vmem>>, vector<1x16xf32>,
      %get3A_621 = arith.index_cast %scan3A_334 : i32 to index
      %get3A_622 = arith.constant 512 : index
      %get3A_623 = tpu.vector_load %arg7[%get3A_621, %get3A_622] {strides = array<i32>} : memref<32x768xf32, #tpu.memory_space<vmem>>, vector<1x16xf32>,
      %get3A_624 = vector.shape_cast %get3A_623 : vector<1x16xf32> to vector<16xf32>
      %swap3A_625 = arith.index_cast %scan3A_334 : i32 to index
      %swap3A_626 = arith.constant 512 : index
      %swap3A_627 = tpu.vector_load %arg5[%swap3A_625, %swap3A_626] {strides = array<i32>} : memref<32x768xf32, #tpu.memory_space<vmem>>, vector<1x16xf32>,
      %swap3A_628 = vector.shape_cast %swap3A_627 : vector<1x16xf32> to vector<16xf32>
      %swap3A_629 = vector.shape_cast %get3A_624 : vector<16xf32> to vector<1x16xf32>
      tpu.vector_store %arg5[%swap3A_625, %swap3A_626], %swap3A_629 {add = true, strides = array<i32>} : memref<32x768xf32, #tpu.memory_space<vmem>>, vector<1x16xf32>,
      %get3A_630 = arith.index_cast %scan3A_334 : i32 to index
      %get3A_631 = arith.constant 528 : index
      %get3A_632 = tpu.vector_load %arg7[%get3A_630, %get3A_631] {strides = array<i32>} : memref<32x768xf32, #tpu.memory_space<vmem>>, vector<1x16xf32>,
      %get3A_633 = vector.shape_cast %get3A_632 : vector<1x16xf32> to vector<16xf32>
      %swap3A_634 = arith.index_cast %scan3A_334 : i32 to index
      %swap3A_635 = arith.constant 528 : index
      %swap3A_636 = tpu.vector_load %arg5[%swap3A_634, %swap3A_635] {strides = array<i32>} : memref<32x768xf32, #tpu.memory_space<vmem>>, vector<1x16xf32>,
      %swap3A_637 = vector.shape_cast %swap3A_636 : vector<1x16xf32> to vector<16xf32>
      %swap3A_638 = vector.shape_cast %get3A_633 : vector<16xf32> to vector<1x16xf32>
      tpu.vector_store %arg5[%swap3A_634, %swap3A_635], %swap3A_638 {add = true, strides = array<i32>} : memref<32x768xf32, #tpu.memory_space<vmem>>, vector<1x16xf32>,
      %get3A_639 = arith.index_cast %scan3A_334 : i32 to index
      %get3A_640 = arith.constant 544 : index
      %get3A_641 = tpu.vector_load %arg7[%get3A_639, %get3A_640] {strides = array<i32>} : memref<32x768xf32, #tpu.memory_space<vmem>>, vector<1x16xf32>,
      %get3A_642 = vector.shape_cast %get3A_641 : vector<1x16xf32> to vector<16xf32>
      %swap3A_643 = arith.index_cast %scan3A_334 : i32 to index
      %swap3A_644 = arith.constant 544 : index
      %swap3A_645 = tpu.vector_load %arg5[%swap3A_643, %swap3A_644] {strides = array<i32>} : memref<32x768xf32, #tpu.memory_space<vmem>>, vector<1x16xf32>,
      %swap3A_646 = vector.shape_cast %swap3A_645 : vector<1x16xf32> to vector<16xf32>
      %swap3A_647 = vector.shape_cast %get3A_642 : vector<16xf32> to vector<1x16xf32>
      tpu.vector_store %arg5[%swap3A_643, %swap3A_644], %swap3A_647 {add = true, strides = array<i32>} : memref<32x768xf32, #tpu.memory_space<vmem>>, vector<1x16xf32>,
      %get3A_648 = arith.index_cast %scan3A_334 : i32 to index
      %get3A_649 = arith.constant 560 : index
      %get3A_650 = tpu.vector_load %arg7[%get3A_648, %get3A_649] {strides = array<i32>} : memref<32x768xf32, #tpu.memory_space<vmem>>, vector<1x16xf32>,
      %get3A_651 = vector.shape_cast %get3A_650 : vector<1x16xf32> to vector<16xf32>
      %swap3A_652 = arith.index_cast %scan3A_334 : i32 to index
      %swap3A_653 = arith.constant 560 : index
      %swap3A_654 = tpu.vector_load %arg5[%swap3A_652, %swap3A_653] {strides = array<i32>} : memref<32x768xf32, #tpu.memory_space<vmem>>, vector<1x16xf32>,
      %swap3A_655 = vector.shape_cast %swap3A_654 : vector<1x16xf32> to vector<16xf32>
      %swap3A_656 = vector.shape_cast %get3A_651 : vector<16xf32> to vector<1x16xf32>
      tpu.vector_store %arg5[%swap3A_652, %swap3A_653], %swap3A_656 {add = true, strides = array<i32>} : memref<32x768xf32, #tpu.memory_space<vmem>>, vector<1x16xf32>,
      %get3A_657 = arith.index_cast %scan3A_334 : i32 to index
      %get3A_658 = arith.constant 576 : index
      %get3A_659 = tpu.vector_load %arg7[%get3A_657, %get3A_658] {strides = array<i32>} : memref<32x768xf32, #tpu.memory_space<vmem>>, vector<1x16xf32>,
      %get3A_660 = vector.shape_cast %get3A_659 : vector<1x16xf32> to vector<16xf32>
      %swap3A_661 = arith.index_cast %scan3A_334 : i32 to index
      %swap3A_662 = arith.constant 576 : index
      %swap3A_663 = tpu.vector_load %arg5[%swap3A_661, %swap3A_662] {strides = array<i32>} : memref<32x768xf32, #tpu.memory_space<vmem>>, vector<1x16xf32>,
      %swap3A_664 = vector.shape_cast %swap3A_663 : vector<1x16xf32> to vector<16xf32>
      %swap3A_665 = vector.shape_cast %get3A_660 : vector<16xf32> to vector<1x16xf32>
      tpu.vector_store %arg5[%swap3A_661, %swap3A_662], %swap3A_665 {add = true, strides = array<i32>} : memref<32x768xf32, #tpu.memory_space<vmem>>, vector<1x16xf32>,
      %get3A_666 = arith.index_cast %scan3A_334 : i32 to index
      %get3A_667 = arith.constant 592 : index
      %get3A_668 = tpu.vector_load %arg7[%get3A_666, %get3A_667] {strides = array<i32>} : memref<32x768xf32, #tpu.memory_space<vmem>>, vector<1x16xf32>,
      %get3A_669 = vector.shape_cast %get3A_668 : vector<1x16xf32> to vector<16xf32>
      %swap3A_670 = arith.index_cast %scan3A_334 : i32 to index
      %swap3A_671 = arith.constant 592 : index
      %swap3A_672 = tpu.vector_load %arg5[%swap3A_670, %swap3A_671] {strides = array<i32>} : memref<32x768xf32, #tpu.memory_space<vmem>>, vector<1x16xf32>,
      %swap3A_673 = vector.shape_cast %swap3A_672 : vector<1x16xf32> to vector<16xf32>
      %swap3A_674 = vector.shape_cast %get3A_669 : vector<16xf32> to vector<1x16xf32>
      tpu.vector_store %arg5[%swap3A_670, %swap3A_671], %swap3A_674 {add = true, strides = array<i32>} : memref<32x768xf32, #tpu.memory_space<vmem>>, vector<1x16xf32>,
      %get3A_675 = arith.index_cast %scan3A_334 : i32 to index
      %get3A_676 = arith.constant 608 : index
      %get3A_677 = tpu.vector_load %arg7[%get3A_675, %get3A_676] {strides = array<i32>} : memref<32x768xf32, #tpu.memory_space<vmem>>, vector<1x16xf32>,
      %get3A_678 = vector.shape_cast %get3A_677 : vector<1x16xf32> to vector<16xf32>
      %swap3A_679 = arith.index_cast %scan3A_334 : i32 to index
      %swap3A_680 = arith.constant 608 : index
      %swap3A_681 = tpu.vector_load %arg5[%swap3A_679, %swap3A_680] {strides = array<i32>} : memref<32x768xf32, #tpu.memory_space<vmem>>, vector<1x16xf32>,
      %swap3A_682 = vector.shape_cast %swap3A_681 : vector<1x16xf32> to vector<16xf32>
      %swap3A_683 = vector.shape_cast %get3A_678 : vector<16xf32> to vector<1x16xf32>
      tpu.vector_store %arg5[%swap3A_679, %swap3A_680], %swap3A_683 {add = true, strides = array<i32>} : memref<32x768xf32, #tpu.memory_space<vmem>>, vector<1x16xf32>,
      %get3A_684 = arith.index_cast %scan3A_334 : i32 to index
      %get3A_685 = arith.constant 624 : index
      %get3A_686 = tpu.vector_load %arg7[%get3A_684, %get3A_685] {strides = array<i32>} : memref<32x768xf32, #tpu.memory_space<vmem>>, vector<1x16xf32>,
      %get3A_687 = vector.shape_cast %get3A_686 : vector<1x16xf32> to vector<16xf32>
      %swap3A_688 = arith.index_cast %scan3A_334 : i32 to index
      %swap3A_689 = arith.constant 624 : index
      %swap3A_690 = tpu.vector_load %arg5[%swap3A_688, %swap3A_689] {strides = array<i32>} : memref<32x768xf32, #tpu.memory_space<vmem>>, vector<1x16xf32>,
      %swap3A_691 = vector.shape_cast %swap3A_690 : vector<1x16xf32> to vector<16xf32>
      %swap3A_692 = vector.shape_cast %get3A_687 : vector<16xf32> to vector<1x16xf32>
      tpu.vector_store %arg5[%swap3A_688, %swap3A_689], %swap3A_692 {add = true, strides = array<i32>} : memref<32x768xf32, #tpu.memory_space<vmem>>, vector<1x16xf32>,
      %get3A_693 = arith.index_cast %scan3A_334 : i32 to index
      %get3A_694 = arith.constant 640 : index
      %get3A_695 = tpu.vector_load %arg7[%get3A_693, %get3A_694] {strides = array<i32>} : memref<32x768xf32, #tpu.memory_space<vmem>>, vector<1x16xf32>,
      %get3A_696 = vector.shape_cast %get3A_695 : vector<1x16xf32> to vector<16xf32>
      %swap3A_697 = arith.index_cast %scan3A_334 : i32 to index
      %swap3A_698 = arith.constant 640 : index
      %swap3A_699 = tpu.vector_load %arg5[%swap3A_697, %swap3A_698] {strides = array<i32>} : memref<32x768xf32, #tpu.memory_space<vmem>>, vector<1x16xf32>,
      %swap3A_700 = vector.shape_cast %swap3A_699 : vector<1x16xf32> to vector<16xf32>
      %swap3A_701 = vector.shape_cast %get3A_696 : vector<16xf32> to vector<1x16xf32>
      tpu.vector_store %arg5[%swap3A_697, %swap3A_698], %swap3A_701 {add = true, strides = array<i32>} : memref<32x768xf32, #tpu.memory_space<vmem>>, vector<1x16xf32>,
      %get3A_702 = arith.index_cast %scan3A_334 : i32 to index
      %get3A_703 = arith.constant 656 : index
      %get3A_704 = tpu.vector_load %arg7[%get3A_702, %get3A_703] {strides = array<i32>} : memref<32x768xf32, #tpu.memory_space<vmem>>, vector<1x16xf32>,
      %get3A_705 = vector.shape_cast %get3A_704 : vector<1x16xf32> to vector<16xf32>
      %swap3A_706 = arith.index_cast %scan3A_334 : i32 to index
      %swap3A_707 = arith.constant 656 : index
      %swap3A_708 = tpu.vector_load %arg5[%swap3A_706, %swap3A_707] {strides = array<i32>} : memref<32x768xf32, #tpu.memory_space<vmem>>, vector<1x16xf32>,
      %swap3A_709 = vector.shape_cast %swap3A_708 : vector<1x16xf32> to vector<16xf32>
      %swap3A_710 = vector.shape_cast %get3A_705 : vector<16xf32> to vector<1x16xf32>
      tpu.vector_store %arg5[%swap3A_706, %swap3A_707], %swap3A_710 {add = true, strides = array<i32>} : memref<32x768xf32, #tpu.memory_space<vmem>>, vector<1x16xf32>,
      %get3A_711 = arith.index_cast %scan3A_334 : i32 to index
      %get3A_712 = arith.constant 672 : index
      %get3A_713 = tpu.vector_load %arg7[%get3A_711, %get3A_712] {strides = array<i32>} : memref<32x768xf32, #tpu.memory_space<vmem>>, vector<1x16xf32>,
      %get3A_714 = vector.shape_cast %get3A_713 : vector<1x16xf32> to vector<16xf32>
      %swap3A_715 = arith.index_cast %scan3A_334 : i32 to index
      %swap3A_716 = arith.constant 672 : index
      %swap3A_717 = tpu.vector_load %arg5[%swap3A_715, %swap3A_716] {strides = array<i32>} : memref<32x768xf32, #tpu.memory_space<vmem>>, vector<1x16xf32>,
      %swap3A_718 = vector.shape_cast %swap3A_717 : vector<1x16xf32> to vector<16xf32>
      %swap3A_719 = vector.shape_cast %get3A_714 : vector<16xf32> to vector<1x16xf32>
      tpu.vector_store %arg5[%swap3A_715, %swap3A_716], %swap3A_719 {add = true, strides = array<i32>} : memref<32x768xf32, #tpu.memory_space<vmem>>, vector<1x16xf32>,
      %get3A_720 = arith.index_cast %scan3A_334 : i32 to index
      %get3A_721 = arith.constant 688 : index
      %get3A_722 = tpu.vector_load %arg7[%get3A_720, %get3A_721] {strides = array<i32>} : memref<32x768xf32, #tpu.memory_space<vmem>>, vector<1x16xf32>,
      %get3A_723 = vector.shape_cast %get3A_722 : vector<1x16xf32> to vector<16xf32>
      %swap3A_724 = arith.index_cast %scan3A_334 : i32 to index
      %swap3A_725 = arith.constant 688 : index
      %swap3A_726 = tpu.vector_load %arg5[%swap3A_724, %swap3A_725] {strides = array<i32>} : memref<32x768xf32, #tpu.memory_space<vmem>>, vector<1x16xf32>,
      %swap3A_727 = vector.shape_cast %swap3A_726 : vector<1x16xf32> to vector<16xf32>
      %swap3A_728 = vector.shape_cast %get3A_723 : vector<16xf32> to vector<1x16xf32>
      tpu.vector_store %arg5[%swap3A_724, %swap3A_725], %swap3A_728 {add = true, strides = array<i32>} : memref<32x768xf32, #tpu.memory_space<vmem>>, vector<1x16xf32>,
      %get3A_729 = arith.index_cast %scan3A_334 : i32 to index
      %get3A_730 = arith.constant 704 : index
      %get3A_731 = tpu.vector_load %arg7[%get3A_729, %get3A_730] {strides = array<i32>} : memref<32x768xf32, #tpu.memory_space<vmem>>, vector<1x16xf32>,
      %get3A_732 = vector.shape_cast %get3A_731 : vector<1x16xf32> to vector<16xf32>
      %swap3A_733 = arith.index_cast %scan3A_334 : i32 to index
      %swap3A_734 = arith.constant 704 : index
      %swap3A_735 = tpu.vector_load %arg5[%swap3A_733, %swap3A_734] {strides = array<i32>} : memref<32x768xf32, #tpu.memory_space<vmem>>, vector<1x16xf32>,
      %swap3A_736 = vector.shape_cast %swap3A_735 : vector<1x16xf32> to vector<16xf32>
      %swap3A_737 = vector.shape_cast %get3A_732 : vector<16xf32> to vector<1x16xf32>
      tpu.vector_store %arg5[%swap3A_733, %swap3A_734], %swap3A_737 {add = true, strides = array<i32>} : memref<32x768xf32, #tpu.memory_space<vmem>>, vector<1x16xf32>,
      %get3A_738 = arith.index_cast %scan3A_334 : i32 to index
      %get3A_739 = arith.constant 720 : index
      %get3A_740 = tpu.vector_load %arg7[%get3A_738, %get3A_739] {strides = array<i32>} : memref<32x768xf32, #tpu.memory_space<vmem>>, vector<1x16xf32>,
      %get3A_741 = vector.shape_cast %get3A_740 : vector<1x16xf32> to vector<16xf32>
      %swap3A_742 = arith.index_cast %scan3A_334 : i32 to index
      %swap3A_743 = arith.constant 720 : index
      %swap3A_744 = tpu.vector_load %arg5[%swap3A_742, %swap3A_743] {strides = array<i32>} : memref<32x768xf32, #tpu.memory_space<vmem>>, vector<1x16xf32>,
      %swap3A_745 = vector.shape_cast %swap3A_744 : vector<1x16xf32> to vector<16xf32>
      %swap3A_746 = vector.shape_cast %get3A_741 : vector<16xf32> to vector<1x16xf32>
      tpu.vector_store %arg5[%swap3A_742, %swap3A_743], %swap3A_746 {add = true, strides = array<i32>} : memref<32x768xf32, #tpu.memory_space<vmem>>, vector<1x16xf32>,
      %get3A_747 = arith.index_cast %scan3A_334 : i32 to index
      %get3A_748 = arith.constant 736 : index
      %get3A_749 = tpu.vector_load %arg7[%get3A_747, %get3A_748] {strides = array<i32>} : memref<32x768xf32, #tpu.memory_space<vmem>>, vector<1x16xf32>,
      %get3A_750 = vector.shape_cast %get3A_749 : vector<1x16xf32> to vector<16xf32>
      %swap3A_751 = arith.index_cast %scan3A_334 : i32 to index
      %swap3A_752 = arith.constant 736 : index
      %swap3A_753 = tpu.vector_load %arg5[%swap3A_751, %swap3A_752] {strides = array<i32>} : memref<32x768xf32, #tpu.memory_space<vmem>>, vector<1x16xf32>,
      %swap3A_754 = vector.shape_cast %swap3A_753 : vector<1x16xf32> to vector<16xf32>
      %swap3A_755 = vector.shape_cast %get3A_750 : vector<16xf32> to vector<1x16xf32>
      tpu.vector_store %arg5[%swap3A_751, %swap3A_752], %swap3A_755 {add = true, strides = array<i32>} : memref<32x768xf32, #tpu.memory_space<vmem>>, vector<1x16xf32>,
      %get3A_756 = arith.index_cast %scan3A_334 : i32 to index
      %get3A_757 = arith.constant 752 : index
      %get3A_758 = tpu.vector_load %arg7[%get3A_756, %get3A_757] {strides = array<i32>} : memref<32x768xf32, #tpu.memory_space<vmem>>, vector<1x16xf32>,
      %get3A_759 = vector.shape_cast %get3A_758 : vector<1x16xf32> to vector<16xf32>
      %swap3A_760 = arith.index_cast %scan3A_334 : i32 to index
      %swap3A_761 = arith.constant 752 : index
      %swap3A_762 = tpu.vector_load %arg5[%swap3A_760, %swap3A_761] {strides = array<i32>} : memref<32x768xf32, #tpu.memory_space<vmem>>, vector<1x16xf32>,
      %swap3A_763 = vector.shape_cast %swap3A_762 : vector<1x16xf32> to vector<16xf32>
      %swap3A_764 = vector.shape_cast %get3A_759 : vector<16xf32> to vector<1x16xf32>
      tpu.vector_store %arg5[%swap3A_760, %swap3A_761], %swap3A_764 {add = true, strides = array<i32>} : memref<32x768xf32, #tpu.memory_space<vmem>>, vector<1x16xf32>,
    }
    %scan3A_211 = arith.constant 32 : i32
    %add3A_212 = arith.constant 0 : i32
    %add3A_213 = arith.addi %add3A_212, %mul3A_2 : i32
    %add3A_214 = arith.constant 128 : i32
    %add3A_215 = arith.addi %add3A_213, %add3A_214 : i32
    %dma_start3A_216 = arith.constant 0 : i32
    %dma_start3A_217 = tpu.memref_slice %arg4[%add3A_215, %dma_start3A_216] : memref<8192x768xf32, #tpu.memory_space<hbm>> -> memref<32x768xf32, #tpu.memory_space<hbm>>
    %dma_start3A_218 = arith.constant 0 : i32
    %dma_start3A_219 = tpu.memref_slice %arg4[%add3A_215, %dma_start3A_218] : memref<8192x768xf32, #tpu.memory_space<hbm>> -> memref<32x768xf32, #tpu.memory_space<hbm>>
    tpu.enqueue_dma source(%arg5 : memref<32x768xf32, #tpu.memory_space<vmem>>) target(%dma_start3A_219 : memref<32x768xf32, #tpu.memory_space<hbm>>) target_semaphore(%arg13 : memref<!tpu.dma_semaphore, #tpu.memory_space<semaphore_mem>>)
    %dma_wait3A_220 = arith.constant 0 : i32
    %dma_wait3A_221 = tpu.memref_slice %arg3[%add3A_201, %dma_wait3A_220] : memref<8192x768xf32, #tpu.memory_space<hbm>> -> memref<32x768xf32, #tpu.memory_space<hbm>>
    %dma_wait3A_222 = arith.constant 0 : i32
    %dma_wait3A_223 = tpu.memref_slice %arg3[%add3A_201, %dma_wait3A_222] : memref<8192x768xf32, #tpu.memory_space<hbm>> -> memref<32x768xf32, #tpu.memory_space<hbm>>
    tpu.wait_dma2 semaphore(%arg12 : memref<!tpu.dma_semaphore, #tpu.memory_space<semaphore_mem>>) src(%dma_wait3A_223 : memref<32x768xf32, #tpu.memory_space<hbm>>) dst(%arg8 : memref<32x768xf32, #tpu.memory_space<vmem>>)
    %dma_wait3A_224 = arith.constant 0 : i32
    %dma_wait3A_225 = tpu.memref_slice %arg2[%add3A_195, %dma_wait3A_224] : memref<32768x768xf32, #tpu.memory_space<hbm>> -> memref<32x768xf32, #tpu.memory_space<hbm>>
    %dma_wait3A_226 = arith.constant 0 : i32
    %dma_wait3A_227 = tpu.memref_slice %arg2[%add3A_195, %dma_wait3A_226] : memref<32768x768xf32, #tpu.memory_space<hbm>> -> memref<32x768xf32, #tpu.memory_space<hbm>>
    tpu.wait_dma2 semaphore(%arg10 : memref<!tpu.dma_semaphore, #tpu.memory_space<semaphore_mem>>) src(%dma_wait3A_227 : memref<32x768xf32, #tpu.memory_space<hbm>>) dst(%arg6 : memref<32x768xf32, #tpu.memory_space<vmem>>)
    %dma_wait3A_228 = arith.constant 0 : i32
    %dma_wait3A_229 = tpu.memref_slice %arg4[%add3A_215, %dma_wait3A_228] : memref<8192x768xf32, #tpu.memory_space<hbm>> -> memref<32x768xf32, #tpu.memory_space<hbm>>
    %dma_wait3A_230 = arith.constant 0 : i32
    %dma_wait3A_231 = tpu.memref_slice %arg4[%add3A_215, %dma_wait3A_230] : memref<8192x768xf32, #tpu.memory_space<hbm>> -> memref<32x768xf32, #tpu.memory_space<hbm>>
    tpu.wait_dma2 semaphore(%arg13 : memref<!tpu.dma_semaphore, #tpu.memory_space<semaphore_mem>>) src(%arg5 : memref<32x768xf32, #tpu.memory_space<vmem>>) dst(%dma_wait3A_231 : memref<32x768xf32, #tpu.memory_space<hbm>>)
    %add3A_232 = arith.constant 0 : i32
    %add3A_233 = arith.addi %add3A_232, %mul3A_2 : i32
    %add3A_234 = arith.constant 192 : i32
    %add3A_235 = arith.addi %add3A_233, %add3A_234 : i32
    %add3A_236 = arith.constant 24576 : i32
    %add3A_237 = arith.addi %add3A_236, %add3A_235 : i32
    %dma_start3A_238 = arith.constant 0 : i32
    %dma_start3A_239 = tpu.memref_slice %arg2[%add3A_237, %dma_start3A_238] : memref<32768x768xf32, #tpu.memory_space<hbm>> -> memref<32x768xf32, #tpu.memory_space<hbm>>
    %dma_start3A_240 = arith.constant 0 : i32
    %dma_start3A_241 = tpu.memref_slice %arg2[%add3A_237, %dma_start3A_240] : memref<32768x768xf32, #tpu.memory_space<hbm>> -> memref<32x768xf32, #tpu.memory_space<hbm>>
    tpu.enqueue_dma source(%dma_start3A_241 : memref<32x768xf32, #tpu.memory_space<hbm>>) target(%arg5 : memref<32x768xf32, #tpu.memory_space<vmem>>) target_semaphore(%arg9 : memref<!tpu.dma_semaphore, #tpu.memory_space<semaphore_mem>>)
    %add3A_242 = arith.constant 192 : i32
    %add3A_243 = arith.addi %mul3A_2, %add3A_242 : i32
    %dma_start3A_244 = arith.constant 0 : i32
    %dma_start3A_245 = tpu.memref_slice %arg3[%add3A_243, %dma_start3A_244] : memref<8192x768xf32, #tpu.memory_space<hbm>> -> memref<32x768xf32, #tpu.memory_space<hbm>>
    %dma_start3A_246 = arith.constant 0 : i32
    %dma_start3A_247 = tpu.memref_slice %arg3[%add3A_243, %dma_start3A_246] : memref<8192x768xf32, #tpu.memory_space<hbm>> -> memref<32x768xf32, #tpu.memory_space<hbm>>
    tpu.enqueue_dma source(%dma_start3A_247 : memref<32x768xf32, #tpu.memory_space<hbm>>) target(%arg7 : memref<32x768xf32, #tpu.memory_space<vmem>>) target_semaphore(%arg11 : memref<!tpu.dma_semaphore, #tpu.memory_space<semaphore_mem>>)
    %scan3A_248 = arith.constant 0 : i32
    %scan3A_249 = arith.constant 0 : i32
    %scan3A_250 = arith.constant 32 : i32
    %scan3A_251 = arith.addi %scan3A_249, %scan3A_250 : i32
    %scan3A_252 = arith.constant 1 : i32
    scf.for %scan3A_334 = %scan3A_249 to %scan3A_251 step %scan3A_252  : i32 {
      %get3A = arith.index_cast %scan3A_334 : i32 to index
      %get3A_335 = arith.constant 0 : index
      %get3A_336 = tpu.vector_load %arg8[%get3A, %get3A_335] {strides = array<i32>} : memref<32x768xf32, #tpu.memory_space<vmem>>, vector<1x16xf32>,
      %get3A_337 = vector.shape_cast %get3A_336 : vector<1x16xf32> to vector<16xf32>
      %swap3A = arith.index_cast %scan3A_334 : i32 to index
      %swap3A_338 = arith.constant 0 : index
      %swap3A_339 = tpu.vector_load %arg6[%swap3A, %swap3A_338] {strides = array<i32>} : memref<32x768xf32, #tpu.memory_space<vmem>>, vector<1x16xf32>,
      %swap3A_340 = vector.shape_cast %swap3A_339 : vector<1x16xf32> to vector<16xf32>
      %swap3A_341 = vector.shape_cast %get3A_337 : vector<16xf32> to vector<1x16xf32>
      tpu.vector_store %arg6[%swap3A, %swap3A_338], %swap3A_341 {add = true, strides = array<i32>} : memref<32x768xf32, #tpu.memory_space<vmem>>, vector<1x16xf32>,
      %get3A_342 = arith.index_cast %scan3A_334 : i32 to index
      %get3A_343 = arith.constant 16 : index
      %get3A_344 = tpu.vector_load %arg8[%get3A_342, %get3A_343] {strides = array<i32>} : memref<32x768xf32, #tpu.memory_space<vmem>>, vector<1x16xf32>,
      %get3A_345 = vector.shape_cast %get3A_344 : vector<1x16xf32> to vector<16xf32>
      %swap3A_346 = arith.index_cast %scan3A_334 : i32 to index
      %swap3A_347 = arith.constant 16 : index
      %swap3A_348 = tpu.vector_load %arg6[%swap3A_346, %swap3A_347] {strides = array<i32>} : memref<32x768xf32, #tpu.memory_space<vmem>>, vector<1x16xf32>,
      %swap3A_349 = vector.shape_cast %swap3A_348 : vector<1x16xf32> to vector<16xf32>
      %swap3A_350 = vector.shape_cast %get3A_345 : vector<16xf32> to vector<1x16xf32>
      tpu.vector_store %arg6[%swap3A_346, %swap3A_347], %swap3A_350 {add = true, strides = array<i32>} : memref<32x768xf32, #tpu.memory_space<vmem>>, vector<1x16xf32>,
      %get3A_351 = arith.index_cast %scan3A_334 : i32 to index
      %get3A_352 = arith.constant 32 : index
      %get3A_353 = tpu.vector_load %arg8[%get3A_351, %get3A_352] {strides = array<i32>} : memref<32x768xf32, #tpu.memory_space<vmem>>, vector<1x16xf32>,
      %get3A_354 = vector.shape_cast %get3A_353 : vector<1x16xf32> to vector<16xf32>
      %swap3A_355 = arith.index_cast %scan3A_334 : i32 to index
      %swap3A_356 = arith.constant 32 : index
      %swap3A_357 = tpu.vector_load %arg6[%swap3A_355, %swap3A_356] {strides = array<i32>} : memref<32x768xf32, #tpu.memory_space<vmem>>, vector<1x16xf32>,
      %swap3A_358 = vector.shape_cast %swap3A_357 : vector<1x16xf32> to vector<16xf32>
      %swap3A_359 = vector.shape_cast %get3A_354 : vector<16xf32> to vector<1x16xf32>
      tpu.vector_store %arg6[%swap3A_355, %swap3A_356], %swap3A_359 {add = true, strides = array<i32>} : memref<32x768xf32, #tpu.memory_space<vmem>>, vector<1x16xf32>,
      %get3A_360 = arith.index_cast %scan3A_334 : i32 to index
      %get3A_361 = arith.constant 48 : index
      %get3A_362 = tpu.vector_load %arg8[%get3A_360, %get3A_361] {strides = array<i32>} : memref<32x768xf32, #tpu.memory_space<vmem>>, vector<1x16xf32>,
      %get3A_363 = vector.shape_cast %get3A_362 : vector<1x16xf32> to vector<16xf32>
      %swap3A_364 = arith.index_cast %scan3A_334 : i32 to index
      %swap3A_365 = arith.constant 48 : index
      %swap3A_366 = tpu.vector_load %arg6[%swap3A_364, %swap3A_365] {strides = array<i32>} : memref<32x768xf32, #tpu.memory_space<vmem>>, vector<1x16xf32>,
      %swap3A_367 = vector.shape_cast %swap3A_366 : vector<1x16xf32> to vector<16xf32>
      %swap3A_368 = vector.shape_cast %get3A_363 : vector<16xf32> to vector<1x16xf32>
      tpu.vector_store %arg6[%swap3A_364, %swap3A_365], %swap3A_368 {add = true, strides = array<i32>} : memref<32x768xf32, #tpu.memory_space<vmem>>, vector<1x16xf32>,
      %get3A_369 = arith.index_cast %scan3A_334 : i32 to index
      %get3A_370 = arith.constant 64 : index
      %get3A_371 = tpu.vector_load %arg8[%get3A_369, %get3A_370] {strides = array<i32>} : memref<32x768xf32, #tpu.memory_space<vmem>>, vector<1x16xf32>,
      %get3A_372 = vector.shape_cast %get3A_371 : vector<1x16xf32> to vector<16xf32>
      %swap3A_373 = arith.index_cast %scan3A_334 : i32 to index
      %swap3A_374 = arith.constant 64 : index
      %swap3A_375 = tpu.vector_load %arg6[%swap3A_373, %swap3A_374] {strides = array<i32>} : memref<32x768xf32, #tpu.memory_space<vmem>>, vector<1x16xf32>,
      %swap3A_376 = vector.shape_cast %swap3A_375 : vector<1x16xf32> to vector<16xf32>
      %swap3A_377 = vector.shape_cast %get3A_372 : vector<16xf32> to vector<1x16xf32>
      tpu.vector_store %arg6[%swap3A_373, %swap3A_374], %swap3A_377 {add = true, strides = array<i32>} : memref<32x768xf32, #tpu.memory_space<vmem>>, vector<1x16xf32>,
      %get3A_378 = arith.index_cast %scan3A_334 : i32 to index
      %get3A_379 = arith.constant 80 : index
      %get3A_380 = tpu.vector_load %arg8[%get3A_378, %get3A_379] {strides = array<i32>} : memref<32x768xf32, #tpu.memory_space<vmem>>, vector<1x16xf32>,
      %get3A_381 = vector.shape_cast %get3A_380 : vector<1x16xf32> to vector<16xf32>
      %swap3A_382 = arith.index_cast %scan3A_334 : i32 to index
      %swap3A_383 = arith.constant 80 : index
      %swap3A_384 = tpu.vector_load %arg6[%swap3A_382, %swap3A_383] {strides = array<i32>} : memref<32x768xf32, #tpu.memory_space<vmem>>, vector<1x16xf32>,
      %swap3A_385 = vector.shape_cast %swap3A_384 : vector<1x16xf32> to vector<16xf32>
      %swap3A_386 = vector.shape_cast %get3A_381 : vector<16xf32> to vector<1x16xf32>
      tpu.vector_store %arg6[%swap3A_382, %swap3A_383], %swap3A_386 {add = true, strides = array<i32>} : memref<32x768xf32, #tpu.memory_space<vmem>>, vector<1x16xf32>,
      %get3A_387 = arith.index_cast %scan3A_334 : i32 to index
      %get3A_388 = arith.constant 96 : index
      %get3A_389 = tpu.vector_load %arg8[%get3A_387, %get3A_388] {strides = array<i32>} : memref<32x768xf32, #tpu.memory_space<vmem>>, vector<1x16xf32>,
      %get3A_390 = vector.shape_cast %get3A_389 : vector<1x16xf32> to vector<16xf32>
      %swap3A_391 = arith.index_cast %scan3A_334 : i32 to index
      %swap3A_392 = arith.constant 96 : index
      %swap3A_393 = tpu.vector_load %arg6[%swap3A_391, %swap3A_392] {strides = array<i32>} : memref<32x768xf32, #tpu.memory_space<vmem>>, vector<1x16xf32>,
      %swap3A_394 = vector.shape_cast %swap3A_393 : vector<1x16xf32> to vector<16xf32>
      %swap3A_395 = vector.shape_cast %get3A_390 : vector<16xf32> to vector<1x16xf32>
      tpu.vector_store %arg6[%swap3A_391, %swap3A_392], %swap3A_395 {add = true, strides = array<i32>} : memref<32x768xf32, #tpu.memory_space<vmem>>, vector<1x16xf32>,
      %get3A_396 = arith.index_cast %scan3A_334 : i32 to index
      %get3A_397 = arith.constant 112 : index
      %get3A_398 = tpu.vector_load %arg8[%get3A_396, %get3A_397] {strides = array<i32>} : memref<32x768xf32, #tpu.memory_space<vmem>>, vector<1x16xf32>,
      %get3A_399 = vector.shape_cast %get3A_398 : vector<1x16xf32> to vector<16xf32>
      %swap3A_400 = arith.index_cast %scan3A_334 : i32 to index
      %swap3A_401 = arith.constant 112 : index
      %swap3A_402 = tpu.vector_load %arg6[%swap3A_400, %swap3A_401] {strides = array<i32>} : memref<32x768xf32, #tpu.memory_space<vmem>>, vector<1x16xf32>,
      %swap3A_403 = vector.shape_cast %swap3A_402 : vector<1x16xf32> to vector<16xf32>
      %swap3A_404 = vector.shape_cast %get3A_399 : vector<16xf32> to vector<1x16xf32>
      tpu.vector_store %arg6[%swap3A_400, %swap3A_401], %swap3A_404 {add = true, strides = array<i32>} : memref<32x768xf32, #tpu.memory_space<vmem>>, vector<1x16xf32>,
      %get3A_405 = arith.index_cast %scan3A_334 : i32 to index
      %get3A_406 = arith.constant 128 : index
      %get3A_407 = tpu.vector_load %arg8[%get3A_405, %get3A_406] {strides = array<i32>} : memref<32x768xf32, #tpu.memory_space<vmem>>, vector<1x16xf32>,
      %get3A_408 = vector.shape_cast %get3A_407 : vector<1x16xf32> to vector<16xf32>
      %swap3A_409 = arith.index_cast %scan3A_334 : i32 to index
      %swap3A_410 = arith.constant 128 : index
      %swap3A_411 = tpu.vector_load %arg6[%swap3A_409, %swap3A_410] {strides = array<i32>} : memref<32x768xf32, #tpu.memory_space<vmem>>, vector<1x16xf32>,
      %swap3A_412 = vector.shape_cast %swap3A_411 : vector<1x16xf32> to vector<16xf32>
      %swap3A_413 = vector.shape_cast %get3A_408 : vector<16xf32> to vector<1x16xf32>
      tpu.vector_store %arg6[%swap3A_409, %swap3A_410], %swap3A_413 {add = true, strides = array<i32>} : memref<32x768xf32, #tpu.memory_space<vmem>>, vector<1x16xf32>,
      %get3A_414 = arith.index_cast %scan3A_334 : i32 to index
      %get3A_415 = arith.constant 144 : index
      %get3A_416 = tpu.vector_load %arg8[%get3A_414, %get3A_415] {strides = array<i32>} : memref<32x768xf32, #tpu.memory_space<vmem>>, vector<1x16xf32>,
      %get3A_417 = vector.shape_cast %get3A_416 : vector<1x16xf32> to vector<16xf32>
      %swap3A_418 = arith.index_cast %scan3A_334 : i32 to index
      %swap3A_419 = arith.constant 144 : index
      %swap3A_420 = tpu.vector_load %arg6[%swap3A_418, %swap3A_419] {strides = array<i32>} : memref<32x768xf32, #tpu.memory_space<vmem>>, vector<1x16xf32>,
      %swap3A_421 = vector.shape_cast %swap3A_420 : vector<1x16xf32> to vector<16xf32>
      %swap3A_422 = vector.shape_cast %get3A_417 : vector<16xf32> to vector<1x16xf32>
      tpu.vector_store %arg6[%swap3A_418, %swap3A_419], %swap3A_422 {add = true, strides = array<i32>} : memref<32x768xf32, #tpu.memory_space<vmem>>, vector<1x16xf32>,
      %get3A_423 = arith.index_cast %scan3A_334 : i32 to index
      %get3A_424 = arith.constant 160 : index
      %get3A_425 = tpu.vector_load %arg8[%get3A_423, %get3A_424] {strides = array<i32>} : memref<32x768xf32, #tpu.memory_space<vmem>>, vector<1x16xf32>,
      %get3A_426 = vector.shape_cast %get3A_425 : vector<1x16xf32> to vector<16xf32>
      %swap3A_427 = arith.index_cast %scan3A_334 : i32 to index
      %swap3A_428 = arith.constant 160 : index
      %swap3A_429 = tpu.vector_load %arg6[%swap3A_427, %swap3A_428] {strides = array<i32>} : memref<32x768xf32, #tpu.memory_space<vmem>>, vector<1x16xf32>,
      %swap3A_430 = vector.shape_cast %swap3A_429 : vector<1x16xf32> to vector<16xf32>
      %swap3A_431 = vector.shape_cast %get3A_426 : vector<16xf32> to vector<1x16xf32>
      tpu.vector_store %arg6[%swap3A_427, %swap3A_428], %swap3A_431 {add = true, strides = array<i32>} : memref<32x768xf32, #tpu.memory_space<vmem>>, vector<1x16xf32>,
      %get3A_432 = arith.index_cast %scan3A_334 : i32 to index
      %get3A_433 = arith.constant 176 : index
      %get3A_434 = tpu.vector_load %arg8[%get3A_432, %get3A_433] {strides = array<i32>} : memref<32x768xf32, #tpu.memory_space<vmem>>, vector<1x16xf32>,
      %get3A_435 = vector.shape_cast %get3A_434 : vector<1x16xf32> to vector<16xf32>
      %swap3A_436 = arith.index_cast %scan3A_334 : i32 to index
      %swap3A_437 = arith.constant 176 : index
      %swap3A_438 = tpu.vector_load %arg6[%swap3A_436, %swap3A_437] {strides = array<i32>} : memref<32x768xf32, #tpu.memory_space<vmem>>, vector<1x16xf32>,
      %swap3A_439 = vector.shape_cast %swap3A_438 : vector<1x16xf32> to vector<16xf32>
      %swap3A_440 = vector.shape_cast %get3A_435 : vector<16xf32> to vector<1x16xf32>
      tpu.vector_store %arg6[%swap3A_436, %swap3A_437], %swap3A_440 {add = true, strides = array<i32>} : memref<32x768xf32, #tpu.memory_space<vmem>>, vector<1x16xf32>,
      %get3A_441 = arith.index_cast %scan3A_334 : i32 to index
      %get3A_442 = arith.constant 192 : index
      %get3A_443 = tpu.vector_load %arg8[%get3A_441, %get3A_442] {strides = array<i32>} : memref<32x768xf32, #tpu.memory_space<vmem>>, vector<1x16xf32>,
      %get3A_444 = vector.shape_cast %get3A_443 : vector<1x16xf32> to vector<16xf32>
      %swap3A_445 = arith.index_cast %scan3A_334 : i32 to index
      %swap3A_446 = arith.constant 192 : index
      %swap3A_447 = tpu.vector_load %arg6[%swap3A_445, %swap3A_446] {strides = array<i32>} : memref<32x768xf32, #tpu.memory_space<vmem>>, vector<1x16xf32>,
      %swap3A_448 = vector.shape_cast %swap3A_447 : vector<1x16xf32> to vector<16xf32>
      %swap3A_449 = vector.shape_cast %get3A_444 : vector<16xf32> to vector<1x16xf32>
      tpu.vector_store %arg6[%swap3A_445, %swap3A_446], %swap3A_449 {add = true, strides = array<i32>} : memref<32x768xf32, #tpu.memory_space<vmem>>, vector<1x16xf32>,
      %get3A_450 = arith.index_cast %scan3A_334 : i32 to index
      %get3A_451 = arith.constant 208 : index
      %get3A_452 = tpu.vector_load %arg8[%get3A_450, %get3A_451] {strides = array<i32>} : memref<32x768xf32, #tpu.memory_space<vmem>>, vector<1x16xf32>,
      %get3A_453 = vector.shape_cast %get3A_452 : vector<1x16xf32> to vector<16xf32>
      %swap3A_454 = arith.index_cast %scan3A_334 : i32 to index
      %swap3A_455 = arith.constant 208 : index
      %swap3A_456 = tpu.vector_load %arg6[%swap3A_454, %swap3A_455] {strides = array<i32>} : memref<32x768xf32, #tpu.memory_space<vmem>>, vector<1x16xf32>,
      %swap3A_457 = vector.shape_cast %swap3A_456 : vector<1x16xf32> to vector<16xf32>
      %swap3A_458 = vector.shape_cast %get3A_453 : vector<16xf32> to vector<1x16xf32>
      tpu.vector_store %arg6[%swap3A_454, %swap3A_455], %swap3A_458 {add = true, strides = array<i32>} : memref<32x768xf32, #tpu.memory_space<vmem>>, vector<1x16xf32>,
      %get3A_459 = arith.index_cast %scan3A_334 : i32 to index
      %get3A_460 = arith.constant 224 : index
      %get3A_461 = tpu.vector_load %arg8[%get3A_459, %get3A_460] {strides = array<i32>} : memref<32x768xf32, #tpu.memory_space<vmem>>, vector<1x16xf32>,
      %get3A_462 = vector.shape_cast %get3A_461 : vector<1x16xf32> to vector<16xf32>
      %swap3A_463 = arith.index_cast %scan3A_334 : i32 to index
      %swap3A_464 = arith.constant 224 : index
      %swap3A_465 = tpu.vector_load %arg6[%swap3A_463, %swap3A_464] {strides = array<i32>} : memref<32x768xf32, #tpu.memory_space<vmem>>, vector<1x16xf32>,
      %swap3A_466 = vector.shape_cast %swap3A_465 : vector<1x16xf32> to vector<16xf32>
      %swap3A_467 = vector.shape_cast %get3A_462 : vector<16xf32> to vector<1x16xf32>
      tpu.vector_store %arg6[%swap3A_463, %swap3A_464], %swap3A_467 {add = true, strides = array<i32>} : memref<32x768xf32, #tpu.memory_space<vmem>>, vector<1x16xf32>,
      %get3A_468 = arith.index_cast %scan3A_334 : i32 to index
      %get3A_469 = arith.constant 240 : index
      %get3A_470 = tpu.vector_load %arg8[%get3A_468, %get3A_469] {strides = array<i32>} : memref<32x768xf32, #tpu.memory_space<vmem>>, vector<1x16xf32>,
      %get3A_471 = vector.shape_cast %get3A_470 : vector<1x16xf32> to vector<16xf32>
      %swap3A_472 = arith.index_cast %scan3A_334 : i32 to index
      %swap3A_473 = arith.constant 240 : index
      %swap3A_474 = tpu.vector_load %arg6[%swap3A_472, %swap3A_473] {strides = array<i32>} : memref<32x768xf32, #tpu.memory_space<vmem>>, vector<1x16xf32>,
      %swap3A_475 = vector.shape_cast %swap3A_474 : vector<1x16xf32> to vector<16xf32>
      %swap3A_476 = vector.shape_cast %get3A_471 : vector<16xf32> to vector<1x16xf32>
      tpu.vector_store %arg6[%swap3A_472, %swap3A_473], %swap3A_476 {add = true, strides = array<i32>} : memref<32x768xf32, #tpu.memory_space<vmem>>, vector<1x16xf32>,
      %get3A_477 = arith.index_cast %scan3A_334 : i32 to index
      %get3A_478 = arith.constant 256 : index
      %get3A_479 = tpu.vector_load %arg8[%get3A_477, %get3A_478] {strides = array<i32>} : memref<32x768xf32, #tpu.memory_space<vmem>>, vector<1x16xf32>,
      %get3A_480 = vector.shape_cast %get3A_479 : vector<1x16xf32> to vector<16xf32>
      %swap3A_481 = arith.index_cast %scan3A_334 : i32 to index
      %swap3A_482 = arith.constant 256 : index
      %swap3A_483 = tpu.vector_load %arg6[%swap3A_481, %swap3A_482] {strides = array<i32>} : memref<32x768xf32, #tpu.memory_space<vmem>>, vector<1x16xf32>,
      %swap3A_484 = vector.shape_cast %swap3A_483 : vector<1x16xf32> to vector<16xf32>
      %swap3A_485 = vector.shape_cast %get3A_480 : vector<16xf32> to vector<1x16xf32>
      tpu.vector_store %arg6[%swap3A_481, %swap3A_482], %swap3A_485 {add = true, strides = array<i32>} : memref<32x768xf32, #tpu.memory_space<vmem>>, vector<1x16xf32>,
      %get3A_486 = arith.index_cast %scan3A_334 : i32 to index
      %get3A_487 = arith.constant 272 : index
      %get3A_488 = tpu.vector_load %arg8[%get3A_486, %get3A_487] {strides = array<i32>} : memref<32x768xf32, #tpu.memory_space<vmem>>, vector<1x16xf32>,
      %get3A_489 = vector.shape_cast %get3A_488 : vector<1x16xf32> to vector<16xf32>
      %swap3A_490 = arith.index_cast %scan3A_334 : i32 to index
      %swap3A_491 = arith.constant 272 : index
      %swap3A_492 = tpu.vector_load %arg6[%swap3A_490, %swap3A_491] {strides = array<i32>} : memref<32x768xf32, #tpu.memory_space<vmem>>, vector<1x16xf32>,
      %swap3A_493 = vector.shape_cast %swap3A_492 : vector<1x16xf32> to vector<16xf32>
      %swap3A_494 = vector.shape_cast %get3A_489 : vector<16xf32> to vector<1x16xf32>
      tpu.vector_store %arg6[%swap3A_490, %swap3A_491], %swap3A_494 {add = true, strides = array<i32>} : memref<32x768xf32, #tpu.memory_space<vmem>>, vector<1x16xf32>,
      %get3A_495 = arith.index_cast %scan3A_334 : i32 to index
      %get3A_496 = arith.constant 288 : index
      %get3A_497 = tpu.vector_load %arg8[%get3A_495, %get3A_496] {strides = array<i32>} : memref<32x768xf32, #tpu.memory_space<vmem>>, vector<1x16xf32>,
      %get3A_498 = vector.shape_cast %get3A_497 : vector<1x16xf32> to vector<16xf32>
      %swap3A_499 = arith.index_cast %scan3A_334 : i32 to index
      %swap3A_500 = arith.constant 288 : index
      %swap3A_501 = tpu.vector_load %arg6[%swap3A_499, %swap3A_500] {strides = array<i32>} : memref<32x768xf32, #tpu.memory_space<vmem>>, vector<1x16xf32>,
      %swap3A_502 = vector.shape_cast %swap3A_501 : vector<1x16xf32> to vector<16xf32>
      %swap3A_503 = vector.shape_cast %get3A_498 : vector<16xf32> to vector<1x16xf32>
      tpu.vector_store %arg6[%swap3A_499, %swap3A_500], %swap3A_503 {add = true, strides = array<i32>} : memref<32x768xf32, #tpu.memory_space<vmem>>, vector<1x16xf32>,
      %get3A_504 = arith.index_cast %scan3A_334 : i32 to index
      %get3A_505 = arith.constant 304 : index
      %get3A_506 = tpu.vector_load %arg8[%get3A_504, %get3A_505] {strides = array<i32>} : memref<32x768xf32, #tpu.memory_space<vmem>>, vector<1x16xf32>,
      %get3A_507 = vector.shape_cast %get3A_506 : vector<1x16xf32> to vector<16xf32>
      %swap3A_508 = arith.index_cast %scan3A_334 : i32 to index
      %swap3A_509 = arith.constant 304 : index
      %swap3A_510 = tpu.vector_load %arg6[%swap3A_508, %swap3A_509] {strides = array<i32>} : memref<32x768xf32, #tpu.memory_space<vmem>>, vector<1x16xf32>,
      %swap3A_511 = vector.shape_cast %swap3A_510 : vector<1x16xf32> to vector<16xf32>
      %swap3A_512 = vector.shape_cast %get3A_507 : vector<16xf32> to vector<1x16xf32>
      tpu.vector_store %arg6[%swap3A_508, %swap3A_509], %swap3A_512 {add = true, strides = array<i32>} : memref<32x768xf32, #tpu.memory_space<vmem>>, vector<1x16xf32>,
      %get3A_513 = arith.index_cast %scan3A_334 : i32 to index
      %get3A_514 = arith.constant 320 : index
      %get3A_515 = tpu.vector_load %arg8[%get3A_513, %get3A_514] {strides = array<i32>} : memref<32x768xf32, #tpu.memory_space<vmem>>, vector<1x16xf32>,
      %get3A_516 = vector.shape_cast %get3A_515 : vector<1x16xf32> to vector<16xf32>
      %swap3A_517 = arith.index_cast %scan3A_334 : i32 to index
      %swap3A_518 = arith.constant 320 : index
      %swap3A_519 = tpu.vector_load %arg6[%swap3A_517, %swap3A_518] {strides = array<i32>} : memref<32x768xf32, #tpu.memory_space<vmem>>, vector<1x16xf32>,
      %swap3A_520 = vector.shape_cast %swap3A_519 : vector<1x16xf32> to vector<16xf32>
      %swap3A_521 = vector.shape_cast %get3A_516 : vector<16xf32> to vector<1x16xf32>
      tpu.vector_store %arg6[%swap3A_517, %swap3A_518], %swap3A_521 {add = true, strides = array<i32>} : memref<32x768xf32, #tpu.memory_space<vmem>>, vector<1x16xf32>,
      %get3A_522 = arith.index_cast %scan3A_334 : i32 to index
      %get3A_523 = arith.constant 336 : index
      %get3A_524 = tpu.vector_load %arg8[%get3A_522, %get3A_523] {strides = array<i32>} : memref<32x768xf32, #tpu.memory_space<vmem>>, vector<1x16xf32>,
      %get3A_525 = vector.shape_cast %get3A_524 : vector<1x16xf32> to vector<16xf32>
      %swap3A_526 = arith.index_cast %scan3A_334 : i32 to index
      %swap3A_527 = arith.constant 336 : index
      %swap3A_528 = tpu.vector_load %arg6[%swap3A_526, %swap3A_527] {strides = array<i32>} : memref<32x768xf32, #tpu.memory_space<vmem>>, vector<1x16xf32>,
      %swap3A_529 = vector.shape_cast %swap3A_528 : vector<1x16xf32> to vector<16xf32>
      %swap3A_530 = vector.shape_cast %get3A_525 : vector<16xf32> to vector<1x16xf32>
      tpu.vector_store %arg6[%swap3A_526, %swap3A_527], %swap3A_530 {add = true, strides = array<i32>} : memref<32x768xf32, #tpu.memory_space<vmem>>, vector<1x16xf32>,
      %get3A_531 = arith.index_cast %scan3A_334 : i32 to index
      %get3A_532 = arith.constant 352 : index
      %get3A_533 = tpu.vector_load %arg8[%get3A_531, %get3A_532] {strides = array<i32>} : memref<32x768xf32, #tpu.memory_space<vmem>>, vector<1x16xf32>,
      %get3A_534 = vector.shape_cast %get3A_533 : vector<1x16xf32> to vector<16xf32>
      %swap3A_535 = arith.index_cast %scan3A_334 : i32 to index
      %swap3A_536 = arith.constant 352 : index
      %swap3A_537 = tpu.vector_load %arg6[%swap3A_535, %swap3A_536] {strides = array<i32>} : memref<32x768xf32, #tpu.memory_space<vmem>>, vector<1x16xf32>,
      %swap3A_538 = vector.shape_cast %swap3A_537 : vector<1x16xf32> to vector<16xf32>
      %swap3A_539 = vector.shape_cast %get3A_534 : vector<16xf32> to vector<1x16xf32>
      tpu.vector_store %arg6[%swap3A_535, %swap3A_536], %swap3A_539 {add = true, strides = array<i32>} : memref<32x768xf32, #tpu.memory_space<vmem>>, vector<1x16xf32>,
      %get3A_540 = arith.index_cast %scan3A_334 : i32 to index
      %get3A_541 = arith.constant 368 : index
      %get3A_542 = tpu.vector_load %arg8[%get3A_540, %get3A_541] {strides = array<i32>} : memref<32x768xf32, #tpu.memory_space<vmem>>, vector<1x16xf32>,
      %get3A_543 = vector.shape_cast %get3A_542 : vector<1x16xf32> to vector<16xf32>
      %swap3A_544 = arith.index_cast %scan3A_334 : i32 to index
      %swap3A_545 = arith.constant 368 : index
      %swap3A_546 = tpu.vector_load %arg6[%swap3A_544, %swap3A_545] {strides = array<i32>} : memref<32x768xf32, #tpu.memory_space<vmem>>, vector<1x16xf32>,
      %swap3A_547 = vector.shape_cast %swap3A_546 : vector<1x16xf32> to vector<16xf32>
      %swap3A_548 = vector.shape_cast %get3A_543 : vector<16xf32> to vector<1x16xf32>
      tpu.vector_store %arg6[%swap3A_544, %swap3A_545], %swap3A_548 {add = true, strides = array<i32>} : memref<32x768xf32, #tpu.memory_space<vmem>>, vector<1x16xf32>,
      %get3A_549 = arith.index_cast %scan3A_334 : i32 to index
      %get3A_550 = arith.constant 384 : index
      %get3A_551 = tpu.vector_load %arg8[%get3A_549, %get3A_550] {strides = array<i32>} : memref<32x768xf32, #tpu.memory_space<vmem>>, vector<1x16xf32>,
      %get3A_552 = vector.shape_cast %get3A_551 : vector<1x16xf32> to vector<16xf32>
      %swap3A_553 = arith.index_cast %scan3A_334 : i32 to index
      %swap3A_554 = arith.constant 384 : index
      %swap3A_555 = tpu.vector_load %arg6[%swap3A_553, %swap3A_554] {strides = array<i32>} : memref<32x768xf32, #tpu.memory_space<vmem>>, vector<1x16xf32>,
      %swap3A_556 = vector.shape_cast %swap3A_555 : vector<1x16xf32> to vector<16xf32>
      %swap3A_557 = vector.shape_cast %get3A_552 : vector<16xf32> to vector<1x16xf32>
      tpu.vector_store %arg6[%swap3A_553, %swap3A_554], %swap3A_557 {add = true, strides = array<i32>} : memref<32x768xf32, #tpu.memory_space<vmem>>, vector<1x16xf32>,
      %get3A_558 = arith.index_cast %scan3A_334 : i32 to index
      %get3A_559 = arith.constant 400 : index
      %get3A_560 = tpu.vector_load %arg8[%get3A_558, %get3A_559] {strides = array<i32>} : memref<32x768xf32, #tpu.memory_space<vmem>>, vector<1x16xf32>,
      %get3A_561 = vector.shape_cast %get3A_560 : vector<1x16xf32> to vector<16xf32>
      %swap3A_562 = arith.index_cast %scan3A_334 : i32 to index
      %swap3A_563 = arith.constant 400 : index
      %swap3A_564 = tpu.vector_load %arg6[%swap3A_562, %swap3A_563] {strides = array<i32>} : memref<32x768xf32, #tpu.memory_space<vmem>>, vector<1x16xf32>,
      %swap3A_565 = vector.shape_cast %swap3A_564 : vector<1x16xf32> to vector<16xf32>
      %swap3A_566 = vector.shape_cast %get3A_561 : vector<16xf32> to vector<1x16xf32>
      tpu.vector_store %arg6[%swap3A_562, %swap3A_563], %swap3A_566 {add = true, strides = array<i32>} : memref<32x768xf32, #tpu.memory_space<vmem>>, vector<1x16xf32>,
      %get3A_567 = arith.index_cast %scan3A_334 : i32 to index
      %get3A_568 = arith.constant 416 : index
      %get3A_569 = tpu.vector_load %arg8[%get3A_567, %get3A_568] {strides = array<i32>} : memref<32x768xf32, #tpu.memory_space<vmem>>, vector<1x16xf32>,
      %get3A_570 = vector.shape_cast %get3A_569 : vector<1x16xf32> to vector<16xf32>
      %swap3A_571 = arith.index_cast %scan3A_334 : i32 to index
      %swap3A_572 = arith.constant 416 : index
      %swap3A_573 = tpu.vector_load %arg6[%swap3A_571, %swap3A_572] {strides = array<i32>} : memref<32x768xf32, #tpu.memory_space<vmem>>, vector<1x16xf32>,
      %swap3A_574 = vector.shape_cast %swap3A_573 : vector<1x16xf32> to vector<16xf32>
      %swap3A_575 = vector.shape_cast %get3A_570 : vector<16xf32> to vector<1x16xf32>
      tpu.vector_store %arg6[%swap3A_571, %swap3A_572], %swap3A_575 {add = true, strides = array<i32>} : memref<32x768xf32, #tpu.memory_space<vmem>>, vector<1x16xf32>,
      %get3A_576 = arith.index_cast %scan3A_334 : i32 to index
      %get3A_577 = arith.constant 432 : index
      %get3A_578 = tpu.vector_load %arg8[%get3A_576, %get3A_577] {strides = array<i32>} : memref<32x768xf32, #tpu.memory_space<vmem>>, vector<1x16xf32>,
      %get3A_579 = vector.shape_cast %get3A_578 : vector<1x16xf32> to vector<16xf32>
      %swap3A_580 = arith.index_cast %scan3A_334 : i32 to index
      %swap3A_581 = arith.constant 432 : index
      %swap3A_582 = tpu.vector_load %arg6[%swap3A_580, %swap3A_581] {strides = array<i32>} : memref<32x768xf32, #tpu.memory_space<vmem>>, vector<1x16xf32>,
      %swap3A_583 = vector.shape_cast %swap3A_582 : vector<1x16xf32> to vector<16xf32>
      %swap3A_584 = vector.shape_cast %get3A_579 : vector<16xf32> to vector<1x16xf32>
      tpu.vector_store %arg6[%swap3A_580, %swap3A_581], %swap3A_584 {add = true, strides = array<i32>} : memref<32x768xf32, #tpu.memory_space<vmem>>, vector<1x16xf32>,
      %get3A_585 = arith.index_cast %scan3A_334 : i32 to index
      %get3A_586 = arith.constant 448 : index
      %get3A_587 = tpu.vector_load %arg8[%get3A_585, %get3A_586] {strides = array<i32>} : memref<32x768xf32, #tpu.memory_space<vmem>>, vector<1x16xf32>,
      %get3A_588 = vector.shape_cast %get3A_587 : vector<1x16xf32> to vector<16xf32>
      %swap3A_589 = arith.index_cast %scan3A_334 : i32 to index
      %swap3A_590 = arith.constant 448 : index
      %swap3A_591 = tpu.vector_load %arg6[%swap3A_589, %swap3A_590] {strides = array<i32>} : memref<32x768xf32, #tpu.memory_space<vmem>>, vector<1x16xf32>,
      %swap3A_592 = vector.shape_cast %swap3A_591 : vector<1x16xf32> to vector<16xf32>
      %swap3A_593 = vector.shape_cast %get3A_588 : vector<16xf32> to vector<1x16xf32>
      tpu.vector_store %arg6[%swap3A_589, %swap3A_590], %swap3A_593 {add = true, strides = array<i32>} : memref<32x768xf32, #tpu.memory_space<vmem>>, vector<1x16xf32>,
      %get3A_594 = arith.index_cast %scan3A_334 : i32 to index
      %get3A_595 = arith.constant 464 : index
      %get3A_596 = tpu.vector_load %arg8[%get3A_594, %get3A_595] {strides = array<i32>} : memref<32x768xf32, #tpu.memory_space<vmem>>, vector<1x16xf32>,
      %get3A_597 = vector.shape_cast %get3A_596 : vector<1x16xf32> to vector<16xf32>
      %swap3A_598 = arith.index_cast %scan3A_334 : i32 to index
      %swap3A_599 = arith.constant 464 : index
      %swap3A_600 = tpu.vector_load %arg6[%swap3A_598, %swap3A_599] {strides = array<i32>} : memref<32x768xf32, #tpu.memory_space<vmem>>, vector<1x16xf32>,
      %swap3A_601 = vector.shape_cast %swap3A_600 : vector<1x16xf32> to vector<16xf32>
      %swap3A_602 = vector.shape_cast %get3A_597 : vector<16xf32> to vector<1x16xf32>
      tpu.vector_store %arg6[%swap3A_598, %swap3A_599], %swap3A_602 {add = true, strides = array<i32>} : memref<32x768xf32, #tpu.memory_space<vmem>>, vector<1x16xf32>,
      %get3A_603 = arith.index_cast %scan3A_334 : i32 to index
      %get3A_604 = arith.constant 480 : index
      %get3A_605 = tpu.vector_load %arg8[%get3A_603, %get3A_604] {strides = array<i32>} : memref<32x768xf32, #tpu.memory_space<vmem>>, vector<1x16xf32>,
      %get3A_606 = vector.shape_cast %get3A_605 : vector<1x16xf32> to vector<16xf32>
      %swap3A_607 = arith.index_cast %scan3A_334 : i32 to index
      %swap3A_608 = arith.constant 480 : index
      %swap3A_609 = tpu.vector_load %arg6[%swap3A_607, %swap3A_608] {strides = array<i32>} : memref<32x768xf32, #tpu.memory_space<vmem>>, vector<1x16xf32>,
      %swap3A_610 = vector.shape_cast %swap3A_609 : vector<1x16xf32> to vector<16xf32>
      %swap3A_611 = vector.shape_cast %get3A_606 : vector<16xf32> to vector<1x16xf32>
      tpu.vector_store %arg6[%swap3A_607, %swap3A_608], %swap3A_611 {add = true, strides = array<i32>} : memref<32x768xf32, #tpu.memory_space<vmem>>, vector<1x16xf32>,
      %get3A_612 = arith.index_cast %scan3A_334 : i32 to index
      %get3A_613 = arith.constant 496 : index
      %get3A_614 = tpu.vector_load %arg8[%get3A_612, %get3A_613] {strides = array<i32>} : memref<32x768xf32, #tpu.memory_space<vmem>>, vector<1x16xf32>,
      %get3A_615 = vector.shape_cast %get3A_614 : vector<1x16xf32> to vector<16xf32>
      %swap3A_616 = arith.index_cast %scan3A_334 : i32 to index
      %swap3A_617 = arith.constant 496 : index
      %swap3A_618 = tpu.vector_load %arg6[%swap3A_616, %swap3A_617] {strides = array<i32>} : memref<32x768xf32, #tpu.memory_space<vmem>>, vector<1x16xf32>,
      %swap3A_619 = vector.shape_cast %swap3A_618 : vector<1x16xf32> to vector<16xf32>
      %swap3A_620 = vector.shape_cast %get3A_615 : vector<16xf32> to vector<1x16xf32>
      tpu.vector_store %arg6[%swap3A_616, %swap3A_617], %swap3A_620 {add = true, strides = array<i32>} : memref<32x768xf32, #tpu.memory_space<vmem>>, vector<1x16xf32>,
      %get3A_621 = arith.index_cast %scan3A_334 : i32 to index
      %get3A_622 = arith.constant 512 : index
      %get3A_623 = tpu.vector_load %arg8[%get3A_621, %get3A_622] {strides = array<i32>} : memref<32x768xf32, #tpu.memory_space<vmem>>, vector<1x16xf32>,
      %get3A_624 = vector.shape_cast %get3A_623 : vector<1x16xf32> to vector<16xf32>
      %swap3A_625 = arith.index_cast %scan3A_334 : i32 to index
      %swap3A_626 = arith.constant 512 : index
      %swap3A_627 = tpu.vector_load %arg6[%swap3A_625, %swap3A_626] {strides = array<i32>} : memref<32x768xf32, #tpu.memory_space<vmem>>, vector<1x16xf32>,
      %swap3A_628 = vector.shape_cast %swap3A_627 : vector<1x16xf32> to vector<16xf32>
      %swap3A_629 = vector.shape_cast %get3A_624 : vector<16xf32> to vector<1x16xf32>
      tpu.vector_store %arg6[%swap3A_625, %swap3A_626], %swap3A_629 {add = true, strides = array<i32>} : memref<32x768xf32, #tpu.memory_space<vmem>>, vector<1x16xf32>,
      %get3A_630 = arith.index_cast %scan3A_334 : i32 to index
      %get3A_631 = arith.constant 528 : index
      %get3A_632 = tpu.vector_load %arg8[%get3A_630, %get3A_631] {strides = array<i32>} : memref<32x768xf32, #tpu.memory_space<vmem>>, vector<1x16xf32>,
      %get3A_633 = vector.shape_cast %get3A_632 : vector<1x16xf32> to vector<16xf32>
      %swap3A_634 = arith.index_cast %scan3A_334 : i32 to index
      %swap3A_635 = arith.constant 528 : index
      %swap3A_636 = tpu.vector_load %arg6[%swap3A_634, %swap3A_635] {strides = array<i32>} : memref<32x768xf32, #tpu.memory_space<vmem>>, vector<1x16xf32>,
      %swap3A_637 = vector.shape_cast %swap3A_636 : vector<1x16xf32> to vector<16xf32>
      %swap3A_638 = vector.shape_cast %get3A_633 : vector<16xf32> to vector<1x16xf32>
      tpu.vector_store %arg6[%swap3A_634, %swap3A_635], %swap3A_638 {add = true, strides = array<i32>} : memref<32x768xf32, #tpu.memory_space<vmem>>, vector<1x16xf32>,
      %get3A_639 = arith.index_cast %scan3A_334 : i32 to index
      %get3A_640 = arith.constant 544 : index
      %get3A_641 = tpu.vector_load %arg8[%get3A_639, %get3A_640] {strides = array<i32>} : memref<32x768xf32, #tpu.memory_space<vmem>>, vector<1x16xf32>,
      %get3A_642 = vector.shape_cast %get3A_641 : vector<1x16xf32> to vector<16xf32>
      %swap3A_643 = arith.index_cast %scan3A_334 : i32 to index
      %swap3A_644 = arith.constant 544 : index
      %swap3A_645 = tpu.vector_load %arg6[%swap3A_643, %swap3A_644] {strides = array<i32>} : memref<32x768xf32, #tpu.memory_space<vmem>>, vector<1x16xf32>,
      %swap3A_646 = vector.shape_cast %swap3A_645 : vector<1x16xf32> to vector<16xf32>
      %swap3A_647 = vector.shape_cast %get3A_642 : vector<16xf32> to vector<1x16xf32>
      tpu.vector_store %arg6[%swap3A_643, %swap3A_644], %swap3A_647 {add = true, strides = array<i32>} : memref<32x768xf32, #tpu.memory_space<vmem>>, vector<1x16xf32>,
      %get3A_648 = arith.index_cast %scan3A_334 : i32 to index
      %get3A_649 = arith.constant 560 : index
      %get3A_650 = tpu.vector_load %arg8[%get3A_648, %get3A_649] {strides = array<i32>} : memref<32x768xf32, #tpu.memory_space<vmem>>, vector<1x16xf32>,
      %get3A_651 = vector.shape_cast %get3A_650 : vector<1x16xf32> to vector<16xf32>
      %swap3A_652 = arith.index_cast %scan3A_334 : i32 to index
      %swap3A_653 = arith.constant 560 : index
      %swap3A_654 = tpu.vector_load %arg6[%swap3A_652, %swap3A_653] {strides = array<i32>} : memref<32x768xf32, #tpu.memory_space<vmem>>, vector<1x16xf32>,
      %swap3A_655 = vector.shape_cast %swap3A_654 : vector<1x16xf32> to vector<16xf32>
      %swap3A_656 = vector.shape_cast %get3A_651 : vector<16xf32> to vector<1x16xf32>
      tpu.vector_store %arg6[%swap3A_652, %swap3A_653], %swap3A_656 {add = true, strides = array<i32>} : memref<32x768xf32, #tpu.memory_space<vmem>>, vector<1x16xf32>,
      %get3A_657 = arith.index_cast %scan3A_334 : i32 to index
      %get3A_658 = arith.constant 576 : index
      %get3A_659 = tpu.vector_load %arg8[%get3A_657, %get3A_658] {strides = array<i32>} : memref<32x768xf32, #tpu.memory_space<vmem>>, vector<1x16xf32>,
      %get3A_660 = vector.shape_cast %get3A_659 : vector<1x16xf32> to vector<16xf32>
      %swap3A_661 = arith.index_cast %scan3A_334 : i32 to index
      %swap3A_662 = arith.constant 576 : index
      %swap3A_663 = tpu.vector_load %arg6[%swap3A_661, %swap3A_662] {strides = array<i32>} : memref<32x768xf32, #tpu.memory_space<vmem>>, vector<1x16xf32>,
      %swap3A_664 = vector.shape_cast %swap3A_663 : vector<1x16xf32> to vector<16xf32>
      %swap3A_665 = vector.shape_cast %get3A_660 : vector<16xf32> to vector<1x16xf32>
      tpu.vector_store %arg6[%swap3A_661, %swap3A_662], %swap3A_665 {add = true, strides = array<i32>} : memref<32x768xf32, #tpu.memory_space<vmem>>, vector<1x16xf32>,
      %get3A_666 = arith.index_cast %scan3A_334 : i32 to index
      %get3A_667 = arith.constant 592 : index
      %get3A_668 = tpu.vector_load %arg8[%get3A_666, %get3A_667] {strides = array<i32>} : memref<32x768xf32, #tpu.memory_space<vmem>>, vector<1x16xf32>,
      %get3A_669 = vector.shape_cast %get3A_668 : vector<1x16xf32> to vector<16xf32>
      %swap3A_670 = arith.index_cast %scan3A_334 : i32 to index
      %swap3A_671 = arith.constant 592 : index
      %swap3A_672 = tpu.vector_load %arg6[%swap3A_670, %swap3A_671] {strides = array<i32>} : memref<32x768xf32, #tpu.memory_space<vmem>>, vector<1x16xf32>,
      %swap3A_673 = vector.shape_cast %swap3A_672 : vector<1x16xf32> to vector<16xf32>
      %swap3A_674 = vector.shape_cast %get3A_669 : vector<16xf32> to vector<1x16xf32>
      tpu.vector_store %arg6[%swap3A_670, %swap3A_671], %swap3A_674 {add = true, strides = array<i32>} : memref<32x768xf32, #tpu.memory_space<vmem>>, vector<1x16xf32>,
      %get3A_675 = arith.index_cast %scan3A_334 : i32 to index
      %get3A_676 = arith.constant 608 : index
      %get3A_677 = tpu.vector_load %arg8[%get3A_675, %get3A_676] {strides = array<i32>} : memref<32x768xf32, #tpu.memory_space<vmem>>, vector<1x16xf32>,
      %get3A_678 = vector.shape_cast %get3A_677 : vector<1x16xf32> to vector<16xf32>
      %swap3A_679 = arith.index_cast %scan3A_334 : i32 to index
      %swap3A_680 = arith.constant 608 : index
      %swap3A_681 = tpu.vector_load %arg6[%swap3A_679, %swap3A_680] {strides = array<i32>} : memref<32x768xf32, #tpu.memory_space<vmem>>, vector<1x16xf32>,
      %swap3A_682 = vector.shape_cast %swap3A_681 : vector<1x16xf32> to vector<16xf32>
      %swap3A_683 = vector.shape_cast %get3A_678 : vector<16xf32> to vector<1x16xf32>
      tpu.vector_store %arg6[%swap3A_679, %swap3A_680], %swap3A_683 {add = true, strides = array<i32>} : memref<32x768xf32, #tpu.memory_space<vmem>>, vector<1x16xf32>,
      %get3A_684 = arith.index_cast %scan3A_334 : i32 to index
      %get3A_685 = arith.constant 624 : index
      %get3A_686 = tpu.vector_load %arg8[%get3A_684, %get3A_685] {strides = array<i32>} : memref<32x768xf32, #tpu.memory_space<vmem>>, vector<1x16xf32>,
      %get3A_687 = vector.shape_cast %get3A_686 : vector<1x16xf32> to vector<16xf32>
      %swap3A_688 = arith.index_cast %scan3A_334 : i32 to index
      %swap3A_689 = arith.constant 624 : index
      %swap3A_690 = tpu.vector_load %arg6[%swap3A_688, %swap3A_689] {strides = array<i32>} : memref<32x768xf32, #tpu.memory_space<vmem>>, vector<1x16xf32>,
      %swap3A_691 = vector.shape_cast %swap3A_690 : vector<1x16xf32> to vector<16xf32>
      %swap3A_692 = vector.shape_cast %get3A_687 : vector<16xf32> to vector<1x16xf32>
      tpu.vector_store %arg6[%swap3A_688, %swap3A_689], %swap3A_692 {add = true, strides = array<i32>} : memref<32x768xf32, #tpu.memory_space<vmem>>, vector<1x16xf32>,
      %get3A_693 = arith.index_cast %scan3A_334 : i32 to index
      %get3A_694 = arith.constant 640 : index
      %get3A_695 = tpu.vector_load %arg8[%get3A_693, %get3A_694] {strides = array<i32>} : memref<32x768xf32, #tpu.memory_space<vmem>>, vector<1x16xf32>,
      %get3A_696 = vector.shape_cast %get3A_695 : vector<1x16xf32> to vector<16xf32>
      %swap3A_697 = arith.index_cast %scan3A_334 : i32 to index
      %swap3A_698 = arith.constant 640 : index
      %swap3A_699 = tpu.vector_load %arg6[%swap3A_697, %swap3A_698] {strides = array<i32>} : memref<32x768xf32, #tpu.memory_space<vmem>>, vector<1x16xf32>,
      %swap3A_700 = vector.shape_cast %swap3A_699 : vector<1x16xf32> to vector<16xf32>
      %swap3A_701 = vector.shape_cast %get3A_696 : vector<16xf32> to vector<1x16xf32>
      tpu.vector_store %arg6[%swap3A_697, %swap3A_698], %swap3A_701 {add = true, strides = array<i32>} : memref<32x768xf32, #tpu.memory_space<vmem>>, vector<1x16xf32>,
      %get3A_702 = arith.index_cast %scan3A_334 : i32 to index
      %get3A_703 = arith.constant 656 : index
      %get3A_704 = tpu.vector_load %arg8[%get3A_702, %get3A_703] {strides = array<i32>} : memref<32x768xf32, #tpu.memory_space<vmem>>, vector<1x16xf32>,
      %get3A_705 = vector.shape_cast %get3A_704 : vector<1x16xf32> to vector<16xf32>
      %swap3A_706 = arith.index_cast %scan3A_334 : i32 to index
      %swap3A_707 = arith.constant 656 : index
      %swap3A_708 = tpu.vector_load %arg6[%swap3A_706, %swap3A_707] {strides = array<i32>} : memref<32x768xf32, #tpu.memory_space<vmem>>, vector<1x16xf32>,
      %swap3A_709 = vector.shape_cast %swap3A_708 : vector<1x16xf32> to vector<16xf32>
      %swap3A_710 = vector.shape_cast %get3A_705 : vector<16xf32> to vector<1x16xf32>
      tpu.vector_store %arg6[%swap3A_706, %swap3A_707], %swap3A_710 {add = true, strides = array<i32>} : memref<32x768xf32, #tpu.memory_space<vmem>>, vector<1x16xf32>,
      %get3A_711 = arith.index_cast %scan3A_334 : i32 to index
      %get3A_712 = arith.constant 672 : index
      %get3A_713 = tpu.vector_load %arg8[%get3A_711, %get3A_712] {strides = array<i32>} : memref<32x768xf32, #tpu.memory_space<vmem>>, vector<1x16xf32>,
      %get3A_714 = vector.shape_cast %get3A_713 : vector<1x16xf32> to vector<16xf32>
      %swap3A_715 = arith.index_cast %scan3A_334 : i32 to index
      %swap3A_716 = arith.constant 672 : index
      %swap3A_717 = tpu.vector_load %arg6[%swap3A_715, %swap3A_716] {strides = array<i32>} : memref<32x768xf32, #tpu.memory_space<vmem>>, vector<1x16xf32>,
      %swap3A_718 = vector.shape_cast %swap3A_717 : vector<1x16xf32> to vector<16xf32>
      %swap3A_719 = vector.shape_cast %get3A_714 : vector<16xf32> to vector<1x16xf32>
      tpu.vector_store %arg6[%swap3A_715, %swap3A_716], %swap3A_719 {add = true, strides = array<i32>} : memref<32x768xf32, #tpu.memory_space<vmem>>, vector<1x16xf32>,
      %get3A_720 = arith.index_cast %scan3A_334 : i32 to index
      %get3A_721 = arith.constant 688 : index
      %get3A_722 = tpu.vector_load %arg8[%get3A_720, %get3A_721] {strides = array<i32>} : memref<32x768xf32, #tpu.memory_space<vmem>>, vector<1x16xf32>,
      %get3A_723 = vector.shape_cast %get3A_722 : vector<1x16xf32> to vector<16xf32>
      %swap3A_724 = arith.index_cast %scan3A_334 : i32 to index
      %swap3A_725 = arith.constant 688 : index
      %swap3A_726 = tpu.vector_load %arg6[%swap3A_724, %swap3A_725] {strides = array<i32>} : memref<32x768xf32, #tpu.memory_space<vmem>>, vector<1x16xf32>,
      %swap3A_727 = vector.shape_cast %swap3A_726 : vector<1x16xf32> to vector<16xf32>
      %swap3A_728 = vector.shape_cast %get3A_723 : vector<16xf32> to vector<1x16xf32>
      tpu.vector_store %arg6[%swap3A_724, %swap3A_725], %swap3A_728 {add = true, strides = array<i32>} : memref<32x768xf32, #tpu.memory_space<vmem>>, vector<1x16xf32>,
      %get3A_729 = arith.index_cast %scan3A_334 : i32 to index
      %get3A_730 = arith.constant 704 : index
      %get3A_731 = tpu.vector_load %arg8[%get3A_729, %get3A_730] {strides = array<i32>} : memref<32x768xf32, #tpu.memory_space<vmem>>, vector<1x16xf32>,
      %get3A_732 = vector.shape_cast %get3A_731 : vector<1x16xf32> to vector<16xf32>
      %swap3A_733 = arith.index_cast %scan3A_334 : i32 to index
      %swap3A_734 = arith.constant 704 : index
      %swap3A_735 = tpu.vector_load %arg6[%swap3A_733, %swap3A_734] {strides = array<i32>} : memref<32x768xf32, #tpu.memory_space<vmem>>, vector<1x16xf32>,
      %swap3A_736 = vector.shape_cast %swap3A_735 : vector<1x16xf32> to vector<16xf32>
      %swap3A_737 = vector.shape_cast %get3A_732 : vector<16xf32> to vector<1x16xf32>
      tpu.vector_store %arg6[%swap3A_733, %swap3A_734], %swap3A_737 {add = true, strides = array<i32>} : memref<32x768xf32, #tpu.memory_space<vmem>>, vector<1x16xf32>,
      %get3A_738 = arith.index_cast %scan3A_334 : i32 to index
      %get3A_739 = arith.constant 720 : index
      %get3A_740 = tpu.vector_load %arg8[%get3A_738, %get3A_739] {strides = array<i32>} : memref<32x768xf32, #tpu.memory_space<vmem>>, vector<1x16xf32>,
      %get3A_741 = vector.shape_cast %get3A_740 : vector<1x16xf32> to vector<16xf32>
      %swap3A_742 = arith.index_cast %scan3A_334 : i32 to index
      %swap3A_743 = arith.constant 720 : index
      %swap3A_744 = tpu.vector_load %arg6[%swap3A_742, %swap3A_743] {strides = array<i32>} : memref<32x768xf32, #tpu.memory_space<vmem>>, vector<1x16xf32>,
      %swap3A_745 = vector.shape_cast %swap3A_744 : vector<1x16xf32> to vector<16xf32>
      %swap3A_746 = vector.shape_cast %get3A_741 : vector<16xf32> to vector<1x16xf32>
      tpu.vector_store %arg6[%swap3A_742, %swap3A_743], %swap3A_746 {add = true, strides = array<i32>} : memref<32x768xf32, #tpu.memory_space<vmem>>, vector<1x16xf32>,
      %get3A_747 = arith.index_cast %scan3A_334 : i32 to index
      %get3A_748 = arith.constant 736 : index
      %get3A_749 = tpu.vector_load %arg8[%get3A_747, %get3A_748] {strides = array<i32>} : memref<32x768xf32, #tpu.memory_space<vmem>>, vector<1x16xf32>,
      %get3A_750 = vector.shape_cast %get3A_749 : vector<1x16xf32> to vector<16xf32>
      %swap3A_751 = arith.index_cast %scan3A_334 : i32 to index
      %swap3A_752 = arith.constant 736 : index
      %swap3A_753 = tpu.vector_load %arg6[%swap3A_751, %swap3A_752] {strides = array<i32>} : memref<32x768xf32, #tpu.memory_space<vmem>>, vector<1x16xf32>,
      %swap3A_754 = vector.shape_cast %swap3A_753 : vector<1x16xf32> to vector<16xf32>
      %swap3A_755 = vector.shape_cast %get3A_750 : vector<16xf32> to vector<1x16xf32>
      tpu.vector_store %arg6[%swap3A_751, %swap3A_752], %swap3A_755 {add = true, strides = array<i32>} : memref<32x768xf32, #tpu.memory_space<vmem>>, vector<1x16xf32>,
      %get3A_756 = arith.index_cast %scan3A_334 : i32 to index
      %get3A_757 = arith.constant 752 : index
      %get3A_758 = tpu.vector_load %arg8[%get3A_756, %get3A_757] {strides = array<i32>} : memref<32x768xf32, #tpu.memory_space<vmem>>, vector<1x16xf32>,
      %get3A_759 = vector.shape_cast %get3A_758 : vector<1x16xf32> to vector<16xf32>
      %swap3A_760 = arith.index_cast %scan3A_334 : i32 to index
      %swap3A_761 = arith.constant 752 : index
      %swap3A_762 = tpu.vector_load %arg6[%swap3A_760, %swap3A_761] {strides = array<i32>} : memref<32x768xf32, #tpu.memory_space<vmem>>, vector<1x16xf32>,
      %swap3A_763 = vector.shape_cast %swap3A_762 : vector<1x16xf32> to vector<16xf32>
      %swap3A_764 = vector.shape_cast %get3A_759 : vector<16xf32> to vector<1x16xf32>
      tpu.vector_store %arg6[%swap3A_760, %swap3A_761], %swap3A_764 {add = true, strides = array<i32>} : memref<32x768xf32, #tpu.memory_space<vmem>>, vector<1x16xf32>,
    }
    %scan3A_253 = arith.constant 32 : i32
    %add3A_254 = arith.constant 0 : i32
    %add3A_255 = arith.addi %add3A_254, %mul3A_2 : i32
    %add3A_256 = arith.constant 160 : i32
    %add3A_257 = arith.addi %add3A_255, %add3A_256 : i32
    %dma_start3A_258 = arith.constant 0 : i32
    %dma_start3A_259 = tpu.memref_slice %arg4[%add3A_257, %dma_start3A_258] : memref<8192x768xf32, #tpu.memory_space<hbm>> -> memref<32x768xf32, #tpu.memory_space<hbm>>
    %dma_start3A_260 = arith.constant 0 : i32
    %dma_start3A_261 = tpu.memref_slice %arg4[%add3A_257, %dma_start3A_260] : memref<8192x768xf32, #tpu.memory_space<hbm>> -> memref<32x768xf32, #tpu.memory_space<hbm>>
    tpu.enqueue_dma source(%arg6 : memref<32x768xf32, #tpu.memory_space<vmem>>) target(%dma_start3A_261 : memref<32x768xf32, #tpu.memory_space<hbm>>) target_semaphore(%arg14 : memref<!tpu.dma_semaphore, #tpu.memory_space<semaphore_mem>>)
    %dma_wait3A_262 = arith.constant 0 : i32
    %dma_wait3A_263 = tpu.memref_slice %arg3[%add3A_243, %dma_wait3A_262] : memref<8192x768xf32, #tpu.memory_space<hbm>> -> memref<32x768xf32, #tpu.memory_space<hbm>>
    %dma_wait3A_264 = arith.constant 0 : i32
    %dma_wait3A_265 = tpu.memref_slice %arg3[%add3A_243, %dma_wait3A_264] : memref<8192x768xf32, #tpu.memory_space<hbm>> -> memref<32x768xf32, #tpu.memory_space<hbm>>
    tpu.wait_dma2 semaphore(%arg11 : memref<!tpu.dma_semaphore, #tpu.memory_space<semaphore_mem>>) src(%dma_wait3A_265 : memref<32x768xf32, #tpu.memory_space<hbm>>) dst(%arg7 : memref<32x768xf32, #tpu.memory_space<vmem>>)
    %dma_wait3A_266 = arith.constant 0 : i32
    %dma_wait3A_267 = tpu.memref_slice %arg2[%add3A_237, %dma_wait3A_266] : memref<32768x768xf32, #tpu.memory_space<hbm>> -> memref<32x768xf32, #tpu.memory_space<hbm>>
    %dma_wait3A_268 = arith.constant 0 : i32
    %dma_wait3A_269 = tpu.memref_slice %arg2[%add3A_237, %dma_wait3A_268] : memref<32768x768xf32, #tpu.memory_space<hbm>> -> memref<32x768xf32, #tpu.memory_space<hbm>>
    tpu.wait_dma2 semaphore(%arg9 : memref<!tpu.dma_semaphore, #tpu.memory_space<semaphore_mem>>) src(%dma_wait3A_269 : memref<32x768xf32, #tpu.memory_space<hbm>>) dst(%arg5 : memref<32x768xf32, #tpu.memory_space<vmem>>)
    %dma_wait3A_270 = arith.constant 0 : i32
    %dma_wait3A_271 = tpu.memref_slice %arg4[%add3A_257, %dma_wait3A_270] : memref<8192x768xf32, #tpu.memory_space<hbm>> -> memref<32x768xf32, #tpu.memory_space<hbm>>
    %dma_wait3A_272 = arith.constant 0 : i32
    %dma_wait3A_273 = tpu.memref_slice %arg4[%add3A_257, %dma_wait3A_272] : memref<8192x768xf32, #tpu.memory_space<hbm>> -> memref<32x768xf32, #tpu.memory_space<hbm>>
    tpu.wait_dma2 semaphore(%arg14 : memref<!tpu.dma_semaphore, #tpu.memory_space<semaphore_mem>>) src(%arg6 : memref<32x768xf32, #tpu.memory_space<vmem>>) dst(%dma_wait3A_273 : memref<32x768xf32, #tpu.memory_space<hbm>>)
    %add3A_274 = arith.constant 0 : i32
    %add3A_275 = arith.addi %add3A_274, %mul3A_2 : i32
    %add3A_276 = arith.constant 224 : i32
    %add3A_277 = arith.addi %add3A_275, %add3A_276 : i32
    %add3A_278 = arith.constant 24576 : i32
    %add3A_279 = arith.addi %add3A_278, %add3A_277 : i32
    %dma_start3A_280 = arith.constant 0 : i32
    %dma_start3A_281 = tpu.memref_slice %arg2[%add3A_279, %dma_start3A_280] : memref<32768x768xf32, #tpu.memory_space<hbm>> -> memref<32x768xf32, #tpu.memory_space<hbm>>
    %dma_start3A_282 = arith.constant 0 : i32
    %dma_start3A_283 = tpu.memref_slice %arg2[%add3A_279, %dma_start3A_282] : memref<32768x768xf32, #tpu.memory_space<hbm>> -> memref<32x768xf32, #tpu.memory_space<hbm>>
    tpu.enqueue_dma source(%dma_start3A_283 : memref<32x768xf32, #tpu.memory_space<hbm>>) target(%arg6 : memref<32x768xf32, #tpu.memory_space<vmem>>) target_semaphore(%arg10 : memref<!tpu.dma_semaphore, #tpu.memory_space<semaphore_mem>>)
    %add3A_284 = arith.constant 224 : i32
    %add3A_285 = arith.addi %mul3A_2, %add3A_284 : i32
    %dma_start3A_286 = arith.constant 0 : i32
    %dma_start3A_287 = tpu.memref_slice %arg3[%add3A_285, %dma_start3A_286] : memref<8192x768xf32, #tpu.memory_space<hbm>> -> memref<32x768xf32, #tpu.memory_space<hbm>>
    %dma_start3A_288 = arith.constant 0 : i32
    %dma_start3A_289 = tpu.memref_slice %arg3[%add3A_285, %dma_start3A_288] : memref<8192x768xf32, #tpu.memory_space<hbm>> -> memref<32x768xf32, #tpu.memory_space<hbm>>
    tpu.enqueue_dma source(%dma_start3A_289 : memref<32x768xf32, #tpu.memory_space<hbm>>) target(%arg8 : memref<32x768xf32, #tpu.memory_space<vmem>>) target_semaphore(%arg12 : memref<!tpu.dma_semaphore, #tpu.memory_space<semaphore_mem>>)
    %scan3A_290 = arith.constant 0 : i32
    %scan3A_291 = arith.constant 0 : i32
    %scan3A_292 = arith.constant 32 : i32
    %scan3A_293 = arith.addi %scan3A_291, %scan3A_292 : i32
    %scan3A_294 = arith.constant 1 : i32
    scf.for %scan3A_334 = %scan3A_291 to %scan3A_293 step %scan3A_294  : i32 {
      %get3A = arith.index_cast %scan3A_334 : i32 to index
      %get3A_335 = arith.constant 0 : index
      %get3A_336 = tpu.vector_load %arg7[%get3A, %get3A_335] {strides = array<i32>} : memref<32x768xf32, #tpu.memory_space<vmem>>, vector<1x16xf32>,
      %get3A_337 = vector.shape_cast %get3A_336 : vector<1x16xf32> to vector<16xf32>
      %swap3A = arith.index_cast %scan3A_334 : i32 to index
      %swap3A_338 = arith.constant 0 : index
      %swap3A_339 = tpu.vector_load %arg5[%swap3A, %swap3A_338] {strides = array<i32>} : memref<32x768xf32, #tpu.memory_space<vmem>>, vector<1x16xf32>,
      %swap3A_340 = vector.shape_cast %swap3A_339 : vector<1x16xf32> to vector<16xf32>
      %swap3A_341 = vector.shape_cast %get3A_337 : vector<16xf32> to vector<1x16xf32>
      tpu.vector_store %arg5[%swap3A, %swap3A_338], %swap3A_341 {add = true, strides = array<i32>} : memref<32x768xf32, #tpu.memory_space<vmem>>, vector<1x16xf32>,
      %get3A_342 = arith.index_cast %scan3A_334 : i32 to index
      %get3A_343 = arith.constant 16 : index
      %get3A_344 = tpu.vector_load %arg7[%get3A_342, %get3A_343] {strides = array<i32>} : memref<32x768xf32, #tpu.memory_space<vmem>>, vector<1x16xf32>,
      %get3A_345 = vector.shape_cast %get3A_344 : vector<1x16xf32> to vector<16xf32>
      %swap3A_346 = arith.index_cast %scan3A_334 : i32 to index
      %swap3A_347 = arith.constant 16 : index
      %swap3A_348 = tpu.vector_load %arg5[%swap3A_346, %swap3A_347] {strides = array<i32>} : memref<32x768xf32, #tpu.memory_space<vmem>>, vector<1x16xf32>,
      %swap3A_349 = vector.shape_cast %swap3A_348 : vector<1x16xf32> to vector<16xf32>
      %swap3A_350 = vector.shape_cast %get3A_345 : vector<16xf32> to vector<1x16xf32>
      tpu.vector_store %arg5[%swap3A_346, %swap3A_347], %swap3A_350 {add = true, strides = array<i32>} : memref<32x768xf32, #tpu.memory_space<vmem>>, vector<1x16xf32>,
      %get3A_351 = arith.index_cast %scan3A_334 : i32 to index
      %get3A_352 = arith.constant 32 : index
      %get3A_353 = tpu.vector_load %arg7[%get3A_351, %get3A_352] {strides = array<i32>} : memref<32x768xf32, #tpu.memory_space<vmem>>, vector<1x16xf32>,
      %get3A_354 = vector.shape_cast %get3A_353 : vector<1x16xf32> to vector<16xf32>
      %swap3A_355 = arith.index_cast %scan3A_334 : i32 to index
      %swap3A_356 = arith.constant 32 : index
      %swap3A_357 = tpu.vector_load %arg5[%swap3A_355, %swap3A_356] {strides = array<i32>} : memref<32x768xf32, #tpu.memory_space<vmem>>, vector<1x16xf32>,
      %swap3A_358 = vector.shape_cast %swap3A_357 : vector<1x16xf32> to vector<16xf32>
      %swap3A_359 = vector.shape_cast %get3A_354 : vector<16xf32> to vector<1x16xf32>
      tpu.vector_store %arg5[%swap3A_355, %swap3A_356], %swap3A_359 {add = true, strides = array<i32>} : memref<32x768xf32, #tpu.memory_space<vmem>>, vector<1x16xf32>,
      %get3A_360 = arith.index_cast %scan3A_334 : i32 to index
      %get3A_361 = arith.constant 48 : index
      %get3A_362 = tpu.vector_load %arg7[%get3A_360, %get3A_361] {strides = array<i32>} : memref<32x768xf32, #tpu.memory_space<vmem>>, vector<1x16xf32>,
      %get3A_363 = vector.shape_cast %get3A_362 : vector<1x16xf32> to vector<16xf32>
      %swap3A_364 = arith.index_cast %scan3A_334 : i32 to index
      %swap3A_365 = arith.constant 48 : index
      %swap3A_366 = tpu.vector_load %arg5[%swap3A_364, %swap3A_365] {strides = array<i32>} : memref<32x768xf32, #tpu.memory_space<vmem>>, vector<1x16xf32>,
      %swap3A_367 = vector.shape_cast %swap3A_366 : vector<1x16xf32> to vector<16xf32>
      %swap3A_368 = vector.shape_cast %get3A_363 : vector<16xf32> to vector<1x16xf32>
      tpu.vector_store %arg5[%swap3A_364, %swap3A_365], %swap3A_368 {add = true, strides = array<i32>} : memref<32x768xf32, #tpu.memory_space<vmem>>, vector<1x16xf32>,
      %get3A_369 = arith.index_cast %scan3A_334 : i32 to index
      %get3A_370 = arith.constant 64 : index
      %get3A_371 = tpu.vector_load %arg7[%get3A_369, %get3A_370] {strides = array<i32>} : memref<32x768xf32, #tpu.memory_space<vmem>>, vector<1x16xf32>,
      %get3A_372 = vector.shape_cast %get3A_371 : vector<1x16xf32> to vector<16xf32>
      %swap3A_373 = arith.index_cast %scan3A_334 : i32 to index
      %swap3A_374 = arith.constant 64 : index
      %swap3A_375 = tpu.vector_load %arg5[%swap3A_373, %swap3A_374] {strides = array<i32>} : memref<32x768xf32, #tpu.memory_space<vmem>>, vector<1x16xf32>,
      %swap3A_376 = vector.shape_cast %swap3A_375 : vector<1x16xf32> to vector<16xf32>
      %swap3A_377 = vector.shape_cast %get3A_372 : vector<16xf32> to vector<1x16xf32>
      tpu.vector_store %arg5[%swap3A_373, %swap3A_374], %swap3A_377 {add = true, strides = array<i32>} : memref<32x768xf32, #tpu.memory_space<vmem>>, vector<1x16xf32>,
      %get3A_378 = arith.index_cast %scan3A_334 : i32 to index
      %get3A_379 = arith.constant 80 : index
      %get3A_380 = tpu.vector_load %arg7[%get3A_378, %get3A_379] {strides = array<i32>} : memref<32x768xf32, #tpu.memory_space<vmem>>, vector<1x16xf32>,
      %get3A_381 = vector.shape_cast %get3A_380 : vector<1x16xf32> to vector<16xf32>
      %swap3A_382 = arith.index_cast %scan3A_334 : i32 to index
      %swap3A_383 = arith.constant 80 : index
      %swap3A_384 = tpu.vector_load %arg5[%swap3A_382, %swap3A_383] {strides = array<i32>} : memref<32x768xf32, #tpu.memory_space<vmem>>, vector<1x16xf32>,
      %swap3A_385 = vector.shape_cast %swap3A_384 : vector<1x16xf32> to vector<16xf32>
      %swap3A_386 = vector.shape_cast %get3A_381 : vector<16xf32> to vector<1x16xf32>
      tpu.vector_store %arg5[%swap3A_382, %swap3A_383], %swap3A_386 {add = true, strides = array<i32>} : memref<32x768xf32, #tpu.memory_space<vmem>>, vector<1x16xf32>,
      %get3A_387 = arith.index_cast %scan3A_334 : i32 to index
      %get3A_388 = arith.constant 96 : index
      %get3A_389 = tpu.vector_load %arg7[%get3A_387, %get3A_388] {strides = array<i32>} : memref<32x768xf32, #tpu.memory_space<vmem>>, vector<1x16xf32>,
      %get3A_390 = vector.shape_cast %get3A_389 : vector<1x16xf32> to vector<16xf32>
      %swap3A_391 = arith.index_cast %scan3A_334 : i32 to index
      %swap3A_392 = arith.constant 96 : index
      %swap3A_393 = tpu.vector_load %arg5[%swap3A_391, %swap3A_392] {strides = array<i32>} : memref<32x768xf32, #tpu.memory_space<vmem>>, vector<1x16xf32>,
      %swap3A_394 = vector.shape_cast %swap3A_393 : vector<1x16xf32> to vector<16xf32>
      %swap3A_395 = vector.shape_cast %get3A_390 : vector<16xf32> to vector<1x16xf32>
      tpu.vector_store %arg5[%swap3A_391, %swap3A_392], %swap3A_395 {add = true, strides = array<i32>} : memref<32x768xf32, #tpu.memory_space<vmem>>, vector<1x16xf32>,
      %get3A_396 = arith.index_cast %scan3A_334 : i32 to index
      %get3A_397 = arith.constant 112 : index
      %get3A_398 = tpu.vector_load %arg7[%get3A_396, %get3A_397] {strides = array<i32>} : memref<32x768xf32, #tpu.memory_space<vmem>>, vector<1x16xf32>,
      %get3A_399 = vector.shape_cast %get3A_398 : vector<1x16xf32> to vector<16xf32>
      %swap3A_400 = arith.index_cast %scan3A_334 : i32 to index
      %swap3A_401 = arith.constant 112 : index
      %swap3A_402 = tpu.vector_load %arg5[%swap3A_400, %swap3A_401] {strides = array<i32>} : memref<32x768xf32, #tpu.memory_space<vmem>>, vector<1x16xf32>,
      %swap3A_403 = vector.shape_cast %swap3A_402 : vector<1x16xf32> to vector<16xf32>
      %swap3A_404 = vector.shape_cast %get3A_399 : vector<16xf32> to vector<1x16xf32>
      tpu.vector_store %arg5[%swap3A_400, %swap3A_401], %swap3A_404 {add = true, strides = array<i32>} : memref<32x768xf32, #tpu.memory_space<vmem>>, vector<1x16xf32>,
      %get3A_405 = arith.index_cast %scan3A_334 : i32 to index
      %get3A_406 = arith.constant 128 : index
      %get3A_407 = tpu.vector_load %arg7[%get3A_405, %get3A_406] {strides = array<i32>} : memref<32x768xf32, #tpu.memory_space<vmem>>, vector<1x16xf32>,
      %get3A_408 = vector.shape_cast %get3A_407 : vector<1x16xf32> to vector<16xf32>
      %swap3A_409 = arith.index_cast %scan3A_334 : i32 to index
      %swap3A_410 = arith.constant 128 : index
      %swap3A_411 = tpu.vector_load %arg5[%swap3A_409, %swap3A_410] {strides = array<i32>} : memref<32x768xf32, #tpu.memory_space<vmem>>, vector<1x16xf32>,
      %swap3A_412 = vector.shape_cast %swap3A_411 : vector<1x16xf32> to vector<16xf32>
      %swap3A_413 = vector.shape_cast %get3A_408 : vector<16xf32> to vector<1x16xf32>
      tpu.vector_store %arg5[%swap3A_409, %swap3A_410], %swap3A_413 {add = true, strides = array<i32>} : memref<32x768xf32, #tpu.memory_space<vmem>>, vector<1x16xf32>,
      %get3A_414 = arith.index_cast %scan3A_334 : i32 to index
      %get3A_415 = arith.constant 144 : index
      %get3A_416 = tpu.vector_load %arg7[%get3A_414, %get3A_415] {strides = array<i32>} : memref<32x768xf32, #tpu.memory_space<vmem>>, vector<1x16xf32>,
      %get3A_417 = vector.shape_cast %get3A_416 : vector<1x16xf32> to vector<16xf32>
      %swap3A_418 = arith.index_cast %scan3A_334 : i32 to index
      %swap3A_419 = arith.constant 144 : index
      %swap3A_420 = tpu.vector_load %arg5[%swap3A_418, %swap3A_419] {strides = array<i32>} : memref<32x768xf32, #tpu.memory_space<vmem>>, vector<1x16xf32>,
      %swap3A_421 = vector.shape_cast %swap3A_420 : vector<1x16xf32> to vector<16xf32>
      %swap3A_422 = vector.shape_cast %get3A_417 : vector<16xf32> to vector<1x16xf32>
      tpu.vector_store %arg5[%swap3A_418, %swap3A_419], %swap3A_422 {add = true, strides = array<i32>} : memref<32x768xf32, #tpu.memory_space<vmem>>, vector<1x16xf32>,
      %get3A_423 = arith.index_cast %scan3A_334 : i32 to index
      %get3A_424 = arith.constant 160 : index
      %get3A_425 = tpu.vector_load %arg7[%get3A_423, %get3A_424] {strides = array<i32>} : memref<32x768xf32, #tpu.memory_space<vmem>>, vector<1x16xf32>,
      %get3A_426 = vector.shape_cast %get3A_425 : vector<1x16xf32> to vector<16xf32>
      %swap3A_427 = arith.index_cast %scan3A_334 : i32 to index
      %swap3A_428 = arith.constant 160 : index
      %swap3A_429 = tpu.vector_load %arg5[%swap3A_427, %swap3A_428] {strides = array<i32>} : memref<32x768xf32, #tpu.memory_space<vmem>>, vector<1x16xf32>,
      %swap3A_430 = vector.shape_cast %swap3A_429 : vector<1x16xf32> to vector<16xf32>
      %swap3A_431 = vector.shape_cast %get3A_426 : vector<16xf32> to vector<1x16xf32>
      tpu.vector_store %arg5[%swap3A_427, %swap3A_428], %swap3A_431 {add = true, strides = array<i32>} : memref<32x768xf32, #tpu.memory_space<vmem>>, vector<1x16xf32>,
      %get3A_432 = arith.index_cast %scan3A_334 : i32 to index
      %get3A_433 = arith.constant 176 : index
      %get3A_434 = tpu.vector_load %arg7[%get3A_432, %get3A_433] {strides = array<i32>} : memref<32x768xf32, #tpu.memory_space<vmem>>, vector<1x16xf32>,
      %get3A_435 = vector.shape_cast %get3A_434 : vector<1x16xf32> to vector<16xf32>
      %swap3A_436 = arith.index_cast %scan3A_334 : i32 to index
      %swap3A_437 = arith.constant 176 : index
      %swap3A_438 = tpu.vector_load %arg5[%swap3A_436, %swap3A_437] {strides = array<i32>} : memref<32x768xf32, #tpu.memory_space<vmem>>, vector<1x16xf32>,
      %swap3A_439 = vector.shape_cast %swap3A_438 : vector<1x16xf32> to vector<16xf32>
      %swap3A_440 = vector.shape_cast %get3A_435 : vector<16xf32> to vector<1x16xf32>
      tpu.vector_store %arg5[%swap3A_436, %swap3A_437], %swap3A_440 {add = true, strides = array<i32>} : memref<32x768xf32, #tpu.memory_space<vmem>>, vector<1x16xf32>,
      %get3A_441 = arith.index_cast %scan3A_334 : i32 to index
      %get3A_442 = arith.constant 192 : index
      %get3A_443 = tpu.vector_load %arg7[%get3A_441, %get3A_442] {strides = array<i32>} : memref<32x768xf32, #tpu.memory_space<vmem>>, vector<1x16xf32>,
      %get3A_444 = vector.shape_cast %get3A_443 : vector<1x16xf32> to vector<16xf32>
      %swap3A_445 = arith.index_cast %scan3A_334 : i32 to index
      %swap3A_446 = arith.constant 192 : index
      %swap3A_447 = tpu.vector_load %arg5[%swap3A_445, %swap3A_446] {strides = array<i32>} : memref<32x768xf32, #tpu.memory_space<vmem>>, vector<1x16xf32>,
      %swap3A_448 = vector.shape_cast %swap3A_447 : vector<1x16xf32> to vector<16xf32>
      %swap3A_449 = vector.shape_cast %get3A_444 : vector<16xf32> to vector<1x16xf32>
      tpu.vector_store %arg5[%swap3A_445, %swap3A_446], %swap3A_449 {add = true, strides = array<i32>} : memref<32x768xf32, #tpu.memory_space<vmem>>, vector<1x16xf32>,
      %get3A_450 = arith.index_cast %scan3A_334 : i32 to index
      %get3A_451 = arith.constant 208 : index
      %get3A_452 = tpu.vector_load %arg7[%get3A_450, %get3A_451] {strides = array<i32>} : memref<32x768xf32, #tpu.memory_space<vmem>>, vector<1x16xf32>,
      %get3A_453 = vector.shape_cast %get3A_452 : vector<1x16xf32> to vector<16xf32>
      %swap3A_454 = arith.index_cast %scan3A_334 : i32 to index
      %swap3A_455 = arith.constant 208 : index
      %swap3A_456 = tpu.vector_load %arg5[%swap3A_454, %swap3A_455] {strides = array<i32>} : memref<32x768xf32, #tpu.memory_space<vmem>>, vector<1x16xf32>,
      %swap3A_457 = vector.shape_cast %swap3A_456 : vector<1x16xf32> to vector<16xf32>
      %swap3A_458 = vector.shape_cast %get3A_453 : vector<16xf32> to vector<1x16xf32>
      tpu.vector_store %arg5[%swap3A_454, %swap3A_455], %swap3A_458 {add = true, strides = array<i32>} : memref<32x768xf32, #tpu.memory_space<vmem>>, vector<1x16xf32>,
      %get3A_459 = arith.index_cast %scan3A_334 : i32 to index
      %get3A_460 = arith.constant 224 : index
      %get3A_461 = tpu.vector_load %arg7[%get3A_459, %get3A_460] {strides = array<i32>} : memref<32x768xf32, #tpu.memory_space<vmem>>, vector<1x16xf32>,
      %get3A_462 = vector.shape_cast %get3A_461 : vector<1x16xf32> to vector<16xf32>
      %swap3A_463 = arith.index_cast %scan3A_334 : i32 to index
      %swap3A_464 = arith.constant 224 : index
      %swap3A_465 = tpu.vector_load %arg5[%swap3A_463, %swap3A_464] {strides = array<i32>} : memref<32x768xf32, #tpu.memory_space<vmem>>, vector<1x16xf32>,
      %swap3A_466 = vector.shape_cast %swap3A_465 : vector<1x16xf32> to vector<16xf32>
      %swap3A_467 = vector.shape_cast %get3A_462 : vector<16xf32> to vector<1x16xf32>
      tpu.vector_store %arg5[%swap3A_463, %swap3A_464], %swap3A_467 {add = true, strides = array<i32>} : memref<32x768xf32, #tpu.memory_space<vmem>>, vector<1x16xf32>,
      %get3A_468 = arith.index_cast %scan3A_334 : i32 to index
      %get3A_469 = arith.constant 240 : index
      %get3A_470 = tpu.vector_load %arg7[%get3A_468, %get3A_469] {strides = array<i32>} : memref<32x768xf32, #tpu.memory_space<vmem>>, vector<1x16xf32>,
      %get3A_471 = vector.shape_cast %get3A_470 : vector<1x16xf32> to vector<16xf32>
      %swap3A_472 = arith.index_cast %scan3A_334 : i32 to index
      %swap3A_473 = arith.constant 240 : index
      %swap3A_474 = tpu.vector_load %arg5[%swap3A_472, %swap3A_473] {strides = array<i32>} : memref<32x768xf32, #tpu.memory_space<vmem>>, vector<1x16xf32>,
      %swap3A_475 = vector.shape_cast %swap3A_474 : vector<1x16xf32> to vector<16xf32>
      %swap3A_476 = vector.shape_cast %get3A_471 : vector<16xf32> to vector<1x16xf32>
      tpu.vector_store %arg5[%swap3A_472, %swap3A_473], %swap3A_476 {add = true, strides = array<i32>} : memref<32x768xf32, #tpu.memory_space<vmem>>, vector<1x16xf32>,
      %get3A_477 = arith.index_cast %scan3A_334 : i32 to index
      %get3A_478 = arith.constant 256 : index
      %get3A_479 = tpu.vector_load %arg7[%get3A_477, %get3A_478] {strides = array<i32>} : memref<32x768xf32, #tpu.memory_space<vmem>>, vector<1x16xf32>,
      %get3A_480 = vector.shape_cast %get3A_479 : vector<1x16xf32> to vector<16xf32>
      %swap3A_481 = arith.index_cast %scan3A_334 : i32 to index
      %swap3A_482 = arith.constant 256 : index
      %swap3A_483 = tpu.vector_load %arg5[%swap3A_481, %swap3A_482] {strides = array<i32>} : memref<32x768xf32, #tpu.memory_space<vmem>>, vector<1x16xf32>,
      %swap3A_484 = vector.shape_cast %swap3A_483 : vector<1x16xf32> to vector<16xf32>
      %swap3A_485 = vector.shape_cast %get3A_480 : vector<16xf32> to vector<1x16xf32>
      tpu.vector_store %arg5[%swap3A_481, %swap3A_482], %swap3A_485 {add = true, strides = array<i32>} : memref<32x768xf32, #tpu.memory_space<vmem>>, vector<1x16xf32>,
      %get3A_486 = arith.index_cast %scan3A_334 : i32 to index
      %get3A_487 = arith.constant 272 : index
      %get3A_488 = tpu.vector_load %arg7[%get3A_486, %get3A_487] {strides = array<i32>} : memref<32x768xf32, #tpu.memory_space<vmem>>, vector<1x16xf32>,
      %get3A_489 = vector.shape_cast %get3A_488 : vector<1x16xf32> to vector<16xf32>
      %swap3A_490 = arith.index_cast %scan3A_334 : i32 to index
      %swap3A_491 = arith.constant 272 : index
      %swap3A_492 = tpu.vector_load %arg5[%swap3A_490, %swap3A_491] {strides = array<i32>} : memref<32x768xf32, #tpu.memory_space<vmem>>, vector<1x16xf32>,
      %swap3A_493 = vector.shape_cast %swap3A_492 : vector<1x16xf32> to vector<16xf32>
      %swap3A_494 = vector.shape_cast %get3A_489 : vector<16xf32> to vector<1x16xf32>
      tpu.vector_store %arg5[%swap3A_490, %swap3A_491], %swap3A_494 {add = true, strides = array<i32>} : memref<32x768xf32, #tpu.memory_space<vmem>>, vector<1x16xf32>,
      %get3A_495 = arith.index_cast %scan3A_334 : i32 to index
      %get3A_496 = arith.constant 288 : index
      %get3A_497 = tpu.vector_load %arg7[%get3A_495, %get3A_496] {strides = array<i32>} : memref<32x768xf32, #tpu.memory_space<vmem>>, vector<1x16xf32>,
      %get3A_498 = vector.shape_cast %get3A_497 : vector<1x16xf32> to vector<16xf32>
      %swap3A_499 = arith.index_cast %scan3A_334 : i32 to index
      %swap3A_500 = arith.constant 288 : index
      %swap3A_501 = tpu.vector_load %arg5[%swap3A_499, %swap3A_500] {strides = array<i32>} : memref<32x768xf32, #tpu.memory_space<vmem>>, vector<1x16xf32>,
      %swap3A_502 = vector.shape_cast %swap3A_501 : vector<1x16xf32> to vector<16xf32>
      %swap3A_503 = vector.shape_cast %get3A_498 : vector<16xf32> to vector<1x16xf32>
      tpu.vector_store %arg5[%swap3A_499, %swap3A_500], %swap3A_503 {add = true, strides = array<i32>} : memref<32x768xf32, #tpu.memory_space<vmem>>, vector<1x16xf32>,
      %get3A_504 = arith.index_cast %scan3A_334 : i32 to index
      %get3A_505 = arith.constant 304 : index
      %get3A_506 = tpu.vector_load %arg7[%get3A_504, %get3A_505] {strides = array<i32>} : memref<32x768xf32, #tpu.memory_space<vmem>>, vector<1x16xf32>,
      %get3A_507 = vector.shape_cast %get3A_506 : vector<1x16xf32> to vector<16xf32>
      %swap3A_508 = arith.index_cast %scan3A_334 : i32 to index
      %swap3A_509 = arith.constant 304 : index
      %swap3A_510 = tpu.vector_load %arg5[%swap3A_508, %swap3A_509] {strides = array<i32>} : memref<32x768xf32, #tpu.memory_space<vmem>>, vector<1x16xf32>,
      %swap3A_511 = vector.shape_cast %swap3A_510 : vector<1x16xf32> to vector<16xf32>
      %swap3A_512 = vector.shape_cast %get3A_507 : vector<16xf32> to vector<1x16xf32>
      tpu.vector_store %arg5[%swap3A_508, %swap3A_509], %swap3A_512 {add = true, strides = array<i32>} : memref<32x768xf32, #tpu.memory_space<vmem>>, vector<1x16xf32>,
      %get3A_513 = arith.index_cast %scan3A_334 : i32 to index
      %get3A_514 = arith.constant 320 : index
      %get3A_515 = tpu.vector_load %arg7[%get3A_513, %get3A_514] {strides = array<i32>} : memref<32x768xf32, #tpu.memory_space<vmem>>, vector<1x16xf32>,
      %get3A_516 = vector.shape_cast %get3A_515 : vector<1x16xf32> to vector<16xf32>
      %swap3A_517 = arith.index_cast %scan3A_334 : i32 to index
      %swap3A_518 = arith.constant 320 : index
      %swap3A_519 = tpu.vector_load %arg5[%swap3A_517, %swap3A_518] {strides = array<i32>} : memref<32x768xf32, #tpu.memory_space<vmem>>, vector<1x16xf32>,
      %swap3A_520 = vector.shape_cast %swap3A_519 : vector<1x16xf32> to vector<16xf32>
      %swap3A_521 = vector.shape_cast %get3A_516 : vector<16xf32> to vector<1x16xf32>
      tpu.vector_store %arg5[%swap3A_517, %swap3A_518], %swap3A_521 {add = true, strides = array<i32>} : memref<32x768xf32, #tpu.memory_space<vmem>>, vector<1x16xf32>,
      %get3A_522 = arith.index_cast %scan3A_334 : i32 to index
      %get3A_523 = arith.constant 336 : index
      %get3A_524 = tpu.vector_load %arg7[%get3A_522, %get3A_523] {strides = array<i32>} : memref<32x768xf32, #tpu.memory_space<vmem>>, vector<1x16xf32>,
      %get3A_525 = vector.shape_cast %get3A_524 : vector<1x16xf32> to vector<16xf32>
      %swap3A_526 = arith.index_cast %scan3A_334 : i32 to index
      %swap3A_527 = arith.constant 336 : index
      %swap3A_528 = tpu.vector_load %arg5[%swap3A_526, %swap3A_527] {strides = array<i32>} : memref<32x768xf32, #tpu.memory_space<vmem>>, vector<1x16xf32>,
      %swap3A_529 = vector.shape_cast %swap3A_528 : vector<1x16xf32> to vector<16xf32>
      %swap3A_530 = vector.shape_cast %get3A_525 : vector<16xf32> to vector<1x16xf32>
      tpu.vector_store %arg5[%swap3A_526, %swap3A_527], %swap3A_530 {add = true, strides = array<i32>} : memref<32x768xf32, #tpu.memory_space<vmem>>, vector<1x16xf32>,
      %get3A_531 = arith.index_cast %scan3A_334 : i32 to index
      %get3A_532 = arith.constant 352 : index
      %get3A_533 = tpu.vector_load %arg7[%get3A_531, %get3A_532] {strides = array<i32>} : memref<32x768xf32, #tpu.memory_space<vmem>>, vector<1x16xf32>,
      %get3A_534 = vector.shape_cast %get3A_533 : vector<1x16xf32> to vector<16xf32>
      %swap3A_535 = arith.index_cast %scan3A_334 : i32 to index
      %swap3A_536 = arith.constant 352 : index
      %swap3A_537 = tpu.vector_load %arg5[%swap3A_535, %swap3A_536] {strides = array<i32>} : memref<32x768xf32, #tpu.memory_space<vmem>>, vector<1x16xf32>,
      %swap3A_538 = vector.shape_cast %swap3A_537 : vector<1x16xf32> to vector<16xf32>
      %swap3A_539 = vector.shape_cast %get3A_534 : vector<16xf32> to vector<1x16xf32>
      tpu.vector_store %arg5[%swap3A_535, %swap3A_536], %swap3A_539 {add = true, strides = array<i32>} : memref<32x768xf32, #tpu.memory_space<vmem>>, vector<1x16xf32>,
      %get3A_540 = arith.index_cast %scan3A_334 : i32 to index
      %get3A_541 = arith.constant 368 : index
      %get3A_542 = tpu.vector_load %arg7[%get3A_540, %get3A_541] {strides = array<i32>} : memref<32x768xf32, #tpu.memory_space<vmem>>, vector<1x16xf32>,
      %get3A_543 = vector.shape_cast %get3A_542 : vector<1x16xf32> to vector<16xf32>
      %swap3A_544 = arith.index_cast %scan3A_334 : i32 to index
      %swap3A_545 = arith.constant 368 : index
      %swap3A_546 = tpu.vector_load %arg5[%swap3A_544, %swap3A_545] {strides = array<i32>} : memref<32x768xf32, #tpu.memory_space<vmem>>, vector<1x16xf32>,
      %swap3A_547 = vector.shape_cast %swap3A_546 : vector<1x16xf32> to vector<16xf32>
      %swap3A_548 = vector.shape_cast %get3A_543 : vector<16xf32> to vector<1x16xf32>
      tpu.vector_store %arg5[%swap3A_544, %swap3A_545], %swap3A_548 {add = true, strides = array<i32>} : memref<32x768xf32, #tpu.memory_space<vmem>>, vector<1x16xf32>,
      %get3A_549 = arith.index_cast %scan3A_334 : i32 to index
      %get3A_550 = arith.constant 384 : index
      %get3A_551 = tpu.vector_load %arg7[%get3A_549, %get3A_550] {strides = array<i32>} : memref<32x768xf32, #tpu.memory_space<vmem>>, vector<1x16xf32>,
      %get3A_552 = vector.shape_cast %get3A_551 : vector<1x16xf32> to vector<16xf32>
      %swap3A_553 = arith.index_cast %scan3A_334 : i32 to index
      %swap3A_554 = arith.constant 384 : index
      %swap3A_555 = tpu.vector_load %arg5[%swap3A_553, %swap3A_554] {strides = array<i32>} : memref<32x768xf32, #tpu.memory_space<vmem>>, vector<1x16xf32>,
      %swap3A_556 = vector.shape_cast %swap3A_555 : vector<1x16xf32> to vector<16xf32>
      %swap3A_557 = vector.shape_cast %get3A_552 : vector<16xf32> to vector<1x16xf32>
      tpu.vector_store %arg5[%swap3A_553, %swap3A_554], %swap3A_557 {add = true, strides = array<i32>} : memref<32x768xf32, #tpu.memory_space<vmem>>, vector<1x16xf32>,
      %get3A_558 = arith.index_cast %scan3A_334 : i32 to index
      %get3A_559 = arith.constant 400 : index
      %get3A_560 = tpu.vector_load %arg7[%get3A_558, %get3A_559] {strides = array<i32>} : memref<32x768xf32, #tpu.memory_space<vmem>>, vector<1x16xf32>,
      %get3A_561 = vector.shape_cast %get3A_560 : vector<1x16xf32> to vector<16xf32>
      %swap3A_562 = arith.index_cast %scan3A_334 : i32 to index
      %swap3A_563 = arith.constant 400 : index
      %swap3A_564 = tpu.vector_load %arg5[%swap3A_562, %swap3A_563] {strides = array<i32>} : memref<32x768xf32, #tpu.memory_space<vmem>>, vector<1x16xf32>,
      %swap3A_565 = vector.shape_cast %swap3A_564 : vector<1x16xf32> to vector<16xf32>
      %swap3A_566 = vector.shape_cast %get3A_561 : vector<16xf32> to vector<1x16xf32>
      tpu.vector_store %arg5[%swap3A_562, %swap3A_563], %swap3A_566 {add = true, strides = array<i32>} : memref<32x768xf32, #tpu.memory_space<vmem>>, vector<1x16xf32>,
      %get3A_567 = arith.index_cast %scan3A_334 : i32 to index
      %get3A_568 = arith.constant 416 : index
      %get3A_569 = tpu.vector_load %arg7[%get3A_567, %get3A_568] {strides = array<i32>} : memref<32x768xf32, #tpu.memory_space<vmem>>, vector<1x16xf32>,
      %get3A_570 = vector.shape_cast %get3A_569 : vector<1x16xf32> to vector<16xf32>
      %swap3A_571 = arith.index_cast %scan3A_334 : i32 to index
      %swap3A_572 = arith.constant 416 : index
      %swap3A_573 = tpu.vector_load %arg5[%swap3A_571, %swap3A_572] {strides = array<i32>} : memref<32x768xf32, #tpu.memory_space<vmem>>, vector<1x16xf32>,
      %swap3A_574 = vector.shape_cast %swap3A_573 : vector<1x16xf32> to vector<16xf32>
      %swap3A_575 = vector.shape_cast %get3A_570 : vector<16xf32> to vector<1x16xf32>
      tpu.vector_store %arg5[%swap3A_571, %swap3A_572], %swap3A_575 {add = true, strides = array<i32>} : memref<32x768xf32, #tpu.memory_space<vmem>>, vector<1x16xf32>,
      %get3A_576 = arith.index_cast %scan3A_334 : i32 to index
      %get3A_577 = arith.constant 432 : index
      %get3A_578 = tpu.vector_load %arg7[%get3A_576, %get3A_577] {strides = array<i32>} : memref<32x768xf32, #tpu.memory_space<vmem>>, vector<1x16xf32>,
      %get3A_579 = vector.shape_cast %get3A_578 : vector<1x16xf32> to vector<16xf32>
      %swap3A_580 = arith.index_cast %scan3A_334 : i32 to index
      %swap3A_581 = arith.constant 432 : index
      %swap3A_582 = tpu.vector_load %arg5[%swap3A_580, %swap3A_581] {strides = array<i32>} : memref<32x768xf32, #tpu.memory_space<vmem>>, vector<1x16xf32>,
      %swap3A_583 = vector.shape_cast %swap3A_582 : vector<1x16xf32> to vector<16xf32>
      %swap3A_584 = vector.shape_cast %get3A_579 : vector<16xf32> to vector<1x16xf32>
      tpu.vector_store %arg5[%swap3A_580, %swap3A_581], %swap3A_584 {add = true, strides = array<i32>} : memref<32x768xf32, #tpu.memory_space<vmem>>, vector<1x16xf32>,
      %get3A_585 = arith.index_cast %scan3A_334 : i32 to index
      %get3A_586 = arith.constant 448 : index
      %get3A_587 = tpu.vector_load %arg7[%get3A_585, %get3A_586] {strides = array<i32>} : memref<32x768xf32, #tpu.memory_space<vmem>>, vector<1x16xf32>,
      %get3A_588 = vector.shape_cast %get3A_587 : vector<1x16xf32> to vector<16xf32>
      %swap3A_589 = arith.index_cast %scan3A_334 : i32 to index
      %swap3A_590 = arith.constant 448 : index
      %swap3A_591 = tpu.vector_load %arg5[%swap3A_589, %swap3A_590] {strides = array<i32>} : memref<32x768xf32, #tpu.memory_space<vmem>>, vector<1x16xf32>,
      %swap3A_592 = vector.shape_cast %swap3A_591 : vector<1x16xf32> to vector<16xf32>
      %swap3A_593 = vector.shape_cast %get3A_588 : vector<16xf32> to vector<1x16xf32>
      tpu.vector_store %arg5[%swap3A_589, %swap3A_590], %swap3A_593 {add = true, strides = array<i32>} : memref<32x768xf32, #tpu.memory_space<vmem>>, vector<1x16xf32>,
      %get3A_594 = arith.index_cast %scan3A_334 : i32 to index
      %get3A_595 = arith.constant 464 : index
      %get3A_596 = tpu.vector_load %arg7[%get3A_594, %get3A_595] {strides = array<i32>} : memref<32x768xf32, #tpu.memory_space<vmem>>, vector<1x16xf32>,
      %get3A_597 = vector.shape_cast %get3A_596 : vector<1x16xf32> to vector<16xf32>
      %swap3A_598 = arith.index_cast %scan3A_334 : i32 to index
      %swap3A_599 = arith.constant 464 : index
      %swap3A_600 = tpu.vector_load %arg5[%swap3A_598, %swap3A_599] {strides = array<i32>} : memref<32x768xf32, #tpu.memory_space<vmem>>, vector<1x16xf32>,
      %swap3A_601 = vector.shape_cast %swap3A_600 : vector<1x16xf32> to vector<16xf32>
      %swap3A_602 = vector.shape_cast %get3A_597 : vector<16xf32> to vector<1x16xf32>
      tpu.vector_store %arg5[%swap3A_598, %swap3A_599], %swap3A_602 {add = true, strides = array<i32>} : memref<32x768xf32, #tpu.memory_space<vmem>>, vector<1x16xf32>,
      %get3A_603 = arith.index_cast %scan3A_334 : i32 to index
      %get3A_604 = arith.constant 480 : index
      %get3A_605 = tpu.vector_load %arg7[%get3A_603, %get3A_604] {strides = array<i32>} : memref<32x768xf32, #tpu.memory_space<vmem>>, vector<1x16xf32>,
      %get3A_606 = vector.shape_cast %get3A_605 : vector<1x16xf32> to vector<16xf32>
      %swap3A_607 = arith.index_cast %scan3A_334 : i32 to index
      %swap3A_608 = arith.constant 480 : index
      %swap3A_609 = tpu.vector_load %arg5[%swap3A_607, %swap3A_608] {strides = array<i32>} : memref<32x768xf32, #tpu.memory_space<vmem>>, vector<1x16xf32>,
      %swap3A_610 = vector.shape_cast %swap3A_609 : vector<1x16xf32> to vector<16xf32>
      %swap3A_611 = vector.shape_cast %get3A_606 : vector<16xf32> to vector<1x16xf32>
      tpu.vector_store %arg5[%swap3A_607, %swap3A_608], %swap3A_611 {add = true, strides = array<i32>} : memref<32x768xf32, #tpu.memory_space<vmem>>, vector<1x16xf32>,
      %get3A_612 = arith.index_cast %scan3A_334 : i32 to index
      %get3A_613 = arith.constant 496 : index
      %get3A_614 = tpu.vector_load %arg7[%get3A_612, %get3A_613] {strides = array<i32>} : memref<32x768xf32, #tpu.memory_space<vmem>>, vector<1x16xf32>,
      %get3A_615 = vector.shape_cast %get3A_614 : vector<1x16xf32> to vector<16xf32>
      %swap3A_616 = arith.index_cast %scan3A_334 : i32 to index
      %swap3A_617 = arith.constant 496 : index
      %swap3A_618 = tpu.vector_load %arg5[%swap3A_616, %swap3A_617] {strides = array<i32>} : memref<32x768xf32, #tpu.memory_space<vmem>>, vector<1x16xf32>,
      %swap3A_619 = vector.shape_cast %swap3A_618 : vector<1x16xf32> to vector<16xf32>
      %swap3A_620 = vector.shape_cast %get3A_615 : vector<16xf32> to vector<1x16xf32>
      tpu.vector_store %arg5[%swap3A_616, %swap3A_617], %swap3A_620 {add = true, strides = array<i32>} : memref<32x768xf32, #tpu.memory_space<vmem>>, vector<1x16xf32>,
      %get3A_621 = arith.index_cast %scan3A_334 : i32 to index
      %get3A_622 = arith.constant 512 : index
      %get3A_623 = tpu.vector_load %arg7[%get3A_621, %get3A_622] {strides = array<i32>} : memref<32x768xf32, #tpu.memory_space<vmem>>, vector<1x16xf32>,
      %get3A_624 = vector.shape_cast %get3A_623 : vector<1x16xf32> to vector<16xf32>
      %swap3A_625 = arith.index_cast %scan3A_334 : i32 to index
      %swap3A_626 = arith.constant 512 : index
      %swap3A_627 = tpu.vector_load %arg5[%swap3A_625, %swap3A_626] {strides = array<i32>} : memref<32x768xf32, #tpu.memory_space<vmem>>, vector<1x16xf32>,
      %swap3A_628 = vector.shape_cast %swap3A_627 : vector<1x16xf32> to vector<16xf32>
      %swap3A_629 = vector.shape_cast %get3A_624 : vector<16xf32> to vector<1x16xf32>
      tpu.vector_store %arg5[%swap3A_625, %swap3A_626], %swap3A_629 {add = true, strides = array<i32>} : memref<32x768xf32, #tpu.memory_space<vmem>>, vector<1x16xf32>,
      %get3A_630 = arith.index_cast %scan3A_334 : i32 to index
      %get3A_631 = arith.constant 528 : index
      %get3A_632 = tpu.vector_load %arg7[%get3A_630, %get3A_631] {strides = array<i32>} : memref<32x768xf32, #tpu.memory_space<vmem>>, vector<1x16xf32>,
      %get3A_633 = vector.shape_cast %get3A_632 : vector<1x16xf32> to vector<16xf32>
      %swap3A_634 = arith.index_cast %scan3A_334 : i32 to index
      %swap3A_635 = arith.constant 528 : index
      %swap3A_636 = tpu.vector_load %arg5[%swap3A_634, %swap3A_635] {strides = array<i32>} : memref<32x768xf32, #tpu.memory_space<vmem>>, vector<1x16xf32>,
      %swap3A_637 = vector.shape_cast %swap3A_636 : vector<1x16xf32> to vector<16xf32>
      %swap3A_638 = vector.shape_cast %get3A_633 : vector<16xf32> to vector<1x16xf32>
      tpu.vector_store %arg5[%swap3A_634, %swap3A_635], %swap3A_638 {add = true, strides = array<i32>} : memref<32x768xf32, #tpu.memory_space<vmem>>, vector<1x16xf32>,
      %get3A_639 = arith.index_cast %scan3A_334 : i32 to index
      %get3A_640 = arith.constant 544 : index
      %get3A_641 = tpu.vector_load %arg7[%get3A_639, %get3A_640] {strides = array<i32>} : memref<32x768xf32, #tpu.memory_space<vmem>>, vector<1x16xf32>,
      %get3A_642 = vector.shape_cast %get3A_641 : vector<1x16xf32> to vector<16xf32>
      %swap3A_643 = arith.index_cast %scan3A_334 : i32 to index
      %swap3A_644 = arith.constant 544 : index
      %swap3A_645 = tpu.vector_load %arg5[%swap3A_643, %swap3A_644] {strides = array<i32>} : memref<32x768xf32, #tpu.memory_space<vmem>>, vector<1x16xf32>,
      %swap3A_646 = vector.shape_cast %swap3A_645 : vector<1x16xf32> to vector<16xf32>
      %swap3A_647 = vector.shape_cast %get3A_642 : vector<16xf32> to vector<1x16xf32>
      tpu.vector_store %arg5[%swap3A_643, %swap3A_644], %swap3A_647 {add = true, strides = array<i32>} : memref<32x768xf32, #tpu.memory_space<vmem>>, vector<1x16xf32>,
      %get3A_648 = arith.index_cast %scan3A_334 : i32 to index
      %get3A_649 = arith.constant 560 : index
      %get3A_650 = tpu.vector_load %arg7[%get3A_648, %get3A_649] {strides = array<i32>} : memref<32x768xf32, #tpu.memory_space<vmem>>, vector<1x16xf32>,
      %get3A_651 = vector.shape_cast %get3A_650 : vector<1x16xf32> to vector<16xf32>
      %swap3A_652 = arith.index_cast %scan3A_334 : i32 to index
      %swap3A_653 = arith.constant 560 : index
      %swap3A_654 = tpu.vector_load %arg5[%swap3A_652, %swap3A_653] {strides = array<i32>} : memref<32x768xf32, #tpu.memory_space<vmem>>, vector<1x16xf32>,
      %swap3A_655 = vector.shape_cast %swap3A_654 : vector<1x16xf32> to vector<16xf32>
      %swap3A_656 = vector.shape_cast %get3A_651 : vector<16xf32> to vector<1x16xf32>
      tpu.vector_store %arg5[%swap3A_652, %swap3A_653], %swap3A_656 {add = true, strides = array<i32>} : memref<32x768xf32, #tpu.memory_space<vmem>>, vector<1x16xf32>,
      %get3A_657 = arith.index_cast %scan3A_334 : i32 to index
      %get3A_658 = arith.constant 576 : index
      %get3A_659 = tpu.vector_load %arg7[%get3A_657, %get3A_658] {strides = array<i32>} : memref<32x768xf32, #tpu.memory_space<vmem>>, vector<1x16xf32>,
      %get3A_660 = vector.shape_cast %get3A_659 : vector<1x16xf32> to vector<16xf32>
      %swap3A_661 = arith.index_cast %scan3A_334 : i32 to index
      %swap3A_662 = arith.constant 576 : index
      %swap3A_663 = tpu.vector_load %arg5[%swap3A_661, %swap3A_662] {strides = array<i32>} : memref<32x768xf32, #tpu.memory_space<vmem>>, vector<1x16xf32>,
      %swap3A_664 = vector.shape_cast %swap3A_663 : vector<1x16xf32> to vector<16xf32>
      %swap3A_665 = vector.shape_cast %get3A_660 : vector<16xf32> to vector<1x16xf32>
      tpu.vector_store %arg5[%swap3A_661, %swap3A_662], %swap3A_665 {add = true, strides = array<i32>} : memref<32x768xf32, #tpu.memory_space<vmem>>, vector<1x16xf32>,
      %get3A_666 = arith.index_cast %scan3A_334 : i32 to index
      %get3A_667 = arith.constant 592 : index
      %get3A_668 = tpu.vector_load %arg7[%get3A_666, %get3A_667] {strides = array<i32>} : memref<32x768xf32, #tpu.memory_space<vmem>>, vector<1x16xf32>,
      %get3A_669 = vector.shape_cast %get3A_668 : vector<1x16xf32> to vector<16xf32>
      %swap3A_670 = arith.index_cast %scan3A_334 : i32 to index
      %swap3A_671 = arith.constant 592 : index
      %swap3A_672 = tpu.vector_load %arg5[%swap3A_670, %swap3A_671] {strides = array<i32>} : memref<32x768xf32, #tpu.memory_space<vmem>>, vector<1x16xf32>,
      %swap3A_673 = vector.shape_cast %swap3A_672 : vector<1x16xf32> to vector<16xf32>
      %swap3A_674 = vector.shape_cast %get3A_669 : vector<16xf32> to vector<1x16xf32>
      tpu.vector_store %arg5[%swap3A_670, %swap3A_671], %swap3A_674 {add = true, strides = array<i32>} : memref<32x768xf32, #tpu.memory_space<vmem>>, vector<1x16xf32>,
      %get3A_675 = arith.index_cast %scan3A_334 : i32 to index
      %get3A_676 = arith.constant 608 : index
      %get3A_677 = tpu.vector_load %arg7[%get3A_675, %get3A_676] {strides = array<i32>} : memref<32x768xf32, #tpu.memory_space<vmem>>, vector<1x16xf32>,
      %get3A_678 = vector.shape_cast %get3A_677 : vector<1x16xf32> to vector<16xf32>
      %swap3A_679 = arith.index_cast %scan3A_334 : i32 to index
      %swap3A_680 = arith.constant 608 : index
      %swap3A_681 = tpu.vector_load %arg5[%swap3A_679, %swap3A_680] {strides = array<i32>} : memref<32x768xf32, #tpu.memory_space<vmem>>, vector<1x16xf32>,
      %swap3A_682 = vector.shape_cast %swap3A_681 : vector<1x16xf32> to vector<16xf32>
      %swap3A_683 = vector.shape_cast %get3A_678 : vector<16xf32> to vector<1x16xf32>
      tpu.vector_store %arg5[%swap3A_679, %swap3A_680], %swap3A_683 {add = true, strides = array<i32>} : memref<32x768xf32, #tpu.memory_space<vmem>>, vector<1x16xf32>,
      %get3A_684 = arith.index_cast %scan3A_334 : i32 to index
      %get3A_685 = arith.constant 624 : index
      %get3A_686 = tpu.vector_load %arg7[%get3A_684, %get3A_685] {strides = array<i32>} : memref<32x768xf32, #tpu.memory_space<vmem>>, vector<1x16xf32>,
      %get3A_687 = vector.shape_cast %get3A_686 : vector<1x16xf32> to vector<16xf32>
      %swap3A_688 = arith.index_cast %scan3A_334 : i32 to index
      %swap3A_689 = arith.constant 624 : index
      %swap3A_690 = tpu.vector_load %arg5[%swap3A_688, %swap3A_689] {strides = array<i32>} : memref<32x768xf32, #tpu.memory_space<vmem>>, vector<1x16xf32>,
      %swap3A_691 = vector.shape_cast %swap3A_690 : vector<1x16xf32> to vector<16xf32>
      %swap3A_692 = vector.shape_cast %get3A_687 : vector<16xf32> to vector<1x16xf32>
      tpu.vector_store %arg5[%swap3A_688, %swap3A_689], %swap3A_692 {add = true, strides = array<i32>} : memref<32x768xf32, #tpu.memory_space<vmem>>, vector<1x16xf32>,
      %get3A_693 = arith.index_cast %scan3A_334 : i32 to index
      %get3A_694 = arith.constant 640 : index
      %get3A_695 = tpu.vector_load %arg7[%get3A_693, %get3A_694] {strides = array<i32>} : memref<32x768xf32, #tpu.memory_space<vmem>>, vector<1x16xf32>,
      %get3A_696 = vector.shape_cast %get3A_695 : vector<1x16xf32> to vector<16xf32>
      %swap3A_697 = arith.index_cast %scan3A_334 : i32 to index
      %swap3A_698 = arith.constant 640 : index
      %swap3A_699 = tpu.vector_load %arg5[%swap3A_697, %swap3A_698] {strides = array<i32>} : memref<32x768xf32, #tpu.memory_space<vmem>>, vector<1x16xf32>,
      %swap3A_700 = vector.shape_cast %swap3A_699 : vector<1x16xf32> to vector<16xf32>
      %swap3A_701 = vector.shape_cast %get3A_696 : vector<16xf32> to vector<1x16xf32>
      tpu.vector_store %arg5[%swap3A_697, %swap3A_698], %swap3A_701 {add = true, strides = array<i32>} : memref<32x768xf32, #tpu.memory_space<vmem>>, vector<1x16xf32>,
      %get3A_702 = arith.index_cast %scan3A_334 : i32 to index
      %get3A_703 = arith.constant 656 : index
      %get3A_704 = tpu.vector_load %arg7[%get3A_702, %get3A_703] {strides = array<i32>} : memref<32x768xf32, #tpu.memory_space<vmem>>, vector<1x16xf32>,
      %get3A_705 = vector.shape_cast %get3A_704 : vector<1x16xf32> to vector<16xf32>
      %swap3A_706 = arith.index_cast %scan3A_334 : i32 to index
      %swap3A_707 = arith.constant 656 : index
      %swap3A_708 = tpu.vector_load %arg5[%swap3A_706, %swap3A_707] {strides = array<i32>} : memref<32x768xf32, #tpu.memory_space<vmem>>, vector<1x16xf32>,
      %swap3A_709 = vector.shape_cast %swap3A_708 : vector<1x16xf32> to vector<16xf32>
      %swap3A_710 = vector.shape_cast %get3A_705 : vector<16xf32> to vector<1x16xf32>
      tpu.vector_store %arg5[%swap3A_706, %swap3A_707], %swap3A_710 {add = true, strides = array<i32>} : memref<32x768xf32, #tpu.memory_space<vmem>>, vector<1x16xf32>,
      %get3A_711 = arith.index_cast %scan3A_334 : i32 to index
      %get3A_712 = arith.constant 672 : index
      %get3A_713 = tpu.vector_load %arg7[%get3A_711, %get3A_712] {strides = array<i32>} : memref<32x768xf32, #tpu.memory_space<vmem>>, vector<1x16xf32>,
      %get3A_714 = vector.shape_cast %get3A_713 : vector<1x16xf32> to vector<16xf32>
      %swap3A_715 = arith.index_cast %scan3A_334 : i32 to index
      %swap3A_716 = arith.constant 672 : index
      %swap3A_717 = tpu.vector_load %arg5[%swap3A_715, %swap3A_716] {strides = array<i32>} : memref<32x768xf32, #tpu.memory_space<vmem>>, vector<1x16xf32>,
      %swap3A_718 = vector.shape_cast %swap3A_717 : vector<1x16xf32> to vector<16xf32>
      %swap3A_719 = vector.shape_cast %get3A_714 : vector<16xf32> to vector<1x16xf32>
      tpu.vector_store %arg5[%swap3A_715, %swap3A_716], %swap3A_719 {add = true, strides = array<i32>} : memref<32x768xf32, #tpu.memory_space<vmem>>, vector<1x16xf32>,
      %get3A_720 = arith.index_cast %scan3A_334 : i32 to index
      %get3A_721 = arith.constant 688 : index
      %get3A_722 = tpu.vector_load %arg7[%get3A_720, %get3A_721] {strides = array<i32>} : memref<32x768xf32, #tpu.memory_space<vmem>>, vector<1x16xf32>,
      %get3A_723 = vector.shape_cast %get3A_722 : vector<1x16xf32> to vector<16xf32>
      %swap3A_724 = arith.index_cast %scan3A_334 : i32 to index
      %swap3A_725 = arith.constant 688 : index
      %swap3A_726 = tpu.vector_load %arg5[%swap3A_724, %swap3A_725] {strides = array<i32>} : memref<32x768xf32, #tpu.memory_space<vmem>>, vector<1x16xf32>,
      %swap3A_727 = vector.shape_cast %swap3A_726 : vector<1x16xf32> to vector<16xf32>
      %swap3A_728 = vector.shape_cast %get3A_723 : vector<16xf32> to vector<1x16xf32>
      tpu.vector_store %arg5[%swap3A_724, %swap3A_725], %swap3A_728 {add = true, strides = array<i32>} : memref<32x768xf32, #tpu.memory_space<vmem>>, vector<1x16xf32>,
      %get3A_729 = arith.index_cast %scan3A_334 : i32 to index
      %get3A_730 = arith.constant 704 : index
      %get3A_731 = tpu.vector_load %arg7[%get3A_729, %get3A_730] {strides = array<i32>} : memref<32x768xf32, #tpu.memory_space<vmem>>, vector<1x16xf32>,
      %get3A_732 = vector.shape_cast %get3A_731 : vector<1x16xf32> to vector<16xf32>
      %swap3A_733 = arith.index_cast %scan3A_334 : i32 to index
      %swap3A_734 = arith.constant 704 : index
      %swap3A_735 = tpu.vector_load %arg5[%swap3A_733, %swap3A_734] {strides = array<i32>} : memref<32x768xf32, #tpu.memory_space<vmem>>, vector<1x16xf32>,
      %swap3A_736 = vector.shape_cast %swap3A_735 : vector<1x16xf32> to vector<16xf32>
      %swap3A_737 = vector.shape_cast %get3A_732 : vector<16xf32> to vector<1x16xf32>
      tpu.vector_store %arg5[%swap3A_733, %swap3A_734], %swap3A_737 {add = true, strides = array<i32>} : memref<32x768xf32, #tpu.memory_space<vmem>>, vector<1x16xf32>,
      %get3A_738 = arith.index_cast %scan3A_334 : i32 to index
      %get3A_739 = arith.constant 720 : index
      %get3A_740 = tpu.vector_load %arg7[%get3A_738, %get3A_739] {strides = array<i32>} : memref<32x768xf32, #tpu.memory_space<vmem>>, vector<1x16xf32>,
      %get3A_741 = vector.shape_cast %get3A_740 : vector<1x16xf32> to vector<16xf32>
      %swap3A_742 = arith.index_cast %scan3A_334 : i32 to index
      %swap3A_743 = arith.constant 720 : index
      %swap3A_744 = tpu.vector_load %arg5[%swap3A_742, %swap3A_743] {strides = array<i32>} : memref<32x768xf32, #tpu.memory_space<vmem>>, vector<1x16xf32>,
      %swap3A_745 = vector.shape_cast %swap3A_744 : vector<1x16xf32> to vector<16xf32>
      %swap3A_746 = vector.shape_cast %get3A_741 : vector<16xf32> to vector<1x16xf32>
      tpu.vector_store %arg5[%swap3A_742, %swap3A_743], %swap3A_746 {add = true, strides = array<i32>} : memref<32x768xf32, #tpu.memory_space<vmem>>, vector<1x16xf32>,
      %get3A_747 = arith.index_cast %scan3A_334 : i32 to index
      %get3A_748 = arith.constant 736 : index
      %get3A_749 = tpu.vector_load %arg7[%get3A_747, %get3A_748] {strides = array<i32>} : memref<32x768xf32, #tpu.memory_space<vmem>>, vector<1x16xf32>,
      %get3A_750 = vector.shape_cast %get3A_749 : vector<1x16xf32> to vector<16xf32>
      %swap3A_751 = arith.index_cast %scan3A_334 : i32 to index
      %swap3A_752 = arith.constant 736 : index
      %swap3A_753 = tpu.vector_load %arg5[%swap3A_751, %swap3A_752] {strides = array<i32>} : memref<32x768xf32, #tpu.memory_space<vmem>>, vector<1x16xf32>,
      %swap3A_754 = vector.shape_cast %swap3A_753 : vector<1x16xf32> to vector<16xf32>
      %swap3A_755 = vector.shape_cast %get3A_750 : vector<16xf32> to vector<1x16xf32>
      tpu.vector_store %arg5[%swap3A_751, %swap3A_752], %swap3A_755 {add = true, strides = array<i32>} : memref<32x768xf32, #tpu.memory_space<vmem>>, vector<1x16xf32>,
      %get3A_756 = arith.index_cast %scan3A_334 : i32 to index
      %get3A_757 = arith.constant 752 : index
      %get3A_758 = tpu.vector_load %arg7[%get3A_756, %get3A_757] {strides = array<i32>} : memref<32x768xf32, #tpu.memory_space<vmem>>, vector<1x16xf32>,
      %get3A_759 = vector.shape_cast %get3A_758 : vector<1x16xf32> to vector<16xf32>
      %swap3A_760 = arith.index_cast %scan3A_334 : i32 to index
      %swap3A_761 = arith.constant 752 : index
      %swap3A_762 = tpu.vector_load %arg5[%swap3A_760, %swap3A_761] {strides = array<i32>} : memref<32x768xf32, #tpu.memory_space<vmem>>, vector<1x16xf32>,
      %swap3A_763 = vector.shape_cast %swap3A_762 : vector<1x16xf32> to vector<16xf32>
      %swap3A_764 = vector.shape_cast %get3A_759 : vector<16xf32> to vector<1x16xf32>
      tpu.vector_store %arg5[%swap3A_760, %swap3A_761], %swap3A_764 {add = true, strides = array<i32>} : memref<32x768xf32, #tpu.memory_space<vmem>>, vector<1x16xf32>,
    }
    %scan3A_295 = arith.constant 32 : i32
    %add3A_296 = arith.constant 0 : i32
    %add3A_297 = arith.addi %add3A_296, %mul3A_2 : i32
    %add3A_298 = arith.constant 192 : i32
    %add3A_299 = arith.addi %add3A_297, %add3A_298 : i32
    %dma_start3A_300 = arith.constant 0 : i32
    %dma_start3A_301 = tpu.memref_slice %arg4[%add3A_299, %dma_start3A_300] : memref<8192x768xf32, #tpu.memory_space<hbm>> -> memref<32x768xf32, #tpu.memory_space<hbm>>
    %dma_start3A_302 = arith.constant 0 : i32
    %dma_start3A_303 = tpu.memref_slice %arg4[%add3A_299, %dma_start3A_302] : memref<8192x768xf32, #tpu.memory_space<hbm>> -> memref<32x768xf32, #tpu.memory_space<hbm>>
    tpu.enqueue_dma source(%arg5 : memref<32x768xf32, #tpu.memory_space<vmem>>) target(%dma_start3A_303 : memref<32x768xf32, #tpu.memory_space<hbm>>) target_semaphore(%arg13 : memref<!tpu.dma_semaphore, #tpu.memory_space<semaphore_mem>>)
    %dma_wait3A_304 = arith.constant 0 : i32
    %dma_wait3A_305 = tpu.memref_slice %arg3[%add3A_285, %dma_wait3A_304] : memref<8192x768xf32, #tpu.memory_space<hbm>> -> memref<32x768xf32, #tpu.memory_space<hbm>>
    %dma_wait3A_306 = arith.constant 0 : i32
    %dma_wait3A_307 = tpu.memref_slice %arg3[%add3A_285, %dma_wait3A_306] : memref<8192x768xf32, #tpu.memory_space<hbm>> -> memref<32x768xf32, #tpu.memory_space<hbm>>
    tpu.wait_dma2 semaphore(%arg12 : memref<!tpu.dma_semaphore, #tpu.memory_space<semaphore_mem>>) src(%dma_wait3A_307 : memref<32x768xf32, #tpu.memory_space<hbm>>) dst(%arg8 : memref<32x768xf32, #tpu.memory_space<vmem>>)
    %dma_wait3A_308 = arith.constant 0 : i32
    %dma_wait3A_309 = tpu.memref_slice %arg2[%add3A_279, %dma_wait3A_308] : memref<32768x768xf32, #tpu.memory_space<hbm>> -> memref<32x768xf32, #tpu.memory_space<hbm>>
    %dma_wait3A_310 = arith.constant 0 : i32
    %dma_wait3A_311 = tpu.memref_slice %arg2[%add3A_279, %dma_wait3A_310] : memref<32768x768xf32, #tpu.memory_space<hbm>> -> memref<32x768xf32, #tpu.memory_space<hbm>>
    tpu.wait_dma2 semaphore(%arg10 : memref<!tpu.dma_semaphore, #tpu.memory_space<semaphore_mem>>) src(%dma_wait3A_311 : memref<32x768xf32, #tpu.memory_space<hbm>>) dst(%arg6 : memref<32x768xf32, #tpu.memory_space<vmem>>)
    %scan3A_312 = arith.constant 0 : i32
    %scan3A_313 = arith.constant 0 : i32
    %scan3A_314 = arith.constant 32 : i32
    %scan3A_315 = arith.addi %scan3A_313, %scan3A_314 : i32
    %scan3A_316 = arith.constant 1 : i32
    scf.for %scan3A_334 = %scan3A_313 to %scan3A_315 step %scan3A_316  : i32 {
      %get3A = arith.index_cast %scan3A_334 : i32 to index
      %get3A_335 = arith.constant 0 : index
      %get3A_336 = tpu.vector_load %arg8[%get3A, %get3A_335] {strides = array<i32>} : memref<32x768xf32, #tpu.memory_space<vmem>>, vector<1x16xf32>,
      %get3A_337 = vector.shape_cast %get3A_336 : vector<1x16xf32> to vector<16xf32>
      %swap3A = arith.index_cast %scan3A_334 : i32 to index
      %swap3A_338 = arith.constant 0 : index
      %swap3A_339 = tpu.vector_load %arg6[%swap3A, %swap3A_338] {strides = array<i32>} : memref<32x768xf32, #tpu.memory_space<vmem>>, vector<1x16xf32>,
      %swap3A_340 = vector.shape_cast %swap3A_339 : vector<1x16xf32> to vector<16xf32>
      %swap3A_341 = vector.shape_cast %get3A_337 : vector<16xf32> to vector<1x16xf32>
      tpu.vector_store %arg6[%swap3A, %swap3A_338], %swap3A_341 {add = true, strides = array<i32>} : memref<32x768xf32, #tpu.memory_space<vmem>>, vector<1x16xf32>,
      %get3A_342 = arith.index_cast %scan3A_334 : i32 to index
      %get3A_343 = arith.constant 16 : index
      %get3A_344 = tpu.vector_load %arg8[%get3A_342, %get3A_343] {strides = array<i32>} : memref<32x768xf32, #tpu.memory_space<vmem>>, vector<1x16xf32>,
      %get3A_345 = vector.shape_cast %get3A_344 : vector<1x16xf32> to vector<16xf32>
      %swap3A_346 = arith.index_cast %scan3A_334 : i32 to index
      %swap3A_347 = arith.constant 16 : index
      %swap3A_348 = tpu.vector_load %arg6[%swap3A_346, %swap3A_347] {strides = array<i32>} : memref<32x768xf32, #tpu.memory_space<vmem>>, vector<1x16xf32>,
      %swap3A_349 = vector.shape_cast %swap3A_348 : vector<1x16xf32> to vector<16xf32>
      %swap3A_350 = vector.shape_cast %get3A_345 : vector<16xf32> to vector<1x16xf32>
      tpu.vector_store %arg6[%swap3A_346, %swap3A_347], %swap3A_350 {add = true, strides = array<i32>} : memref<32x768xf32, #tpu.memory_space<vmem>>, vector<1x16xf32>,
      %get3A_351 = arith.index_cast %scan3A_334 : i32 to index
      %get3A_352 = arith.constant 32 : index
      %get3A_353 = tpu.vector_load %arg8[%get3A_351, %get3A_352] {strides = array<i32>} : memref<32x768xf32, #tpu.memory_space<vmem>>, vector<1x16xf32>,
      %get3A_354 = vector.shape_cast %get3A_353 : vector<1x16xf32> to vector<16xf32>
      %swap3A_355 = arith.index_cast %scan3A_334 : i32 to index
      %swap3A_356 = arith.constant 32 : index
      %swap3A_357 = tpu.vector_load %arg6[%swap3A_355, %swap3A_356] {strides = array<i32>} : memref<32x768xf32, #tpu.memory_space<vmem>>, vector<1x16xf32>,
      %swap3A_358 = vector.shape_cast %swap3A_357 : vector<1x16xf32> to vector<16xf32>
      %swap3A_359 = vector.shape_cast %get3A_354 : vector<16xf32> to vector<1x16xf32>
      tpu.vector_store %arg6[%swap3A_355, %swap3A_356], %swap3A_359 {add = true, strides = array<i32>} : memref<32x768xf32, #tpu.memory_space<vmem>>, vector<1x16xf32>,
      %get3A_360 = arith.index_cast %scan3A_334 : i32 to index
      %get3A_361 = arith.constant 48 : index
      %get3A_362 = tpu.vector_load %arg8[%get3A_360, %get3A_361] {strides = array<i32>} : memref<32x768xf32, #tpu.memory_space<vmem>>, vector<1x16xf32>,
      %get3A_363 = vector.shape_cast %get3A_362 : vector<1x16xf32> to vector<16xf32>
      %swap3A_364 = arith.index_cast %scan3A_334 : i32 to index
      %swap3A_365 = arith.constant 48 : index
      %swap3A_366 = tpu.vector_load %arg6[%swap3A_364, %swap3A_365] {strides = array<i32>} : memref<32x768xf32, #tpu.memory_space<vmem>>, vector<1x16xf32>,
      %swap3A_367 = vector.shape_cast %swap3A_366 : vector<1x16xf32> to vector<16xf32>
      %swap3A_368 = vector.shape_cast %get3A_363 : vector<16xf32> to vector<1x16xf32>
      tpu.vector_store %arg6[%swap3A_364, %swap3A_365], %swap3A_368 {add = true, strides = array<i32>} : memref<32x768xf32, #tpu.memory_space<vmem>>, vector<1x16xf32>,
      %get3A_369 = arith.index_cast %scan3A_334 : i32 to index
      %get3A_370 = arith.constant 64 : index
      %get3A_371 = tpu.vector_load %arg8[%get3A_369, %get3A_370] {strides = array<i32>} : memref<32x768xf32, #tpu.memory_space<vmem>>, vector<1x16xf32>,
      %get3A_372 = vector.shape_cast %get3A_371 : vector<1x16xf32> to vector<16xf32>
      %swap3A_373 = arith.index_cast %scan3A_334 : i32 to index
      %swap3A_374 = arith.constant 64 : index
      %swap3A_375 = tpu.vector_load %arg6[%swap3A_373, %swap3A_374] {strides = array<i32>} : memref<32x768xf32, #tpu.memory_space<vmem>>, vector<1x16xf32>,
      %swap3A_376 = vector.shape_cast %swap3A_375 : vector<1x16xf32> to vector<16xf32>
      %swap3A_377 = vector.shape_cast %get3A_372 : vector<16xf32> to vector<1x16xf32>
      tpu.vector_store %arg6[%swap3A_373, %swap3A_374], %swap3A_377 {add = true, strides = array<i32>} : memref<32x768xf32, #tpu.memory_space<vmem>>, vector<1x16xf32>,
      %get3A_378 = arith.index_cast %scan3A_334 : i32 to index
      %get3A_379 = arith.constant 80 : index
      %get3A_380 = tpu.vector_load %arg8[%get3A_378, %get3A_379] {strides = array<i32>} : memref<32x768xf32, #tpu.memory_space<vmem>>, vector<1x16xf32>,
      %get3A_381 = vector.shape_cast %get3A_380 : vector<1x16xf32> to vector<16xf32>
      %swap3A_382 = arith.index_cast %scan3A_334 : i32 to index
      %swap3A_383 = arith.constant 80 : index
      %swap3A_384 = tpu.vector_load %arg6[%swap3A_382, %swap3A_383] {strides = array<i32>} : memref<32x768xf32, #tpu.memory_space<vmem>>, vector<1x16xf32>,
      %swap3A_385 = vector.shape_cast %swap3A_384 : vector<1x16xf32> to vector<16xf32>
      %swap3A_386 = vector.shape_cast %get3A_381 : vector<16xf32> to vector<1x16xf32>
      tpu.vector_store %arg6[%swap3A_382, %swap3A_383], %swap3A_386 {add = true, strides = array<i32>} : memref<32x768xf32, #tpu.memory_space<vmem>>, vector<1x16xf32>,
      %get3A_387 = arith.index_cast %scan3A_334 : i32 to index
      %get3A_388 = arith.constant 96 : index
      %get3A_389 = tpu.vector_load %arg8[%get3A_387, %get3A_388] {strides = array<i32>} : memref<32x768xf32, #tpu.memory_space<vmem>>, vector<1x16xf32>,
      %get3A_390 = vector.shape_cast %get3A_389 : vector<1x16xf32> to vector<16xf32>
      %swap3A_391 = arith.index_cast %scan3A_334 : i32 to index
      %swap3A_392 = arith.constant 96 : index
      %swap3A_393 = tpu.vector_load %arg6[%swap3A_391, %swap3A_392] {strides = array<i32>} : memref<32x768xf32, #tpu.memory_space<vmem>>, vector<1x16xf32>,
      %swap3A_394 = vector.shape_cast %swap3A_393 : vector<1x16xf32> to vector<16xf32>
      %swap3A_395 = vector.shape_cast %get3A_390 : vector<16xf32> to vector<1x16xf32>
      tpu.vector_store %arg6[%swap3A_391, %swap3A_392], %swap3A_395 {add = true, strides = array<i32>} : memref<32x768xf32, #tpu.memory_space<vmem>>, vector<1x16xf32>,
      %get3A_396 = arith.index_cast %scan3A_334 : i32 to index
      %get3A_397 = arith.constant 112 : index
      %get3A_398 = tpu.vector_load %arg8[%get3A_396, %get3A_397] {strides = array<i32>} : memref<32x768xf32, #tpu.memory_space<vmem>>, vector<1x16xf32>,
      %get3A_399 = vector.shape_cast %get3A_398 : vector<1x16xf32> to vector<16xf32>
      %swap3A_400 = arith.index_cast %scan3A_334 : i32 to index
      %swap3A_401 = arith.constant 112 : index
      %swap3A_402 = tpu.vector_load %arg6[%swap3A_400, %swap3A_401] {strides = array<i32>} : memref<32x768xf32, #tpu.memory_space<vmem>>, vector<1x16xf32>,
      %swap3A_403 = vector.shape_cast %swap3A_402 : vector<1x16xf32> to vector<16xf32>
      %swap3A_404 = vector.shape_cast %get3A_399 : vector<16xf32> to vector<1x16xf32>
      tpu.vector_store %arg6[%swap3A_400, %swap3A_401], %swap3A_404 {add = true, strides = array<i32>} : memref<32x768xf32, #tpu.memory_space<vmem>>, vector<1x16xf32>,
      %get3A_405 = arith.index_cast %scan3A_334 : i32 to index
      %get3A_406 = arith.constant 128 : index
      %get3A_407 = tpu.vector_load %arg8[%get3A_405, %get3A_406] {strides = array<i32>} : memref<32x768xf32, #tpu.memory_space<vmem>>, vector<1x16xf32>,
      %get3A_408 = vector.shape_cast %get3A_407 : vector<1x16xf32> to vector<16xf32>
      %swap3A_409 = arith.index_cast %scan3A_334 : i32 to index
      %swap3A_410 = arith.constant 128 : index
      %swap3A_411 = tpu.vector_load %arg6[%swap3A_409, %swap3A_410] {strides = array<i32>} : memref<32x768xf32, #tpu.memory_space<vmem>>, vector<1x16xf32>,
      %swap3A_412 = vector.shape_cast %swap3A_411 : vector<1x16xf32> to vector<16xf32>
      %swap3A_413 = vector.shape_cast %get3A_408 : vector<16xf32> to vector<1x16xf32>
      tpu.vector_store %arg6[%swap3A_409, %swap3A_410], %swap3A_413 {add = true, strides = array<i32>} : memref<32x768xf32, #tpu.memory_space<vmem>>, vector<1x16xf32>,
      %get3A_414 = arith.index_cast %scan3A_334 : i32 to index
      %get3A_415 = arith.constant 144 : index
      %get3A_416 = tpu.vector_load %arg8[%get3A_414, %get3A_415] {strides = array<i32>} : memref<32x768xf32, #tpu.memory_space<vmem>>, vector<1x16xf32>,
      %get3A_417 = vector.shape_cast %get3A_416 : vector<1x16xf32> to vector<16xf32>
      %swap3A_418 = arith.index_cast %scan3A_334 : i32 to index
      %swap3A_419 = arith.constant 144 : index
      %swap3A_420 = tpu.vector_load %arg6[%swap3A_418, %swap3A_419] {strides = array<i32>} : memref<32x768xf32, #tpu.memory_space<vmem>>, vector<1x16xf32>,
      %swap3A_421 = vector.shape_cast %swap3A_420 : vector<1x16xf32> to vector<16xf32>
      %swap3A_422 = vector.shape_cast %get3A_417 : vector<16xf32> to vector<1x16xf32>
      tpu.vector_store %arg6[%swap3A_418, %swap3A_419], %swap3A_422 {add = true, strides = array<i32>} : memref<32x768xf32, #tpu.memory_space<vmem>>, vector<1x16xf32>,
      %get3A_423 = arith.index_cast %scan3A_334 : i32 to index
      %get3A_424 = arith.constant 160 : index
      %get3A_425 = tpu.vector_load %arg8[%get3A_423, %get3A_424] {strides = array<i32>} : memref<32x768xf32, #tpu.memory_space<vmem>>, vector<1x16xf32>,
      %get3A_426 = vector.shape_cast %get3A_425 : vector<1x16xf32> to vector<16xf32>
      %swap3A_427 = arith.index_cast %scan3A_334 : i32 to index
      %swap3A_428 = arith.constant 160 : index
      %swap3A_429 = tpu.vector_load %arg6[%swap3A_427, %swap3A_428] {strides = array<i32>} : memref<32x768xf32, #tpu.memory_space<vmem>>, vector<1x16xf32>,
      %swap3A_430 = vector.shape_cast %swap3A_429 : vector<1x16xf32> to vector<16xf32>
      %swap3A_431 = vector.shape_cast %get3A_426 : vector<16xf32> to vector<1x16xf32>
      tpu.vector_store %arg6[%swap3A_427, %swap3A_428], %swap3A_431 {add = true, strides = array<i32>} : memref<32x768xf32, #tpu.memory_space<vmem>>, vector<1x16xf32>,
      %get3A_432 = arith.index_cast %scan3A_334 : i32 to index
      %get3A_433 = arith.constant 176 : index
      %get3A_434 = tpu.vector_load %arg8[%get3A_432, %get3A_433] {strides = array<i32>} : memref<32x768xf32, #tpu.memory_space<vmem>>, vector<1x16xf32>,
      %get3A_435 = vector.shape_cast %get3A_434 : vector<1x16xf32> to vector<16xf32>
      %swap3A_436 = arith.index_cast %scan3A_334 : i32 to index
      %swap3A_437 = arith.constant 176 : index
      %swap3A_438 = tpu.vector_load %arg6[%swap3A_436, %swap3A_437] {strides = array<i32>} : memref<32x768xf32, #tpu.memory_space<vmem>>, vector<1x16xf32>,
      %swap3A_439 = vector.shape_cast %swap3A_438 : vector<1x16xf32> to vector<16xf32>
      %swap3A_440 = vector.shape_cast %get3A_435 : vector<16xf32> to vector<1x16xf32>
      tpu.vector_store %arg6[%swap3A_436, %swap3A_437], %swap3A_440 {add = true, strides = array<i32>} : memref<32x768xf32, #tpu.memory_space<vmem>>, vector<1x16xf32>,
      %get3A_441 = arith.index_cast %scan3A_334 : i32 to index
      %get3A_442 = arith.constant 192 : index
      %get3A_443 = tpu.vector_load %arg8[%get3A_441, %get3A_442] {strides = array<i32>} : memref<32x768xf32, #tpu.memory_space<vmem>>, vector<1x16xf32>,
      %get3A_444 = vector.shape_cast %get3A_443 : vector<1x16xf32> to vector<16xf32>
      %swap3A_445 = arith.index_cast %scan3A_334 : i32 to index
      %swap3A_446 = arith.constant 192 : index
      %swap3A_447 = tpu.vector_load %arg6[%swap3A_445, %swap3A_446] {strides = array<i32>} : memref<32x768xf32, #tpu.memory_space<vmem>>, vector<1x16xf32>,
      %swap3A_448 = vector.shape_cast %swap3A_447 : vector<1x16xf32> to vector<16xf32>
      %swap3A_449 = vector.shape_cast %get3A_444 : vector<16xf32> to vector<1x16xf32>
      tpu.vector_store %arg6[%swap3A_445, %swap3A_446], %swap3A_449 {add = true, strides = array<i32>} : memref<32x768xf32, #tpu.memory_space<vmem>>, vector<1x16xf32>,
      %get3A_450 = arith.index_cast %scan3A_334 : i32 to index
      %get3A_451 = arith.constant 208 : index
      %get3A_452 = tpu.vector_load %arg8[%get3A_450, %get3A_451] {strides = array<i32>} : memref<32x768xf32, #tpu.memory_space<vmem>>, vector<1x16xf32>,
      %get3A_453 = vector.shape_cast %get3A_452 : vector<1x16xf32> to vector<16xf32>
      %swap3A_454 = arith.index_cast %scan3A_334 : i32 to index
      %swap3A_455 = arith.constant 208 : index
      %swap3A_456 = tpu.vector_load %arg6[%swap3A_454, %swap3A_455] {strides = array<i32>} : memref<32x768xf32, #tpu.memory_space<vmem>>, vector<1x16xf32>,
      %swap3A_457 = vector.shape_cast %swap3A_456 : vector<1x16xf32> to vector<16xf32>
      %swap3A_458 = vector.shape_cast %get3A_453 : vector<16xf32> to vector<1x16xf32>
      tpu.vector_store %arg6[%swap3A_454, %swap3A_455], %swap3A_458 {add = true, strides = array<i32>} : memref<32x768xf32, #tpu.memory_space<vmem>>, vector<1x16xf32>,
      %get3A_459 = arith.index_cast %scan3A_334 : i32 to index
      %get3A_460 = arith.constant 224 : index
      %get3A_461 = tpu.vector_load %arg8[%get3A_459, %get3A_460] {strides = array<i32>} : memref<32x768xf32, #tpu.memory_space<vmem>>, vector<1x16xf32>,
      %get3A_462 = vector.shape_cast %get3A_461 : vector<1x16xf32> to vector<16xf32>
      %swap3A_463 = arith.index_cast %scan3A_334 : i32 to index
      %swap3A_464 = arith.constant 224 : index
      %swap3A_465 = tpu.vector_load %arg6[%swap3A_463, %swap3A_464] {strides = array<i32>} : memref<32x768xf32, #tpu.memory_space<vmem>>, vector<1x16xf32>,
      %swap3A_466 = vector.shape_cast %swap3A_465 : vector<1x16xf32> to vector<16xf32>
      %swap3A_467 = vector.shape_cast %get3A_462 : vector<16xf32> to vector<1x16xf32>
      tpu.vector_store %arg6[%swap3A_463, %swap3A_464], %swap3A_467 {add = true, strides = array<i32>} : memref<32x768xf32, #tpu.memory_space<vmem>>, vector<1x16xf32>,
      %get3A_468 = arith.index_cast %scan3A_334 : i32 to index
      %get3A_469 = arith.constant 240 : index
      %get3A_470 = tpu.vector_load %arg8[%get3A_468, %get3A_469] {strides = array<i32>} : memref<32x768xf32, #tpu.memory_space<vmem>>, vector<1x16xf32>,
      %get3A_471 = vector.shape_cast %get3A_470 : vector<1x16xf32> to vector<16xf32>
      %swap3A_472 = arith.index_cast %scan3A_334 : i32 to index
      %swap3A_473 = arith.constant 240 : index
      %swap3A_474 = tpu.vector_load %arg6[%swap3A_472, %swap3A_473] {strides = array<i32>} : memref<32x768xf32, #tpu.memory_space<vmem>>, vector<1x16xf32>,
      %swap3A_475 = vector.shape_cast %swap3A_474 : vector<1x16xf32> to vector<16xf32>
      %swap3A_476 = vector.shape_cast %get3A_471 : vector<16xf32> to vector<1x16xf32>
      tpu.vector_store %arg6[%swap3A_472, %swap3A_473], %swap3A_476 {add = true, strides = array<i32>} : memref<32x768xf32, #tpu.memory_space<vmem>>, vector<1x16xf32>,
      %get3A_477 = arith.index_cast %scan3A_334 : i32 to index
      %get3A_478 = arith.constant 256 : index
      %get3A_479 = tpu.vector_load %arg8[%get3A_477, %get3A_478] {strides = array<i32>} : memref<32x768xf32, #tpu.memory_space<vmem>>, vector<1x16xf32>,
      %get3A_480 = vector.shape_cast %get3A_479 : vector<1x16xf32> to vector<16xf32>
      %swap3A_481 = arith.index_cast %scan3A_334 : i32 to index
      %swap3A_482 = arith.constant 256 : index
      %swap3A_483 = tpu.vector_load %arg6[%swap3A_481, %swap3A_482] {strides = array<i32>} : memref<32x768xf32, #tpu.memory_space<vmem>>, vector<1x16xf32>,
      %swap3A_484 = vector.shape_cast %swap3A_483 : vector<1x16xf32> to vector<16xf32>
      %swap3A_485 = vector.shape_cast %get3A_480 : vector<16xf32> to vector<1x16xf32>
      tpu.vector_store %arg6[%swap3A_481, %swap3A_482], %swap3A_485 {add = true, strides = array<i32>} : memref<32x768xf32, #tpu.memory_space<vmem>>, vector<1x16xf32>,
      %get3A_486 = arith.index_cast %scan3A_334 : i32 to index
      %get3A_487 = arith.constant 272 : index
      %get3A_488 = tpu.vector_load %arg8[%get3A_486, %get3A_487] {strides = array<i32>} : memref<32x768xf32, #tpu.memory_space<vmem>>, vector<1x16xf32>,
      %get3A_489 = vector.shape_cast %get3A_488 : vector<1x16xf32> to vector<16xf32>
      %swap3A_490 = arith.index_cast %scan3A_334 : i32 to index
      %swap3A_491 = arith.constant 272 : index
      %swap3A_492 = tpu.vector_load %arg6[%swap3A_490, %swap3A_491] {strides = array<i32>} : memref<32x768xf32, #tpu.memory_space<vmem>>, vector<1x16xf32>,
      %swap3A_493 = vector.shape_cast %swap3A_492 : vector<1x16xf32> to vector<16xf32>
      %swap3A_494 = vector.shape_cast %get3A_489 : vector<16xf32> to vector<1x16xf32>
      tpu.vector_store %arg6[%swap3A_490, %swap3A_491], %swap3A_494 {add = true, strides = array<i32>} : memref<32x768xf32, #tpu.memory_space<vmem>>, vector<1x16xf32>,
      %get3A_495 = arith.index_cast %scan3A_334 : i32 to index
      %get3A_496 = arith.constant 288 : index
      %get3A_497 = tpu.vector_load %arg8[%get3A_495, %get3A_496] {strides = array<i32>} : memref<32x768xf32, #tpu.memory_space<vmem>>, vector<1x16xf32>,
      %get3A_498 = vector.shape_cast %get3A_497 : vector<1x16xf32> to vector<16xf32>
      %swap3A_499 = arith.index_cast %scan3A_334 : i32 to index
      %swap3A_500 = arith.constant 288 : index
      %swap3A_501 = tpu.vector_load %arg6[%swap3A_499, %swap3A_500] {strides = array<i32>} : memref<32x768xf32, #tpu.memory_space<vmem>>, vector<1x16xf32>,
      %swap3A_502 = vector.shape_cast %swap3A_501 : vector<1x16xf32> to vector<16xf32>
      %swap3A_503 = vector.shape_cast %get3A_498 : vector<16xf32> to vector<1x16xf32>
      tpu.vector_store %arg6[%swap3A_499, %swap3A_500], %swap3A_503 {add = true, strides = array<i32>} : memref<32x768xf32, #tpu.memory_space<vmem>>, vector<1x16xf32>,
      %get3A_504 = arith.index_cast %scan3A_334 : i32 to index
      %get3A_505 = arith.constant 304 : index
      %get3A_506 = tpu.vector_load %arg8[%get3A_504, %get3A_505] {strides = array<i32>} : memref<32x768xf32, #tpu.memory_space<vmem>>, vector<1x16xf32>,
      %get3A_507 = vector.shape_cast %get3A_506 : vector<1x16xf32> to vector<16xf32>
      %swap3A_508 = arith.index_cast %scan3A_334 : i32 to index
      %swap3A_509 = arith.constant 304 : index
      %swap3A_510 = tpu.vector_load %arg6[%swap3A_508, %swap3A_509] {strides = array<i32>} : memref<32x768xf32, #tpu.memory_space<vmem>>, vector<1x16xf32>,
      %swap3A_511 = vector.shape_cast %swap3A_510 : vector<1x16xf32> to vector<16xf32>
      %swap3A_512 = vector.shape_cast %get3A_507 : vector<16xf32> to vector<1x16xf32>
      tpu.vector_store %arg6[%swap3A_508, %swap3A_509], %swap3A_512 {add = true, strides = array<i32>} : memref<32x768xf32, #tpu.memory_space<vmem>>, vector<1x16xf32>,
      %get3A_513 = arith.index_cast %scan3A_334 : i32 to index
      %get3A_514 = arith.constant 320 : index
      %get3A_515 = tpu.vector_load %arg8[%get3A_513, %get3A_514] {strides = array<i32>} : memref<32x768xf32, #tpu.memory_space<vmem>>, vector<1x16xf32>,
      %get3A_516 = vector.shape_cast %get3A_515 : vector<1x16xf32> to vector<16xf32>
      %swap3A_517 = arith.index_cast %scan3A_334 : i32 to index
      %swap3A_518 = arith.constant 320 : index
      %swap3A_519 = tpu.vector_load %arg6[%swap3A_517, %swap3A_518] {strides = array<i32>} : memref<32x768xf32, #tpu.memory_space<vmem>>, vector<1x16xf32>,
      %swap3A_520 = vector.shape_cast %swap3A_519 : vector<1x16xf32> to vector<16xf32>
      %swap3A_521 = vector.shape_cast %get3A_516 : vector<16xf32> to vector<1x16xf32>
      tpu.vector_store %arg6[%swap3A_517, %swap3A_518], %swap3A_521 {add = true, strides = array<i32>} : memref<32x768xf32, #tpu.memory_space<vmem>>, vector<1x16xf32>,
      %get3A_522 = arith.index_cast %scan3A_334 : i32 to index
      %get3A_523 = arith.constant 336 : index
      %get3A_524 = tpu.vector_load %arg8[%get3A_522, %get3A_523] {strides = array<i32>} : memref<32x768xf32, #tpu.memory_space<vmem>>, vector<1x16xf32>,
      %get3A_525 = vector.shape_cast %get3A_524 : vector<1x16xf32> to vector<16xf32>
      %swap3A_526 = arith.index_cast %scan3A_334 : i32 to index
      %swap3A_527 = arith.constant 336 : index
      %swap3A_528 = tpu.vector_load %arg6[%swap3A_526, %swap3A_527] {strides = array<i32>} : memref<32x768xf32, #tpu.memory_space<vmem>>, vector<1x16xf32>,
      %swap3A_529 = vector.shape_cast %swap3A_528 : vector<1x16xf32> to vector<16xf32>
      %swap3A_530 = vector.shape_cast %get3A_525 : vector<16xf32> to vector<1x16xf32>
      tpu.vector_store %arg6[%swap3A_526, %swap3A_527], %swap3A_530 {add = true, strides = array<i32>} : memref<32x768xf32, #tpu.memory_space<vmem>>, vector<1x16xf32>,
      %get3A_531 = arith.index_cast %scan3A_334 : i32 to index
      %get3A_532 = arith.constant 352 : index
      %get3A_533 = tpu.vector_load %arg8[%get3A_531, %get3A_532] {strides = array<i32>} : memref<32x768xf32, #tpu.memory_space<vmem>>, vector<1x16xf32>,
      %get3A_534 = vector.shape_cast %get3A_533 : vector<1x16xf32> to vector<16xf32>
      %swap3A_535 = arith.index_cast %scan3A_334 : i32 to index
      %swap3A_536 = arith.constant 352 : index
      %swap3A_537 = tpu.vector_load %arg6[%swap3A_535, %swap3A_536] {strides = array<i32>} : memref<32x768xf32, #tpu.memory_space<vmem>>, vector<1x16xf32>,
      %swap3A_538 = vector.shape_cast %swap3A_537 : vector<1x16xf32> to vector<16xf32>
      %swap3A_539 = vector.shape_cast %get3A_534 : vector<16xf32> to vector<1x16xf32>
      tpu.vector_store %arg6[%swap3A_535, %swap3A_536], %swap3A_539 {add = true, strides = array<i32>} : memref<32x768xf32, #tpu.memory_space<vmem>>, vector<1x16xf32>,
      %get3A_540 = arith.index_cast %scan3A_334 : i32 to index
      %get3A_541 = arith.constant 368 : index
      %get3A_542 = tpu.vector_load %arg8[%get3A_540, %get3A_541] {strides = array<i32>} : memref<32x768xf32, #tpu.memory_space<vmem>>, vector<1x16xf32>,
      %get3A_543 = vector.shape_cast %get3A_542 : vector<1x16xf32> to vector<16xf32>
      %swap3A_544 = arith.index_cast %scan3A_334 : i32 to index
      %swap3A_545 = arith.constant 368 : index
      %swap3A_546 = tpu.vector_load %arg6[%swap3A_544, %swap3A_545] {strides = array<i32>} : memref<32x768xf32, #tpu.memory_space<vmem>>, vector<1x16xf32>,
      %swap3A_547 = vector.shape_cast %swap3A_546 : vector<1x16xf32> to vector<16xf32>
      %swap3A_548 = vector.shape_cast %get3A_543 : vector<16xf32> to vector<1x16xf32>
      tpu.vector_store %arg6[%swap3A_544, %swap3A_545], %swap3A_548 {add = true, strides = array<i32>} : memref<32x768xf32, #tpu.memory_space<vmem>>, vector<1x16xf32>,
      %get3A_549 = arith.index_cast %scan3A_334 : i32 to index
      %get3A_550 = arith.constant 384 : index
      %get3A_551 = tpu.vector_load %arg8[%get3A_549, %get3A_550] {strides = array<i32>} : memref<32x768xf32, #tpu.memory_space<vmem>>, vector<1x16xf32>,
      %get3A_552 = vector.shape_cast %get3A_551 : vector<1x16xf32> to vector<16xf32>
      %swap3A_553 = arith.index_cast %scan3A_334 : i32 to index
      %swap3A_554 = arith.constant 384 : index
      %swap3A_555 = tpu.vector_load %arg6[%swap3A_553, %swap3A_554] {strides = array<i32>} : memref<32x768xf32, #tpu.memory_space<vmem>>, vector<1x16xf32>,
      %swap3A_556 = vector.shape_cast %swap3A_555 : vector<1x16xf32> to vector<16xf32>
      %swap3A_557 = vector.shape_cast %get3A_552 : vector<16xf32> to vector<1x16xf32>
      tpu.vector_store %arg6[%swap3A_553, %swap3A_554], %swap3A_557 {add = true, strides = array<i32>} : memref<32x768xf32, #tpu.memory_space<vmem>>, vector<1x16xf32>,
      %get3A_558 = arith.index_cast %scan3A_334 : i32 to index
      %get3A_559 = arith.constant 400 : index
      %get3A_560 = tpu.vector_load %arg8[%get3A_558, %get3A_559] {strides = array<i32>} : memref<32x768xf32, #tpu.memory_space<vmem>>, vector<1x16xf32>,
      %get3A_561 = vector.shape_cast %get3A_560 : vector<1x16xf32> to vector<16xf32>
      %swap3A_562 = arith.index_cast %scan3A_334 : i32 to index
      %swap3A_563 = arith.constant 400 : index
      %swap3A_564 = tpu.vector_load %arg6[%swap3A_562, %swap3A_563] {strides = array<i32>} : memref<32x768xf32, #tpu.memory_space<vmem>>, vector<1x16xf32>,
      %swap3A_565 = vector.shape_cast %swap3A_564 : vector<1x16xf32> to vector<16xf32>
      %swap3A_566 = vector.shape_cast %get3A_561 : vector<16xf32> to vector<1x16xf32>
      tpu.vector_store %arg6[%swap3A_562, %swap3A_563], %swap3A_566 {add = true, strides = array<i32>} : memref<32x768xf32, #tpu.memory_space<vmem>>, vector<1x16xf32>,
      %get3A_567 = arith.index_cast %scan3A_334 : i32 to index
      %get3A_568 = arith.constant 416 : index
      %get3A_569 = tpu.vector_load %arg8[%get3A_567, %get3A_568] {strides = array<i32>} : memref<32x768xf32, #tpu.memory_space<vmem>>, vector<1x16xf32>,
      %get3A_570 = vector.shape_cast %get3A_569 : vector<1x16xf32> to vector<16xf32>
      %swap3A_571 = arith.index_cast %scan3A_334 : i32 to index
      %swap3A_572 = arith.constant 416 : index
      %swap3A_573 = tpu.vector_load %arg6[%swap3A_571, %swap3A_572] {strides = array<i32>} : memref<32x768xf32, #tpu.memory_space<vmem>>, vector<1x16xf32>,
      %swap3A_574 = vector.shape_cast %swap3A_573 : vector<1x16xf32> to vector<16xf32>
      %swap3A_575 = vector.shape_cast %get3A_570 : vector<16xf32> to vector<1x16xf32>
      tpu.vector_store %arg6[%swap3A_571, %swap3A_572], %swap3A_575 {add = true, strides = array<i32>} : memref<32x768xf32, #tpu.memory_space<vmem>>, vector<1x16xf32>,
      %get3A_576 = arith.index_cast %scan3A_334 : i32 to index
      %get3A_577 = arith.constant 432 : index
      %get3A_578 = tpu.vector_load %arg8[%get3A_576, %get3A_577] {strides = array<i32>} : memref<32x768xf32, #tpu.memory_space<vmem>>, vector<1x16xf32>,
      %get3A_579 = vector.shape_cast %get3A_578 : vector<1x16xf32> to vector<16xf32>
      %swap3A_580 = arith.index_cast %scan3A_334 : i32 to index
      %swap3A_581 = arith.constant 432 : index
      %swap3A_582 = tpu.vector_load %arg6[%swap3A_580, %swap3A_581] {strides = array<i32>} : memref<32x768xf32, #tpu.memory_space<vmem>>, vector<1x16xf32>,
      %swap3A_583 = vector.shape_cast %swap3A_582 : vector<1x16xf32> to vector<16xf32>
      %swap3A_584 = vector.shape_cast %get3A_579 : vector<16xf32> to vector<1x16xf32>
      tpu.vector_store %arg6[%swap3A_580, %swap3A_581], %swap3A_584 {add = true, strides = array<i32>} : memref<32x768xf32, #tpu.memory_space<vmem>>, vector<1x16xf32>,
      %get3A_585 = arith.index_cast %scan3A_334 : i32 to index
      %get3A_586 = arith.constant 448 : index
      %get3A_587 = tpu.vector_load %arg8[%get3A_585, %get3A_586] {strides = array<i32>} : memref<32x768xf32, #tpu.memory_space<vmem>>, vector<1x16xf32>,
      %get3A_588 = vector.shape_cast %get3A_587 : vector<1x16xf32> to vector<16xf32>
      %swap3A_589 = arith.index_cast %scan3A_334 : i32 to index
      %swap3A_590 = arith.constant 448 : index
      %swap3A_591 = tpu.vector_load %arg6[%swap3A_589, %swap3A_590] {strides = array<i32>} : memref<32x768xf32, #tpu.memory_space<vmem>>, vector<1x16xf32>,
      %swap3A_592 = vector.shape_cast %swap3A_591 : vector<1x16xf32> to vector<16xf32>
      %swap3A_593 = vector.shape_cast %get3A_588 : vector<16xf32> to vector<1x16xf32>
      tpu.vector_store %arg6[%swap3A_589, %swap3A_590], %swap3A_593 {add = true, strides = array<i32>} : memref<32x768xf32, #tpu.memory_space<vmem>>, vector<1x16xf32>,
      %get3A_594 = arith.index_cast %scan3A_334 : i32 to index
      %get3A_595 = arith.constant 464 : index
      %get3A_596 = tpu.vector_load %arg8[%get3A_594, %get3A_595] {strides = array<i32>} : memref<32x768xf32, #tpu.memory_space<vmem>>, vector<1x16xf32>,
      %get3A_597 = vector.shape_cast %get3A_596 : vector<1x16xf32> to vector<16xf32>
      %swap3A_598 = arith.index_cast %scan3A_334 : i32 to index
      %swap3A_599 = arith.constant 464 : index
      %swap3A_600 = tpu.vector_load %arg6[%swap3A_598, %swap3A_599] {strides = array<i32>} : memref<32x768xf32, #tpu.memory_space<vmem>>, vector<1x16xf32>,
      %swap3A_601 = vector.shape_cast %swap3A_600 : vector<1x16xf32> to vector<16xf32>
      %swap3A_602 = vector.shape_cast %get3A_597 : vector<16xf32> to vector<1x16xf32>
      tpu.vector_store %arg6[%swap3A_598, %swap3A_599], %swap3A_602 {add = true, strides = array<i32>} : memref<32x768xf32, #tpu.memory_space<vmem>>, vector<1x16xf32>,
      %get3A_603 = arith.index_cast %scan3A_334 : i32 to index
      %get3A_604 = arith.constant 480 : index
      %get3A_605 = tpu.vector_load %arg8[%get3A_603, %get3A_604] {strides = array<i32>} : memref<32x768xf32, #tpu.memory_space<vmem>>, vector<1x16xf32>,
      %get3A_606 = vector.shape_cast %get3A_605 : vector<1x16xf32> to vector<16xf32>
      %swap3A_607 = arith.index_cast %scan3A_334 : i32 to index
      %swap3A_608 = arith.constant 480 : index
      %swap3A_609 = tpu.vector_load %arg6[%swap3A_607, %swap3A_608] {strides = array<i32>} : memref<32x768xf32, #tpu.memory_space<vmem>>, vector<1x16xf32>,
      %swap3A_610 = vector.shape_cast %swap3A_609 : vector<1x16xf32> to vector<16xf32>
      %swap3A_611 = vector.shape_cast %get3A_606 : vector<16xf32> to vector<1x16xf32>
      tpu.vector_store %arg6[%swap3A_607, %swap3A_608], %swap3A_611 {add = true, strides = array<i32>} : memref<32x768xf32, #tpu.memory_space<vmem>>, vector<1x16xf32>,
      %get3A_612 = arith.index_cast %scan3A_334 : i32 to index
      %get3A_613 = arith.constant 496 : index
      %get3A_614 = tpu.vector_load %arg8[%get3A_612, %get3A_613] {strides = array<i32>} : memref<32x768xf32, #tpu.memory_space<vmem>>, vector<1x16xf32>,
      %get3A_615 = vector.shape_cast %get3A_614 : vector<1x16xf32> to vector<16xf32>
      %swap3A_616 = arith.index_cast %scan3A_334 : i32 to index
      %swap3A_617 = arith.constant 496 : index
      %swap3A_618 = tpu.vector_load %arg6[%swap3A_616, %swap3A_617] {strides = array<i32>} : memref<32x768xf32, #tpu.memory_space<vmem>>, vector<1x16xf32>,
      %swap3A_619 = vector.shape_cast %swap3A_618 : vector<1x16xf32> to vector<16xf32>
      %swap3A_620 = vector.shape_cast %get3A_615 : vector<16xf32> to vector<1x16xf32>
      tpu.vector_store %arg6[%swap3A_616, %swap3A_617], %swap3A_620 {add = true, strides = array<i32>} : memref<32x768xf32, #tpu.memory_space<vmem>>, vector<1x16xf32>,
      %get3A_621 = arith.index_cast %scan3A_334 : i32 to index
      %get3A_622 = arith.constant 512 : index
      %get3A_623 = tpu.vector_load %arg8[%get3A_621, %get3A_622] {strides = array<i32>} : memref<32x768xf32, #tpu.memory_space<vmem>>, vector<1x16xf32>,
      %get3A_624 = vector.shape_cast %get3A_623 : vector<1x16xf32> to vector<16xf32>
      %swap3A_625 = arith.index_cast %scan3A_334 : i32 to index
      %swap3A_626 = arith.constant 512 : index
      %swap3A_627 = tpu.vector_load %arg6[%swap3A_625, %swap3A_626] {strides = array<i32>} : memref<32x768xf32, #tpu.memory_space<vmem>>, vector<1x16xf32>,
      %swap3A_628 = vector.shape_cast %swap3A_627 : vector<1x16xf32> to vector<16xf32>
      %swap3A_629 = vector.shape_cast %get3A_624 : vector<16xf32> to vector<1x16xf32>
      tpu.vector_store %arg6[%swap3A_625, %swap3A_626], %swap3A_629 {add = true, strides = array<i32>} : memref<32x768xf32, #tpu.memory_space<vmem>>, vector<1x16xf32>,
      %get3A_630 = arith.index_cast %scan3A_334 : i32 to index
      %get3A_631 = arith.constant 528 : index
      %get3A_632 = tpu.vector_load %arg8[%get3A_630, %get3A_631] {strides = array<i32>} : memref<32x768xf32, #tpu.memory_space<vmem>>, vector<1x16xf32>,
      %get3A_633 = vector.shape_cast %get3A_632 : vector<1x16xf32> to vector<16xf32>
      %swap3A_634 = arith.index_cast %scan3A_334 : i32 to index
      %swap3A_635 = arith.constant 528 : index
      %swap3A_636 = tpu.vector_load %arg6[%swap3A_634, %swap3A_635] {strides = array<i32>} : memref<32x768xf32, #tpu.memory_space<vmem>>, vector<1x16xf32>,
      %swap3A_637 = vector.shape_cast %swap3A_636 : vector<1x16xf32> to vector<16xf32>
      %swap3A_638 = vector.shape_cast %get3A_633 : vector<16xf32> to vector<1x16xf32>
      tpu.vector_store %arg6[%swap3A_634, %swap3A_635], %swap3A_638 {add = true, strides = array<i32>} : memref<32x768xf32, #tpu.memory_space<vmem>>, vector<1x16xf32>,
      %get3A_639 = arith.index_cast %scan3A_334 : i32 to index
      %get3A_640 = arith.constant 544 : index
      %get3A_641 = tpu.vector_load %arg8[%get3A_639, %get3A_640] {strides = array<i32>} : memref<32x768xf32, #tpu.memory_space<vmem>>, vector<1x16xf32>,
      %get3A_642 = vector.shape_cast %get3A_641 : vector<1x16xf32> to vector<16xf32>
      %swap3A_643 = arith.index_cast %scan3A_334 : i32 to index
      %swap3A_644 = arith.constant 544 : index
      %swap3A_645 = tpu.vector_load %arg6[%swap3A_643, %swap3A_644] {strides = array<i32>} : memref<32x768xf32, #tpu.memory_space<vmem>>, vector<1x16xf32>,
      %swap3A_646 = vector.shape_cast %swap3A_645 : vector<1x16xf32> to vector<16xf32>
      %swap3A_647 = vector.shape_cast %get3A_642 : vector<16xf32> to vector<1x16xf32>
      tpu.vector_store %arg6[%swap3A_643, %swap3A_644], %swap3A_647 {add = true, strides = array<i32>} : memref<32x768xf32, #tpu.memory_space<vmem>>, vector<1x16xf32>,
      %get3A_648 = arith.index_cast %scan3A_334 : i32 to index
      %get3A_649 = arith.constant 560 : index
      %get3A_650 = tpu.vector_load %arg8[%get3A_648, %get3A_649] {strides = array<i32>} : memref<32x768xf32, #tpu.memory_space<vmem>>, vector<1x16xf32>,
      %get3A_651 = vector.shape_cast %get3A_650 : vector<1x16xf32> to vector<16xf32>
      %swap3A_652 = arith.index_cast %scan3A_334 : i32 to index
      %swap3A_653 = arith.constant 560 : index
      %swap3A_654 = tpu.vector_load %arg6[%swap3A_652, %swap3A_653] {strides = array<i32>} : memref<32x768xf32, #tpu.memory_space<vmem>>, vector<1x16xf32>,
      %swap3A_655 = vector.shape_cast %swap3A_654 : vector<1x16xf32> to vector<16xf32>
      %swap3A_656 = vector.shape_cast %get3A_651 : vector<16xf32> to vector<1x16xf32>
      tpu.vector_store %arg6[%swap3A_652, %swap3A_653], %swap3A_656 {add = true, strides = array<i32>} : memref<32x768xf32, #tpu.memory_space<vmem>>, vector<1x16xf32>,
      %get3A_657 = arith.index_cast %scan3A_334 : i32 to index
      %get3A_658 = arith.constant 576 : index
      %get3A_659 = tpu.vector_load %arg8[%get3A_657, %get3A_658] {strides = array<i32>} : memref<32x768xf32, #tpu.memory_space<vmem>>, vector<1x16xf32>,
      %get3A_660 = vector.shape_cast %get3A_659 : vector<1x16xf32> to vector<16xf32>
      %swap3A_661 = arith.index_cast %scan3A_334 : i32 to index
      %swap3A_662 = arith.constant 576 : index
      %swap3A_663 = tpu.vector_load %arg6[%swap3A_661, %swap3A_662] {strides = array<i32>} : memref<32x768xf32, #tpu.memory_space<vmem>>, vector<1x16xf32>,
      %swap3A_664 = vector.shape_cast %swap3A_663 : vector<1x16xf32> to vector<16xf32>
      %swap3A_665 = vector.shape_cast %get3A_660 : vector<16xf32> to vector<1x16xf32>
      tpu.vector_store %arg6[%swap3A_661, %swap3A_662], %swap3A_665 {add = true, strides = array<i32>} : memref<32x768xf32, #tpu.memory_space<vmem>>, vector<1x16xf32>,
      %get3A_666 = arith.index_cast %scan3A_334 : i32 to index
      %get3A_667 = arith.constant 592 : index
      %get3A_668 = tpu.vector_load %arg8[%get3A_666, %get3A_667] {strides = array<i32>} : memref<32x768xf32, #tpu.memory_space<vmem>>, vector<1x16xf32>,
      %get3A_669 = vector.shape_cast %get3A_668 : vector<1x16xf32> to vector<16xf32>
      %swap3A_670 = arith.index_cast %scan3A_334 : i32 to index
      %swap3A_671 = arith.constant 592 : index
      %swap3A_672 = tpu.vector_load %arg6[%swap3A_670, %swap3A_671] {strides = array<i32>} : memref<32x768xf32, #tpu.memory_space<vmem>>, vector<1x16xf32>,
      %swap3A_673 = vector.shape_cast %swap3A_672 : vector<1x16xf32> to vector<16xf32>
      %swap3A_674 = vector.shape_cast %get3A_669 : vector<16xf32> to vector<1x16xf32>
      tpu.vector_store %arg6[%swap3A_670, %swap3A_671], %swap3A_674 {add = true, strides = array<i32>} : memref<32x768xf32, #tpu.memory_space<vmem>>, vector<1x16xf32>,
      %get3A_675 = arith.index_cast %scan3A_334 : i32 to index
      %get3A_676 = arith.constant 608 : index
      %get3A_677 = tpu.vector_load %arg8[%get3A_675, %get3A_676] {strides = array<i32>} : memref<32x768xf32, #tpu.memory_space<vmem>>, vector<1x16xf32>,
      %get3A_678 = vector.shape_cast %get3A_677 : vector<1x16xf32> to vector<16xf32>
      %swap3A_679 = arith.index_cast %scan3A_334 : i32 to index
      %swap3A_680 = arith.constant 608 : index
      %swap3A_681 = tpu.vector_load %arg6[%swap3A_679, %swap3A_680] {strides = array<i32>} : memref<32x768xf32, #tpu.memory_space<vmem>>, vector<1x16xf32>,
      %swap3A_682 = vector.shape_cast %swap3A_681 : vector<1x16xf32> to vector<16xf32>
      %swap3A_683 = vector.shape_cast %get3A_678 : vector<16xf32> to vector<1x16xf32>
      tpu.vector_store %arg6[%swap3A_679, %swap3A_680], %swap3A_683 {add = true, strides = array<i32>} : memref<32x768xf32, #tpu.memory_space<vmem>>, vector<1x16xf32>,
      %get3A_684 = arith.index_cast %scan3A_334 : i32 to index
      %get3A_685 = arith.constant 624 : index
      %get3A_686 = tpu.vector_load %arg8[%get3A_684, %get3A_685] {strides = array<i32>} : memref<32x768xf32, #tpu.memory_space<vmem>>, vector<1x16xf32>,
      %get3A_687 = vector.shape_cast %get3A_686 : vector<1x16xf32> to vector<16xf32>
      %swap3A_688 = arith.index_cast %scan3A_334 : i32 to index
      %swap3A_689 = arith.constant 624 : index
      %swap3A_690 = tpu.vector_load %arg6[%swap3A_688, %swap3A_689] {strides = array<i32>} : memref<32x768xf32, #tpu.memory_space<vmem>>, vector<1x16xf32>,
      %swap3A_691 = vector.shape_cast %swap3A_690 : vector<1x16xf32> to vector<16xf32>
      %swap3A_692 = vector.shape_cast %get3A_687 : vector<16xf32> to vector<1x16xf32>
      tpu.vector_store %arg6[%swap3A_688, %swap3A_689], %swap3A_692 {add = true, strides = array<i32>} : memref<32x768xf32, #tpu.memory_space<vmem>>, vector<1x16xf32>,
      %get3A_693 = arith.index_cast %scan3A_334 : i32 to index
      %get3A_694 = arith.constant 640 : index
      %get3A_695 = tpu.vector_load %arg8[%get3A_693, %get3A_694] {strides = array<i32>} : memref<32x768xf32, #tpu.memory_space<vmem>>, vector<1x16xf32>,
      %get3A_696 = vector.shape_cast %get3A_695 : vector<1x16xf32> to vector<16xf32>
      %swap3A_697 = arith.index_cast %scan3A_334 : i32 to index
      %swap3A_698 = arith.constant 640 : index
      %swap3A_699 = tpu.vector_load %arg6[%swap3A_697, %swap3A_698] {strides = array<i32>} : memref<32x768xf32, #tpu.memory_space<vmem>>, vector<1x16xf32>,
      %swap3A_700 = vector.shape_cast %swap3A_699 : vector<1x16xf32> to vector<16xf32>
      %swap3A_701 = vector.shape_cast %get3A_696 : vector<16xf32> to vector<1x16xf32>
      tpu.vector_store %arg6[%swap3A_697, %swap3A_698], %swap3A_701 {add = true, strides = array<i32>} : memref<32x768xf32, #tpu.memory_space<vmem>>, vector<1x16xf32>,
      %get3A_702 = arith.index_cast %scan3A_334 : i32 to index
      %get3A_703 = arith.constant 656 : index
      %get3A_704 = tpu.vector_load %arg8[%get3A_702, %get3A_703] {strides = array<i32>} : memref<32x768xf32, #tpu.memory_space<vmem>>, vector<1x16xf32>,
      %get3A_705 = vector.shape_cast %get3A_704 : vector<1x16xf32> to vector<16xf32>
      %swap3A_706 = arith.index_cast %scan3A_334 : i32 to index
      %swap3A_707 = arith.constant 656 : index
      %swap3A_708 = tpu.vector_load %arg6[%swap3A_706, %swap3A_707] {strides = array<i32>} : memref<32x768xf32, #tpu.memory_space<vmem>>, vector<1x16xf32>,
      %swap3A_709 = vector.shape_cast %swap3A_708 : vector<1x16xf32> to vector<16xf32>
      %swap3A_710 = vector.shape_cast %get3A_705 : vector<16xf32> to vector<1x16xf32>
      tpu.vector_store %arg6[%swap3A_706, %swap3A_707], %swap3A_710 {add = true, strides = array<i32>} : memref<32x768xf32, #tpu.memory_space<vmem>>, vector<1x16xf32>,
      %get3A_711 = arith.index_cast %scan3A_334 : i32 to index
      %get3A_712 = arith.constant 672 : index
      %get3A_713 = tpu.vector_load %arg8[%get3A_711, %get3A_712] {strides = array<i32>} : memref<32x768xf32, #tpu.memory_space<vmem>>, vector<1x16xf32>,
      %get3A_714 = vector.shape_cast %get3A_713 : vector<1x16xf32> to vector<16xf32>
      %swap3A_715 = arith.index_cast %scan3A_334 : i32 to index
      %swap3A_716 = arith.constant 672 : index
      %swap3A_717 = tpu.vector_load %arg6[%swap3A_715, %swap3A_716] {strides = array<i32>} : memref<32x768xf32, #tpu.memory_space<vmem>>, vector<1x16xf32>,
      %swap3A_718 = vector.shape_cast %swap3A_717 : vector<1x16xf32> to vector<16xf32>
      %swap3A_719 = vector.shape_cast %get3A_714 : vector<16xf32> to vector<1x16xf32>
      tpu.vector_store %arg6[%swap3A_715, %swap3A_716], %swap3A_719 {add = true, strides = array<i32>} : memref<32x768xf32, #tpu.memory_space<vmem>>, vector<1x16xf32>,
      %get3A_720 = arith.index_cast %scan3A_334 : i32 to index
      %get3A_721 = arith.constant 688 : index
      %get3A_722 = tpu.vector_load %arg8[%get3A_720, %get3A_721] {strides = array<i32>} : memref<32x768xf32, #tpu.memory_space<vmem>>, vector<1x16xf32>,
      %get3A_723 = vector.shape_cast %get3A_722 : vector<1x16xf32> to vector<16xf32>
      %swap3A_724 = arith.index_cast %scan3A_334 : i32 to index
      %swap3A_725 = arith.constant 688 : index
      %swap3A_726 = tpu.vector_load %arg6[%swap3A_724, %swap3A_725] {strides = array<i32>} : memref<32x768xf32, #tpu.memory_space<vmem>>, vector<1x16xf32>,
      %swap3A_727 = vector.shape_cast %swap3A_726 : vector<1x16xf32> to vector<16xf32>
      %swap3A_728 = vector.shape_cast %get3A_723 : vector<16xf32> to vector<1x16xf32>
      tpu.vector_store %arg6[%swap3A_724, %swap3A_725], %swap3A_728 {add = true, strides = array<i32>} : memref<32x768xf32, #tpu.memory_space<vmem>>, vector<1x16xf32>,
      %get3A_729 = arith.index_cast %scan3A_334 : i32 to index
      %get3A_730 = arith.constant 704 : index
      %get3A_731 = tpu.vector_load %arg8[%get3A_729, %get3A_730] {strides = array<i32>} : memref<32x768xf32, #tpu.memory_space<vmem>>, vector<1x16xf32>,
      %get3A_732 = vector.shape_cast %get3A_731 : vector<1x16xf32> to vector<16xf32>
      %swap3A_733 = arith.index_cast %scan3A_334 : i32 to index
      %swap3A_734 = arith.constant 704 : index
      %swap3A_735 = tpu.vector_load %arg6[%swap3A_733, %swap3A_734] {strides = array<i32>} : memref<32x768xf32, #tpu.memory_space<vmem>>, vector<1x16xf32>,
      %swap3A_736 = vector.shape_cast %swap3A_735 : vector<1x16xf32> to vector<16xf32>
      %swap3A_737 = vector.shape_cast %get3A_732 : vector<16xf32> to vector<1x16xf32>
      tpu.vector_store %arg6[%swap3A_733, %swap3A_734], %swap3A_737 {add = true, strides = array<i32>} : memref<32x768xf32, #tpu.memory_space<vmem>>, vector<1x16xf32>,
      %get3A_738 = arith.index_cast %scan3A_334 : i32 to index
      %get3A_739 = arith.constant 720 : index
      %get3A_740 = tpu.vector_load %arg8[%get3A_738, %get3A_739] {strides = array<i32>} : memref<32x768xf32, #tpu.memory_space<vmem>>, vector<1x16xf32>,
      %get3A_741 = vector.shape_cast %get3A_740 : vector<1x16xf32> to vector<16xf32>
      %swap3A_742 = arith.index_cast %scan3A_334 : i32 to index
      %swap3A_743 = arith.constant 720 : index
      %swap3A_744 = tpu.vector_load %arg6[%swap3A_742, %swap3A_743] {strides = array<i32>} : memref<32x768xf32, #tpu.memory_space<vmem>>, vector<1x16xf32>,
      %swap3A_745 = vector.shape_cast %swap3A_744 : vector<1x16xf32> to vector<16xf32>
      %swap3A_746 = vector.shape_cast %get3A_741 : vector<16xf32> to vector<1x16xf32>
      tpu.vector_store %arg6[%swap3A_742, %swap3A_743], %swap3A_746 {add = true, strides = array<i32>} : memref<32x768xf32, #tpu.memory_space<vmem>>, vector<1x16xf32>,
      %get3A_747 = arith.index_cast %scan3A_334 : i32 to index
      %get3A_748 = arith.constant 736 : index
      %get3A_749 = tpu.vector_load %arg8[%get3A_747, %get3A_748] {strides = array<i32>} : memref<32x768xf32, #tpu.memory_space<vmem>>, vector<1x16xf32>,
      %get3A_750 = vector.shape_cast %get3A_749 : vector<1x16xf32> to vector<16xf32>
      %swap3A_751 = arith.index_cast %scan3A_334 : i32 to index
      %swap3A_752 = arith.constant 736 : index
      %swap3A_753 = tpu.vector_load %arg6[%swap3A_751, %swap3A_752] {strides = array<i32>} : memref<32x768xf32, #tpu.memory_space<vmem>>, vector<1x16xf32>,
      %swap3A_754 = vector.shape_cast %swap3A_753 : vector<1x16xf32> to vector<16xf32>
      %swap3A_755 = vector.shape_cast %get3A_750 : vector<16xf32> to vector<1x16xf32>
      tpu.vector_store %arg6[%swap3A_751, %swap3A_752], %swap3A_755 {add = true, strides = array<i32>} : memref<32x768xf32, #tpu.memory_space<vmem>>, vector<1x16xf32>,
      %get3A_756 = arith.index_cast %scan3A_334 : i32 to index
      %get3A_757 = arith.constant 752 : index
      %get3A_758 = tpu.vector_load %arg8[%get3A_756, %get3A_757] {strides = array<i32>} : memref<32x768xf32, #tpu.memory_space<vmem>>, vector<1x16xf32>,
      %get3A_759 = vector.shape_cast %get3A_758 : vector<1x16xf32> to vector<16xf32>
      %swap3A_760 = arith.index_cast %scan3A_334 : i32 to index
      %swap3A_761 = arith.constant 752 : index
      %swap3A_762 = tpu.vector_load %arg6[%swap3A_760, %swap3A_761] {strides = array<i32>} : memref<32x768xf32, #tpu.memory_space<vmem>>, vector<1x16xf32>,
      %swap3A_763 = vector.shape_cast %swap3A_762 : vector<1x16xf32> to vector<16xf32>
      %swap3A_764 = vector.shape_cast %get3A_759 : vector<16xf32> to vector<1x16xf32>
      tpu.vector_store %arg6[%swap3A_760, %swap3A_761], %swap3A_764 {add = true, strides = array<i32>} : memref<32x768xf32, #tpu.memory_space<vmem>>, vector<1x16xf32>,
    }
    %scan3A_317 = arith.constant 32 : i32
    %add3A_318 = arith.constant 0 : i32
    %add3A_319 = arith.addi %add3A_318, %mul3A_2 : i32
    %add3A_320 = arith.constant 224 : i32
    %add3A_321 = arith.addi %add3A_319, %add3A_320 : i32
    %dma_start3A_322 = arith.constant 0 : i32
    %dma_start3A_323 = tpu.memref_slice %arg4[%add3A_321, %dma_start3A_322] : memref<8192x768xf32, #tpu.memory_space<hbm>> -> memref<32x768xf32, #tpu.memory_space<hbm>>
    %dma_start3A_324 = arith.constant 0 : i32
    %dma_start3A_325 = tpu.memref_slice %arg4[%add3A_321, %dma_start3A_324] : memref<8192x768xf32, #tpu.memory_space<hbm>> -> memref<32x768xf32, #tpu.memory_space<hbm>>
    tpu.enqueue_dma source(%arg6 : memref<32x768xf32, #tpu.memory_space<vmem>>) target(%dma_start3A_325 : memref<32x768xf32, #tpu.memory_space<hbm>>) target_semaphore(%arg14 : memref<!tpu.dma_semaphore, #tpu.memory_space<semaphore_mem>>)
    %dma_wait3A_326 = arith.constant 0 : i32
    %dma_wait3A_327 = tpu.memref_slice %arg4[%add3A_299, %dma_wait3A_326] : memref<8192x768xf32, #tpu.memory_space<hbm>> -> memref<32x768xf32, #tpu.memory_space<hbm>>
    %dma_wait3A_328 = arith.constant 0 : i32
    %dma_wait3A_329 = tpu.memref_slice %arg4[%add3A_299, %dma_wait3A_328] : memref<8192x768xf32, #tpu.memory_space<hbm>> -> memref<32x768xf32, #tpu.memory_space<hbm>>
    tpu.wait_dma2 semaphore(%arg13 : memref<!tpu.dma_semaphore, #tpu.memory_space<semaphore_mem>>) src(%arg5 : memref<32x768xf32, #tpu.memory_space<vmem>>) dst(%dma_wait3A_329 : memref<32x768xf32, #tpu.memory_space<hbm>>)
    %dma_wait3A_330 = arith.constant 0 : i32
    %dma_wait3A_331 = tpu.memref_slice %arg4[%add3A_321, %dma_wait3A_330] : memref<8192x768xf32, #tpu.memory_space<hbm>> -> memref<32x768xf32, #tpu.memory_space<hbm>>
    %dma_wait3A_332 = arith.constant 0 : i32
    %dma_wait3A_333 = tpu.memref_slice %arg4[%add3A_321, %dma_wait3A_332] : memref<8192x768xf32, #tpu.memory_space<hbm>> -> memref<32x768xf32, #tpu.memory_space<hbm>>
    tpu.wait_dma2 semaphore(%arg14 : memref<!tpu.dma_semaphore, #tpu.memory_space<semaphore_mem>>) src(%arg6 : memref<32x768xf32, #tpu.memory_space<vmem>>) dst(%dma_wait3A_333 : memref<32x768xf32, #tpu.memory_space<hbm>>)
    return
  }
}

module attributes {stable_mosaic.version = 14 : i64} {
  func.func @_add_body(%arg0: i32, %arg1: memref<3x512x768xf32, #tpu.memory_space<vmem>>, %arg2: memref<512x768xf32, #tpu.memory_space<vmem>>, %arg3: memref<3x512x768xf32, #tpu.memory_space<vmem>>) attributes {dimension_semantics = [#tpu.dimension_semantics<arbitrary>], iteration_bounds = array<i64: 16>, scalar_prefetch = 0 : i64, scratch_operands = 0 : i64, tpu.core_type = #tpu.core_type<tc>, window_params = [{transform_indices = @transform_0, window_bounds = array<i64: 3, 512, 768>}, {transform_indices = @transform_1, window_bounds = array<i64: 512, 768>}, {transform_indices = @transform_2, window_bounds = array<i64: 3, 512, 768>}]} {
    %get3A = arith.constant 0 : index
    %get3A_0 = arith.constant 0 : index
    %get3A_1 = arith.constant 0 : index
    %get3A_2 = vector.load %arg1[%get3A, %get3A_0, %get3A_1] : memref<3x512x768xf32, #tpu.memory_space<vmem>>, vector<3x512x768xf32>
    %get3A_3 = arith.constant 0 : index
    %get3A_4 = arith.constant 0 : index
    %get3A_5 = vector.load %arg2[%get3A_3, %get3A_4] : memref<512x768xf32, #tpu.memory_space<vmem>>, vector<512x768xf32>
    %broadcast_in_dim3A = vector.shape_cast %get3A_5 : vector<512x768xf32> to vector<1x512x768xf32>
    %add3A = vector.broadcast %broadcast_in_dim3A : vector<1x512x768xf32> to vector<3x512x768xf32>
    %add3A_6 = arith.addf %get3A_2, %add3A : vector<3x512x768xf32>
    %swap3A = arith.constant 0 : index
    %swap3A_7 = arith.constant 0 : index
    %swap3A_8 = arith.constant 0 : index
    %swap3A_9 = vector.load %arg3[%swap3A, %swap3A_7, %swap3A_8] : memref<3x512x768xf32, #tpu.memory_space<vmem>>, vector<3x512x768xf32>
    tpu.vector_store %arg3[%swap3A, %swap3A_7, %swap3A_8], %add3A_6 {strides = array<i32>} : memref<3x512x768xf32, #tpu.memory_space<vmem>>, vector<3x512x768xf32>,
    return
  }
  func.func @transform_0(%arg0: i32) -> (i32, i32, i32) {
    %c0_i32 = arith.constant 0 : i32
    %c0_i32_0 = arith.constant 0 : i32
    %c0_i32_1 = arith.constant 0 : i32
    return %c0_i32, %arg0, %c0_i32_0 : i32, i32, i32
  }
  func.func @transform_1(%arg0: i32) -> (i32, i32) {
    %c0_i32 = arith.constant 0 : i32
    %c0_i32_0 = arith.constant 0 : i32
    return %arg0, %c0_i32 : i32, i32
  }
  func.func @transform_2(%arg0: i32) -> (i32, i32, i32) {
    %c0_i32 = arith.constant 0 : i32
    %c0_i32_0 = arith.constant 0 : i32
    %c0_i32_1 = arith.constant 0 : i32
    return %c0_i32, %arg0, %c0_i32_0 : i32, i32, i32
  }
}

</mosaic_0001>

<sc_bundles>
// kernel: kernel.4.cloned.1.call-start
scs
__scs_entry_jumppad:
0x0: {  	(pc) =	sbr.rel $0x88, $3  }
0x1: {  	(tag) =	ssettag $0x0;
	lr =	simm.s32 $0x1  }
0x2: {  	[smem:$0x3F9F] =	sst lr;
	_ =	strace $0xD0000000  }
0x3: {  	_ = 	snop  }
0x4: {  	_ = 	snop  }
0x5: {  	_ = 	snop  }
0x6: {  	_ = 	snop  }
0x7: {  	_ = 	snop  }
__scs_overlays_trampoline_lowered:
0x8: {  	[smem:$0x3FAE] =	sst s0  }
0x9: {  	[smem:$0x3FAF] =	sst s1  }
0xa: {  	[smem:$0x3FB0] =	sst s2  }
0xb: {  	[smem:$0x3FB1] =	sst s3  }
0xc: {  	[smem:$0x3FB2] =	sst s4  }
0xd: {  	[smem:$0x3FB3] =	sst s5  }
0xe: {  	[smem:$0x3FB4] =	sst s6  }
0xf: {  	[smem:$0x3FB5] =	sst s7  }
0x10: {  	[smem:$0x3FB6] =	sst s8  }
0x11: {  	[smem:$0x3FB7] =	sst s9;
	s0 =	simm.s32 @!p0 $0x0  }
0x12: {  	s1 =	sld [smem:$0x3F9D];
	s0 =	simm.s32 @p0 $0x1  }
0x13: {  	[smem:$0x3FB8] =	sst s0;
	s0 =	simm.s32 @!p1 $0x0  }
0x14: {  	s2 =	sld [smem:$0x3F9C];
	s0 =	simm.s32 @p1 $0x1  }
0x15: {  	[smem:$0x3FB9] =	sst s0;
	s0 =	simm.s32 @!p2 $0x0  }
0x16: {  	s3 =	sld [smem:$0x3FDB];
	s0 =	simm.s32 @p2 $0x1  }
0x17: {  	s4 =	simm.s32 $0x1BF5;
	[smem:$0x3FBB] =	sst s0  }
0x18: {  	s0 =	sld [smem:$0x3F9E];
	_ =	swait.ge [sflag:s4], $0x0  }
0x19: {  	s7 =	sld [smem:$0x3F9F]  }
0x1a: {  	s8 =	sadd.s32 $0xFFFFE003, lr  }
0x1b: {  	s9 =	sadd.s32 $0xFFFFFEF7, lr;
	s5 =	simm.s32 $0xFFFFFFFF;
	p2 =	slt.u32 s8, $0xFFFFF086  }
0x1c: {  	p1 =	slt.u32 s9, $0xF7A;
	s5 =	simm.s32 @!p2 $0x0  }
0x1d: {  	s5 =	simm.s32 @p1 $0x1;
	p0 =	seq.s32 s7, s2  }
0x1e: {  	s7 =	smul.u32 @!p0 $0xF7A, s2;
	p2 =	seq.s32 @!p0 s5, $0x0  }
0x1f: {  	s9 =	smul.u32 $0xF7A, s1;
	s8 =	simm.s32 @!p0 $0x1BF5;
	p2 =	por !p2, p0  }
0x20: {  	[sflag:s8] =	ssyncset.s32 @!p0 $0xFFFFF086;
	s6 =	sadd.s32 @!p0 s3, s7;
	s7 =	simm.s32 @!p0 $0x108  }
0x21: {  	s3 =	sadd.s32 s3, s9;
	s6 =	sadd.s32 @!p0 $0x88, s6;
	s7 =	simm.s32 @p2 $0x1082  }
0x22: {  	[simem:s7], [sflag:s8] =	dma.local @!p0 [hbm:s6], $0xF7A  }
0x23: {  	s9 =	sor.u32 $0xD0000000, s2;
	s6 =	simm.s32 $0x108;
	_ =	swait.ge @!p0 [sflag:s8], $0x0  }
0x24: {  	s3 =	sadd.s32 $0x88, s3;
	s6 =	simm.s32 @!p1 $0x1082;
	[sflag:s4] =	ssyncset.s32 $0xFFFFF086  }
0x25: {  	[simem:s6], [sflag:s4] =	dma.local [hbm:s3], $0xF7A  }
0x26: {  	[smem:$0x3F9F] =	sst s1;
	(tag) =	ssettag s2;
	_ =	strace s9  }
0x27: {  	s1 =	sld [smem:$0x3FAF]  }
0x28: {  	s2 =	sld [smem:$0x3FB0]  }
0x29: {  	s4 =	sld [smem:$0x3FB2]  }
0x2a: {  	p0 =	seq.s32 s5, $0x0;
	s5 =	sld [smem:$0x3FB3]  }
0x2b: {  	s6 =	sld [smem:$0x3FB4]  }
0x2c: {  	s7 =	sld [smem:$0x3FB5]  }
0x2d: {  	s3 =	simm.s32 $0x108;
	s8 =	sld [smem:$0x3FB6]  }
0x2e: {  	s3 =	simm.s32 @!p0 $0x1082;
	s9 =	sld [smem:$0x3FB7]  }
0x2f: {  	lr =	sadd.s32 s0, s3;
	s0 =	sld [smem:$0x3FAE]  }
0x30: {  	s3 =	sld [smem:$0x3FB1]  }
0x31: {  	[smem:$0x3FBA] =	sst s10  }
0x32: {  	s10 =	sld [smem:$0x3FB8];
	_ =	sdelay $0x3  }
0x33: {  	p0 =	seq.s32 s10, $0x1;
	s10 =	sld [smem:$0x3FBA];
	_ =	sdelay $0x3  }
0x34: {  	[smem:$0x3FBA] =	sst s10  }
0x35: {  	s10 =	sld [smem:$0x3FB9];
	_ =	sdelay $0x3  }
0x36: {  	p1 =	seq.s32 s10, $0x1;
	s10 =	sld [smem:$0x3FBA];
	_ =	sdelay $0x3  }
0x37: {  	[smem:$0x3FBA] =	sst s10  }
0x38: {  	s10 =	sld [smem:$0x3FBB]  }
0x39: {  	_ = 	snop;
	(pc) =	sbr.ind lr, $3  }
0x3a: {  	_ = 	snop  }
0x3b: {  	_ = 	snop  }
0x3c: {  	p2 =	seq.s32 s10, $0x1;
	s10 =	sld [smem:$0x3FBA]  }
0x3d: {  	_ =	shalt  }
0x3e: {  	_ =	shalt  }
0x3f: {  	_ =	shalt  }
0x40: {  	_ =	shalt  }
0x41: {  	_ =	shalt  }
0x42: {  	_ =	shalt  }
0x43: {  	_ =	shalt  }
0x44: {  	_ =	shalt  }
0x45: {  	_ =	shalt  }
0x46: {  	_ =	shalt  }
0x47: {  	_ =	shalt  }
0x48: {  	_ =	shalt  }
0x49: {  	_ =	shalt  }
0x4a: {  	_ =	shalt  }
0x4b: {  	_ =	shalt  }
0x4c: {  	_ =	shalt  }
0x4d: {  	_ =	shalt  }
0x4e: {  	_ =	shalt  }
0x4f: {  	_ =	shalt  }
0x50: {  	_ =	shalt  }
0x51: {  	_ =	shalt  }
0x52: {  	_ =	shalt  }
0x53: {  	_ =	shalt  }
0x54: {  	_ =	shalt  }
0x55: {  	_ =	shalt  }
0x56: {  	_ =	shalt  }
0x57: {  	_ =	shalt  }
0x58: {  	_ =	shalt  }
0x59: {  	_ =	shalt  }
0x5a: {  	_ =	shalt  }
0x5b: {  	_ =	shalt  }
0x5c: {  	_ =	shalt  }
0x5d: {  	_ =	shalt  }
0x5e: {  	_ =	shalt  }
0x5f: {  	_ =	shalt  }
0x60: {  	_ =	shalt  }
0x61: {  	_ =	shalt  }
0x62: {  	_ =	shalt  }
0x63: {  	_ =	shalt  }
0x64: {  	_ =	shalt  }
0x65: {  	_ =	shalt  }
0x66: {  	_ =	shalt  }
0x67: {  	_ =	shalt  }
0x68: {  	_ =	shalt  }
0x69: {  	_ =	shalt  }
0x6a: {  	_ =	shalt  }
0x6b: {  	_ =	shalt  }
0x6c: {  	_ =	shalt  }
0x6d: {  	_ =	shalt  }
0x6e: {  	_ =	shalt  }
0x6f: {  	_ =	shalt  }
0x70: {  	_ =	shalt  }
0x71: {  	_ =	shalt  }
0x72: {  	_ =	shalt  }
0x73: {  	_ =	shalt  }
0x74: {  	_ =	shalt  }
0x75: {  	_ =	shalt  }
0x76: {  	_ =	shalt  }
0x77: {  	_ =	shalt  }
0x78: {  	_ =	shalt  }
0x79: {  	_ =	shalt  }
0x7a: {  	_ =	shalt  }
0x7b: {  	_ =	shalt  }
0x7c: {  	_ =	shalt  }
0x7d: {  	_ =	shalt  }
0x7e: {  	_ =	shalt  }
0x7f: {  	_ =	shalt  }
0x80: {  	_ =	shalt  }
0x81: {  	_ =	shalt  }
0x82: {  	_ =	shalt  }
0x83: {  	_ =	shalt  }
0x84: {  	_ =	shalt  }
0x85: {  	_ =	shalt  }
0x86: {  	_ =	shalt  }
0x87: {  	_ =	shalt  }
.Lfunc_end0:
.L_simem_size_0:
called_computation_lowered:
.L_overlay_start_0:
0x88: {  	s2 =	sld [smem:$0x3FD9]  }
0x89: {  	s3 =	sld [smem:$0x3FFE];
	_ =	sdelay $0x1  }
0x8a: {  	s1 =	srdreg.scid  }
0x8b: {  	s0 =	sand.u32 $0x1, s1  }
0x8c: {  	s17 =	sshll.u32 s0, $0xA;
	s2 =	sadd.s32 s3, s2  }
0x8d: {  	s2 =	sadd.s32 s2, s17  }
0x8e: {  	[smem:$0x3FC6] =	sst s2  }
0x8f: {  	_ = 	snop  }
0x90: {  	s2 =	sld [smem:$0x3FC9]  }
0x91: {  	s18 =	sld [smem:$0x3FC8];
	(tm) =	ssettm $0x1  }
0x92: {  	s4 =	sld [smem:$0x3FFB];
	_ =	sdelay $0x3  }
0x93: {  	_ =	strace s4  }
0x94: {  	s4 =	sld [smem:$0x3FFC];
	_ =	sdelay $0x3  }
0x95: {  	_ =	strace s4  }
0x96: {  	s4 =	sld [smem:$0x3FFD];
	_ =	sdelay $0x3  }
0x97: {  	_ =	strace s4  }
0x98: {  	_ =	strace $0x8FFFFFFF  }
0x99: {  	s19 =	sld [smem:$0x3FDB];
	_ =	sdelay $0x1  }
0x9a: {  	s5 =	simm.s32 $_scs_section_size  }
0x9b: {  	s6 =	simm.s32 $_size__tile_overlayer_lowered;
	s7 =	simm.s32 $_tile_overlayer_lowered  }
0x9c: {  	s22 =	simm.s32 $0x1BFF;
	s21 =	sshll.u32 s7, $0x1;
	s4 =	sadd.s32 s5, s19  }
0x9d: {  	s8 =	simm.s32 $0x0;
	s20 =	sshll.u32 s6, $0x1;
	s6 =	sadd.s32 s21, s4  }
0x9e: {  	[timem:s8], [sflag:s22] =	dma.local [hbm:s6], s20  }
0x9f: {  	_ =	swait.ge [sflag:s22], s20  }
0xa0: {  	s5 =	ssub.s32 $0x0, s20;
	[sflag:s22] =	ssyncset.done $0x0  }
0xa1: {  	[sflag:s22] =	ssyncadd.s32 s5;
	_ =	sdelay $0x1  }
0xa2: {  	s23 =	simm.s32 $0x1B8B  }
0xa3: {  	_ =	swait.ge [sflag:s23], $0x1  }
0xa4: {  	[sflag:s23] =	ssyncset.done $0x0  }
0xa5: {  	s25 =	simm.s32 $0x1B8E;
	s24 =	sld [smem:$0x3FFE];
	[sflag:s23] =	ssyncadd.s32 $0xFFFFFFFF  }
0xa6: {  	s26 =	simm.s32 $execute0_lowered;
	[smem:$0x3FD2] =	sst s25  }
0xa7: {  	s6 =	sshll.u32 s26, $0x1;
	_ =	strace $0x80000046;
	[dreg:$0x1] =	wrdreg $0xFFFFFFFF  }
0xa8: {  	s28 =	simm.s32 $_size_execute0_lowered;
	s4 =	sadd.s32 s4, s6;
	[dreg:$0x0] =	wrdreg $0x0  }
0xa9: {  	s6 =	sshll.u32 s28, $0x1;
	[dreg:$0x2] =	wrdreg s4  }
0xaa: {  	[dreg:$0x3] =	wrdreg s6  }
0xab: {  	[dreg:$0x4] =	wrdreg $0xC0  }
0xac: {  	_ =	task [dreg:s8], $0x5FFFF  }
0xad: {  	[dreg:$0x1] =	wrdreg $0xFFFFFFFF  }
0xae: {  	[dreg:$0x0] =	wrdreg $0x60  }
0xaf: {  	[dreg:$0x2] =	wrdreg s2  }
0xb0: {  	[dreg:$0x3] =	wrdreg s18  }
0xb1: {  	[dreg:$0x4] =	wrdreg s24  }
0xb2: {  	[dreg:$0x5] =	wrdreg $0x9  }
0xb3: {  	_ =	task.clear_ibuf [dreg:s8], $0x6FFFF;
	_ =	strace $0x90000046  }
0xb4: {  	s29 =	simm.s32 $0x9;
	_ =	strace $0x80000048  }
0xb5: {  	_ =	swait.ge [sflag:s29], $0x1  }
0xb6: {  	[sflag:s29] =	ssyncadd.s32 $0xFFFFFFFF  }
0xb7: {  	_ =	strace $0x90000048  }
0xb8: {  	_ =	sfence  }
0xb9: {  	s30 =	sld [smem:$0x0];
	_ =	sdelay $0x2  }
0xba: {  	s31 =	sshll.u32 s1, $0xD;
	s1 =	sshrl.u32 s1, $0x2  }
0xbb: {  	s3 =	sand.u32 $0x4000, s31;
	s1 =	sadd.s32 s1, s30  }
0xbc: {  	s0 =	sor.u32 s3, s0;
	s1 =	sshll.u32 s1, $0x11  }
0xbd: {  	s0 =	sor.u32 s1, s0  }
0xbe: {  	s0 =	sadd.s32 $0x8F2B, s0  }
0xbf: {  	[sflag:s0] =	ssyncadd.remote.s32 $0x1  }
0xc0: {  	_ =	sfence.sel $0xFFFF  }
0xc1: {  	[dreg:$0x0] =	wrdreg $0xFFFFFFFF;
	(pc) =	sbr.abs _section_cstart, $3  }
0xc2: {  	[dreg:$0x1] =	wrdreg $0xFFFFFFFF  }
0xc3: {  	_ =	task.clear_ibuf [dreg:s8], $0x2FFFF;
	_ =	strace $0x9FFFFFFF  }
0xc4: {  	(tm) =	ssettm $0x7FFFFFFF  }
0xc5: {  	_ =	shalt  }
tec
execute0_lowered:
.L_overlay_start_1:
0x0: {  	(tag) =	ssettag $0x1  }
0x1: {  	s0 =	rddreg [dreg:$0x0]  }
0x2: {  	s1 =	srdreg.scid;
	s3 =	rddreg [dreg:$0x1]  }
0x3: {  	s2 =	stileid.u32;
	s4 =	rddreg [dreg:$0x2];
	s29 =	simm.s32 $0xC000  }
0x4: {  	s30 =	simm.s32 $0x3;
	s31 =	simm.s32 $0x1;
	s1 =	sand.u32 $0x1, s1  }
0x5: {  	s5 =	sshll.u32 s2, $0x6;
	s2 =	simm.s32 $0x0;
	s6 =	sshll.u32 s1, $0x5  }
0x6: {  	s4 =	sadd.s32 $0x400, s4;
	s1 =	ssub.s32 $0x2, s1;
	s5 =	sor.u32 s6, s5  }
0x7: {  	[smem:$0x7FF] =	sst s2;
	s7 =	sshrl.u32 s1, $0x1;
	s6 =	smul.u32 $0x300, s5  }
0x8: {  	_ =	strace $0x80000047;
	s1 =	ssub.s32 s1, s7;
	s5 =	smul.u32 $0x1800, s5  }
0x9: {  	s28 =	smax.u32 s1, $0x1;
	s1 =	simm.s32 $0x6000;
	s0 =	sadd.s32 s6, s0  }
0xa: {  	s14 =	sadd.s32 s3, s6;
	s17 =	sor.u32 $0xC00, s6;
	s18 =	sadd.s32 s4, s6  }
0xb: {  	s6 =	sor.u32 $0x1800, s6;
	s5 =	sshrl.u32 s5, $0x3;
	[dreg:$0x4] =	wrdreg s14  }
0xc: {  	s15 =	sadd.s32 $0x240000, s0;
	s16 =	sadd.s32 $0x240C00, s0;
	[dreg:$0x8] =	wrdreg s18  }
0xd: {  	s8 =	sadd.s32 s3, s17;
	s19 =	sadd.s32 $0x241800, s0;
	[dreg:$0x5] =	wrdreg s15  }
0xe: {  	s20 =	sadd.s32 s3, s6;
	s7 =	sadd.s32 s4, s17;
	[dreg:$0x6] =	wrdreg s16  }
0xf: {  	s21 =	sadd.s32 $0x242400, s0;
	s22 =	sadd.s32 $0x2400, s5;
	[dreg:$0x7] =	wrdreg s8  }
0x10: {  	s13 =	sadd.s32 s4, s6;
	s24 =	sadd.s32 $0x3000, s5;
	[dreg:$0x9] =	wrdreg s19  }
0x11: {  	s25 =	sadd.s32 $0x3C00, s5;
	s26 =	sadd.s32 $0x4800, s5;
	[dreg:$0xa] =	wrdreg s20  }
0x12: {  	s5 =	sadd.s32 $0x5400, s5;
	s6 =	simm.s32 $0x6;
	[dreg:$0xb] =	wrdreg s7  }
0x13: {  	[dreg:$0xc] =	wrdreg s21;
	s23 =	sadd.s32 s3, s22;
	s14 =	sadd.s32 s3, s24  }
0x14: {  	s15 =	sadd.s32 s4, s22;
	s16 =	sadd.s32 s3, s25;
	s17 =	sadd.s32 s4, s24  }
0x15: {  	s18 =	sadd.s32 s3, s26;
	s19 =	sadd.s32 s4, s25;
	s20 =	sadd.s32 s3, s5  }
0x16: {  	s21 =	sadd.s32 s4, s26;
	s24 =	sadd.s32 $0x243C00, s0;
	s25 =	sadd.s32 $0x244800, s0  }
0x17: {  	s22 =	sadd.s32 $0x243000, s0;
	s26 =	sadd.s32 $0x245400, s0;
	s0 =	simm.s32 $0x12000  }
0x18: {  	s3 =	simm.s32 $0x4;
	s7 =	simm.s32 $0x0;
	[dreg:$0xd] =	wrdreg s23  }
0x19: {  	s23 =	sadd.s32 s4, s5;
	s4 =	simm.s32 $0x2;
	s5 =	simm.s32 $0x5  }
.LBB2_1:
0x1a: {  	s8 =	rddreg [dreg:$0x4]  }
0x1b: {  	[tilespmem:s29], [sflag:$0x3] =	stream.linear.gather [hbm4b:s8+s2], $0x6000, $0x38;
	[tilespmem:$0x18000] =	vst v63  }
0x1c: {  	s10 =	rddreg [dreg:$0x5]  }
0x1d: {  	[tilespmem:s2], [sflag:$0x1] =	stream.linear.gather [hbm4b:s10+s2], $0x6000, $0x38;
	[tilespmem:$0x18000] =	vst v63  }
0x1e: {  	_ =	swait.ge [sflag:s30], $0x6000  }
0x1f: {  	[sflag:s30] =	ssyncset.done $0x0  }
0x20: {  	[sflag:s30] =	ssyncadd.s32 $0xFFFFA000  }
0x21: {  	_ =	swait.ge [sflag:s31], $0x6000  }
0x22: {  	[sflag:s31] =	ssyncset.done $0x0  }
0x23: {  	s11 =	rddreg [dreg:$0x6];
	[sflag:s31] =	ssyncadd.s32 $0xFFFFA000  }
0x24: {  	[tilespmem:s1], [sflag:$0x2] =	stream.linear.gather [hbm4b:s11+s2], $0x6000, $0x38;
	[tilespmem:$0x18000] =	vst v63  }
0x25: {  	s9 =	simm.s32 $0x0;
	s8 =	simm.s32 $0x0;
	s12 =	rddreg [dreg:$0x7]  }
0x26: {  	[tilespmem:s0], [sflag:$0x4] =	stream.linear.gather [hbm4b:s12+s2], $0x6000, $0x38;
	[tilespmem:$0x18000] =	vst v63  }
.LBB2_2:
0x27: {  	s10 =	sshrl.u32 s9, $0x3  }
0x28: {  	s10 =	smul.u32 $0x1800, s10  }
0x29: {  	s11 =	sand.u32 $0x380, s8  }
0x2a: {  	s10 =	sor.u32 s11, s10  }
0x2b: {  	v0 =	vld [tilespmem:s10+$0xC000]  }
0x2c: {  	v1 =	vld [tilespmem:s10+$0xC010];
	_ =	sdelay $0x3  }
0x2d: {  	s11 =	sor.u32 $0x10, s10;
	[tilespmem:s10+$0x0] =	vst.add.f32.msk $0xffff, v0  }
0x2e: {  	[tilespmem:s11+$0x0] =	vst.add.f32.msk $0xffff, v1  }
0x2f: {  	v36 =	vld [tilespmem:s10+$0xC020];
	_ =	sdelay $0x3  }
0x30: {  	s12 =	sor.u32 $0x20, s10  }
0x31: {  	[tilespmem:s12+$0x0] =	vst.add.f32.msk $0xffff, v36  }
0x32: {  	v0 =	vld [tilespmem:s10+$0xC030];
	_ =	sdelay $0x3  }
0x33: {  	s12 =	sor.u32 $0x30, s10  }
0x34: {  	[tilespmem:s12+$0x0] =	vst.add.f32.msk $0xffff, v0  }
0x35: {  	v0 =	vld [tilespmem:s10+$0xC040];
	_ =	sdelay $0x3  }
0x36: {  	s12 =	sor.u32 $0x40, s10  }
0x37: {  	[tilespmem:s12+$0x0] =	vst.add.f32.msk $0xffff, v0  }
0x38: {  	v0 =	vld [tilespmem:s10+$0xC050];
	_ =	sdelay $0x3  }
0x39: {  	s12 =	sor.u32 $0x50, s10  }
0x3a: {  	[tilespmem:s12+$0x0] =	vst.add.f32.msk $0xffff, v0  }
0x3b: {  	v0 =	vld [tilespmem:s10+$0xC060];
	_ =	sdelay $0x3  }
0x3c: {  	s12 =	sor.u32 $0x60, s10  }
0x3d: {  	[tilespmem:s12+$0x0] =	vst.add.f32.msk $0xffff, v0  }
0x3e: {  	v0 =	vld [tilespmem:s10+$0xC070];
	_ =	sdelay $0x3  }
0x3f: {  	s12 =	sor.u32 $0x70, s10  }
0x40: {  	[tilespmem:s12+$0x0] =	vst.add.f32.msk $0xffff, v0  }
0x41: {  	v0 =	vld [tilespmem:s10+$0xC400];
	_ =	sdelay $0x3  }
0x42: {  	s12 =	sor.u32 $0x400, s10  }
0x43: {  	[tilespmem:s12+$0x0] =	vst.add.f32.msk $0xffff, v0  }
0x44: {  	v0 =	vld [tilespmem:s10+$0xC410];
	_ =	sdelay $0x3  }
0x45: {  	s12 =	sor.u32 $0x410, s10  }
0x46: {  	[tilespmem:s12+$0x0] =	vst.add.f32.msk $0xffff, v0  }
0x47: {  	v0 =	vld [tilespmem:s10+$0xC420];
	_ =	sdelay $0x3  }
0x48: {  	s12 =	sor.u32 $0x420, s10  }
0x49: {  	[tilespmem:s12+$0x0] =	vst.add.f32.msk $0xffff, v0  }
0x4a: {  	v0 =	vld [tilespmem:s10+$0xC430];
	_ =	sdelay $0x3  }
0x4b: {  	s12 =	sor.u32 $0x430, s10  }
0x4c: {  	[tilespmem:s12+$0x0] =	vst.add.f32.msk $0xffff, v0  }
0x4d: {  	v0 =	vld [tilespmem:s10+$0xC440];
	_ =	sdelay $0x3  }
0x4e: {  	s12 =	sor.u32 $0x440, s10  }
0x4f: {  	[tilespmem:s12+$0x0] =	vst.add.f32.msk $0xffff, v0  }
0x50: {  	v0 =	vld [tilespmem:s10+$0xC450];
	_ =	sdelay $0x3  }
0x51: {  	s12 =	sor.u32 $0x450, s10  }
0x52: {  	[tilespmem:s12+$0x0] =	vst.add.f32.msk $0xffff, v0  }
0x53: {  	v0 =	vld [tilespmem:s10+$0xC460];
	_ =	sdelay $0x3  }
0x54: {  	s12 =	sor.u32 $0x460, s10  }
0x55: {  	[tilespmem:s12+$0x0] =	vst.add.f32.msk $0xffff, v0  }
0x56: {  	v0 =	vld [tilespmem:s10+$0xC470];
	_ =	sdelay $0x3  }
0x57: {  	s12 =	sor.u32 $0x470, s10  }
0x58: {  	[tilespmem:s12+$0x0] =	vst.add.f32.msk $0xffff, v0  }
0x59: {  	v0 =	vld [tilespmem:s10+$0xC800]  }
0x5a: {  	v1 =	vld [tilespmem:s10+$0xC810]  }
0x5b: {  	v37 =	vld [tilespmem:s10+$0xC820]  }
0x5c: {  	v38 =	vld [tilespmem:s10+$0xC830]  }
0x5d: {  	v2 =	vld [tilespmem:s10+$0xC840]  }
0x5e: {  	v3 =	vld [tilespmem:s10+$0xC850]  }
0x5f: {  	v4 =	vld [tilespmem:s10+$0xC860]  }
0x60: {  	v39 =	vld [tilespmem:s10+$0xC870]  }
0x61: {  	v40 =	vld [tilespmem:s10+$0xCC00]  }
0x62: {  	v41 =	vld [tilespmem:s10+$0xCC10]  }
0x63: {  	v42 =	vld [tilespmem:s10+$0xCC20]  }
0x64: {  	v43 =	vld [tilespmem:s10+$0xCC30]  }
0x65: {  	v44 =	vld [tilespmem:s10+$0xCC40]  }
0x66: {  	v45 =	vld [tilespmem:s10+$0xCC50]  }
0x67: {  	v46 =	vld [tilespmem:s10+$0xCC60]  }
0x68: {  	v47 =	vld [tilespmem:s10+$0xCC70]  }
0x69: {  	v48 =	vld [tilespmem:s10+$0xD000]  }
0x6a: {  	v49 =	vld [tilespmem:s10+$0xD010]  }
0x6b: {  	v50 =	vld [tilespmem:s10+$0xD020]  }
0x6c: {  	v51 =	vld [tilespmem:s10+$0xD030]  }
0x6d: {  	v52 =	vld [tilespmem:s10+$0xD040]  }
0x6e: {  	v53 =	vld [tilespmem:s10+$0xD050]  }
0x6f: {  	v54 =	vld [tilespmem:s10+$0xD060]  }
0x70: {  	v55 =	vld [tilespmem:s10+$0xD070]  }
0x71: {  	v56 =	vld [tilespmem:s10+$0xD400]  }
0x72: {  	v57 =	vld [tilespmem:s10+$0xD410]  }
0x73: {  	v58 =	vld [tilespmem:s10+$0xD420]  }
0x74: {  	v59 =	vld [tilespmem:s10+$0xD430]  }
0x75: {  	v60 =	vld [tilespmem:s10+$0xD440]  }
0x76: {  	v61 =	vld [tilespmem:s10+$0xD450]  }
0x77: {  	v62 =	vld [tilespmem:s10+$0xD460]  }
0x78: {  	v63 =	vld [tilespmem:s10+$0xD470]  }
0x79: {  	[tilespmem:s10+$0x800] =	vst.add.f32.msk $0xffff, v0  }
0x7a: {  	[tilespmem:s10+$0x810] =	vst.add.f32.msk $0xffff, v1  }
0x7b: {  	[tilespmem:s10+$0x820] =	vst.add.f32.msk $0xffff, v37  }
0x7c: {  	[tilespmem:s10+$0x830] =	vst.add.f32.msk $0xffff, v38  }
0x7d: {  	[tilespmem:s10+$0x840] =	vst.add.f32.msk $0xffff, v2  }
0x7e: {  	[tilespmem:s10+$0x850] =	vst.add.f32.msk $0xffff, v3  }
0x7f: {  	[tilespmem:s10+$0x860] =	vst.add.f32.msk $0xffff, v4  }
0x80: {  	[tilespmem:s10+$0x870] =	vst.add.f32.msk $0xffff, v39  }
0x81: {  	[tilespmem:s10+$0xC00] =	vst.add.f32.msk $0xffff, v40  }
0x82: {  	[tilespmem:s10+$0xC10] =	vst.add.f32.msk $0xffff, v41  }
0x83: {  	[tilespmem:s10+$0xC20] =	vst.add.f32.msk $0xffff, v42  }
0x84: {  	[tilespmem:s10+$0xC30] =	vst.add.f32.msk $0xffff, v43  }
0x85: {  	[tilespmem:s10+$0xC40] =	vst.add.f32.msk $0xffff, v44  }
0x86: {  	[tilespmem:s10+$0xC50] =	vst.add.f32.msk $0xffff, v45  }
0x87: {  	[tilespmem:s10+$0xC60] =	vst.add.f32.msk $0xffff, v46  }
0x88: {  	[tilespmem:s10+$0xC70] =	vst.add.f32.msk $0xffff, v47  }
0x89: {  	[tilespmem:s10+$0x1000] =	vst.add.f32.msk $0xffff, v48  }
0x8a: {  	[tilespmem:s10+$0x1010] =	vst.add.f32.msk $0xffff, v49  }
0x8b: {  	[tilespmem:s10+$0x1020] =	vst.add.f32.msk $0xffff, v50  }
0x8c: {  	[tilespmem:s10+$0x1030] =	vst.add.f32.msk $0xffff, v51  }
0x8d: {  	[tilespmem:s10+$0x1040] =	vst.add.f32.msk $0xffff, v52  }
0x8e: {  	[tilespmem:s10+$0x1050] =	vst.add.f32.msk $0xffff, v53  }
0x8f: {  	[tilespmem:s10+$0x1060] =	vst.add.f32.msk $0xffff, v54  }
0x90: {  	[tilespmem:s10+$0x1070] =	vst.add.f32.msk $0xffff, v55  }
0x91: {  	[tilespmem:s10+$0x1400] =	vst.add.f32.msk $0xffff, v56  }
0x92: {  	[tilespmem:s10+$0x1410] =	vst.add.f32.msk $0xffff, v57  }
0x93: {  	p0 =	sne.s32 s9, $0x1F;
	[tilespmem:s10+$0x1420] =	vst.add.f32.msk $0xffff, v58  }
.Ltmp0:
0x94: {  	[tilespmem:s10+$0x1430] =	vst.add.f32.msk $0xffff, v59;
	(pc) =	sbr.rel @p0 .LBB2_2-.Ltmp0, $4  }
0x95: {  	[tilespmem:s10+$0x1440] =	vst.add.f32.msk $0xffff, v60  }
0x96: {  	[tilespmem:s10+$0x1450] =	vst.add.f32.msk $0xffff, v61  }
0x97: {  	[tilespmem:s10+$0x1460] =	vst.add.f32.msk $0xffff, v62  }
0x98: {  	s8 =	sadd.s32 $0x80, s8;
	s9 =	sadd.s32 $0x1, s9;
	[tilespmem:s10+$0x1470] =	vst.add.f32.msk $0xffff, v63  }
0x99: {  	s8 =	simm.s32 $0x0;
	s9 =	rddreg [dreg:$0x8]  }
0x9a: {  	[hbm4b:s9+s8] =	stream.linear.scatter [tilespmem:s8], [sflag:$0x5], $0x6000, $0x38;
	[tilespmem:$0x18000] =	vst v63  }
0x9b: {  	_ =	swait.ge [sflag:s3], $0x6000  }
0x9c: {  	[sflag:s3] =	ssyncset.done $0x0  }
0x9d: {  	[sflag:s3] =	ssyncadd.s32 $0xFFFFA000  }
0x9e: {  	_ =	swait.ge [sflag:s4], $0x6000  }
0x9f: {  	[sflag:s4] =	ssyncset.done $0x0  }
0xa0: {  	[sflag:s4] =	ssyncadd.s32 $0xFFFFA000  }
0xa1: {  	_ =	swait.ge [sflag:s5], $0x6000  }
0xa2: {  	s12 =	simm.s32 $0x0;
	[sflag:s5] =	ssyncset.done $0x0  }
0xa3: {  	s9 =	smul.u32 $0x1800, s12;
	s10 =	rddreg [dreg:$0x9];
	[sflag:s5] =	ssyncadd.s32 $0xFFFFA000  }
0xa4: {  	[tilespmem:s8], [sflag:$0x1] =	stream.linear.gather [hbm4b:s10+s8], $0x6000, $0x38;
	[tilespmem:$0x18000] =	vst v63  }
0xa5: {  	s10 =	sand.u32 $0x380, s8  }
0xa6: {  	s11 =	rddreg [dreg:$0xa];
	s9 =	sor.u32 s10, s9  }
0xa7: {  	[tilespmem:s29], [sflag:$0x3] =	stream.linear.gather [hbm4b:s11+s8], $0x6000, $0x38;
	[tilespmem:$0x18000] =	vst v63  }
0xa8: {  	v0 =	vld [tilespmem:s9+$0x13470]  }
0xa9: {  	v3 =	vld [tilespmem:s9+$0x12000]  }
0xaa: {  	v4 =	vld [tilespmem:s9+$0x12010]  }
0xab: {  	v5 =	vld [tilespmem:s9+$0x12020]  }
0xac: {  	v6 =	vld [tilespmem:s9+$0x12030]  }
0xad: {  	v7 =	vld [tilespmem:s9+$0x12040]  }
0xae: {  	v8 =	vld [tilespmem:s9+$0x12050]  }
0xaf: {  	v9 =	vld [tilespmem:s9+$0x12060]  }
0xb0: {  	v10 =	vld [tilespmem:s9+$0x12070]  }
0xb1: {  	v11 =	vld [tilespmem:s9+$0x12400]  }
0xb2: {  	v12 =	vld [tilespmem:s9+$0x12410]  }
0xb3: {  	v13 =	vld [tilespmem:s9+$0x12420]  }
0xb4: {  	v14 =	vld [tilespmem:s9+$0x12430]  }
0xb5: {  	v15 =	vld [tilespmem:s9+$0x12440]  }
0xb6: {  	v16 =	vld [tilespmem:s9+$0x12450]  }
0xb7: {  	v17 =	vld [tilespmem:s9+$0x12460]  }
0xb8: {  	v18 =	vld [tilespmem:s9+$0x12470]  }
0xb9: {  	v19 =	vld [tilespmem:s9+$0x12800]  }
0xba: {  	v20 =	vld [tilespmem:s9+$0x12810]  }
0xbb: {  	v21 =	vld [tilespmem:s9+$0x12820]  }
0xbc: {  	v22 =	vld [tilespmem:s9+$0x12830]  }
0xbd: {  	v23 =	vld [tilespmem:s9+$0x12840]  }
0xbe: {  	v24 =	vld [tilespmem:s9+$0x12850]  }
0xbf: {  	v25 =	vld [tilespmem:s9+$0x12860]  }
0xc0: {  	v26 =	vld [tilespmem:s9+$0x12870]  }
0xc1: {  	v27 =	vld [tilespmem:s9+$0x12C00]  }
0xc2: {  	v28 =	vld [tilespmem:s9+$0x12C10]  }
0xc3: {  	v29 =	vld [tilespmem:s9+$0x12C20]  }
0xc4: {  	v30 =	vld [tilespmem:s9+$0x12C30]  }
0xc5: {  	v31 =	vld [tilespmem:s9+$0x12C40]  }
0xc6: {  	v32 =	vld [tilespmem:s9+$0x12C50]  }
0xc7: {  	v33 =	vld [tilespmem:s9+$0x12C60]  }
0xc8: {  	v34 =	vld [tilespmem:s9+$0x12C70]  }
0xc9: {  	v35 =	vld [tilespmem:s9+$0x13000]  }
0xca: {  	v36 =	vld [tilespmem:s9+$0x13010]  }
0xcb: {  	v37 =	vld [tilespmem:s9+$0x13020]  }
0xcc: {  	v38 =	vld [tilespmem:s9+$0x13030]  }
0xcd: {  	v39 =	vld [tilespmem:s9+$0x13040]  }
0xce: {  	v40 =	vld [tilespmem:s9+$0x13050]  }
0xcf: {  	v41 =	vld [tilespmem:s9+$0x13060]  }
0xd0: {  	v42 =	vld [tilespmem:s9+$0x13070]  }
0xd1: {  	v43 =	vld [tilespmem:s9+$0x13400]  }
0xd2: {  	v44 =	vld [tilespmem:s9+$0x13410]  }
0xd3: {  	v45 =	vld [tilespmem:s9+$0x13420]  }
0xd4: {  	v46 =	vld [tilespmem:s9+$0x13430]  }
0xd5: {  	v2 =	vld [tilespmem:s9+$0x13440]  }
0xd6: {  	v1 =	vld [tilespmem:s9+$0x13450]  }
0xd7: {  	[tilespmem:s9+$0x7470] =	vst.add.f32.msk $0xffff, v0  }
0xd8: {  	v0 =	vld [tilespmem:s9+$0x13460]  }
0xd9: {  	[tilespmem:s9+$0x6000] =	vst.add.f32.msk $0xffff, v3  }
0xda: {  	[tilespmem:s9+$0x6010] =	vst.add.f32.msk $0xffff, v4  }
0xdb: {  	[tilespmem:s9+$0x6020] =	vst.add.f32.msk $0xffff, v5  }
0xdc: {  	[tilespmem:s9+$0x6030] =	vst.add.f32.msk $0xffff, v6  }
0xdd: {  	[tilespmem:s9+$0x6040] =	vst.add.f32.msk $0xffff, v7  }
0xde: {  	[tilespmem:s9+$0x6050] =	vst.add.f32.msk $0xffff, v8  }
0xdf: {  	[tilespmem:s9+$0x6060] =	vst.add.f32.msk $0xffff, v9  }
0xe0: {  	[tilespmem:s9+$0x6070] =	vst.add.f32.msk $0xffff, v10  }
0xe1: {  	[tilespmem:s9+$0x6400] =	vst.add.f32.msk $0xffff, v11  }
0xe2: {  	[tilespmem:s9+$0x6410] =	vst.add.f32.msk $0xffff, v12  }
0xe3: {  	[tilespmem:s9+$0x6420] =	vst.add.f32.msk $0xffff, v13  }
0xe4: {  	[tilespmem:s9+$0x6430] =	vst.add.f32.msk $0xffff, v14  }
0xe5: {  	[tilespmem:s9+$0x6440] =	vst.add.f32.msk $0xffff, v15  }
0xe6: {  	[tilespmem:s9+$0x6450] =	vst.add.f32.msk $0xffff, v16  }
0xe7: {  	[tilespmem:s9+$0x6460] =	vst.add.f32.msk $0xffff, v17  }
0xe8: {  	[tilespmem:s9+$0x6470] =	vst.add.f32.msk $0xffff, v18  }
0xe9: {  	[tilespmem:s9+$0x6800] =	vst.add.f32.msk $0xffff, v19  }
0xea: {  	[tilespmem:s9+$0x6810] =	vst.add.f32.msk $0xffff, v20  }
0xeb: {  	[tilespmem:s9+$0x6820] =	vst.add.f32.msk $0xffff, v21  }
0xec: {  	[tilespmem:s9+$0x6830] =	vst.add.f32.msk $0xffff, v22  }
0xed: {  	[tilespmem:s9+$0x6840] =	vst.add.f32.msk $0xffff, v23  }
0xee: {  	[tilespmem:s9+$0x6850] =	vst.add.f32.msk $0xffff, v24  }
0xef: {  	[tilespmem:s9+$0x6860] =	vst.add.f32.msk $0xffff, v25  }
0xf0: {  	[tilespmem:s9+$0x6870] =	vst.add.f32.msk $0xffff, v26  }
0xf1: {  	[tilespmem:s9+$0x6C00] =	vst.add.f32.msk $0xffff, v27  }
0xf2: {  	[tilespmem:s9+$0x6C10] =	vst.add.f32.msk $0xffff, v28  }
0xf3: {  	[tilespmem:s9+$0x6C20] =	vst.add.f32.msk $0xffff, v29  }
0xf4: {  	[tilespmem:s9+$0x6C30] =	vst.add.f32.msk $0xffff, v30  }
0xf5: {  	[tilespmem:s9+$0x6C40] =	vst.add.f32.msk $0xffff, v31  }
0xf6: {  	[tilespmem:s9+$0x6C50] =	vst.add.f32.msk $0xffff, v32  }
0xf7: {  	[tilespmem:s9+$0x6C60] =	vst.add.f32.msk $0xffff, v33  }
0xf8: {  	[tilespmem:s9+$0x6C70] =	vst.add.f32.msk $0xffff, v34  }
0xf9: {  	[tilespmem:s9+$0x7000] =	vst.add.f32.msk $0xffff, v35  }
0xfa: {  	[tilespmem:s9+$0x7010] =	vst.add.f32.msk $0xffff, v36  }
0xfb: {  	[tilespmem:s9+$0x7020] =	vst.add.f32.msk $0xffff, v37  }
0xfc: {  	[tilespmem:s9+$0x7030] =	vst.add.f32.msk $0xffff, v38  }
0xfd: {  	[tilespmem:s9+$0x7040] =	vst.add.f32.msk $0xffff, v39  }
0xfe: {  	[tilespmem:s9+$0x7050] =	vst.add.f32.msk $0xffff, v40  }
0xff: {  	[tilespmem:s9+$0x7060] =	vst.add.f32.msk $0xffff, v41  }
0x100: {  	[tilespmem:s9+$0x7070] =	vst.add.f32.msk $0xffff, v42  }
0x101: {  	[tilespmem:s9+$0x7400] =	vst.add.f32.msk $0xffff, v43  }
0x102: {  	[tilespmem:s9+$0x7410] =	vst.add.f32.msk $0xffff, v44  }
0x103: {  	[tilespmem:s9+$0x7420] =	vst.add.f32.msk $0xffff, v45  }
0x104: {  	s10 =	simm.s32 $0x2;
	s11 =	simm.s32 $0x0;
	[tilespmem:s9+$0x7430] =	vst.add.f32.msk $0xffff, v46  }
.LBB2_4:
0x105: {  	p0 =	sne.s32 s10, $0x1F;
	s11 =	smul.u32 $0x1800, s11;
	[tilespmem:s9+$0x7440] =	vst.add.f32.msk $0xffff, v2;
	s8 =	sadd.s32 $0x80, s8  }
0x106: {  	s12 =	sand.u32 $0x380, s8;
	[tilespmem:s9+$0x7450] =	vst.add.f32.msk $0xffff, v1  }
0x107: {  	[tilespmem:s9+$0x7460] =	vst.add.f32.msk $0xffff, v0;
	s9 =	sor.u32 s12, s11  }
0x108: {  	v0 =	vld [tilespmem:s9+$0x13470]  }
0x109: {  	v3 =	vld [tilespmem:s9+$0x12000]  }
0x10a: {  	v4 =	vld [tilespmem:s9+$0x12010]  }
0x10b: {  	v5 =	vld [tilespmem:s9+$0x12020]  }
0x10c: {  	v6 =	vld [tilespmem:s9+$0x12030]  }
0x10d: {  	[tilespmem:s9+$0x7470] =	vst.add.f32.msk $0xffff, v0  }
0x10e: {  	v7 =	vld [tilespmem:s9+$0x12040]  }
0x10f: {  	v8 =	vld [tilespmem:s9+$0x12050]  }
0x110: {  	v9 =	vld [tilespmem:s9+$0x12060]  }
0x111: {  	v10 =	vld [tilespmem:s9+$0x12070]  }
0x112: {  	v11 =	vld [tilespmem:s9+$0x12400]  }
0x113: {  	v12 =	vld [tilespmem:s9+$0x12410]  }
0x114: {  	v13 =	vld [tilespmem:s9+$0x12420]  }
0x115: {  	v14 =	vld [tilespmem:s9+$0x12430]  }
0x116: {  	v15 =	vld [tilespmem:s9+$0x12440]  }
0x117: {  	v16 =	vld [tilespmem:s9+$0x12450]  }
0x118: {  	v17 =	vld [tilespmem:s9+$0x12460]  }
0x119: {  	v18 =	vld [tilespmem:s9+$0x12470]  }
0x11a: {  	v19 =	vld [tilespmem:s9+$0x12800]  }
0x11b: {  	v20 =	vld [tilespmem:s9+$0x12810]  }
0x11c: {  	v21 =	vld [tilespmem:s9+$0x12820]  }
0x11d: {  	v22 =	vld [tilespmem:s9+$0x12830]  }
0x11e: {  	v23 =	vld [tilespmem:s9+$0x12840]  }
0x11f: {  	v24 =	vld [tilespmem:s9+$0x12850]  }
0x120: {  	v25 =	vld [tilespmem:s9+$0x12860]  }
0x121: {  	v26 =	vld [tilespmem:s9+$0x12870]  }
0x122: {  	v27 =	vld [tilespmem:s9+$0x12C00]  }
0x123: {  	v28 =	vld [tilespmem:s9+$0x12C10]  }
0x124: {  	v29 =	vld [tilespmem:s9+$0x12C20]  }
0x125: {  	v30 =	vld [tilespmem:s9+$0x12C30]  }
0x126: {  	v31 =	vld [tilespmem:s9+$0x12C40]  }
0x127: {  	v32 =	vld [tilespmem:s9+$0x12C50]  }
0x128: {  	v33 =	vld [tilespmem:s9+$0x12C60]  }
0x129: {  	v34 =	vld [tilespmem:s9+$0x12C70]  }
0x12a: {  	v35 =	vld [tilespmem:s9+$0x13000]  }
0x12b: {  	v36 =	vld [tilespmem:s9+$0x13010]  }
0x12c: {  	v37 =	vld [tilespmem:s9+$0x13020]  }
0x12d: {  	v38 =	vld [tilespmem:s9+$0x13030]  }
0x12e: {  	v39 =	vld [tilespmem:s9+$0x13040]  }
0x12f: {  	v40 =	vld [tilespmem:s9+$0x13050]  }
0x130: {  	v41 =	vld [tilespmem:s9+$0x13060]  }
0x131: {  	v42 =	vld [tilespmem:s9+$0x13070]  }
0x132: {  	v43 =	vld [tilespmem:s9+$0x13400]  }
0x133: {  	v44 =	vld [tilespmem:s9+$0x13410]  }
0x134: {  	v45 =	vld [tilespmem:s9+$0x13420]  }
0x135: {  	v46 =	vld [tilespmem:s9+$0x13430]  }
0x136: {  	v2 =	vld [tilespmem:s9+$0x13440]  }
0x137: {  	v1 =	vld [tilespmem:s9+$0x13450]  }
0x138: {  	v0 =	vld [tilespmem:s9+$0x13460]  }
0x139: {  	[tilespmem:s9+$0x6000] =	vst.add.f32.msk $0xffff, v3  }
0x13a: {  	[tilespmem:s9+$0x6010] =	vst.add.f32.msk $0xffff, v4  }
0x13b: {  	[tilespmem:s9+$0x6020] =	vst.add.f32.msk $0xffff, v5  }
0x13c: {  	[tilespmem:s9+$0x6030] =	vst.add.f32.msk $0xffff, v6  }
0x13d: {  	[tilespmem:s9+$0x6040] =	vst.add.f32.msk $0xffff, v7  }
0x13e: {  	[tilespmem:s9+$0x6050] =	vst.add.f32.msk $0xffff, v8  }
0x13f: {  	[tilespmem:s9+$0x6060] =	vst.add.f32.msk $0xffff, v9  }
0x140: {  	[tilespmem:s9+$0x6070] =	vst.add.f32.msk $0xffff, v10  }
0x141: {  	[tilespmem:s9+$0x6400] =	vst.add.f32.msk $0xffff, v11  }
0x142: {  	[tilespmem:s9+$0x6410] =	vst.add.f32.msk $0xffff, v12  }
0x143: {  	[tilespmem:s9+$0x6420] =	vst.add.f32.msk $0xffff, v13  }
0x144: {  	[tilespmem:s9+$0x6430] =	vst.add.f32.msk $0xffff, v14  }
0x145: {  	[tilespmem:s9+$0x6440] =	vst.add.f32.msk $0xffff, v15  }
0x146: {  	[tilespmem:s9+$0x6450] =	vst.add.f32.msk $0xffff, v16  }
0x147: {  	[tilespmem:s9+$0x6460] =	vst.add.f32.msk $0xffff, v17  }
0x148: {  	[tilespmem:s9+$0x6470] =	vst.add.f32.msk $0xffff, v18  }
0x149: {  	[tilespmem:s9+$0x6800] =	vst.add.f32.msk $0xffff, v19  }
0x14a: {  	[tilespmem:s9+$0x6810] =	vst.add.f32.msk $0xffff, v20  }
0x14b: {  	[tilespmem:s9+$0x6820] =	vst.add.f32.msk $0xffff, v21  }
0x14c: {  	[tilespmem:s9+$0x6830] =	vst.add.f32.msk $0xffff, v22  }
0x14d: {  	[tilespmem:s9+$0x6840] =	vst.add.f32.msk $0xffff, v23  }
0x14e: {  	[tilespmem:s9+$0x6850] =	vst.add.f32.msk $0xffff, v24  }
0x14f: {  	[tilespmem:s9+$0x6860] =	vst.add.f32.msk $0xffff, v25  }
0x150: {  	[tilespmem:s9+$0x6870] =	vst.add.f32.msk $0xffff, v26  }
0x151: {  	[tilespmem:s9+$0x6C00] =	vst.add.f32.msk $0xffff, v27  }
0x152: {  	[tilespmem:s9+$0x6C10] =	vst.add.f32.msk $0xffff, v28  }
0x153: {  	[tilespmem:s9+$0x6C20] =	vst.add.f32.msk $0xffff, v29  }
0x154: {  	[tilespmem:s9+$0x6C30] =	vst.add.f32.msk $0xffff, v30  }
0x155: {  	[tilespmem:s9+$0x6C40] =	vst.add.f32.msk $0xffff, v31  }
0x156: {  	[tilespmem:s9+$0x6C50] =	vst.add.f32.msk $0xffff, v32  }
0x157: {  	[tilespmem:s9+$0x6C60] =	vst.add.f32.msk $0xffff, v33  }
0x158: {  	[tilespmem:s9+$0x6C70] =	vst.add.f32.msk $0xffff, v34  }
0x159: {  	[tilespmem:s9+$0x7000] =	vst.add.f32.msk $0xffff, v35  }
0x15a: {  	[tilespmem:s9+$0x7010] =	vst.add.f32.msk $0xffff, v36  }
0x15b: {  	[tilespmem:s9+$0x7020] =	vst.add.f32.msk $0xffff, v37  }
0x15c: {  	[tilespmem:s9+$0x7030] =	vst.add.f32.msk $0xffff, v38  }
0x15d: {  	[tilespmem:s9+$0x7040] =	vst.add.f32.msk $0xffff, v39  }
0x15e: {  	[tilespmem:s9+$0x7050] =	vst.add.f32.msk $0xffff, v40  }
0x15f: {  	[tilespmem:s9+$0x7060] =	vst.add.f32.msk $0xffff, v41  }
.Ltmp1:
0x160: {  	[tilespmem:s9+$0x7070] =	vst.add.f32.msk $0xffff, v42;
	(pc) =	sbr.rel @p0 .LBB2_4-.Ltmp1, $4  }
0x161: {  	[tilespmem:s9+$0x7400] =	vst.add.f32.msk $0xffff, v43  }
0x162: {  	[tilespmem:s9+$0x7410] =	vst.add.f32.msk $0xffff, v44  }
0x163: {  	[tilespmem:s9+$0x7420] =	vst.add.f32.msk $0xffff, v45  }
0x164: {  	s11 =	sshrl.u32 s10, $0x3;
	s10 =	sadd.s32 $0x1, s10;
	[tilespmem:s9+$0x7430] =	vst.add.f32.msk $0xffff, v46  }
0x165: {  	s10 =	smul.u32 $0x1800, s11;
	[tilespmem:s9+$0x7440] =	vst.add.f32.msk $0xffff, v2;
	s8 =	sadd.s32 $0x80, s8  }
0x166: {  	[tilespmem:s9+$0x7450] =	vst.add.f32.msk $0xffff, v1;
	s8 =	sand.u32 $0x380, s8  }
0x167: {  	[tilespmem:s9+$0x7460] =	vst.add.f32.msk $0xffff, v0;
	s8 =	sor.u32 s8, s10  }
0x168: {  	v0 =	vld [tilespmem:s8+$0x13470]  }
0x169: {  	v1 =	vld [tilespmem:s8+$0x12000]  }
0x16a: {  	v2 =	vld [tilespmem:s8+$0x12010]  }
0x16b: {  	v3 =	vld [tilespmem:s8+$0x12020]  }
0x16c: {  	v4 =	vld [tilespmem:s8+$0x12030]  }
0x16d: {  	v63 =	vld [tilespmem:s8+$0x12040]  }
0x16e: {  	v5 =	vld [tilespmem:s8+$0x12050]  }
0x16f: {  	v6 =	vld [tilespmem:s8+$0x12060]  }
0x170: {  	v7 =	vld [tilespmem:s8+$0x12070]  }
0x171: {  	v8 =	vld [tilespmem:s8+$0x12400]  }
0x172: {  	v9 =	vld [tilespmem:s8+$0x12410]  }
0x173: {  	v10 =	vld [tilespmem:s8+$0x12420]  }
0x174: {  	v11 =	vld [tilespmem:s8+$0x12430]  }
0x175: {  	v12 =	vld [tilespmem:s8+$0x12440]  }
0x176: {  	v13 =	vld [tilespmem:s8+$0x12450]  }
0x177: {  	v14 =	vld [tilespmem:s8+$0x12460]  }
0x178: {  	v15 =	vld [tilespmem:s8+$0x12470]  }
0x179: {  	v16 =	vld [tilespmem:s8+$0x12800]  }
0x17a: {  	v17 =	vld [tilespmem:s8+$0x12810]  }
0x17b: {  	v18 =	vld [tilespmem:s8+$0x12820]  }
0x17c: {  	v19 =	vld [tilespmem:s8+$0x12830]  }
0x17d: {  	v20 =	vld [tilespmem:s8+$0x12840]  }
0x17e: {  	v21 =	vld [tilespmem:s8+$0x12850]  }
0x17f: {  	v22 =	vld [tilespmem:s8+$0x12860]  }
0x180: {  	v23 =	vld [tilespmem:s8+$0x12870]  }
0x181: {  	v24 =	vld [tilespmem:s8+$0x12C00]  }
0x182: {  	v25 =	vld [tilespmem:s8+$0x12C10]  }
0x183: {  	v26 =	vld [tilespmem:s8+$0x12C20]  }
0x184: {  	v27 =	vld [tilespmem:s8+$0x12C30]  }
0x185: {  	v28 =	vld [tilespmem:s8+$0x12C40]  }
0x186: {  	v29 =	vld [tilespmem:s8+$0x12C50]  }
0x187: {  	v30 =	vld [tilespmem:s8+$0x12C60]  }
0x188: {  	v31 =	vld [tilespmem:s8+$0x12C70]  }
0x189: {  	v32 =	vld [tilespmem:s8+$0x13000]  }
0x18a: {  	v33 =	vld [tilespmem:s8+$0x13010]  }
0x18b: {  	v34 =	vld [tilespmem:s8+$0x13020]  }
0x18c: {  	v35 =	vld [tilespmem:s8+$0x13030]  }
0x18d: {  	v36 =	vld [tilespmem:s8+$0x13040]  }
0x18e: {  	v37 =	vld [tilespmem:s8+$0x13050]  }
0x18f: {  	v38 =	vld [tilespmem:s8+$0x13060]  }
0x190: {  	v39 =	vld [tilespmem:s8+$0x13070]  }
0x191: {  	v40 =	vld [tilespmem:s8+$0x13400]  }
0x192: {  	v41 =	vld [tilespmem:s8+$0x13410]  }
0x193: {  	v42 =	vld [tilespmem:s8+$0x13420]  }
0x194: {  	v43 =	vld [tilespmem:s8+$0x13430]  }
0x195: {  	v44 =	vld [tilespmem:s8+$0x13440]  }
0x196: {  	v45 =	vld [tilespmem:s8+$0x13450]  }
0x197: {  	v46 =	vld [tilespmem:s8+$0x13460]  }
0x198: {  	[tilespmem:s8+$0x7470] =	vst.add.f32.msk $0xffff, v0  }
0x199: {  	[tilespmem:s8+$0x6000] =	vst.add.f32.msk $0xffff, v1  }
0x19a: {  	[tilespmem:s8+$0x6010] =	vst.add.f32.msk $0xffff, v2  }
0x19b: {  	[tilespmem:s8+$0x6020] =	vst.add.f32.msk $0xffff, v3  }
0x19c: {  	[tilespmem:s8+$0x6030] =	vst.add.f32.msk $0xffff, v4  }
0x19d: {  	[tilespmem:s8+$0x6040] =	vst.add.f32.msk $0xffff, v63  }
0x19e: {  	[tilespmem:s8+$0x6050] =	vst.add.f32.msk $0xffff, v5  }
0x19f: {  	[tilespmem:s8+$0x6060] =	vst.add.f32.msk $0xffff, v6  }
0x1a0: {  	[tilespmem:s8+$0x6070] =	vst.add.f32.msk $0xffff, v7  }
0x1a1: {  	[tilespmem:s8+$0x6400] =	vst.add.f32.msk $0xffff, v8  }
0x1a2: {  	[tilespmem:s8+$0x6410] =	vst.add.f32.msk $0xffff, v9  }
0x1a3: {  	[tilespmem:s8+$0x6420] =	vst.add.f32.msk $0xffff, v10  }
0x1a4: {  	[tilespmem:s8+$0x6430] =	vst.add.f32.msk $0xffff, v11  }
0x1a5: {  	[tilespmem:s8+$0x6440] =	vst.add.f32.msk $0xffff, v12  }
0x1a6: {  	[tilespmem:s8+$0x6450] =	vst.add.f32.msk $0xffff, v13  }
0x1a7: {  	[tilespmem:s8+$0x6460] =	vst.add.f32.msk $0xffff, v14  }
0x1a8: {  	[tilespmem:s8+$0x6470] =	vst.add.f32.msk $0xffff, v15  }
0x1a9: {  	[tilespmem:s8+$0x6800] =	vst.add.f32.msk $0xffff, v16  }
0x1aa: {  	[tilespmem:s8+$0x6810] =	vst.add.f32.msk $0xffff, v17  }
0x1ab: {  	[tilespmem:s8+$0x6820] =	vst.add.f32.msk $0xffff, v18  }
0x1ac: {  	[tilespmem:s8+$0x6830] =	vst.add.f32.msk $0xffff, v19  }
0x1ad: {  	[tilespmem:s8+$0x6840] =	vst.add.f32.msk $0xffff, v20  }
0x1ae: {  	[tilespmem:s8+$0x6850] =	vst.add.f32.msk $0xffff, v21  }
0x1af: {  	[tilespmem:s8+$0x6860] =	vst.add.f32.msk $0xffff, v22  }
0x1b0: {  	[tilespmem:s8+$0x6870] =	vst.add.f32.msk $0xffff, v23  }
0x1b1: {  	[tilespmem:s8+$0x6C00] =	vst.add.f32.msk $0xffff, v24  }
0x1b2: {  	[tilespmem:s8+$0x6C10] =	vst.add.f32.msk $0xffff, v25  }
0x1b3: {  	[tilespmem:s8+$0x6C20] =	vst.add.f32.msk $0xffff, v26  }
0x1b4: {  	[tilespmem:s8+$0x6C30] =	vst.add.f32.msk $0xffff, v27  }
0x1b5: {  	[tilespmem:s8+$0x6C40] =	vst.add.f32.msk $0xffff, v28  }
0x1b6: {  	[tilespmem:s8+$0x6C50] =	vst.add.f32.msk $0xffff, v29  }
0x1b7: {  	[tilespmem:s8+$0x6C60] =	vst.add.f32.msk $0xffff, v30  }
0x1b8: {  	[tilespmem:s8+$0x6C70] =	vst.add.f32.msk $0xffff, v31  }
0x1b9: {  	[tilespmem:s8+$0x7000] =	vst.add.f32.msk $0xffff, v32  }
0x1ba: {  	[tilespmem:s8+$0x7010] =	vst.add.f32.msk $0xffff, v33  }
0x1bb: {  	[tilespmem:s8+$0x7020] =	vst.add.f32.msk $0xffff, v34  }
0x1bc: {  	[tilespmem:s8+$0x7030] =	vst.add.f32.msk $0xffff, v35  }
0x1bd: {  	[tilespmem:s8+$0x7040] =	vst.add.f32.msk $0xffff, v36  }
0x1be: {  	[tilespmem:s8+$0x7050] =	vst.add.f32.msk $0xffff, v37  }
0x1bf: {  	[tilespmem:s8+$0x7060] =	vst.add.f32.msk $0xffff, v38  }
0x1c0: {  	[tilespmem:s8+$0x7070] =	vst.add.f32.msk $0xffff, v39  }
0x1c1: {  	[tilespmem:s8+$0x7400] =	vst.add.f32.msk $0xffff, v40  }
0x1c2: {  	[tilespmem:s8+$0x7410] =	vst.add.f32.msk $0xffff, v41  }
0x1c3: {  	[tilespmem:s8+$0x7420] =	vst.add.f32.msk $0xffff, v42  }
0x1c4: {  	[tilespmem:s8+$0x7430] =	vst.add.f32.msk $0xffff, v43  }
0x1c5: {  	[tilespmem:s8+$0x7440] =	vst.add.f32.msk $0xffff, v44  }
0x1c6: {  	[tilespmem:s8+$0x7450] =	vst.add.f32.msk $0xffff, v45  }
0x1c7: {  	s10 =	rddreg [dreg:$0xb];
	[tilespmem:s8+$0x7460] =	vst.add.f32.msk $0xffff, v46;
	s8 =	simm.s32 $0x0  }
0x1c8: {  	[hbm4b:s10+s8] =	stream.linear.scatter [tilespmem:s1], [sflag:$0x6], $0x6000, $0x38;
	[tilespmem:$0x18000] =	vst v63  }
0x1c9: {  	_ =	swait.ge [sflag:s30], $0x6000  }
0x1ca: {  	[sflag:s30] =	ssyncset.done $0x0  }
0x1cb: {  	[sflag:s30] =	ssyncadd.s32 $0xFFFFA000  }
0x1cc: {  	_ =	swait.ge [sflag:s31], $0x6000  }
0x1cd: {  	[sflag:s31] =	ssyncset.done $0x0  }
0x1ce: {  	[sflag:s31] =	ssyncadd.s32 $0xFFFFA000  }
0x1cf: {  	_ =	swait.ge [sflag:s6], $0x6000  }
0x1d0: {  	[sflag:s6] =	ssyncset.done $0x0  }
0x1d1: {  	s11 =	rddreg [dreg:$0xc];
	[sflag:s6] =	ssyncadd.s32 $0xFFFFA000  }
0x1d2: {  	[tilespmem:s1], [sflag:$0x2] =	stream.linear.gather [hbm4b:s11+s8], $0x6000, $0x38;
	[tilespmem:$0x18000] =	vst v63  }
0x1d3: {  	s9 =	simm.s32 $0x0;
	s12 =	rddreg [dreg:$0xd]  }
0x1d4: {  	[tilespmem:s0], [sflag:$0x4] =	stream.linear.gather [hbm4b:s12+s8], $0x6000, $0x38;
	[tilespmem:$0x18000] =	vst v63  }
.LBB2_6:
0x1d5: {  	s10 =	sshrl.u32 s9, $0x3  }
0x1d6: {  	s10 =	smul.u32 $0x1800, s10  }
0x1d7: {  	s11 =	sand.u32 $0x380, s8  }
0x1d8: {  	s10 =	sor.u32 s11, s10  }
0x1d9: {  	v0 =	vld [tilespmem:s10+$0xC000]  }
0x1da: {  	v1 =	vld [tilespmem:s10+$0xC010];
	_ =	sdelay $0x3  }
0x1db: {  	s11 =	sor.u32 $0x10, s10;
	[tilespmem:s10+$0x0] =	vst.add.f32.msk $0xffff, v0  }
0x1dc: {  	[tilespmem:s11+$0x0] =	vst.add.f32.msk $0xffff, v1  }
0x1dd: {  	v36 =	vld [tilespmem:s10+$0xC020];
	_ =	sdelay $0x3  }
0x1de: {  	s12 =	sor.u32 $0x20, s10  }
0x1df: {  	[tilespmem:s12+$0x0] =	vst.add.f32.msk $0xffff, v36  }
0x1e0: {  	v0 =	vld [tilespmem:s10+$0xC030];
	_ =	sdelay $0x3  }
0x1e1: {  	s12 =	sor.u32 $0x30, s10  }
0x1e2: {  	[tilespmem:s12+$0x0] =	vst.add.f32.msk $0xffff, v0  }
0x1e3: {  	v0 =	vld [tilespmem:s10+$0xC040];
	_ =	sdelay $0x3  }
0x1e4: {  	s12 =	sor.u32 $0x40, s10  }
0x1e5: {  	[tilespmem:s12+$0x0] =	vst.add.f32.msk $0xffff, v0  }
0x1e6: {  	v0 =	vld [tilespmem:s10+$0xC050];
	_ =	sdelay $0x3  }
0x1e7: {  	s12 =	sor.u32 $0x50, s10  }
0x1e8: {  	[tilespmem:s12+$0x0] =	vst.add.f32.msk $0xffff, v0  }
0x1e9: {  	v0 =	vld [tilespmem:s10+$0xC060];
	_ =	sdelay $0x3  }
0x1ea: {  	s12 =	sor.u32 $0x60, s10  }
0x1eb: {  	[tilespmem:s12+$0x0] =	vst.add.f32.msk $0xffff, v0  }
0x1ec: {  	v0 =	vld [tilespmem:s10+$0xC070];
	_ =	sdelay $0x3  }
0x1ed: {  	s12 =	sor.u32 $0x70, s10  }
0x1ee: {  	[tilespmem:s12+$0x0] =	vst.add.f32.msk $0xffff, v0  }
0x1ef: {  	v0 =	vld [tilespmem:s10+$0xC400];
	_ =	sdelay $0x3  }
0x1f0: {  	s12 =	sor.u32 $0x400, s10  }
0x1f1: {  	[tilespmem:s12+$0x0] =	vst.add.f32.msk $0xffff, v0  }
0x1f2: {  	v0 =	vld [tilespmem:s10+$0xC410];
	_ =	sdelay $0x3  }
0x1f3: {  	s12 =	sor.u32 $0x410, s10  }
0x1f4: {  	[tilespmem:s12+$0x0] =	vst.add.f32.msk $0xffff, v0  }
0x1f5: {  	v0 =	vld [tilespmem:s10+$0xC420];
	_ =	sdelay $0x3  }
0x1f6: {  	s12 =	sor.u32 $0x420, s10  }
0x1f7: {  	[tilespmem:s12+$0x0] =	vst.add.f32.msk $0xffff, v0  }
0x1f8: {  	v0 =	vld [tilespmem:s10+$0xC430];
	_ =	sdelay $0x3  }
0x1f9: {  	s12 =	sor.u32 $0x430, s10  }
0x1fa: {  	[tilespmem:s12+$0x0] =	vst.add.f32.msk $0xffff, v0  }
0x1fb: {  	v0 =	vld [tilespmem:s10+$0xC440];
	_ =	sdelay $0x3  }
0x1fc: {  	s12 =	sor.u32 $0x440, s10  }
0x1fd: {  	[tilespmem:s12+$0x0] =	vst.add.f32.msk $0xffff, v0  }
0x1fe: {  	v0 =	vld [tilespmem:s10+$0xC450];
	_ =	sdelay $0x3  }
0x1ff: {  	s12 =	sor.u32 $0x450, s10  }
0x200: {  	[tilespmem:s12+$0x0] =	vst.add.f32.msk $0xffff, v0  }
0x201: {  	v0 =	vld [tilespmem:s10+$0xC460];
	_ =	sdelay $0x3  }
0x202: {  	s12 =	sor.u32 $0x460, s10  }
0x203: {  	[tilespmem:s12+$0x0] =	vst.add.f32.msk $0xffff, v0  }
0x204: {  	v0 =	vld [tilespmem:s10+$0xC470];
	_ =	sdelay $0x3  }
0x205: {  	s12 =	sor.u32 $0x470, s10  }
0x206: {  	[tilespmem:s12+$0x0] =	vst.add.f32.msk $0xffff, v0  }
0x207: {  	v0 =	vld [tilespmem:s10+$0xC800]  }
0x208: {  	v1 =	vld [tilespmem:s10+$0xC810]  }
0x209: {  	v37 =	vld [tilespmem:s10+$0xC820]  }
0x20a: {  	v38 =	vld [tilespmem:s10+$0xC830]  }
0x20b: {  	v2 =	vld [tilespmem:s10+$0xC840]  }
0x20c: {  	v3 =	vld [tilespmem:s10+$0xC850]  }
0x20d: {  	v4 =	vld [tilespmem:s10+$0xC860]  }
0x20e: {  	v39 =	vld [tilespmem:s10+$0xC870]  }
0x20f: {  	v40 =	vld [tilespmem:s10+$0xCC00]  }
0x210: {  	v41 =	vld [tilespmem:s10+$0xCC10]  }
0x211: {  	v42 =	vld [tilespmem:s10+$0xCC20]  }
0x212: {  	v43 =	vld [tilespmem:s10+$0xCC30]  }
0x213: {  	v44 =	vld [tilespmem:s10+$0xCC40]  }
0x214: {  	v45 =	vld [tilespmem:s10+$0xCC50]  }
0x215: {  	v46 =	vld [tilespmem:s10+$0xCC60]  }
0x216: {  	v47 =	vld [tilespmem:s10+$0xCC70]  }
0x217: {  	v48 =	vld [tilespmem:s10+$0xD000]  }
0x218: {  	v49 =	vld [tilespmem:s10+$0xD010]  }
0x219: {  	v50 =	vld [tilespmem:s10+$0xD020]  }
0x21a: {  	v51 =	vld [tilespmem:s10+$0xD030]  }
0x21b: {  	v52 =	vld [tilespmem:s10+$0xD040]  }
0x21c: {  	v53 =	vld [tilespmem:s10+$0xD050]  }
0x21d: {  	v54 =	vld [tilespmem:s10+$0xD060]  }
0x21e: {  	v55 =	vld [tilespmem:s10+$0xD070]  }
0x21f: {  	v56 =	vld [tilespmem:s10+$0xD400]  }
0x220: {  	v57 =	vld [tilespmem:s10+$0xD410]  }
0x221: {  	v58 =	vld [tilespmem:s10+$0xD420]  }
0x222: {  	v59 =	vld [tilespmem:s10+$0xD430]  }
0x223: {  	v60 =	vld [tilespmem:s10+$0xD440]  }
0x224: {  	v61 =	vld [tilespmem:s10+$0xD450]  }
0x225: {  	v62 =	vld [tilespmem:s10+$0xD460]  }
0x226: {  	v63 =	vld [tilespmem:s10+$0xD470]  }
0x227: {  	[tilespmem:s10+$0x800] =	vst.add.f32.msk $0xffff, v0  }
0x228: {  	[tilespmem:s10+$0x810] =	vst.add.f32.msk $0xffff, v1  }
0x229: {  	[tilespmem:s10+$0x820] =	vst.add.f32.msk $0xffff, v37  }
0x22a: {  	[tilespmem:s10+$0x830] =	vst.add.f32.msk $0xffff, v38  }
0x22b: {  	[tilespmem:s10+$0x840] =	vst.add.f32.msk $0xffff, v2  }
0x22c: {  	[tilespmem:s10+$0x850] =	vst.add.f32.msk $0xffff, v3  }
0x22d: {  	[tilespmem:s10+$0x860] =	vst.add.f32.msk $0xffff, v4  }
0x22e: {  	[tilespmem:s10+$0x870] =	vst.add.f32.msk $0xffff, v39  }
0x22f: {  	[tilespmem:s10+$0xC00] =	vst.add.f32.msk $0xffff, v40  }
0x230: {  	[tilespmem:s10+$0xC10] =	vst.add.f32.msk $0xffff, v41  }
0x231: {  	[tilespmem:s10+$0xC20] =	vst.add.f32.msk $0xffff, v42  }
0x232: {  	[tilespmem:s10+$0xC30] =	vst.add.f32.msk $0xffff, v43  }
0x233: {  	[tilespmem:s10+$0xC40] =	vst.add.f32.msk $0xffff, v44  }
0x234: {  	[tilespmem:s10+$0xC50] =	vst.add.f32.msk $0xffff, v45  }
0x235: {  	[tilespmem:s10+$0xC60] =	vst.add.f32.msk $0xffff, v46  }
0x236: {  	[tilespmem:s10+$0xC70] =	vst.add.f32.msk $0xffff, v47  }
0x237: {  	[tilespmem:s10+$0x1000] =	vst.add.f32.msk $0xffff, v48  }
0x238: {  	[tilespmem:s10+$0x1010] =	vst.add.f32.msk $0xffff, v49  }
0x239: {  	[tilespmem:s10+$0x1020] =	vst.add.f32.msk $0xffff, v50  }
0x23a: {  	[tilespmem:s10+$0x1030] =	vst.add.f32.msk $0xffff, v51  }
0x23b: {  	[tilespmem:s10+$0x1040] =	vst.add.f32.msk $0xffff, v52  }
0x23c: {  	[tilespmem:s10+$0x1050] =	vst.add.f32.msk $0xffff, v53  }
0x23d: {  	[tilespmem:s10+$0x1060] =	vst.add.f32.msk $0xffff, v54  }
0x23e: {  	[tilespmem:s10+$0x1070] =	vst.add.f32.msk $0xffff, v55  }
0x23f: {  	[tilespmem:s10+$0x1400] =	vst.add.f32.msk $0xffff, v56  }
0x240: {  	[tilespmem:s10+$0x1410] =	vst.add.f32.msk $0xffff, v57  }
0x241: {  	p0 =	sne.s32 s9, $0x1F;
	[tilespmem:s10+$0x1420] =	vst.add.f32.msk $0xffff, v58  }
.Ltmp2:
0x242: {  	[tilespmem:s10+$0x1430] =	vst.add.f32.msk $0xffff, v59;
	(pc) =	sbr.rel @p0 .LBB2_6-.Ltmp2, $4  }
0x243: {  	[tilespmem:s10+$0x1440] =	vst.add.f32.msk $0xffff, v60  }
0x244: {  	[tilespmem:s10+$0x1450] =	vst.add.f32.msk $0xffff, v61  }
0x245: {  	[tilespmem:s10+$0x1460] =	vst.add.f32.msk $0xffff, v62  }
0x246: {  	s8 =	sadd.s32 $0x80, s8;
	s9 =	sadd.s32 $0x1, s9;
	[tilespmem:s10+$0x1470] =	vst.add.f32.msk $0xffff, v63  }
0x247: {  	s8 =	simm.s32 $0x0  }
0x248: {  	[hbm4b:s13+s8] =	stream.linear.scatter [tilespmem:s8], [sflag:$0x5], $0x6000, $0x38;
	[tilespmem:$0x18000] =	vst v63  }
0x249: {  	_ =	swait.ge [sflag:s3], $0x6000  }
0x24a: {  	[sflag:s3] =	ssyncset.done $0x0  }
0x24b: {  	[sflag:s3] =	ssyncadd.s32 $0xFFFFA000  }
0x24c: {  	_ =	swait.ge [sflag:s4], $0x6000  }
0x24d: {  	[sflag:s4] =	ssyncset.done $0x0  }
0x24e: {  	[sflag:s4] =	ssyncadd.s32 $0xFFFFA000  }
0x24f: {  	_ =	swait.ge [sflag:s5], $0x6000  }
0x250: {  	s9 =	simm.s32 $0x0;
	[sflag:s5] =	ssyncset.done $0x0  }
0x251: {  	s9 =	smul.u32 $0x1800, s9;
	s10 =	sand.u32 $0x380, s8;
	[sflag:s5] =	ssyncadd.s32 $0xFFFFA000  }
0x252: {  	[tilespmem:s8], [sflag:$0x1] =	stream.linear.gather [hbm4b:s22+s8], $0x6000, $0x38;
	[tilespmem:$0x18000] =	vst v63  }
0x253: {  	s9 =	sor.u32 s10, s9  }
0x254: {  	[tilespmem:s29], [sflag:$0x3] =	stream.linear.gather [hbm4b:s14+s8], $0x6000, $0x38;
	[tilespmem:$0x18000] =	vst v63  }
0x255: {  	v0 =	vld [tilespmem:s9+$0x13470]  }
0x256: {  	v3 =	vld [tilespmem:s9+$0x12000]  }
0x257: {  	v4 =	vld [tilespmem:s9+$0x12010]  }
0x258: {  	v5 =	vld [tilespmem:s9+$0x12020]  }
0x259: {  	v6 =	vld [tilespmem:s9+$0x12030]  }
0x25a: {  	v7 =	vld [tilespmem:s9+$0x12040]  }
0x25b: {  	v8 =	vld [tilespmem:s9+$0x12050]  }
0x25c: {  	v9 =	vld [tilespmem:s9+$0x12060]  }
0x25d: {  	v10 =	vld [tilespmem:s9+$0x12070]  }
0x25e: {  	v11 =	vld [tilespmem:s9+$0x12400]  }
0x25f: {  	v12 =	vld [tilespmem:s9+$0x12410]  }
0x260: {  	v13 =	vld [tilespmem:s9+$0x12420]  }
0x261: {  	v14 =	vld [tilespmem:s9+$0x12430]  }
0x262: {  	v15 =	vld [tilespmem:s9+$0x12440]  }
0x263: {  	v16 =	vld [tilespmem:s9+$0x12450]  }
0x264: {  	v17 =	vld [tilespmem:s9+$0x12460]  }
0x265: {  	v18 =	vld [tilespmem:s9+$0x12470]  }
0x266: {  	v19 =	vld [tilespmem:s9+$0x12800]  }
0x267: {  	v20 =	vld [tilespmem:s9+$0x12810]  }
0x268: {  	v21 =	vld [tilespmem:s9+$0x12820]  }
0x269: {  	v22 =	vld [tilespmem:s9+$0x12830]  }
0x26a: {  	v23 =	vld [tilespmem:s9+$0x12840]  }
0x26b: {  	v24 =	vld [tilespmem:s9+$0x12850]  }
0x26c: {  	v25 =	vld [tilespmem:s9+$0x12860]  }
0x26d: {  	v26 =	vld [tilespmem:s9+$0x12870]  }
0x26e: {  	v27 =	vld [tilespmem:s9+$0x12C00]  }
0x26f: {  	v28 =	vld [tilespmem:s9+$0x12C10]  }
0x270: {  	v29 =	vld [tilespmem:s9+$0x12C20]  }
0x271: {  	v30 =	vld [tilespmem:s9+$0x12C30]  }
0x272: {  	v31 =	vld [tilespmem:s9+$0x12C40]  }
0x273: {  	v32 =	vld [tilespmem:s9+$0x12C50]  }
0x274: {  	v33 =	vld [tilespmem:s9+$0x12C60]  }
0x275: {  	v34 =	vld [tilespmem:s9+$0x12C70]  }
0x276: {  	v35 =	vld [tilespmem:s9+$0x13000]  }
0x277: {  	v36 =	vld [tilespmem:s9+$0x13010]  }
0x278: {  	v37 =	vld [tilespmem:s9+$0x13020]  }
0x279: {  	v38 =	vld [tilespmem:s9+$0x13030]  }
0x27a: {  	v39 =	vld [tilespmem:s9+$0x13040]  }
0x27b: {  	v40 =	vld [tilespmem:s9+$0x13050]  }
0x27c: {  	v41 =	vld [tilespmem:s9+$0x13060]  }
0x27d: {  	v42 =	vld [tilespmem:s9+$0x13070]  }
0x27e: {  	v43 =	vld [tilespmem:s9+$0x13400]  }
0x27f: {  	v44 =	vld [tilespmem:s9+$0x13410]  }
0x280: {  	v45 =	vld [tilespmem:s9+$0x13420]  }
0x281: {  	v46 =	vld [tilespmem:s9+$0x13430]  }
0x282: {  	v2 =	vld [tilespmem:s9+$0x13440]  }
0x283: {  	v1 =	vld [tilespmem:s9+$0x13450]  }
0x284: {  	[tilespmem:s9+$0x7470] =	vst.add.f32.msk $0xffff, v0  }
0x285: {  	v0 =	vld [tilespmem:s9+$0x13460]  }
0x286: {  	[tilespmem:s9+$0x6000] =	vst.add.f32.msk $0xffff, v3  }
0x287: {  	[tilespmem:s9+$0x6010] =	vst.add.f32.msk $0xffff, v4  }
0x288: {  	[tilespmem:s9+$0x6020] =	vst.add.f32.msk $0xffff, v5  }
0x289: {  	[tilespmem:s9+$0x6030] =	vst.add.f32.msk $0xffff, v6  }
0x28a: {  	[tilespmem:s9+$0x6040] =	vst.add.f32.msk $0xffff, v7  }
0x28b: {  	[tilespmem:s9+$0x6050] =	vst.add.f32.msk $0xffff, v8  }
0x28c: {  	[tilespmem:s9+$0x6060] =	vst.add.f32.msk $0xffff, v9  }
0x28d: {  	[tilespmem:s9+$0x6070] =	vst.add.f32.msk $0xffff, v10  }
0x28e: {  	[tilespmem:s9+$0x6400] =	vst.add.f32.msk $0xffff, v11  }
0x28f: {  	[tilespmem:s9+$0x6410] =	vst.add.f32.msk $0xffff, v12  }
0x290: {  	[tilespmem:s9+$0x6420] =	vst.add.f32.msk $0xffff, v13  }
0x291: {  	[tilespmem:s9+$0x6430] =	vst.add.f32.msk $0xffff, v14  }
0x292: {  	[tilespmem:s9+$0x6440] =	vst.add.f32.msk $0xffff, v15  }
0x293: {  	[tilespmem:s9+$0x6450] =	vst.add.f32.msk $0xffff, v16  }
0x294: {  	[tilespmem:s9+$0x6460] =	vst.add.f32.msk $0xffff, v17  }
0x295: {  	[tilespmem:s9+$0x6470] =	vst.add.f32.msk $0xffff, v18  }
0x296: {  	[tilespmem:s9+$0x6800] =	vst.add.f32.msk $0xffff, v19  }
0x297: {  	[tilespmem:s9+$0x6810] =	vst.add.f32.msk $0xffff, v20  }
0x298: {  	[tilespmem:s9+$0x6820] =	vst.add.f32.msk $0xffff, v21  }
0x299: {  	[tilespmem:s9+$0x6830] =	vst.add.f32.msk $0xffff, v22  }
0x29a: {  	[tilespmem:s9+$0x6840] =	vst.add.f32.msk $0xffff, v23  }
0x29b: {  	[tilespmem:s9+$0x6850] =	vst.add.f32.msk $0xffff, v24  }
0x29c: {  	[tilespmem:s9+$0x6860] =	vst.add.f32.msk $0xffff, v25  }
0x29d: {  	[tilespmem:s9+$0x6870] =	vst.add.f32.msk $0xffff, v26  }
0x29e: {  	[tilespmem:s9+$0x6C00] =	vst.add.f32.msk $0xffff, v27  }
0x29f: {  	[tilespmem:s9+$0x6C10] =	vst.add.f32.msk $0xffff, v28  }
0x2a0: {  	[tilespmem:s9+$0x6C20] =	vst.add.f32.msk $0xffff, v29  }
0x2a1: {  	[tilespmem:s9+$0x6C30] =	vst.add.f32.msk $0xffff, v30  }
0x2a2: {  	[tilespmem:s9+$0x6C40] =	vst.add.f32.msk $0xffff, v31  }
0x2a3: {  	[tilespmem:s9+$0x6C50] =	vst.add.f32.msk $0xffff, v32  }
0x2a4: {  	[tilespmem:s9+$0x6C60] =	vst.add.f32.msk $0xffff, v33  }
0x2a5: {  	[tilespmem:s9+$0x6C70] =	vst.add.f32.msk $0xffff, v34  }
0x2a6: {  	[tilespmem:s9+$0x7000] =	vst.add.f32.msk $0xffff, v35  }
0x2a7: {  	[tilespmem:s9+$0x7010] =	vst.add.f32.msk $0xffff, v36  }
0x2a8: {  	[tilespmem:s9+$0x7020] =	vst.add.f32.msk $0xffff, v37  }
0x2a9: {  	[tilespmem:s9+$0x7030] =	vst.add.f32.msk $0xffff, v38  }
0x2aa: {  	[tilespmem:s9+$0x7040] =	vst.add.f32.msk $0xffff, v39  }
0x2ab: {  	[tilespmem:s9+$0x7050] =	vst.add.f32.msk $0xffff, v40  }
0x2ac: {  	[tilespmem:s9+$0x7060] =	vst.add.f32.msk $0xffff, v41  }
0x2ad: {  	[tilespmem:s9+$0x7070] =	vst.add.f32.msk $0xffff, v42  }
0x2ae: {  	[tilespmem:s9+$0x7400] =	vst.add.f32.msk $0xffff, v43  }
0x2af: {  	[tilespmem:s9+$0x7410] =	vst.add.f32.msk $0xffff, v44  }
0x2b0: {  	[tilespmem:s9+$0x7420] =	vst.add.f32.msk $0xffff, v45  }
0x2b1: {  	s11 =	simm.s32 $0x0;
	s10 =	simm.s32 $0x2;
	[tilespmem:s9+$0x7430] =	vst.add.f32.msk $0xffff, v46  }
.LBB2_8:
0x2b2: {  	p0 =	sne.s32 s10, $0x1F;
	s11 =	smul.u32 $0x1800, s11;
	[tilespmem:s9+$0x7440] =	vst.add.f32.msk $0xffff, v2;
	s8 =	sadd.s32 $0x80, s8  }
0x2b3: {  	s12 =	sand.u32 $0x380, s8;
	[tilespmem:s9+$0x7450] =	vst.add.f32.msk $0xffff, v1  }
0x2b4: {  	[tilespmem:s9+$0x7460] =	vst.add.f32.msk $0xffff, v0;
	s9 =	sor.u32 s12, s11  }
0x2b5: {  	v0 =	vld [tilespmem:s9+$0x13470]  }
0x2b6: {  	v3 =	vld [tilespmem:s9+$0x12000]  }
0x2b7: {  	v4 =	vld [tilespmem:s9+$0x12010]  }
0x2b8: {  	v5 =	vld [tilespmem:s9+$0x12020]  }
0x2b9: {  	v6 =	vld [tilespmem:s9+$0x12030]  }
0x2ba: {  	[tilespmem:s9+$0x7470] =	vst.add.f32.msk $0xffff, v0  }
0x2bb: {  	v7 =	vld [tilespmem:s9+$0x12040]  }
0x2bc: {  	v8 =	vld [tilespmem:s9+$0x12050]  }
0x2bd: {  	v9 =	vld [tilespmem:s9+$0x12060]  }
0x2be: {  	v10 =	vld [tilespmem:s9+$0x12070]  }
0x2bf: {  	v11 =	vld [tilespmem:s9+$0x12400]  }
0x2c0: {  	v12 =	vld [tilespmem:s9+$0x12410]  }
0x2c1: {  	v13 =	vld [tilespmem:s9+$0x12420]  }
0x2c2: {  	v14 =	vld [tilespmem:s9+$0x12430]  }
0x2c3: {  	v15 =	vld [tilespmem:s9+$0x12440]  }
0x2c4: {  	v16 =	vld [tilespmem:s9+$0x12450]  }
0x2c5: {  	v17 =	vld [tilespmem:s9+$0x12460]  }
0x2c6: {  	v18 =	vld [tilespmem:s9+$0x12470]  }
0x2c7: {  	v19 =	vld [tilespmem:s9+$0x12800]  }
0x2c8: {  	v20 =	vld [tilespmem:s9+$0x12810]  }
0x2c9: {  	v21 =	vld [tilespmem:s9+$0x12820]  }
0x2ca: {  	v22 =	vld [tilespmem:s9+$0x12830]  }
0x2cb: {  	v23 =	vld [tilespmem:s9+$0x12840]  }
0x2cc: {  	v24 =	vld [tilespmem:s9+$0x12850]  }
0x2cd: {  	v25 =	vld [tilespmem:s9+$0x12860]  }
0x2ce: {  	v26 =	vld [tilespmem:s9+$0x12870]  }
0x2cf: {  	v27 =	vld [tilespmem:s9+$0x12C00]  }
0x2d0: {  	v28 =	vld [tilespmem:s9+$0x12C10]  }
0x2d1: {  	v29 =	vld [tilespmem:s9+$0x12C20]  }
0x2d2: {  	v30 =	vld [tilespmem:s9+$0x12C30]  }
0x2d3: {  	v31 =	vld [tilespmem:s9+$0x12C40]  }
0x2d4: {  	v32 =	vld [tilespmem:s9+$0x12C50]  }
0x2d5: {  	v33 =	vld [tilespmem:s9+$0x12C60]  }
0x2d6: {  	v34 =	vld [tilespmem:s9+$0x12C70]  }
0x2d7: {  	v35 =	vld [tilespmem:s9+$0x13000]  }
0x2d8: {  	v36 =	vld [tilespmem:s9+$0x13010]  }
0x2d9: {  	v37 =	vld [tilespmem:s9+$0x13020]  }
0x2da: {  	v38 =	vld [tilespmem:s9+$0x13030]  }
0x2db: {  	v39 =	vld [tilespmem:s9+$0x13040]  }
0x2dc: {  	v40 =	vld [tilespmem:s9+$0x13050]  }
0x2dd: {  	v41 =	vld [tilespmem:s9+$0x13060]  }
0x2de: {  	v42 =	vld [tilespmem:s9+$0x13070]  }
0x2df: {  	v43 =	vld [tilespmem:s9+$0x13400]  }
0x2e0: {  	v44 =	vld [tilespmem:s9+$0x13410]  }
0x2e1: {  	v45 =	vld [tilespmem:s9+$0x13420]  }
0x2e2: {  	v46 =	vld [tilespmem:s9+$0x13430]  }
0x2e3: {  	v2 =	vld [tilespmem:s9+$0x13440]  }
0x2e4: {  	v1 =	vld [tilespmem:s9+$0x13450]  }
0x2e5: {  	v0 =	vld [tilespmem:s9+$0x13460]  }
0x2e6: {  	[tilespmem:s9+$0x6000] =	vst.add.f32.msk $0xffff, v3  }
0x2e7: {  	[tilespmem:s9+$0x6010] =	vst.add.f32.msk $0xffff, v4  }
0x2e8: {  	[tilespmem:s9+$0x6020] =	vst.add.f32.msk $0xffff, v5  }
0x2e9: {  	[tilespmem:s9+$0x6030] =	vst.add.f32.msk $0xffff, v6  }
0x2ea: {  	[tilespmem:s9+$0x6040] =	vst.add.f32.msk $0xffff, v7  }
0x2eb: {  	[tilespmem:s9+$0x6050] =	vst.add.f32.msk $0xffff, v8  }
0x2ec: {  	[tilespmem:s9+$0x6060] =	vst.add.f32.msk $0xffff, v9  }
0x2ed: {  	[tilespmem:s9+$0x6070] =	vst.add.f32.msk $0xffff, v10  }
0x2ee: {  	[tilespmem:s9+$0x6400] =	vst.add.f32.msk $0xffff, v11  }
0x2ef: {  	[tilespmem:s9+$0x6410] =	vst.add.f32.msk $0xffff, v12  }
0x2f0: {  	[tilespmem:s9+$0x6420] =	vst.add.f32.msk $0xffff, v13  }
0x2f1: {  	[tilespmem:s9+$0x6430] =	vst.add.f32.msk $0xffff, v14  }
0x2f2: {  	[tilespmem:s9+$0x6440] =	vst.add.f32.msk $0xffff, v15  }
0x2f3: {  	[tilespmem:s9+$0x6450] =	vst.add.f32.msk $0xffff, v16  }
0x2f4: {  	[tilespmem:s9+$0x6460] =	vst.add.f32.msk $0xffff, v17  }
0x2f5: {  	[tilespmem:s9+$0x6470] =	vst.add.f32.msk $0xffff, v18  }
0x2f6: {  	[tilespmem:s9+$0x6800] =	vst.add.f32.msk $0xffff, v19  }
0x2f7: {  	[tilespmem:s9+$0x6810] =	vst.add.f32.msk $0xffff, v20  }
0x2f8: {  	[tilespmem:s9+$0x6820] =	vst.add.f32.msk $0xffff, v21  }
0x2f9: {  	[tilespmem:s9+$0x6830] =	vst.add.f32.msk $0xffff, v22  }
0x2fa: {  	[tilespmem:s9+$0x6840] =	vst.add.f32.msk $0xffff, v23  }
0x2fb: {  	[tilespmem:s9+$0x6850] =	vst.add.f32.msk $0xffff, v24  }
0x2fc: {  	[tilespmem:s9+$0x6860] =	vst.add.f32.msk $0xffff, v25  }
0x2fd: {  	[tilespmem:s9+$0x6870] =	vst.add.f32.msk $0xffff, v26  }
0x2fe: {  	[tilespmem:s9+$0x6C00] =	vst.add.f32.msk $0xffff, v27  }
0x2ff: {  	[tilespmem:s9+$0x6C10] =	vst.add.f32.msk $0xffff, v28  }
0x300: {  	[tilespmem:s9+$0x6C20] =	vst.add.f32.msk $0xffff, v29  }
0x301: {  	[tilespmem:s9+$0x6C30] =	vst.add.f32.msk $0xffff, v30  }
0x302: {  	[tilespmem:s9+$0x6C40] =	vst.add.f32.msk $0xffff, v31  }
0x303: {  	[tilespmem:s9+$0x6C50] =	vst.add.f32.msk $0xffff, v32  }
0x304: {  	[tilespmem:s9+$0x6C60] =	vst.add.f32.msk $0xffff, v33  }
0x305: {  	[tilespmem:s9+$0x6C70] =	vst.add.f32.msk $0xffff, v34  }
0x306: {  	[tilespmem:s9+$0x7000] =	vst.add.f32.msk $0xffff, v35  }
0x307: {  	[tilespmem:s9+$0x7010] =	vst.add.f32.msk $0xffff, v36  }
0x308: {  	[tilespmem:s9+$0x7020] =	vst.add.f32.msk $0xffff, v37  }
0x309: {  	[tilespmem:s9+$0x7030] =	vst.add.f32.msk $0xffff, v38  }
0x30a: {  	[tilespmem:s9+$0x7040] =	vst.add.f32.msk $0xffff, v39  }
0x30b: {  	[tilespmem:s9+$0x7050] =	vst.add.f32.msk $0xffff, v40  }
0x30c: {  	[tilespmem:s9+$0x7060] =	vst.add.f32.msk $0xffff, v41  }
.Ltmp3:
0x30d: {  	[tilespmem:s9+$0x7070] =	vst.add.f32.msk $0xffff, v42;
	(pc) =	sbr.rel @p0 .LBB2_8-.Ltmp3, $4  }
0x30e: {  	[tilespmem:s9+$0x7400] =	vst.add.f32.msk $0xffff, v43  }
0x30f: {  	[tilespmem:s9+$0x7410] =	vst.add.f32.msk $0xffff, v44  }
0x310: {  	[tilespmem:s9+$0x7420] =	vst.add.f32.msk $0xffff, v45  }
0x311: {  	s11 =	sshrl.u32 s10, $0x3;
	s10 =	sadd.s32 $0x1, s10;
	[tilespmem:s9+$0x7430] =	vst.add.f32.msk $0xffff, v46  }
0x312: {  	s10 =	smul.u32 $0x1800, s11;
	[tilespmem:s9+$0x7440] =	vst.add.f32.msk $0xffff, v2;
	s8 =	sadd.s32 $0x80, s8  }
0x313: {  	[tilespmem:s9+$0x7450] =	vst.add.f32.msk $0xffff, v1;
	s8 =	sand.u32 $0x380, s8  }
0x314: {  	[tilespmem:s9+$0x7460] =	vst.add.f32.msk $0xffff, v0;
	s8 =	sor.u32 s8, s10  }
0x315: {  	v0 =	vld [tilespmem:s8+$0x13470]  }
0x316: {  	v1 =	vld [tilespmem:s8+$0x12000]  }
0x317: {  	v2 =	vld [tilespmem:s8+$0x12010]  }
0x318: {  	v3 =	vld [tilespmem:s8+$0x12020]  }
0x319: {  	v4 =	vld [tilespmem:s8+$0x12030]  }
0x31a: {  	v63 =	vld [tilespmem:s8+$0x12040]  }
0x31b: {  	v5 =	vld [tilespmem:s8+$0x12050]  }
0x31c: {  	v6 =	vld [tilespmem:s8+$0x12060]  }
0x31d: {  	v7 =	vld [tilespmem:s8+$0x12070]  }
0x31e: {  	v8 =	vld [tilespmem:s8+$0x12400]  }
0x31f: {  	v9 =	vld [tilespmem:s8+$0x12410]  }
0x320: {  	v10 =	vld [tilespmem:s8+$0x12420]  }
0x321: {  	v11 =	vld [tilespmem:s8+$0x12430]  }
0x322: {  	v12 =	vld [tilespmem:s8+$0x12440]  }
0x323: {  	v13 =	vld [tilespmem:s8+$0x12450]  }
0x324: {  	v14 =	vld [tilespmem:s8+$0x12460]  }
0x325: {  	v15 =	vld [tilespmem:s8+$0x12470]  }
0x326: {  	v16 =	vld [tilespmem:s8+$0x12800]  }
0x327: {  	v17 =	vld [tilespmem:s8+$0x12810]  }
0x328: {  	v18 =	vld [tilespmem:s8+$0x12820]  }
0x329: {  	v19 =	vld [tilespmem:s8+$0x12830]  }
0x32a: {  	v20 =	vld [tilespmem:s8+$0x12840]  }
0x32b: {  	v21 =	vld [tilespmem:s8+$0x12850]  }
0x32c: {  	v22 =	vld [tilespmem:s8+$0x12860]  }
0x32d: {  	v23 =	vld [tilespmem:s8+$0x12870]  }
0x32e: {  	v24 =	vld [tilespmem:s8+$0x12C00]  }
0x32f: {  	v25 =	vld [tilespmem:s8+$0x12C10]  }
0x330: {  	v26 =	vld [tilespmem:s8+$0x12C20]  }
0x331: {  	v27 =	vld [tilespmem:s8+$0x12C30]  }
0x332: {  	v28 =	vld [tilespmem:s8+$0x12C40]  }
0x333: {  	v29 =	vld [tilespmem:s8+$0x12C50]  }
0x334: {  	v30 =	vld [tilespmem:s8+$0x12C60]  }
0x335: {  	v31 =	vld [tilespmem:s8+$0x12C70]  }
0x336: {  	v32 =	vld [tilespmem:s8+$0x13000]  }
0x337: {  	v33 =	vld [tilespmem:s8+$0x13010]  }
0x338: {  	v34 =	vld [tilespmem:s8+$0x13020]  }
0x339: {  	v35 =	vld [tilespmem:s8+$0x13030]  }
0x33a: {  	v36 =	vld [tilespmem:s8+$0x13040]  }
0x33b: {  	v37 =	vld [tilespmem:s8+$0x13050]  }
0x33c: {  	v38 =	vld [tilespmem:s8+$0x13060]  }
0x33d: {  	v39 =	vld [tilespmem:s8+$0x13070]  }
0x33e: {  	v40 =	vld [tilespmem:s8+$0x13400]  }
0x33f: {  	v41 =	vld [tilespmem:s8+$0x13410]  }
0x340: {  	v42 =	vld [tilespmem:s8+$0x13420]  }
0x341: {  	v43 =	vld [tilespmem:s8+$0x13430]  }
0x342: {  	v44 =	vld [tilespmem:s8+$0x13440]  }
0x343: {  	v45 =	vld [tilespmem:s8+$0x13450]  }
0x344: {  	v46 =	vld [tilespmem:s8+$0x13460]  }
0x345: {  	[tilespmem:s8+$0x7470] =	vst.add.f32.msk $0xffff, v0  }
0x346: {  	[tilespmem:s8+$0x6000] =	vst.add.f32.msk $0xffff, v1  }
0x347: {  	[tilespmem:s8+$0x6010] =	vst.add.f32.msk $0xffff, v2  }
0x348: {  	[tilespmem:s8+$0x6020] =	vst.add.f32.msk $0xffff, v3  }
0x349: {  	[tilespmem:s8+$0x6030] =	vst.add.f32.msk $0xffff, v4  }
0x34a: {  	[tilespmem:s8+$0x6040] =	vst.add.f32.msk $0xffff, v63  }
0x34b: {  	[tilespmem:s8+$0x6050] =	vst.add.f32.msk $0xffff, v5  }
0x34c: {  	[tilespmem:s8+$0x6060] =	vst.add.f32.msk $0xffff, v6  }
0x34d: {  	[tilespmem:s8+$0x6070] =	vst.add.f32.msk $0xffff, v7  }
0x34e: {  	[tilespmem:s8+$0x6400] =	vst.add.f32.msk $0xffff, v8  }
0x34f: {  	[tilespmem:s8+$0x6410] =	vst.add.f32.msk $0xffff, v9  }
0x350: {  	[tilespmem:s8+$0x6420] =	vst.add.f32.msk $0xffff, v10  }
0x351: {  	[tilespmem:s8+$0x6430] =	vst.add.f32.msk $0xffff, v11  }
0x352: {  	[tilespmem:s8+$0x6440] =	vst.add.f32.msk $0xffff, v12  }
0x353: {  	[tilespmem:s8+$0x6450] =	vst.add.f32.msk $0xffff, v13  }
0x354: {  	[tilespmem:s8+$0x6460] =	vst.add.f32.msk $0xffff, v14  }
0x355: {  	[tilespmem:s8+$0x6470] =	vst.add.f32.msk $0xffff, v15  }
0x356: {  	[tilespmem:s8+$0x6800] =	vst.add.f32.msk $0xffff, v16  }
0x357: {  	[tilespmem:s8+$0x6810] =	vst.add.f32.msk $0xffff, v17  }
0x358: {  	[tilespmem:s8+$0x6820] =	vst.add.f32.msk $0xffff, v18  }
0x359: {  	[tilespmem:s8+$0x6830] =	vst.add.f32.msk $0xffff, v19  }
0x35a: {  	[tilespmem:s8+$0x6840] =	vst.add.f32.msk $0xffff, v20  }
0x35b: {  	[tilespmem:s8+$0x6850] =	vst.add.f32.msk $0xffff, v21  }
0x35c: {  	[tilespmem:s8+$0x6860] =	vst.add.f32.msk $0xffff, v22  }
0x35d: {  	[tilespmem:s8+$0x6870] =	vst.add.f32.msk $0xffff, v23  }
0x35e: {  	[tilespmem:s8+$0x6C00] =	vst.add.f32.msk $0xffff, v24  }
0x35f: {  	[tilespmem:s8+$0x6C10] =	vst.add.f32.msk $0xffff, v25  }
0x360: {  	[tilespmem:s8+$0x6C20] =	vst.add.f32.msk $0xffff, v26  }
0x361: {  	[tilespmem:s8+$0x6C30] =	vst.add.f32.msk $0xffff, v27  }
0x362: {  	[tilespmem:s8+$0x6C40] =	vst.add.f32.msk $0xffff, v28  }
0x363: {  	[tilespmem:s8+$0x6C50] =	vst.add.f32.msk $0xffff, v29  }
0x364: {  	[tilespmem:s8+$0x6C60] =	vst.add.f32.msk $0xffff, v30  }
0x365: {  	[tilespmem:s8+$0x6C70] =	vst.add.f32.msk $0xffff, v31  }
0x366: {  	[tilespmem:s8+$0x7000] =	vst.add.f32.msk $0xffff, v32  }
0x367: {  	[tilespmem:s8+$0x7010] =	vst.add.f32.msk $0xffff, v33  }
0x368: {  	[tilespmem:s8+$0x7020] =	vst.add.f32.msk $0xffff, v34  }
0x369: {  	[tilespmem:s8+$0x7030] =	vst.add.f32.msk $0xffff, v35  }
0x36a: {  	[tilespmem:s8+$0x7040] =	vst.add.f32.msk $0xffff, v36  }
0x36b: {  	[tilespmem:s8+$0x7050] =	vst.add.f32.msk $0xffff, v37  }
0x36c: {  	[tilespmem:s8+$0x7060] =	vst.add.f32.msk $0xffff, v38  }
0x36d: {  	[tilespmem:s8+$0x7070] =	vst.add.f32.msk $0xffff, v39  }
0x36e: {  	[tilespmem:s8+$0x7400] =	vst.add.f32.msk $0xffff, v40  }
0x36f: {  	[tilespmem:s8+$0x7410] =	vst.add.f32.msk $0xffff, v41  }
0x370: {  	[tilespmem:s8+$0x7420] =	vst.add.f32.msk $0xffff, v42  }
0x371: {  	[tilespmem:s8+$0x7430] =	vst.add.f32.msk $0xffff, v43  }
0x372: {  	[tilespmem:s8+$0x7440] =	vst.add.f32.msk $0xffff, v44  }
0x373: {  	[tilespmem:s8+$0x7450] =	vst.add.f32.msk $0xffff, v45  }
0x374: {  	[tilespmem:s8+$0x7460] =	vst.add.f32.msk $0xffff, v46;
	s8 =	simm.s32 $0x0  }
0x375: {  	[hbm4b:s15+s8] =	stream.linear.scatter [tilespmem:s1], [sflag:$0x6], $0x6000, $0x38;
	[tilespmem:$0x18000] =	vst v63  }
0x376: {  	_ =	swait.ge [sflag:s30], $0x6000  }
0x377: {  	[sflag:s30] =	ssyncset.done $0x0  }
0x378: {  	[sflag:s30] =	ssyncadd.s32 $0xFFFFA000  }
0x379: {  	_ =	swait.ge [sflag:s31], $0x6000  }
0x37a: {  	[sflag:s31] =	ssyncset.done $0x0  }
0x37b: {  	[sflag:s31] =	ssyncadd.s32 $0xFFFFA000  }
0x37c: {  	_ =	swait.ge [sflag:s6], $0x6000  }
0x37d: {  	[sflag:s6] =	ssyncset.done $0x0  }
0x37e: {  	[sflag:s6] =	ssyncadd.s32 $0xFFFFA000  }
0x37f: {  	[tilespmem:s1], [sflag:$0x2] =	stream.linear.gather [hbm4b:s24+s8], $0x6000, $0x38;
	[tilespmem:$0x18000] =	vst v63  }
0x380: {  	s9 =	simm.s32 $0x0  }
0x381: {  	[tilespmem:s0], [sflag:$0x4] =	stream.linear.gather [hbm4b:s16+s8], $0x6000, $0x38;
	[tilespmem:$0x18000] =	vst v63  }
.LBB2_10:
0x382: {  	s10 =	sshrl.u32 s9, $0x3  }
0x383: {  	s10 =	smul.u32 $0x1800, s10  }
0x384: {  	s11 =	sand.u32 $0x380, s8  }
0x385: {  	s10 =	sor.u32 s11, s10  }
0x386: {  	v0 =	vld [tilespmem:s10+$0xC000]  }
0x387: {  	v1 =	vld [tilespmem:s10+$0xC010];
	_ =	sdelay $0x3  }
0x388: {  	s11 =	sor.u32 $0x10, s10;
	[tilespmem:s10+$0x0] =	vst.add.f32.msk $0xffff, v0  }
0x389: {  	[tilespmem:s11+$0x0] =	vst.add.f32.msk $0xffff, v1  }
0x38a: {  	v36 =	vld [tilespmem:s10+$0xC020];
	_ =	sdelay $0x3  }
0x38b: {  	s12 =	sor.u32 $0x20, s10  }
0x38c: {  	[tilespmem:s12+$0x0] =	vst.add.f32.msk $0xffff, v36  }
0x38d: {  	v0 =	vld [tilespmem:s10+$0xC030];
	_ =	sdelay $0x3  }
0x38e: {  	s12 =	sor.u32 $0x30, s10  }
0x38f: {  	[tilespmem:s12+$0x0] =	vst.add.f32.msk $0xffff, v0  }
0x390: {  	v0 =	vld [tilespmem:s10+$0xC040];
	_ =	sdelay $0x3  }
0x391: {  	s12 =	sor.u32 $0x40, s10  }
0x392: {  	[tilespmem:s12+$0x0] =	vst.add.f32.msk $0xffff, v0  }
0x393: {  	v0 =	vld [tilespmem:s10+$0xC050];
	_ =	sdelay $0x3  }
0x394: {  	s12 =	sor.u32 $0x50, s10  }
0x395: {  	[tilespmem:s12+$0x0] =	vst.add.f32.msk $0xffff, v0  }
0x396: {  	v0 =	vld [tilespmem:s10+$0xC060];
	_ =	sdelay $0x3  }
0x397: {  	s12 =	sor.u32 $0x60, s10  }
0x398: {  	[tilespmem:s12+$0x0] =	vst.add.f32.msk $0xffff, v0  }
0x399: {  	v0 =	vld [tilespmem:s10+$0xC070];
	_ =	sdelay $0x3  }
0x39a: {  	s12 =	sor.u32 $0x70, s10  }
0x39b: {  	[tilespmem:s12+$0x0] =	vst.add.f32.msk $0xffff, v0  }
0x39c: {  	v0 =	vld [tilespmem:s10+$0xC400];
	_ =	sdelay $0x3  }
0x39d: {  	s12 =	sor.u32 $0x400, s10  }
0x39e: {  	[tilespmem:s12+$0x0] =	vst.add.f32.msk $0xffff, v0  }
0x39f: {  	v0 =	vld [tilespmem:s10+$0xC410];
	_ =	sdelay $0x3  }
0x3a0: {  	s12 =	sor.u32 $0x410, s10  }
0x3a1: {  	[tilespmem:s12+$0x0] =	vst.add.f32.msk $0xffff, v0  }
0x3a2: {  	v0 =	vld [tilespmem:s10+$0xC420];
	_ =	sdelay $0x3  }
0x3a3: {  	s12 =	sor.u32 $0x420, s10  }
0x3a4: {  	[tilespmem:s12+$0x0] =	vst.add.f32.msk $0xffff, v0  }
0x3a5: {  	v0 =	vld [tilespmem:s10+$0xC430];
	_ =	sdelay $0x3  }
0x3a6: {  	s12 =	sor.u32 $0x430, s10  }
0x3a7: {  	[tilespmem:s12+$0x0] =	vst.add.f32.msk $0xffff, v0  }
0x3a8: {  	v0 =	vld [tilespmem:s10+$0xC440];
	_ =	sdelay $0x3  }
0x3a9: {  	s12 =	sor.u32 $0x440, s10  }
0x3aa: {  	[tilespmem:s12+$0x0] =	vst.add.f32.msk $0xffff, v0  }
0x3ab: {  	v0 =	vld [tilespmem:s10+$0xC450];
	_ =	sdelay $0x3  }
0x3ac: {  	s12 =	sor.u32 $0x450, s10  }
0x3ad: {  	[tilespmem:s12+$0x0] =	vst.add.f32.msk $0xffff, v0  }
0x3ae: {  	v0 =	vld [tilespmem:s10+$0xC460];
	_ =	sdelay $0x3  }
0x3af: {  	s12 =	sor.u32 $0x460, s10  }
0x3b0: {  	[tilespmem:s12+$0x0] =	vst.add.f32.msk $0xffff, v0  }
0x3b1: {  	v0 =	vld [tilespmem:s10+$0xC470];
	_ =	sdelay $0x3  }
0x3b2: {  	s12 =	sor.u32 $0x470, s10  }
0x3b3: {  	[tilespmem:s12+$0x0] =	vst.add.f32.msk $0xffff, v0  }
0x3b4: {  	v0 =	vld [tilespmem:s10+$0xC800]  }
0x3b5: {  	v1 =	vld [tilespmem:s10+$0xC810]  }
0x3b6: {  	v37 =	vld [tilespmem:s10+$0xC820]  }
0x3b7: {  	v38 =	vld [tilespmem:s10+$0xC830]  }
0x3b8: {  	v2 =	vld [tilespmem:s10+$0xC840]  }
0x3b9: {  	v3 =	vld [tilespmem:s10+$0xC850]  }
0x3ba: {  	v4 =	vld [tilespmem:s10+$0xC860]  }
0x3bb: {  	v39 =	vld [tilespmem:s10+$0xC870]  }
0x3bc: {  	v40 =	vld [tilespmem:s10+$0xCC00]  }
0x3bd: {  	v41 =	vld [tilespmem:s10+$0xCC10]  }
0x3be: {  	v42 =	vld [tilespmem:s10+$0xCC20]  }
0x3bf: {  	v43 =	vld [tilespmem:s10+$0xCC30]  }
0x3c0: {  	v44 =	vld [tilespmem:s10+$0xCC40]  }
0x3c1: {  	v45 =	vld [tilespmem:s10+$0xCC50]  }
0x3c2: {  	v46 =	vld [tilespmem:s10+$0xCC60]  }
0x3c3: {  	v47 =	vld [tilespmem:s10+$0xCC70]  }
0x3c4: {  	v48 =	vld [tilespmem:s10+$0xD000]  }
0x3c5: {  	v49 =	vld [tilespmem:s10+$0xD010]  }
0x3c6: {  	v50 =	vld [tilespmem:s10+$0xD020]  }
0x3c7: {  	v51 =	vld [tilespmem:s10+$0xD030]  }
0x3c8: {  	v52 =	vld [tilespmem:s10+$0xD040]  }
0x3c9: {  	v53 =	vld [tilespmem:s10+$0xD050]  }
0x3ca: {  	v54 =	vld [tilespmem:s10+$0xD060]  }
0x3cb: {  	v55 =	vld [tilespmem:s10+$0xD070]  }
0x3cc: {  	v56 =	vld [tilespmem:s10+$0xD400]  }
0x3cd: {  	v57 =	vld [tilespmem:s10+$0xD410]  }
0x3ce: {  	v58 =	vld [tilespmem:s10+$0xD420]  }
0x3cf: {  	v59 =	vld [tilespmem:s10+$0xD430]  }
0x3d0: {  	v60 =	vld [tilespmem:s10+$0xD440]  }
0x3d1: {  	v61 =	vld [tilespmem:s10+$0xD450]  }
0x3d2: {  	v62 =	vld [tilespmem:s10+$0xD460]  }
0x3d3: {  	v63 =	vld [tilespmem:s10+$0xD470]  }
0x3d4: {  	[tilespmem:s10+$0x800] =	vst.add.f32.msk $0xffff, v0  }
0x3d5: {  	[tilespmem:s10+$0x810] =	vst.add.f32.msk $0xffff, v1  }
0x3d6: {  	[tilespmem:s10+$0x820] =	vst.add.f32.msk $0xffff, v37  }
0x3d7: {  	[tilespmem:s10+$0x830] =	vst.add.f32.msk $0xffff, v38  }
0x3d8: {  	[tilespmem:s10+$0x840] =	vst.add.f32.msk $0xffff, v2  }
0x3d9: {  	[tilespmem:s10+$0x850] =	vst.add.f32.msk $0xffff, v3  }
0x3da: {  	[tilespmem:s10+$0x860] =	vst.add.f32.msk $0xffff, v4  }
0x3db: {  	[tilespmem:s10+$0x870] =	vst.add.f32.msk $0xffff, v39  }
0x3dc: {  	[tilespmem:s10+$0xC00] =	vst.add.f32.msk $0xffff, v40  }
0x3dd: {  	[tilespmem:s10+$0xC10] =	vst.add.f32.msk $0xffff, v41  }
0x3de: {  	[tilespmem:s10+$0xC20] =	vst.add.f32.msk $0xffff, v42  }
0x3df: {  	[tilespmem:s10+$0xC30] =	vst.add.f32.msk $0xffff, v43  }
0x3e0: {  	[tilespmem:s10+$0xC40] =	vst.add.f32.msk $0xffff, v44  }
0x3e1: {  	[tilespmem:s10+$0xC50] =	vst.add.f32.msk $0xffff, v45  }
0x3e2: {  	[tilespmem:s10+$0xC60] =	vst.add.f32.msk $0xffff, v46  }
0x3e3: {  	[tilespmem:s10+$0xC70] =	vst.add.f32.msk $0xffff, v47  }
0x3e4: {  	[tilespmem:s10+$0x1000] =	vst.add.f32.msk $0xffff, v48  }
0x3e5: {  	[tilespmem:s10+$0x1010] =	vst.add.f32.msk $0xffff, v49  }
0x3e6: {  	[tilespmem:s10+$0x1020] =	vst.add.f32.msk $0xffff, v50  }
0x3e7: {  	[tilespmem:s10+$0x1030] =	vst.add.f32.msk $0xffff, v51  }
0x3e8: {  	[tilespmem:s10+$0x1040] =	vst.add.f32.msk $0xffff, v52  }
0x3e9: {  	[tilespmem:s10+$0x1050] =	vst.add.f32.msk $0xffff, v53  }
0x3ea: {  	[tilespmem:s10+$0x1060] =	vst.add.f32.msk $0xffff, v54  }
0x3eb: {  	[tilespmem:s10+$0x1070] =	vst.add.f32.msk $0xffff, v55  }
0x3ec: {  	[tilespmem:s10+$0x1400] =	vst.add.f32.msk $0xffff, v56  }
0x3ed: {  	[tilespmem:s10+$0x1410] =	vst.add.f32.msk $0xffff, v57  }
0x3ee: {  	p0 =	sne.s32 s9, $0x1F;
	[tilespmem:s10+$0x1420] =	vst.add.f32.msk $0xffff, v58  }
.Ltmp4:
0x3ef: {  	[tilespmem:s10+$0x1430] =	vst.add.f32.msk $0xffff, v59;
	(pc) =	sbr.rel @p0 .LBB2_10-.Ltmp4, $4  }
0x3f0: {  	[tilespmem:s10+$0x1440] =	vst.add.f32.msk $0xffff, v60  }
0x3f1: {  	[tilespmem:s10+$0x1450] =	vst.add.f32.msk $0xffff, v61  }
0x3f2: {  	[tilespmem:s10+$0x1460] =	vst.add.f32.msk $0xffff, v62  }
0x3f3: {  	s8 =	sadd.s32 $0x80, s8;
	s9 =	sadd.s32 $0x1, s9;
	[tilespmem:s10+$0x1470] =	vst.add.f32.msk $0xffff, v63  }
0x3f4: {  	s8 =	simm.s32 $0x0  }
0x3f5: {  	[hbm4b:s17+s8] =	stream.linear.scatter [tilespmem:s8], [sflag:$0x5], $0x6000, $0x38;
	[tilespmem:$0x18000] =	vst v63  }
0x3f6: {  	_ =	swait.ge [sflag:s3], $0x6000  }
0x3f7: {  	[sflag:s3] =	ssyncset.done $0x0  }
0x3f8: {  	[sflag:s3] =	ssyncadd.s32 $0xFFFFA000  }
0x3f9: {  	_ =	swait.ge [sflag:s4], $0x6000  }
0x3fa: {  	[sflag:s4] =	ssyncset.done $0x0  }
0x3fb: {  	[sflag:s4] =	ssyncadd.s32 $0xFFFFA000  }
0x3fc: {  	_ =	swait.ge [sflag:s5], $0x6000  }
0x3fd: {  	s9 =	simm.s32 $0x0;
	[sflag:s5] =	ssyncset.done $0x0  }
0x3fe: {  	s9 =	smul.u32 $0x1800, s9;
	s10 =	sand.u32 $0x380, s8;
	[sflag:s5] =	ssyncadd.s32 $0xFFFFA000  }
0x3ff: {  	[tilespmem:s8], [sflag:$0x1] =	stream.linear.gather [hbm4b:s25+s8], $0x6000, $0x38;
	[tilespmem:$0x18000] =	vst v63  }
0x400: {  	s9 =	sor.u32 s10, s9  }
0x401: {  	[tilespmem:s29], [sflag:$0x3] =	stream.linear.gather [hbm4b:s18+s8], $0x6000, $0x38;
	[tilespmem:$0x18000] =	vst v63  }
0x402: {  	v0 =	vld [tilespmem:s9+$0x13470]  }
0x403: {  	v3 =	vld [tilespmem:s9+$0x12000]  }
0x404: {  	v4 =	vld [tilespmem:s9+$0x12010]  }
0x405: {  	v5 =	vld [tilespmem:s9+$0x12020]  }
0x406: {  	v6 =	vld [tilespmem:s9+$0x12030]  }
0x407: {  	v7 =	vld [tilespmem:s9+$0x12040]  }
0x408: {  	v8 =	vld [tilespmem:s9+$0x12050]  }
0x409: {  	v9 =	vld [tilespmem:s9+$0x12060]  }
0x40a: {  	v10 =	vld [tilespmem:s9+$0x12070]  }
0x40b: {  	v11 =	vld [tilespmem:s9+$0x12400]  }
0x40c: {  	v12 =	vld [tilespmem:s9+$0x12410]  }
0x40d: {  	v13 =	vld [tilespmem:s9+$0x12420]  }
0x40e: {  	v14 =	vld [tilespmem:s9+$0x12430]  }
0x40f: {  	v15 =	vld [tilespmem:s9+$0x12440]  }
0x410: {  	v16 =	vld [tilespmem:s9+$0x12450]  }
0x411: {  	v17 =	vld [tilespmem:s9+$0x12460]  }
0x412: {  	v18 =	vld [tilespmem:s9+$0x12470]  }
0x413: {  	v19 =	vld [tilespmem:s9+$0x12800]  }
0x414: {  	v20 =	vld [tilespmem:s9+$0x12810]  }
0x415: {  	v21 =	vld [tilespmem:s9+$0x12820]  }
0x416: {  	v22 =	vld [tilespmem:s9+$0x12830]  }
0x417: {  	v23 =	vld [tilespmem:s9+$0x12840]  }
0x418: {  	v24 =	vld [tilespmem:s9+$0x12850]  }
0x419: {  	v25 =	vld [tilespmem:s9+$0x12860]  }
0x41a: {  	v26 =	vld [tilespmem:s9+$0x12870]  }
0x41b: {  	v27 =	vld [tilespmem:s9+$0x12C00]  }
0x41c: {  	v28 =	vld [tilespmem:s9+$0x12C10]  }
0x41d: {  	v29 =	vld [tilespmem:s9+$0x12C20]  }
0x41e: {  	v30 =	vld [tilespmem:s9+$0x12C30]  }
0x41f: {  	v31 =	vld [tilespmem:s9+$0x12C40]  }
0x420: {  	v32 =	vld [tilespmem:s9+$0x12C50]  }
0x421: {  	v33 =	vld [tilespmem:s9+$0x12C60]  }
0x422: {  	v34 =	vld [tilespmem:s9+$0x12C70]  }
0x423: {  	v35 =	vld [tilespmem:s9+$0x13000]  }
0x424: {  	v36 =	vld [tilespmem:s9+$0x13010]  }
0x425: {  	v37 =	vld [tilespmem:s9+$0x13020]  }
0x426: {  	v38 =	vld [tilespmem:s9+$0x13030]  }
0x427: {  	v39 =	vld [tilespmem:s9+$0x13040]  }
0x428: {  	v40 =	vld [tilespmem:s9+$0x13050]  }
0x429: {  	v41 =	vld [tilespmem:s9+$0x13060]  }
0x42a: {  	v42 =	vld [tilespmem:s9+$0x13070]  }
0x42b: {  	v43 =	vld [tilespmem:s9+$0x13400]  }
0x42c: {  	v44 =	vld [tilespmem:s9+$0x13410]  }
0x42d: {  	v45 =	vld [tilespmem:s9+$0x13420]  }
0x42e: {  	v46 =	vld [tilespmem:s9+$0x13430]  }
0x42f: {  	v2 =	vld [tilespmem:s9+$0x13440]  }
0x430: {  	v1 =	vld [tilespmem:s9+$0x13450]  }
0x431: {  	[tilespmem:s9+$0x7470] =	vst.add.f32.msk $0xffff, v0  }
0x432: {  	v0 =	vld [tilespmem:s9+$0x13460]  }
0x433: {  	[tilespmem:s9+$0x6000] =	vst.add.f32.msk $0xffff, v3  }
0x434: {  	[tilespmem:s9+$0x6010] =	vst.add.f32.msk $0xffff, v4  }
0x435: {  	[tilespmem:s9+$0x6020] =	vst.add.f32.msk $0xffff, v5  }
0x436: {  	[tilespmem:s9+$0x6030] =	vst.add.f32.msk $0xffff, v6  }
0x437: {  	[tilespmem:s9+$0x6040] =	vst.add.f32.msk $0xffff, v7  }
0x438: {  	[tilespmem:s9+$0x6050] =	vst.add.f32.msk $0xffff, v8  }
0x439: {  	[tilespmem:s9+$0x6060] =	vst.add.f32.msk $0xffff, v9  }
0x43a: {  	[tilespmem:s9+$0x6070] =	vst.add.f32.msk $0xffff, v10  }
0x43b: {  	[tilespmem:s9+$0x6400] =	vst.add.f32.msk $0xffff, v11  }
0x43c: {  	[tilespmem:s9+$0x6410] =	vst.add.f32.msk $0xffff, v12  }
0x43d: {  	[tilespmem:s9+$0x6420] =	vst.add.f32.msk $0xffff, v13  }
0x43e: {  	[tilespmem:s9+$0x6430] =	vst.add.f32.msk $0xffff, v14  }
0x43f: {  	[tilespmem:s9+$0x6440] =	vst.add.f32.msk $0xffff, v15  }
0x440: {  	[tilespmem:s9+$0x6450] =	vst.add.f32.msk $0xffff, v16  }
0x441: {  	[tilespmem:s9+$0x6460] =	vst.add.f32.msk $0xffff, v17  }
0x442: {  	[tilespmem:s9+$0x6470] =	vst.add.f32.msk $0xffff, v18  }
0x443: {  	[tilespmem:s9+$0x6800] =	vst.add.f32.msk $0xffff, v19  }
0x444: {  	[tilespmem:s9+$0x6810] =	vst.add.f32.msk $0xffff, v20  }
0x445: {  	[tilespmem:s9+$0x6820] =	vst.add.f32.msk $0xffff, v21  }
0x446: {  	[tilespmem:s9+$0x6830] =	vst.add.f32.msk $0xffff, v22  }
0x447: {  	[tilespmem:s9+$0x6840] =	vst.add.f32.msk $0xffff, v23  }
0x448: {  	[tilespmem:s9+$0x6850] =	vst.add.f32.msk $0xffff, v24  }
0x449: {  	[tilespmem:s9+$0x6860] =	vst.add.f32.msk $0xffff, v25  }
0x44a: {  	[tilespmem:s9+$0x6870] =	vst.add.f32.msk $0xffff, v26  }
0x44b: {  	[tilespmem:s9+$0x6C00] =	vst.add.f32.msk $0xffff, v27  }
0x44c: {  	[tilespmem:s9+$0x6C10] =	vst.add.f32.msk $0xffff, v28  }
0x44d: {  	[tilespmem:s9+$0x6C20] =	vst.add.f32.msk $0xffff, v29  }
0x44e: {  	[tilespmem:s9+$0x6C30] =	vst.add.f32.msk $0xffff, v30  }
0x44f: {  	[tilespmem:s9+$0x6C40] =	vst.add.f32.msk $0xffff, v31  }
0x450: {  	[tilespmem:s9+$0x6C50] =	vst.add.f32.msk $0xffff, v32  }
0x451: {  	[tilespmem:s9+$0x6C60] =	vst.add.f32.msk $0xffff, v33  }
0x452: {  	[tilespmem:s9+$0x6C70] =	vst.add.f32.msk $0xffff, v34  }
0x453: {  	[tilespmem:s9+$0x7000] =	vst.add.f32.msk $0xffff, v35  }
0x454: {  	[tilespmem:s9+$0x7010] =	vst.add.f32.msk $0xffff, v36  }
0x455: {  	[tilespmem:s9+$0x7020] =	vst.add.f32.msk $0xffff, v37  }
0x456: {  	[tilespmem:s9+$0x7030] =	vst.add.f32.msk $0xffff, v38  }
0x457: {  	[tilespmem:s9+$0x7040] =	vst.add.f32.msk $0xffff, v39  }
0x458: {  	[tilespmem:s9+$0x7050] =	vst.add.f32.msk $0xffff, v40  }
0x459: {  	[tilespmem:s9+$0x7060] =	vst.add.f32.msk $0xffff, v41  }
0x45a: {  	[tilespmem:s9+$0x7070] =	vst.add.f32.msk $0xffff, v42  }
0x45b: {  	[tilespmem:s9+$0x7400] =	vst.add.f32.msk $0xffff, v43  }
0x45c: {  	[tilespmem:s9+$0x7410] =	vst.add.f32.msk $0xffff, v44  }
0x45d: {  	[tilespmem:s9+$0x7420] =	vst.add.f32.msk $0xffff, v45  }
0x45e: {  	s11 =	simm.s32 $0x0;
	s10 =	simm.s32 $0x2;
	[tilespmem:s9+$0x7430] =	vst.add.f32.msk $0xffff, v46  }
.LBB2_12:
0x45f: {  	p0 =	sne.s32 s10, $0x1F;
	s11 =	smul.u32 $0x1800, s11;
	[tilespmem:s9+$0x7440] =	vst.add.f32.msk $0xffff, v2;
	s8 =	sadd.s32 $0x80, s8  }
0x460: {  	s12 =	sand.u32 $0x380, s8;
	[tilespmem:s9+$0x7450] =	vst.add.f32.msk $0xffff, v1  }
0x461: {  	[tilespmem:s9+$0x7460] =	vst.add.f32.msk $0xffff, v0;
	s9 =	sor.u32 s12, s11  }
0x462: {  	v0 =	vld [tilespmem:s9+$0x13470]  }
0x463: {  	v3 =	vld [tilespmem:s9+$0x12000]  }
0x464: {  	v4 =	vld [tilespmem:s9+$0x12010]  }
0x465: {  	v5 =	vld [tilespmem:s9+$0x12020]  }
0x466: {  	v6 =	vld [tilespmem:s9+$0x12030]  }
0x467: {  	[tilespmem:s9+$0x7470] =	vst.add.f32.msk $0xffff, v0  }
0x468: {  	v7 =	vld [tilespmem:s9+$0x12040]  }
0x469: {  	v8 =	vld [tilespmem:s9+$0x12050]  }
0x46a: {  	v9 =	vld [tilespmem:s9+$0x12060]  }
0x46b: {  	v10 =	vld [tilespmem:s9+$0x12070]  }
0x46c: {  	v11 =	vld [tilespmem:s9+$0x12400]  }
0x46d: {  	v12 =	vld [tilespmem:s9+$0x12410]  }
0x46e: {  	v13 =	vld [tilespmem:s9+$0x12420]  }
0x46f: {  	v14 =	vld [tilespmem:s9+$0x12430]  }
0x470: {  	v15 =	vld [tilespmem:s9+$0x12440]  }
0x471: {  	v16 =	vld [tilespmem:s9+$0x12450]  }
0x472: {  	v17 =	vld [tilespmem:s9+$0x12460]  }
0x473: {  	v18 =	vld [tilespmem:s9+$0x12470]  }
0x474: {  	v19 =	vld [tilespmem:s9+$0x12800]  }
0x475: {  	v20 =	vld [tilespmem:s9+$0x12810]  }
0x476: {  	v21 =	vld [tilespmem:s9+$0x12820]  }
0x477: {  	v22 =	vld [tilespmem:s9+$0x12830]  }
0x478: {  	v23 =	vld [tilespmem:s9+$0x12840]  }
0x479: {  	v24 =	vld [tilespmem:s9+$0x12850]  }
0x47a: {  	v25 =	vld [tilespmem:s9+$0x12860]  }
0x47b: {  	v26 =	vld [tilespmem:s9+$0x12870]  }
0x47c: {  	v27 =	vld [tilespmem:s9+$0x12C00]  }
0x47d: {  	v28 =	vld [tilespmem:s9+$0x12C10]  }
0x47e: {  	v29 =	vld [tilespmem:s9+$0x12C20]  }
0x47f: {  	v30 =	vld [tilespmem:s9+$0x12C30]  }
0x480: {  	v31 =	vld [tilespmem:s9+$0x12C40]  }
0x481: {  	v32 =	vld [tilespmem:s9+$0x12C50]  }
0x482: {  	v33 =	vld [tilespmem:s9+$0x12C60]  }
0x483: {  	v34 =	vld [tilespmem:s9+$0x12C70]  }
0x484: {  	v35 =	vld [tilespmem:s9+$0x13000]  }
0x485: {  	v36 =	vld [tilespmem:s9+$0x13010]  }
0x486: {  	v37 =	vld [tilespmem:s9+$0x13020]  }
0x487: {  	v38 =	vld [tilespmem:s9+$0x13030]  }
0x488: {  	v39 =	vld [tilespmem:s9+$0x13040]  }
0x489: {  	v40 =	vld [tilespmem:s9+$0x13050]  }
0x48a: {  	v41 =	vld [tilespmem:s9+$0x13060]  }
0x48b: {  	v42 =	vld [tilespmem:s9+$0x13070]  }
0x48c: {  	v43 =	vld [tilespmem:s9+$0x13400]  }
0x48d: {  	v44 =	vld [tilespmem:s9+$0x13410]  }
0x48e: {  	v45 =	vld [tilespmem:s9+$0x13420]  }
0x48f: {  	v46 =	vld [tilespmem:s9+$0x13430]  }
0x490: {  	v2 =	vld [tilespmem:s9+$0x13440]  }
0x491: {  	v1 =	vld [tilespmem:s9+$0x13450]  }
0x492: {  	v0 =	vld [tilespmem:s9+$0x13460]  }
0x493: {  	[tilespmem:s9+$0x6000] =	vst.add.f32.msk $0xffff, v3  }
0x494: {  	[tilespmem:s9+$0x6010] =	vst.add.f32.msk $0xffff, v4  }
0x495: {  	[tilespmem:s9+$0x6020] =	vst.add.f32.msk $0xffff, v5  }
0x496: {  	[tilespmem:s9+$0x6030] =	vst.add.f32.msk $0xffff, v6  }
0x497: {  	[tilespmem:s9+$0x6040] =	vst.add.f32.msk $0xffff, v7  }
0x498: {  	[tilespmem:s9+$0x6050] =	vst.add.f32.msk $0xffff, v8  }
0x499: {  	[tilespmem:s9+$0x6060] =	vst.add.f32.msk $0xffff, v9  }
0x49a: {  	[tilespmem:s9+$0x6070] =	vst.add.f32.msk $0xffff, v10  }
0x49b: {  	[tilespmem:s9+$0x6400] =	vst.add.f32.msk $0xffff, v11  }
0x49c: {  	[tilespmem:s9+$0x6410] =	vst.add.f32.msk $0xffff, v12  }
0x49d: {  	[tilespmem:s9+$0x6420] =	vst.add.f32.msk $0xffff, v13  }
0x49e: {  	[tilespmem:s9+$0x6430] =	vst.add.f32.msk $0xffff, v14  }
0x49f: {  	[tilespmem:s9+$0x6440] =	vst.add.f32.msk $0xffff, v15  }
0x4a0: {  	[tilespmem:s9+$0x6450] =	vst.add.f32.msk $0xffff, v16  }
0x4a1: {  	[tilespmem:s9+$0x6460] =	vst.add.f32.msk $0xffff, v17  }
0x4a2: {  	[tilespmem:s9+$0x6470] =	vst.add.f32.msk $0xffff, v18  }
0x4a3: {  	[tilespmem:s9+$0x6800] =	vst.add.f32.msk $0xffff, v19  }
0x4a4: {  	[tilespmem:s9+$0x6810] =	vst.add.f32.msk $0xffff, v20  }
0x4a5: {  	[tilespmem:s9+$0x6820] =	vst.add.f32.msk $0xffff, v21  }
0x4a6: {  	[tilespmem:s9+$0x6830] =	vst.add.f32.msk $0xffff, v22  }
0x4a7: {  	[tilespmem:s9+$0x6840] =	vst.add.f32.msk $0xffff, v23  }
0x4a8: {  	[tilespmem:s9+$0x6850] =	vst.add.f32.msk $0xffff, v24  }
0x4a9: {  	[tilespmem:s9+$0x6860] =	vst.add.f32.msk $0xffff, v25  }
0x4aa: {  	[tilespmem:s9+$0x6870] =	vst.add.f32.msk $0xffff, v26  }
0x4ab: {  	[tilespmem:s9+$0x6C00] =	vst.add.f32.msk $0xffff, v27  }
0x4ac: {  	[tilespmem:s9+$0x6C10] =	vst.add.f32.msk $0xffff, v28  }
0x4ad: {  	[tilespmem:s9+$0x6C20] =	vst.add.f32.msk $0xffff, v29  }
0x4ae: {  	[tilespmem:s9+$0x6C30] =	vst.add.f32.msk $0xffff, v30  }
0x4af: {  	[tilespmem:s9+$0x6C40] =	vst.add.f32.msk $0xffff, v31  }
0x4b0: {  	[tilespmem:s9+$0x6C50] =	vst.add.f32.msk $0xffff, v32  }
0x4b1: {  	[tilespmem:s9+$0x6C60] =	vst.add.f32.msk $0xffff, v33  }
0x4b2: {  	[tilespmem:s9+$0x6C70] =	vst.add.f32.msk $0xffff, v34  }
0x4b3: {  	[tilespmem:s9+$0x7000] =	vst.add.f32.msk $0xffff, v35  }
0x4b4: {  	[tilespmem:s9+$0x7010] =	vst.add.f32.msk $0xffff, v36  }
0x4b5: {  	[tilespmem:s9+$0x7020] =	vst.add.f32.msk $0xffff, v37  }
0x4b6: {  	[tilespmem:s9+$0x7030] =	vst.add.f32.msk $0xffff, v38  }
0x4b7: {  	[tilespmem:s9+$0x7040] =	vst.add.f32.msk $0xffff, v39  }
0x4b8: {  	[tilespmem:s9+$0x7050] =	vst.add.f32.msk $0xffff, v40  }
0x4b9: {  	[tilespmem:s9+$0x7060] =	vst.add.f32.msk $0xffff, v41  }
.Ltmp5:
0x4ba: {  	[tilespmem:s9+$0x7070] =	vst.add.f32.msk $0xffff, v42;
	(pc) =	sbr.rel @p0 .LBB2_12-.Ltmp5, $4  }
0x4bb: {  	[tilespmem:s9+$0x7400] =	vst.add.f32.msk $0xffff, v43  }
0x4bc: {  	[tilespmem:s9+$0x7410] =	vst.add.f32.msk $0xffff, v44  }
0x4bd: {  	[tilespmem:s9+$0x7420] =	vst.add.f32.msk $0xffff, v45  }
0x4be: {  	s11 =	sshrl.u32 s10, $0x3;
	s10 =	sadd.s32 $0x1, s10;
	[tilespmem:s9+$0x7430] =	vst.add.f32.msk $0xffff, v46  }
0x4bf: {  	s10 =	smul.u32 $0x1800, s11;
	[tilespmem:s9+$0x7440] =	vst.add.f32.msk $0xffff, v2;
	s8 =	sadd.s32 $0x80, s8  }
0x4c0: {  	[tilespmem:s9+$0x7450] =	vst.add.f32.msk $0xffff, v1;
	s8 =	sand.u32 $0x380, s8  }
0x4c1: {  	[tilespmem:s9+$0x7460] =	vst.add.f32.msk $0xffff, v0;
	s8 =	sor.u32 s8, s10  }
0x4c2: {  	v0 =	vld [tilespmem:s8+$0x13470]  }
0x4c3: {  	v1 =	vld [tilespmem:s8+$0x12000]  }
0x4c4: {  	v2 =	vld [tilespmem:s8+$0x12010]  }
0x4c5: {  	v3 =	vld [tilespmem:s8+$0x12020]  }
0x4c6: {  	v4 =	vld [tilespmem:s8+$0x12030]  }
0x4c7: {  	v63 =	vld [tilespmem:s8+$0x12040]  }
0x4c8: {  	v5 =	vld [tilespmem:s8+$0x12050]  }
0x4c9: {  	v6 =	vld [tilespmem:s8+$0x12060]  }
0x4ca: {  	v7 =	vld [tilespmem:s8+$0x12070]  }
0x4cb: {  	v8 =	vld [tilespmem:s8+$0x12400]  }
0x4cc: {  	v9 =	vld [tilespmem:s8+$0x12410]  }
0x4cd: {  	v10 =	vld [tilespmem:s8+$0x12420]  }
0x4ce: {  	v11 =	vld [tilespmem:s8+$0x12430]  }
0x4cf: {  	v12 =	vld [tilespmem:s8+$0x12440]  }
0x4d0: {  	v13 =	vld [tilespmem:s8+$0x12450]  }
0x4d1: {  	v14 =	vld [tilespmem:s8+$0x12460]  }
0x4d2: {  	v15 =	vld [tilespmem:s8+$0x12470]  }
0x4d3: {  	v16 =	vld [tilespmem:s8+$0x12800]  }
0x4d4: {  	v17 =	vld [tilespmem:s8+$0x12810]  }
0x4d5: {  	v18 =	vld [tilespmem:s8+$0x12820]  }
0x4d6: {  	v19 =	vld [tilespmem:s8+$0x12830]  }
0x4d7: {  	v20 =	vld [tilespmem:s8+$0x12840]  }
0x4d8: {  	v21 =	vld [tilespmem:s8+$0x12850]  }
0x4d9: {  	v22 =	vld [tilespmem:s8+$0x12860]  }
0x4da: {  	v23 =	vld [tilespmem:s8+$0x12870]  }
0x4db: {  	v24 =	vld [tilespmem:s8+$0x12C00]  }
0x4dc: {  	v25 =	vld [tilespmem:s8+$0x12C10]  }
0x4dd: {  	v26 =	vld [tilespmem:s8+$0x12C20]  }
0x4de: {  	v27 =	vld [tilespmem:s8+$0x12C30]  }
0x4df: {  	v28 =	vld [tilespmem:s8+$0x12C40]  }
0x4e0: {  	v29 =	vld [tilespmem:s8+$0x12C50]  }
0x4e1: {  	v30 =	vld [tilespmem:s8+$0x12C60]  }
0x4e2: {  	v31 =	vld [tilespmem:s8+$0x12C70]  }
0x4e3: {  	v32 =	vld [tilespmem:s8+$0x13000]  }
0x4e4: {  	v33 =	vld [tilespmem:s8+$0x13010]  }
0x4e5: {  	v34 =	vld [tilespmem:s8+$0x13020]  }
0x4e6: {  	v35 =	vld [tilespmem:s8+$0x13030]  }
0x4e7: {  	v36 =	vld [tilespmem:s8+$0x13040]  }
0x4e8: {  	v37 =	vld [tilespmem:s8+$0x13050]  }
0x4e9: {  	v38 =	vld [tilespmem:s8+$0x13060]  }
0x4ea: {  	v39 =	vld [tilespmem:s8+$0x13070]  }
0x4eb: {  	v40 =	vld [tilespmem:s8+$0x13400]  }
0x4ec: {  	v41 =	vld [tilespmem:s8+$0x13410]  }
0x4ed: {  	v42 =	vld [tilespmem:s8+$0x13420]  }
0x4ee: {  	v43 =	vld [tilespmem:s8+$0x13430]  }
0x4ef: {  	v44 =	vld [tilespmem:s8+$0x13440]  }
0x4f0: {  	v45 =	vld [tilespmem:s8+$0x13450]  }
0x4f1: {  	v46 =	vld [tilespmem:s8+$0x13460]  }
0x4f2: {  	[tilespmem:s8+$0x7470] =	vst.add.f32.msk $0xffff, v0  }
0x4f3: {  	[tilespmem:s8+$0x6000] =	vst.add.f32.msk $0xffff, v1  }
0x4f4: {  	[tilespmem:s8+$0x6010] =	vst.add.f32.msk $0xffff, v2  }
0x4f5: {  	[tilespmem:s8+$0x6020] =	vst.add.f32.msk $0xffff, v3  }
0x4f6: {  	[tilespmem:s8+$0x6030] =	vst.add.f32.msk $0xffff, v4  }
0x4f7: {  	[tilespmem:s8+$0x6040] =	vst.add.f32.msk $0xffff, v63  }
0x4f8: {  	[tilespmem:s8+$0x6050] =	vst.add.f32.msk $0xffff, v5  }
0x4f9: {  	[tilespmem:s8+$0x6060] =	vst.add.f32.msk $0xffff, v6  }
0x4fa: {  	[tilespmem:s8+$0x6070] =	vst.add.f32.msk $0xffff, v7  }
0x4fb: {  	[tilespmem:s8+$0x6400] =	vst.add.f32.msk $0xffff, v8  }
0x4fc: {  	[tilespmem:s8+$0x6410] =	vst.add.f32.msk $0xffff, v9  }
0x4fd: {  	[tilespmem:s8+$0x6420] =	vst.add.f32.msk $0xffff, v10  }
0x4fe: {  	[tilespmem:s8+$0x6430] =	vst.add.f32.msk $0xffff, v11  }
0x4ff: {  	[tilespmem:s8+$0x6440] =	vst.add.f32.msk $0xffff, v12  }
0x500: {  	[tilespmem:s8+$0x6450] =	vst.add.f32.msk $0xffff, v13  }
0x501: {  	[tilespmem:s8+$0x6460] =	vst.add.f32.msk $0xffff, v14  }
0x502: {  	[tilespmem:s8+$0x6470] =	vst.add.f32.msk $0xffff, v15  }
0x503: {  	[tilespmem:s8+$0x6800] =	vst.add.f32.msk $0xffff, v16  }
0x504: {  	[tilespmem:s8+$0x6810] =	vst.add.f32.msk $0xffff, v17  }
0x505: {  	[tilespmem:s8+$0x6820] =	vst.add.f32.msk $0xffff, v18  }
0x506: {  	[tilespmem:s8+$0x6830] =	vst.add.f32.msk $0xffff, v19  }
0x507: {  	[tilespmem:s8+$0x6840] =	vst.add.f32.msk $0xffff, v20  }
0x508: {  	[tilespmem:s8+$0x6850] =	vst.add.f32.msk $0xffff, v21  }
0x509: {  	[tilespmem:s8+$0x6860] =	vst.add.f32.msk $0xffff, v22  }
0x50a: {  	[tilespmem:s8+$0x6870] =	vst.add.f32.msk $0xffff, v23  }
0x50b: {  	[tilespmem:s8+$0x6C00] =	vst.add.f32.msk $0xffff, v24  }
0x50c: {  	[tilespmem:s8+$0x6C10] =	vst.add.f32.msk $0xffff, v25  }
0x50d: {  	[tilespmem:s8+$0x6C20] =	vst.add.f32.msk $0xffff, v26  }
0x50e: {  	[tilespmem:s8+$0x6C30] =	vst.add.f32.msk $0xffff, v27  }
0x50f: {  	[tilespmem:s8+$0x6C40] =	vst.add.f32.msk $0xffff, v28  }
0x510: {  	[tilespmem:s8+$0x6C50] =	vst.add.f32.msk $0xffff, v29  }
0x511: {  	[tilespmem:s8+$0x6C60] =	vst.add.f32.msk $0xffff, v30  }
0x512: {  	[tilespmem:s8+$0x6C70] =	vst.add.f32.msk $0xffff, v31  }
0x513: {  	[tilespmem:s8+$0x7000] =	vst.add.f32.msk $0xffff, v32  }
0x514: {  	[tilespmem:s8+$0x7010] =	vst.add.f32.msk $0xffff, v33  }
0x515: {  	[tilespmem:s8+$0x7020] =	vst.add.f32.msk $0xffff, v34  }
0x516: {  	[tilespmem:s8+$0x7030] =	vst.add.f32.msk $0xffff, v35  }
0x517: {  	[tilespmem:s8+$0x7040] =	vst.add.f32.msk $0xffff, v36  }
0x518: {  	[tilespmem:s8+$0x7050] =	vst.add.f32.msk $0xffff, v37  }
0x519: {  	[tilespmem:s8+$0x7060] =	vst.add.f32.msk $0xffff, v38  }
0x51a: {  	[tilespmem:s8+$0x7070] =	vst.add.f32.msk $0xffff, v39  }
0x51b: {  	[tilespmem:s8+$0x7400] =	vst.add.f32.msk $0xffff, v40  }
0x51c: {  	[tilespmem:s8+$0x7410] =	vst.add.f32.msk $0xffff, v41  }
0x51d: {  	[tilespmem:s8+$0x7420] =	vst.add.f32.msk $0xffff, v42  }
0x51e: {  	[tilespmem:s8+$0x7430] =	vst.add.f32.msk $0xffff, v43  }
0x51f: {  	[tilespmem:s8+$0x7440] =	vst.add.f32.msk $0xffff, v44  }
0x520: {  	[tilespmem:s8+$0x7450] =	vst.add.f32.msk $0xffff, v45  }
0x521: {  	[tilespmem:s8+$0x7460] =	vst.add.f32.msk $0xffff, v46;
	s8 =	simm.s32 $0x0  }
0x522: {  	[hbm4b:s19+s8] =	stream.linear.scatter [tilespmem:s1], [sflag:$0x6], $0x6000, $0x38;
	[tilespmem:$0x18000] =	vst v63  }
0x523: {  	_ =	swait.ge [sflag:s30], $0x6000  }
0x524: {  	[sflag:s30] =	ssyncset.done $0x0  }
0x525: {  	[sflag:s30] =	ssyncadd.s32 $0xFFFFA000  }
0x526: {  	_ =	swait.ge [sflag:s31], $0x6000  }
0x527: {  	[sflag:s31] =	ssyncset.done $0x0  }
0x528: {  	[sflag:s31] =	ssyncadd.s32 $0xFFFFA000  }
0x529: {  	_ =	swait.ge [sflag:s6], $0x6000  }
0x52a: {  	[sflag:s6] =	ssyncset.done $0x0  }
0x52b: {  	[sflag:s6] =	ssyncadd.s32 $0xFFFFA000  }
0x52c: {  	[tilespmem:s1], [sflag:$0x2] =	stream.linear.gather [hbm4b:s26+s8], $0x6000, $0x38;
	[tilespmem:$0x18000] =	vst v63  }
0x52d: {  	s9 =	simm.s32 $0x0  }
0x52e: {  	[tilespmem:s0], [sflag:$0x4] =	stream.linear.gather [hbm4b:s20+s8], $0x6000, $0x38;
	[tilespmem:$0x18000] =	vst v63  }
.LBB2_14:
0x52f: {  	s10 =	sshrl.u32 s9, $0x3  }
0x530: {  	s10 =	smul.u32 $0x1800, s10  }
0x531: {  	s11 =	sand.u32 $0x380, s8  }
0x532: {  	s10 =	sor.u32 s11, s10  }
0x533: {  	v0 =	vld [tilespmem:s10+$0xC000]  }
0x534: {  	v1 =	vld [tilespmem:s10+$0xC010];
	_ =	sdelay $0x3  }
0x535: {  	s11 =	sor.u32 $0x10, s10;
	[tilespmem:s10+$0x0] =	vst.add.f32.msk $0xffff, v0  }
0x536: {  	[tilespmem:s11+$0x0] =	vst.add.f32.msk $0xffff, v1  }
0x537: {  	v36 =	vld [tilespmem:s10+$0xC020];
	_ =	sdelay $0x3  }
0x538: {  	s12 =	sor.u32 $0x20, s10  }
0x539: {  	[tilespmem:s12+$0x0] =	vst.add.f32.msk $0xffff, v36  }
0x53a: {  	v0 =	vld [tilespmem:s10+$0xC030];
	_ =	sdelay $0x3  }
0x53b: {  	s12 =	sor.u32 $0x30, s10  }
0x53c: {  	[tilespmem:s12+$0x0] =	vst.add.f32.msk $0xffff, v0  }
0x53d: {  	v0 =	vld [tilespmem:s10+$0xC040];
	_ =	sdelay $0x3  }
0x53e: {  	s12 =	sor.u32 $0x40, s10  }
0x53f: {  	[tilespmem:s12+$0x0] =	vst.add.f32.msk $0xffff, v0  }
0x540: {  	v0 =	vld [tilespmem:s10+$0xC050];
	_ =	sdelay $0x3  }
0x541: {  	s12 =	sor.u32 $0x50, s10  }
0x542: {  	[tilespmem:s12+$0x0] =	vst.add.f32.msk $0xffff, v0  }
0x543: {  	v0 =	vld [tilespmem:s10+$0xC060];
	_ =	sdelay $0x3  }
0x544: {  	s12 =	sor.u32 $0x60, s10  }
0x545: {  	[tilespmem:s12+$0x0] =	vst.add.f32.msk $0xffff, v0  }
0x546: {  	v0 =	vld [tilespmem:s10+$0xC070];
	_ =	sdelay $0x3  }
0x547: {  	s12 =	sor.u32 $0x70, s10  }
0x548: {  	[tilespmem:s12+$0x0] =	vst.add.f32.msk $0xffff, v0  }
0x549: {  	v0 =	vld [tilespmem:s10+$0xC400];
	_ =	sdelay $0x3  }
0x54a: {  	s12 =	sor.u32 $0x400, s10  }
0x54b: {  	[tilespmem:s12+$0x0] =	vst.add.f32.msk $0xffff, v0  }
0x54c: {  	v0 =	vld [tilespmem:s10+$0xC410];
	_ =	sdelay $0x3  }
0x54d: {  	s12 =	sor.u32 $0x410, s10  }
0x54e: {  	[tilespmem:s12+$0x0] =	vst.add.f32.msk $0xffff, v0  }
0x54f: {  	v0 =	vld [tilespmem:s10+$0xC420];
	_ =	sdelay $0x3  }
0x550: {  	s12 =	sor.u32 $0x420, s10  }
0x551: {  	[tilespmem:s12+$0x0] =	vst.add.f32.msk $0xffff, v0  }
0x552: {  	v0 =	vld [tilespmem:s10+$0xC430];
	_ =	sdelay $0x3  }
0x553: {  	s12 =	sor.u32 $0x430, s10  }
0x554: {  	[tilespmem:s12+$0x0] =	vst.add.f32.msk $0xffff, v0  }
0x555: {  	v0 =	vld [tilespmem:s10+$0xC440];
	_ =	sdelay $0x3  }
0x556: {  	s12 =	sor.u32 $0x440, s10  }
0x557: {  	[tilespmem:s12+$0x0] =	vst.add.f32.msk $0xffff, v0  }
0x558: {  	v0 =	vld [tilespmem:s10+$0xC450];
	_ =	sdelay $0x3  }
0x559: {  	s12 =	sor.u32 $0x450, s10  }
0x55a: {  	[tilespmem:s12+$0x0] =	vst.add.f32.msk $0xffff, v0  }
0x55b: {  	v0 =	vld [tilespmem:s10+$0xC460];
	_ =	sdelay $0x3  }
0x55c: {  	s12 =	sor.u32 $0x460, s10  }
0x55d: {  	[tilespmem:s12+$0x0] =	vst.add.f32.msk $0xffff, v0  }
0x55e: {  	v0 =	vld [tilespmem:s10+$0xC470];
	_ =	sdelay $0x3  }
0x55f: {  	s12 =	sor.u32 $0x470, s10  }
0x560: {  	[tilespmem:s12+$0x0] =	vst.add.f32.msk $0xffff, v0  }
0x561: {  	v0 =	vld [tilespmem:s10+$0xC800]  }
0x562: {  	v1 =	vld [tilespmem:s10+$0xC810]  }
0x563: {  	v37 =	vld [tilespmem:s10+$0xC820]  }
0x564: {  	v38 =	vld [tilespmem:s10+$0xC830]  }
0x565: {  	v2 =	vld [tilespmem:s10+$0xC840]  }
0x566: {  	v3 =	vld [tilespmem:s10+$0xC850]  }
0x567: {  	v4 =	vld [tilespmem:s10+$0xC860]  }
0x568: {  	v39 =	vld [tilespmem:s10+$0xC870]  }
0x569: {  	v40 =	vld [tilespmem:s10+$0xCC00]  }
0x56a: {  	v41 =	vld [tilespmem:s10+$0xCC10]  }
0x56b: {  	v42 =	vld [tilespmem:s10+$0xCC20]  }
0x56c: {  	v43 =	vld [tilespmem:s10+$0xCC30]  }
0x56d: {  	v44 =	vld [tilespmem:s10+$0xCC40]  }
0x56e: {  	v45 =	vld [tilespmem:s10+$0xCC50]  }
0x56f: {  	v46 =	vld [tilespmem:s10+$0xCC60]  }
0x570: {  	v47 =	vld [tilespmem:s10+$0xCC70]  }
0x571: {  	v48 =	vld [tilespmem:s10+$0xD000]  }
0x572: {  	v49 =	vld [tilespmem:s10+$0xD010]  }
0x573: {  	v50 =	vld [tilespmem:s10+$0xD020]  }
0x574: {  	v51 =	vld [tilespmem:s10+$0xD030]  }
0x575: {  	v52 =	vld [tilespmem:s10+$0xD040]  }
0x576: {  	v53 =	vld [tilespmem:s10+$0xD050]  }
0x577: {  	v54 =	vld [tilespmem:s10+$0xD060]  }
0x578: {  	v55 =	vld [tilespmem:s10+$0xD070]  }
0x579: {  	v56 =	vld [tilespmem:s10+$0xD400]  }
0x57a: {  	v57 =	vld [tilespmem:s10+$0xD410]  }
0x57b: {  	v58 =	vld [tilespmem:s10+$0xD420]  }
0x57c: {  	v59 =	vld [tilespmem:s10+$0xD430]  }
0x57d: {  	v60 =	vld [tilespmem:s10+$0xD440]  }
0x57e: {  	v61 =	vld [tilespmem:s10+$0xD450]  }
0x57f: {  	v62 =	vld [tilespmem:s10+$0xD460]  }
0x580: {  	v63 =	vld [tilespmem:s10+$0xD470]  }
0x581: {  	[tilespmem:s10+$0x800] =	vst.add.f32.msk $0xffff, v0  }
0x582: {  	[tilespmem:s10+$0x810] =	vst.add.f32.msk $0xffff, v1  }
0x583: {  	[tilespmem:s10+$0x820] =	vst.add.f32.msk $0xffff, v37  }
0x584: {  	[tilespmem:s10+$0x830] =	vst.add.f32.msk $0xffff, v38  }
0x585: {  	[tilespmem:s10+$0x840] =	vst.add.f32.msk $0xffff, v2  }
0x586: {  	[tilespmem:s10+$0x850] =	vst.add.f32.msk $0xffff, v3  }
0x587: {  	[tilespmem:s10+$0x860] =	vst.add.f32.msk $0xffff, v4  }
0x588: {  	[tilespmem:s10+$0x870] =	vst.add.f32.msk $0xffff, v39  }
0x589: {  	[tilespmem:s10+$0xC00] =	vst.add.f32.msk $0xffff, v40  }
0x58a: {  	[tilespmem:s10+$0xC10] =	vst.add.f32.msk $0xffff, v41  }
0x58b: {  	[tilespmem:s10+$0xC20] =	vst.add.f32.msk $0xffff, v42  }
0x58c: {  	[tilespmem:s10+$0xC30] =	vst.add.f32.msk $0xffff, v43  }
0x58d: {  	[tilespmem:s10+$0xC40] =	vst.add.f32.msk $0xffff, v44  }
0x58e: {  	[tilespmem:s10+$0xC50] =	vst.add.f32.msk $0xffff, v45  }
0x58f: {  	[tilespmem:s10+$0xC60] =	vst.add.f32.msk $0xffff, v46  }
0x590: {  	[tilespmem:s10+$0xC70] =	vst.add.f32.msk $0xffff, v47  }
0x591: {  	[tilespmem:s10+$0x1000] =	vst.add.f32.msk $0xffff, v48  }
0x592: {  	[tilespmem:s10+$0x1010] =	vst.add.f32.msk $0xffff, v49  }
0x593: {  	[tilespmem:s10+$0x1020] =	vst.add.f32.msk $0xffff, v50  }
0x594: {  	[tilespmem:s10+$0x1030] =	vst.add.f32.msk $0xffff, v51  }
0x595: {  	[tilespmem:s10+$0x1040] =	vst.add.f32.msk $0xffff, v52  }
0x596: {  	[tilespmem:s10+$0x1050] =	vst.add.f32.msk $0xffff, v53  }
0x597: {  	[tilespmem:s10+$0x1060] =	vst.add.f32.msk $0xffff, v54  }
0x598: {  	[tilespmem:s10+$0x1070] =	vst.add.f32.msk $0xffff, v55  }
0x599: {  	[tilespmem:s10+$0x1400] =	vst.add.f32.msk $0xffff, v56  }
0x59a: {  	[tilespmem:s10+$0x1410] =	vst.add.f32.msk $0xffff, v57  }
0x59b: {  	p0 =	sne.s32 s9, $0x1F;
	[tilespmem:s10+$0x1420] =	vst.add.f32.msk $0xffff, v58  }
.Ltmp6:
0x59c: {  	[tilespmem:s10+$0x1430] =	vst.add.f32.msk $0xffff, v59;
	(pc) =	sbr.rel @p0 .LBB2_14-.Ltmp6, $4  }
0x59d: {  	[tilespmem:s10+$0x1440] =	vst.add.f32.msk $0xffff, v60  }
0x59e: {  	[tilespmem:s10+$0x1450] =	vst.add.f32.msk $0xffff, v61  }
0x59f: {  	[tilespmem:s10+$0x1460] =	vst.add.f32.msk $0xffff, v62  }
0x5a0: {  	s8 =	sadd.s32 $0x80, s8;
	s9 =	sadd.s32 $0x1, s9;
	[tilespmem:s10+$0x1470] =	vst.add.f32.msk $0xffff, v63  }
0x5a1: {  	s8 =	simm.s32 $0x0  }
0x5a2: {  	[hbm4b:s21+s8] =	stream.linear.scatter [tilespmem:s8], [sflag:$0x5], $0x6000, $0x38;
	[tilespmem:$0x18000] =	vst v63  }
0x5a3: {  	_ =	swait.ge [sflag:s3], $0x6000  }
0x5a4: {  	[sflag:s3] =	ssyncset.done $0x0  }
0x5a5: {  	s9 =	simm.s32 $0x0;
	[sflag:s3] =	ssyncadd.s32 $0xFFFFA000  }
0x5a6: {  	s9 =	smul.u32 $0x1800, s9;
	_ =	swait.ge [sflag:s4], $0x6000  }
0x5a7: {  	s10 =	sand.u32 $0x380, s8;
	[sflag:s4] =	ssyncset.done $0x0  }
0x5a8: {  	s9 =	sor.u32 s10, s9;
	[sflag:s4] =	ssyncadd.s32 $0xFFFFA000  }
0x5a9: {  	v0 =	vld [tilespmem:s9+$0x13470]  }
0x5aa: {  	v3 =	vld [tilespmem:s9+$0x12000]  }
0x5ab: {  	v4 =	vld [tilespmem:s9+$0x12010]  }
0x5ac: {  	v5 =	vld [tilespmem:s9+$0x12020]  }
0x5ad: {  	v6 =	vld [tilespmem:s9+$0x12030]  }
0x5ae: {  	v7 =	vld [tilespmem:s9+$0x12040]  }
0x5af: {  	v8 =	vld [tilespmem:s9+$0x12050]  }
0x5b0: {  	v9 =	vld [tilespmem:s9+$0x12060]  }
0x5b1: {  	v10 =	vld [tilespmem:s9+$0x12070]  }
0x5b2: {  	v11 =	vld [tilespmem:s9+$0x12400]  }
0x5b3: {  	v12 =	vld [tilespmem:s9+$0x12410]  }
0x5b4: {  	v13 =	vld [tilespmem:s9+$0x12420]  }
0x5b5: {  	v14 =	vld [tilespmem:s9+$0x12430]  }
0x5b6: {  	v15 =	vld [tilespmem:s9+$0x12440]  }
0x5b7: {  	v16 =	vld [tilespmem:s9+$0x12450]  }
0x5b8: {  	v17 =	vld [tilespmem:s9+$0x12460]  }
0x5b9: {  	v18 =	vld [tilespmem:s9+$0x12470]  }
0x5ba: {  	v19 =	vld [tilespmem:s9+$0x12800]  }
0x5bb: {  	v20 =	vld [tilespmem:s9+$0x12810]  }
0x5bc: {  	v21 =	vld [tilespmem:s9+$0x12820]  }
0x5bd: {  	v22 =	vld [tilespmem:s9+$0x12830]  }
0x5be: {  	v23 =	vld [tilespmem:s9+$0x12840]  }
0x5bf: {  	v24 =	vld [tilespmem:s9+$0x12850]  }
0x5c0: {  	v25 =	vld [tilespmem:s9+$0x12860]  }
0x5c1: {  	v26 =	vld [tilespmem:s9+$0x12870]  }
0x5c2: {  	v27 =	vld [tilespmem:s9+$0x12C00]  }
0x5c3: {  	v28 =	vld [tilespmem:s9+$0x12C10]  }
0x5c4: {  	v29 =	vld [tilespmem:s9+$0x12C20]  }
0x5c5: {  	v30 =	vld [tilespmem:s9+$0x12C30]  }
0x5c6: {  	v31 =	vld [tilespmem:s9+$0x12C40]  }
0x5c7: {  	v32 =	vld [tilespmem:s9+$0x12C50]  }
0x5c8: {  	v33 =	vld [tilespmem:s9+$0x12C60]  }
0x5c9: {  	v34 =	vld [tilespmem:s9+$0x12C70]  }
0x5ca: {  	v35 =	vld [tilespmem:s9+$0x13000]  }
0x5cb: {  	v36 =	vld [tilespmem:s9+$0x13010]  }
0x5cc: {  	v37 =	vld [tilespmem:s9+$0x13020]  }
0x5cd: {  	v38 =	vld [tilespmem:s9+$0x13030]  }
0x5ce: {  	v39 =	vld [tilespmem:s9+$0x13040]  }
0x5cf: {  	v40 =	vld [tilespmem:s9+$0x13050]  }
0x5d0: {  	v41 =	vld [tilespmem:s9+$0x13060]  }
0x5d1: {  	v42 =	vld [tilespmem:s9+$0x13070]  }
0x5d2: {  	v43 =	vld [tilespmem:s9+$0x13400]  }
0x5d3: {  	v44 =	vld [tilespmem:s9+$0x13410]  }
0x5d4: {  	v45 =	vld [tilespmem:s9+$0x13420]  }
0x5d5: {  	v46 =	vld [tilespmem:s9+$0x13430]  }
0x5d6: {  	v2 =	vld [tilespmem:s9+$0x13440]  }
0x5d7: {  	v1 =	vld [tilespmem:s9+$0x13450]  }
0x5d8: {  	[tilespmem:s9+$0x7470] =	vst.add.f32.msk $0xffff, v0  }
0x5d9: {  	v0 =	vld [tilespmem:s9+$0x13460]  }
0x5da: {  	[tilespmem:s9+$0x6000] =	vst.add.f32.msk $0xffff, v3  }
0x5db: {  	[tilespmem:s9+$0x6010] =	vst.add.f32.msk $0xffff, v4  }
0x5dc: {  	[tilespmem:s9+$0x6020] =	vst.add.f32.msk $0xffff, v5  }
0x5dd: {  	[tilespmem:s9+$0x6030] =	vst.add.f32.msk $0xffff, v6  }
0x5de: {  	[tilespmem:s9+$0x6040] =	vst.add.f32.msk $0xffff, v7  }
0x5df: {  	[tilespmem:s9+$0x6050] =	vst.add.f32.msk $0xffff, v8  }
0x5e0: {  	[tilespmem:s9+$0x6060] =	vst.add.f32.msk $0xffff, v9  }
0x5e1: {  	[tilespmem:s9+$0x6070] =	vst.add.f32.msk $0xffff, v10  }
0x5e2: {  	[tilespmem:s9+$0x6400] =	vst.add.f32.msk $0xffff, v11  }
0x5e3: {  	[tilespmem:s9+$0x6410] =	vst.add.f32.msk $0xffff, v12  }
0x5e4: {  	[tilespmem:s9+$0x6420] =	vst.add.f32.msk $0xffff, v13  }
0x5e5: {  	[tilespmem:s9+$0x6430] =	vst.add.f32.msk $0xffff, v14  }
0x5e6: {  	[tilespmem:s9+$0x6440] =	vst.add.f32.msk $0xffff, v15  }
0x5e7: {  	[tilespmem:s9+$0x6450] =	vst.add.f32.msk $0xffff, v16  }
0x5e8: {  	[tilespmem:s9+$0x6460] =	vst.add.f32.msk $0xffff, v17  }
0x5e9: {  	[tilespmem:s9+$0x6470] =	vst.add.f32.msk $0xffff, v18  }
0x5ea: {  	[tilespmem:s9+$0x6800] =	vst.add.f32.msk $0xffff, v19  }
0x5eb: {  	[tilespmem:s9+$0x6810] =	vst.add.f32.msk $0xffff, v20  }
0x5ec: {  	[tilespmem:s9+$0x6820] =	vst.add.f32.msk $0xffff, v21  }
0x5ed: {  	[tilespmem:s9+$0x6830] =	vst.add.f32.msk $0xffff, v22  }
0x5ee: {  	[tilespmem:s9+$0x6840] =	vst.add.f32.msk $0xffff, v23  }
0x5ef: {  	[tilespmem:s9+$0x6850] =	vst.add.f32.msk $0xffff, v24  }
0x5f0: {  	[tilespmem:s9+$0x6860] =	vst.add.f32.msk $0xffff, v25  }
0x5f1: {  	[tilespmem:s9+$0x6870] =	vst.add.f32.msk $0xffff, v26  }
0x5f2: {  	[tilespmem:s9+$0x6C00] =	vst.add.f32.msk $0xffff, v27  }
0x5f3: {  	[tilespmem:s9+$0x6C10] =	vst.add.f32.msk $0xffff, v28  }
0x5f4: {  	[tilespmem:s9+$0x6C20] =	vst.add.f32.msk $0xffff, v29  }
0x5f5: {  	[tilespmem:s9+$0x6C30] =	vst.add.f32.msk $0xffff, v30  }
0x5f6: {  	[tilespmem:s9+$0x6C40] =	vst.add.f32.msk $0xffff, v31  }
0x5f7: {  	[tilespmem:s9+$0x6C50] =	vst.add.f32.msk $0xffff, v32  }
0x5f8: {  	[tilespmem:s9+$0x6C60] =	vst.add.f32.msk $0xffff, v33  }
0x5f9: {  	[tilespmem:s9+$0x6C70] =	vst.add.f32.msk $0xffff, v34  }
0x5fa: {  	[tilespmem:s9+$0x7000] =	vst.add.f32.msk $0xffff, v35  }
0x5fb: {  	[tilespmem:s9+$0x7010] =	vst.add.f32.msk $0xffff, v36  }
0x5fc: {  	[tilespmem:s9+$0x7020] =	vst.add.f32.msk $0xffff, v37  }
0x5fd: {  	[tilespmem:s9+$0x7030] =	vst.add.f32.msk $0xffff, v38  }
0x5fe: {  	[tilespmem:s9+$0x7040] =	vst.add.f32.msk $0xffff, v39  }
0x5ff: {  	[tilespmem:s9+$0x7050] =	vst.add.f32.msk $0xffff, v40  }
0x600: {  	[tilespmem:s9+$0x7060] =	vst.add.f32.msk $0xffff, v41  }
0x601: {  	[tilespmem:s9+$0x7070] =	vst.add.f32.msk $0xffff, v42  }
0x602: {  	[tilespmem:s9+$0x7400] =	vst.add.f32.msk $0xffff, v43  }
0x603: {  	[tilespmem:s9+$0x7410] =	vst.add.f32.msk $0xffff, v44  }
0x604: {  	[tilespmem:s9+$0x7420] =	vst.add.f32.msk $0xffff, v45  }
0x605: {  	s11 =	simm.s32 $0x0;
	s10 =	simm.s32 $0x2;
	[tilespmem:s9+$0x7430] =	vst.add.f32.msk $0xffff, v46  }
.LBB2_16:
0x606: {  	p0 =	sne.s32 s10, $0x1F;
	s11 =	smul.u32 $0x1800, s11;
	[tilespmem:s9+$0x7440] =	vst.add.f32.msk $0xffff, v2;
	s8 =	sadd.s32 $0x80, s8  }
0x607: {  	s12 =	sand.u32 $0x380, s8;
	[tilespmem:s9+$0x7450] =	vst.add.f32.msk $0xffff, v1  }
0x608: {  	[tilespmem:s9+$0x7460] =	vst.add.f32.msk $0xffff, v0;
	s9 =	sor.u32 s12, s11  }
0x609: {  	v0 =	vld [tilespmem:s9+$0x13470]  }
0x60a: {  	v3 =	vld [tilespmem:s9+$0x12000]  }
0x60b: {  	v4 =	vld [tilespmem:s9+$0x12010]  }
0x60c: {  	v5 =	vld [tilespmem:s9+$0x12020]  }
0x60d: {  	v6 =	vld [tilespmem:s9+$0x12030]  }
0x60e: {  	[tilespmem:s9+$0x7470] =	vst.add.f32.msk $0xffff, v0  }
0x60f: {  	v7 =	vld [tilespmem:s9+$0x12040]  }
0x610: {  	v8 =	vld [tilespmem:s9+$0x12050]  }
0x611: {  	v9 =	vld [tilespmem:s9+$0x12060]  }
0x612: {  	v10 =	vld [tilespmem:s9+$0x12070]  }
0x613: {  	v11 =	vld [tilespmem:s9+$0x12400]  }
0x614: {  	v12 =	vld [tilespmem:s9+$0x12410]  }
0x615: {  	v13 =	vld [tilespmem:s9+$0x12420]  }
0x616: {  	v14 =	vld [tilespmem:s9+$0x12430]  }
0x617: {  	v15 =	vld [tilespmem:s9+$0x12440]  }
0x618: {  	v16 =	vld [tilespmem:s9+$0x12450]  }
0x619: {  	v17 =	vld [tilespmem:s9+$0x12460]  }
0x61a: {  	v18 =	vld [tilespmem:s9+$0x12470]  }
0x61b: {  	v19 =	vld [tilespmem:s9+$0x12800]  }
0x61c: {  	v20 =	vld [tilespmem:s9+$0x12810]  }
0x61d: {  	v21 =	vld [tilespmem:s9+$0x12820]  }
0x61e: {  	v22 =	vld [tilespmem:s9+$0x12830]  }
0x61f: {  	v23 =	vld [tilespmem:s9+$0x12840]  }
0x620: {  	v24 =	vld [tilespmem:s9+$0x12850]  }
0x621: {  	v25 =	vld [tilespmem:s9+$0x12860]  }
0x622: {  	v26 =	vld [tilespmem:s9+$0x12870]  }
0x623: {  	v27 =	vld [tilespmem:s9+$0x12C00]  }
0x624: {  	v28 =	vld [tilespmem:s9+$0x12C10]  }
0x625: {  	v29 =	vld [tilespmem:s9+$0x12C20]  }
0x626: {  	v30 =	vld [tilespmem:s9+$0x12C30]  }
0x627: {  	v31 =	vld [tilespmem:s9+$0x12C40]  }
0x628: {  	v32 =	vld [tilespmem:s9+$0x12C50]  }
0x629: {  	v33 =	vld [tilespmem:s9+$0x12C60]  }
0x62a: {  	v34 =	vld [tilespmem:s9+$0x12C70]  }
0x62b: {  	v35 =	vld [tilespmem:s9+$0x13000]  }
0x62c: {  	v36 =	vld [tilespmem:s9+$0x13010]  }
0x62d: {  	v37 =	vld [tilespmem:s9+$0x13020]  }
0x62e: {  	v38 =	vld [tilespmem:s9+$0x13030]  }
0x62f: {  	v39 =	vld [tilespmem:s9+$0x13040]  }
0x630: {  	v40 =	vld [tilespmem:s9+$0x13050]  }
0x631: {  	v41 =	vld [tilespmem:s9+$0x13060]  }
0x632: {  	v42 =	vld [tilespmem:s9+$0x13070]  }
0x633: {  	v43 =	vld [tilespmem:s9+$0x13400]  }
0x634: {  	v44 =	vld [tilespmem:s9+$0x13410]  }
0x635: {  	v45 =	vld [tilespmem:s9+$0x13420]  }
0x636: {  	v46 =	vld [tilespmem:s9+$0x13430]  }
0x637: {  	v2 =	vld [tilespmem:s9+$0x13440]  }
0x638: {  	v1 =	vld [tilespmem:s9+$0x13450]  }
0x639: {  	v0 =	vld [tilespmem:s9+$0x13460]  }
0x63a: {  	[tilespmem:s9+$0x6000] =	vst.add.f32.msk $0xffff, v3  }
0x63b: {  	[tilespmem:s9+$0x6010] =	vst.add.f32.msk $0xffff, v4  }
0x63c: {  	[tilespmem:s9+$0x6020] =	vst.add.f32.msk $0xffff, v5  }
0x63d: {  	[tilespmem:s9+$0x6030] =	vst.add.f32.msk $0xffff, v6  }
0x63e: {  	[tilespmem:s9+$0x6040] =	vst.add.f32.msk $0xffff, v7  }
0x63f: {  	[tilespmem:s9+$0x6050] =	vst.add.f32.msk $0xffff, v8  }
0x640: {  	[tilespmem:s9+$0x6060] =	vst.add.f32.msk $0xffff, v9  }
0x641: {  	[tilespmem:s9+$0x6070] =	vst.add.f32.msk $0xffff, v10  }
0x642: {  	[tilespmem:s9+$0x6400] =	vst.add.f32.msk $0xffff, v11  }
0x643: {  	[tilespmem:s9+$0x6410] =	vst.add.f32.msk $0xffff, v12  }
0x644: {  	[tilespmem:s9+$0x6420] =	vst.add.f32.msk $0xffff, v13  }
0x645: {  	[tilespmem:s9+$0x6430] =	vst.add.f32.msk $0xffff, v14  }
0x646: {  	[tilespmem:s9+$0x6440] =	vst.add.f32.msk $0xffff, v15  }
0x647: {  	[tilespmem:s9+$0x6450] =	vst.add.f32.msk $0xffff, v16  }
0x648: {  	[tilespmem:s9+$0x6460] =	vst.add.f32.msk $0xffff, v17  }
0x649: {  	[tilespmem:s9+$0x6470] =	vst.add.f32.msk $0xffff, v18  }
0x64a: {  	[tilespmem:s9+$0x6800] =	vst.add.f32.msk $0xffff, v19  }
0x64b: {  	[tilespmem:s9+$0x6810] =	vst.add.f32.msk $0xffff, v20  }
0x64c: {  	[tilespmem:s9+$0x6820] =	vst.add.f32.msk $0xffff, v21  }
0x64d: {  	[tilespmem:s9+$0x6830] =	vst.add.f32.msk $0xffff, v22  }
0x64e: {  	[tilespmem:s9+$0x6840] =	vst.add.f32.msk $0xffff, v23  }
0x64f: {  	[tilespmem:s9+$0x6850] =	vst.add.f32.msk $0xffff, v24  }
0x650: {  	[tilespmem:s9+$0x6860] =	vst.add.f32.msk $0xffff, v25  }
0x651: {  	[tilespmem:s9+$0x6870] =	vst.add.f32.msk $0xffff, v26  }
0x652: {  	[tilespmem:s9+$0x6C00] =	vst.add.f32.msk $0xffff, v27  }
0x653: {  	[tilespmem:s9+$0x6C10] =	vst.add.f32.msk $0xffff, v28  }
0x654: {  	[tilespmem:s9+$0x6C20] =	vst.add.f32.msk $0xffff, v29  }
0x655: {  	[tilespmem:s9+$0x6C30] =	vst.add.f32.msk $0xffff, v30  }
0x656: {  	[tilespmem:s9+$0x6C40] =	vst.add.f32.msk $0xffff, v31  }
0x657: {  	[tilespmem:s9+$0x6C50] =	vst.add.f32.msk $0xffff, v32  }
0x658: {  	[tilespmem:s9+$0x6C60] =	vst.add.f32.msk $0xffff, v33  }
0x659: {  	[tilespmem:s9+$0x6C70] =	vst.add.f32.msk $0xffff, v34  }
0x65a: {  	[tilespmem:s9+$0x7000] =	vst.add.f32.msk $0xffff, v35  }
0x65b: {  	[tilespmem:s9+$0x7010] =	vst.add.f32.msk $0xffff, v36  }
0x65c: {  	[tilespmem:s9+$0x7020] =	vst.add.f32.msk $0xffff, v37  }
0x65d: {  	[tilespmem:s9+$0x7030] =	vst.add.f32.msk $0xffff, v38  }
0x65e: {  	[tilespmem:s9+$0x7040] =	vst.add.f32.msk $0xffff, v39  }
0x65f: {  	[tilespmem:s9+$0x7050] =	vst.add.f32.msk $0xffff, v40  }
0x660: {  	[tilespmem:s9+$0x7060] =	vst.add.f32.msk $0xffff, v41  }
.Ltmp7:
0x661: {  	[tilespmem:s9+$0x7070] =	vst.add.f32.msk $0xffff, v42;
	(pc) =	sbr.rel @p0 .LBB2_16-.Ltmp7, $4  }
0x662: {  	[tilespmem:s9+$0x7400] =	vst.add.f32.msk $0xffff, v43  }
0x663: {  	[tilespmem:s9+$0x7410] =	vst.add.f32.msk $0xffff, v44  }
0x664: {  	[tilespmem:s9+$0x7420] =	vst.add.f32.msk $0xffff, v45  }
0x665: {  	s11 =	sshrl.u32 s10, $0x3;
	s10 =	sadd.s32 $0x1, s10;
	[tilespmem:s9+$0x7430] =	vst.add.f32.msk $0xffff, v46  }
0x666: {  	s10 =	smul.u32 $0x1800, s11;
	[tilespmem:s9+$0x7440] =	vst.add.f32.msk $0xffff, v2;
	s8 =	sadd.s32 $0x80, s8  }
0x667: {  	[tilespmem:s9+$0x7450] =	vst.add.f32.msk $0xffff, v1;
	s8 =	sand.u32 $0x380, s8  }
0x668: {  	[tilespmem:s9+$0x7460] =	vst.add.f32.msk $0xffff, v0;
	s8 =	sor.u32 s8, s10  }
0x669: {  	v0 =	vld [tilespmem:s8+$0x13470]  }
0x66a: {  	v1 =	vld [tilespmem:s8+$0x12000]  }
0x66b: {  	v2 =	vld [tilespmem:s8+$0x12010]  }
0x66c: {  	v3 =	vld [tilespmem:s8+$0x12020]  }
0x66d: {  	v4 =	vld [tilespmem:s8+$0x12030]  }
0x66e: {  	v63 =	vld [tilespmem:s8+$0x12040]  }
0x66f: {  	v5 =	vld [tilespmem:s8+$0x12050]  }
0x670: {  	v6 =	vld [tilespmem:s8+$0x12060]  }
0x671: {  	v7 =	vld [tilespmem:s8+$0x12070]  }
0x672: {  	v8 =	vld [tilespmem:s8+$0x12400]  }
0x673: {  	v9 =	vld [tilespmem:s8+$0x12410]  }
0x674: {  	v10 =	vld [tilespmem:s8+$0x12420]  }
0x675: {  	v11 =	vld [tilespmem:s8+$0x12430]  }
0x676: {  	v12 =	vld [tilespmem:s8+$0x12440]  }
0x677: {  	v13 =	vld [tilespmem:s8+$0x12450]  }
0x678: {  	v14 =	vld [tilespmem:s8+$0x12460]  }
0x679: {  	v15 =	vld [tilespmem:s8+$0x12470]  }
0x67a: {  	v16 =	vld [tilespmem:s8+$0x12800]  }
0x67b: {  	v17 =	vld [tilespmem:s8+$0x12810]  }
0x67c: {  	v18 =	vld [tilespmem:s8+$0x12820]  }
0x67d: {  	v19 =	vld [tilespmem:s8+$0x12830]  }
0x67e: {  	v20 =	vld [tilespmem:s8+$0x12840]  }
0x67f: {  	v21 =	vld [tilespmem:s8+$0x12850]  }
0x680: {  	v22 =	vld [tilespmem:s8+$0x12860]  }
0x681: {  	v23 =	vld [tilespmem:s8+$0x12870]  }
0x682: {  	v24 =	vld [tilespmem:s8+$0x12C00]  }
0x683: {  	v25 =	vld [tilespmem:s8+$0x12C10]  }
0x684: {  	v26 =	vld [tilespmem:s8+$0x12C20]  }
0x685: {  	v27 =	vld [tilespmem:s8+$0x12C30]  }
0x686: {  	v28 =	vld [tilespmem:s8+$0x12C40]  }
0x687: {  	v29 =	vld [tilespmem:s8+$0x12C50]  }
0x688: {  	v30 =	vld [tilespmem:s8+$0x12C60]  }
0x689: {  	v31 =	vld [tilespmem:s8+$0x12C70]  }
0x68a: {  	v32 =	vld [tilespmem:s8+$0x13000]  }
0x68b: {  	v33 =	vld [tilespmem:s8+$0x13010]  }
0x68c: {  	v34 =	vld [tilespmem:s8+$0x13020]  }
0x68d: {  	v35 =	vld [tilespmem:s8+$0x13030]  }
0x68e: {  	v36 =	vld [tilespmem:s8+$0x13040]  }
0x68f: {  	v37 =	vld [tilespmem:s8+$0x13050]  }
0x690: {  	v38 =	vld [tilespmem:s8+$0x13060]  }
0x691: {  	v39 =	vld [tilespmem:s8+$0x13070]  }
0x692: {  	v40 =	vld [tilespmem:s8+$0x13400]  }
0x693: {  	v41 =	vld [tilespmem:s8+$0x13410]  }
0x694: {  	v42 =	vld [tilespmem:s8+$0x13420]  }
0x695: {  	v43 =	vld [tilespmem:s8+$0x13430]  }
0x696: {  	v44 =	vld [tilespmem:s8+$0x13440]  }
0x697: {  	v45 =	vld [tilespmem:s8+$0x13450]  }
0x698: {  	v46 =	vld [tilespmem:s8+$0x13460]  }
0x699: {  	[tilespmem:s8+$0x7470] =	vst.add.f32.msk $0xffff, v0  }
0x69a: {  	[tilespmem:s8+$0x6000] =	vst.add.f32.msk $0xffff, v1  }
0x69b: {  	[tilespmem:s8+$0x6010] =	vst.add.f32.msk $0xffff, v2  }
0x69c: {  	[tilespmem:s8+$0x6020] =	vst.add.f32.msk $0xffff, v3  }
0x69d: {  	[tilespmem:s8+$0x6030] =	vst.add.f32.msk $0xffff, v4  }
0x69e: {  	[tilespmem:s8+$0x6040] =	vst.add.f32.msk $0xffff, v63  }
0x69f: {  	[tilespmem:s8+$0x6050] =	vst.add.f32.msk $0xffff, v5  }
0x6a0: {  	[tilespmem:s8+$0x6060] =	vst.add.f32.msk $0xffff, v6  }
0x6a1: {  	[tilespmem:s8+$0x6070] =	vst.add.f32.msk $0xffff, v7  }
0x6a2: {  	[tilespmem:s8+$0x6400] =	vst.add.f32.msk $0xffff, v8  }
0x6a3: {  	[tilespmem:s8+$0x6410] =	vst.add.f32.msk $0xffff, v9  }
0x6a4: {  	[tilespmem:s8+$0x6420] =	vst.add.f32.msk $0xffff, v10  }
0x6a5: {  	[tilespmem:s8+$0x6430] =	vst.add.f32.msk $0xffff, v11  }
0x6a6: {  	[tilespmem:s8+$0x6440] =	vst.add.f32.msk $0xffff, v12  }
0x6a7: {  	[tilespmem:s8+$0x6450] =	vst.add.f32.msk $0xffff, v13  }
0x6a8: {  	[tilespmem:s8+$0x6460] =	vst.add.f32.msk $0xffff, v14  }
0x6a9: {  	[tilespmem:s8+$0x6470] =	vst.add.f32.msk $0xffff, v15  }
0x6aa: {  	[tilespmem:s8+$0x6800] =	vst.add.f32.msk $0xffff, v16  }
0x6ab: {  	[tilespmem:s8+$0x6810] =	vst.add.f32.msk $0xffff, v17  }
0x6ac: {  	[tilespmem:s8+$0x6820] =	vst.add.f32.msk $0xffff, v18  }
0x6ad: {  	[tilespmem:s8+$0x6830] =	vst.add.f32.msk $0xffff, v19  }
0x6ae: {  	[tilespmem:s8+$0x6840] =	vst.add.f32.msk $0xffff, v20  }
0x6af: {  	[tilespmem:s8+$0x6850] =	vst.add.f32.msk $0xffff, v21  }
0x6b0: {  	[tilespmem:s8+$0x6860] =	vst.add.f32.msk $0xffff, v22  }
0x6b1: {  	[tilespmem:s8+$0x6870] =	vst.add.f32.msk $0xffff, v23  }
0x6b2: {  	[tilespmem:s8+$0x6C00] =	vst.add.f32.msk $0xffff, v24  }
0x6b3: {  	[tilespmem:s8+$0x6C10] =	vst.add.f32.msk $0xffff, v25  }
0x6b4: {  	[tilespmem:s8+$0x6C20] =	vst.add.f32.msk $0xffff, v26  }
0x6b5: {  	[tilespmem:s8+$0x6C30] =	vst.add.f32.msk $0xffff, v27  }
0x6b6: {  	[tilespmem:s8+$0x6C40] =	vst.add.f32.msk $0xffff, v28  }
0x6b7: {  	[tilespmem:s8+$0x6C50] =	vst.add.f32.msk $0xffff, v29  }
0x6b8: {  	[tilespmem:s8+$0x6C60] =	vst.add.f32.msk $0xffff, v30  }
0x6b9: {  	[tilespmem:s8+$0x6C70] =	vst.add.f32.msk $0xffff, v31  }
0x6ba: {  	[tilespmem:s8+$0x7000] =	vst.add.f32.msk $0xffff, v32  }
0x6bb: {  	[tilespmem:s8+$0x7010] =	vst.add.f32.msk $0xffff, v33  }
0x6bc: {  	[tilespmem:s8+$0x7020] =	vst.add.f32.msk $0xffff, v34  }
0x6bd: {  	[tilespmem:s8+$0x7030] =	vst.add.f32.msk $0xffff, v35  }
0x6be: {  	[tilespmem:s8+$0x7040] =	vst.add.f32.msk $0xffff, v36  }
0x6bf: {  	[tilespmem:s8+$0x7050] =	vst.add.f32.msk $0xffff, v37  }
0x6c0: {  	[tilespmem:s8+$0x7060] =	vst.add.f32.msk $0xffff, v38  }
0x6c1: {  	[tilespmem:s8+$0x7070] =	vst.add.f32.msk $0xffff, v39  }
0x6c2: {  	[tilespmem:s8+$0x7400] =	vst.add.f32.msk $0xffff, v40  }
0x6c3: {  	[tilespmem:s8+$0x7410] =	vst.add.f32.msk $0xffff, v41  }
0x6c4: {  	[tilespmem:s8+$0x7420] =	vst.add.f32.msk $0xffff, v42  }
0x6c5: {  	[tilespmem:s8+$0x7430] =	vst.add.f32.msk $0xffff, v43  }
0x6c6: {  	[tilespmem:s8+$0x7440] =	vst.add.f32.msk $0xffff, v44  }
0x6c7: {  	[tilespmem:s8+$0x7450] =	vst.add.f32.msk $0xffff, v45  }
0x6c8: {  	s7 =	sadd.s32 $0x1, s7;
	[tilespmem:s8+$0x7460] =	vst.add.f32.msk $0xffff, v46  }
0x6c9: {  	[hbm4b:s23+s2] =	stream.linear.scatter [tilespmem:s1], [sflag:$0x6], $0x6000, $0x38;
	[tilespmem:$0x18000] =	vst v63  }
0x6ca: {  	p0 =	sne.s32 s7, s28;
	_ =	swait.ge [sflag:s5], $0x6000  }
.Ltmp8:
0x6cb: {  	[sflag:s5] =	ssyncset.done $0x0;
	(pc) =	sbr.rel @p0 .LBB2_1-.Ltmp8, $4  }
0x6cc: {  	[sflag:s5] =	ssyncadd.s32 $0xFFFFA000  }
0x6cd: {  	_ =	swait.ge [sflag:s6], $0x6000  }
0x6ce: {  	[sflag:s6] =	ssyncset.done $0x0  }
0x6cf: {  	[sflag:s6] =	ssyncadd.s32 $0xFFFFA000  }
0x6d0: {  	_ =	sfence.sel $0x180000  }
0x6d1: {  	[bflag:$0x0] =	sbarrier.arrive $0xFFFF  }
0x6d2: {  	_ =	strace $0x90000047  }
0x6d3: {  	s0 =	stileid.u32;
	[bflag:$0x2] =	sbarrier.arrive $0xFFFF  }
0x6d4: {  	p0 =	sne.s32 s0, $0x0;
	s0 =	rddreg [dreg:$0x3]  }
0x6d5: {  	s0 =	sadd.s32 @!p0 $0x100000, s0  }
0x6d6: {  	[sflag:s0] =	ssyncadd.tile.s32 @!p0 $0x1;
	_ =	shalt  }
.Lfunc_end2:
_tile_overlayer_lowered:
.L_overlay_start_2:
0x6d7: {  	(tag) =	ssettag $0x2  }
0x6d8: {  	s0 =	rddreg [dreg:$0x0];
	s2 =	stileid.u32  }
0x6d9: {  	s1 =	rddreg [dreg:$0x1];
	p0 =	sne.s32 s2, $0x0  }
0x6da: {  	s3 =	rddreg [dreg:$0x2];
	[bflag:$0x3] =	sbarrier.arrive $0xFFFF;
	s2 =	simm.s32 @!p0 $0x1C07  }
0x6db: {  	[timem:s3], [sflag:s2] =	dma.local @!p0 [hbm:s0], s1  }
0x6dc: {  	s0 =	simm.s32 @!p0 $0x7  }
0x6dd: {  	_ =	swait.ge @!p0 [sflag:s0], s1  }
0x6de: {  	s1 =	ssub.s32 @!p0 $0x0, s1;
	[sflag:s0] =	ssyncset.done @!p0 $0x0  }
0x6df: {  	[sflag:s0] =	ssyncadd.s32 @!p0 s1  }
0x6e0: {  	[bflag:$0x3] =	sbarrier.arrive $0xFFFF  }
0x6e1: {  	_ =	shalt  }

</sc_bundles>
